<compile_context>
chip_gen: v7x
topology: tpu7x:2x2x1
jax: 0.10.2.dev20260603
libtpu: 0.0.44.dev20260713+nightly
codegen_flags: <defaults>
</compile_context>

<pallas_src>
import functools

import jax
import jax.numpy as jnp
from jax import lax
from jax.experimental import pallas as pl
from jax.experimental.pallas import tpu as pltpu
from jax.experimental.pallas import tpu_sc as plsc

NC = 2
NS = 16
L = 16
CH = 80
NB = 6
LAG = 4
SEP = 4000
FB = 80


def _body(xs_hbm, e0_hbm, e1_hbm, cnt_hbm, out_hbm,
          idx0all, idx1all, idxs0, idxs1, idxg0, idxg1, rowsb0, rowsb1,
          rows0, fbuf, cntb, acc, sg0, sg1, ss0, ss1):
  n_nodes = cnt_hbm.shape[0]
  n_edges = e0_hbm.shape[0]
  ep = n_edges // NS
  nseg = ep // SEP
  ncs = SEP // CH
  nj = n_nodes // FB
  nft = (nj + NS - 1) // NS

  c = lax.axis_index("c")
  s = lax.axis_index("s")

  zero16 = jnp.zeros((L,), jnp.float32)

  def zrow(i, carry):
    for k in range(4):
      fbuf[i, pl.ds(k * L, L)] = zero16
    return carry
  lax.fori_loop(0, FB, zrow, 0)
  for t in range(nft):
    j = s + NS * t

    @pl.when(j < nj)
    def _():
      pltpu.sync_copy(fbuf, acc.at[pl.ds(j * FB, FB)])

  plsc.subcore_barrier()

  def wait_scatters(b):
    pltpu.make_async_copy(rows0[b], acc.at[idxs0[b]], ss0[b]).wait()
    pltpu.make_async_copy(rows0[b], acc.at[idxs1[b]], ss1[b]).wait()

  def prep(b, jc):
    o = jc * CH
    for k in range(CH // L):
      sl = pl.ds(k * L, L)
      v0 = idx0all[pl.ds(o + k * L, L)]
      v1 = idx1all[pl.ds(o + k * L, L)]
      idxs0[b][sl] = v0
      idxs1[b][sl] = v1
      idxg0[b][sl] = 2 * v0 + c
      idxg1[b][sl] = 2 * v1 + c
    pltpu.make_async_copy(xs_hbm.at[idxg0[b]], rowsb0[b], sg0[b]).start()
    pltpu.make_async_copy(xs_hbm.at[idxg1[b]], rowsb1[b], sg1[b]).start()

  def finish(b):
    pltpu.make_async_copy(xs_hbm.at[idxg0[b]], rowsb0[b], sg0[b]).wait()
    pltpu.make_async_copy(xs_hbm.at[idxg1[b]], rowsb1[b], sg1[b]).wait()

    def add_row(i, inner):
      i4 = i * 4
      for r in range(4):
        for k in range(2):
          sl = pl.ds(k * 2 * L, 2 * L)
          vs = rowsb0[b][i4 + r, sl] + rowsb1[b][i4 + r, sl]
          w = plsc.bitcast(vs, jnp.int32)
          lo = plsc.bitcast(w << 16, jnp.float32)
          hi = plsc.bitcast(w & jnp.int32(-65536), jnp.float32)
          rows0[b][i4 + r, pl.ds(k * 2 * L, L)] = lo
          rows0[b][i4 + r, pl.ds(k * 2 * L + L, L)] = hi
      return inner
    lax.fori_loop(0, CH // 4, add_row, 0)

    pltpu.make_async_copy(rows0[b], acc.at[idxs0[b]], ss0[b]).start(add=True)
    pltpu.make_async_copy(rows0[b], acc.at[idxs1[b]], ss1[b]).start(add=True)

  def seg_body(seg, carry):
    base = s * ep + seg * SEP
    pltpu.sync_copy(e0_hbm.at[pl.ds(base, SEP)], idx0all)
    pltpu.sync_copy(e1_hbm.at[pl.ds(base, SEP)], idx1all)
    for b in range(LAG):
      @pl.when(seg > 0)
      def _():
        wait_scatters(b)
      prep(b, b)

    def ring(jj, carry2):
      for b in range(NB):
        jc = NB * jj + b

        @pl.when(jc < ncs)
        def _():
          finish(b)
        pjc = jc + LAG
        pb = (b + LAG) % NB

        @pl.when(pjc < ncs)
        def _():
          @pl.when(jnp.logical_or(seg > 0, pjc >= NB))
          def _():
            wait_scatters(pb)
          prep(pb, pjc)
      return carry2
    lax.fori_loop(0, (ncs + NB - 1) // NB, ring, 0)
    return carry
  lax.fori_loop(0, nseg, seg_body, 0)
  for b in range(NB):
    wait_scatters(b)

  plsc.subcore_barrier()

  for t in range(nft):
    j = s + NS * t

    @pl.when(j < nj)
    def _():
      r0 = j * FB
      pltpu.sync_copy(acc.at[pl.ds(r0, FB)], fbuf)
      pltpu.sync_copy(cnt_hbm.at[pl.ds(r0, FB)], cntb.at[pl.ds(0, FB)])

      def fin_row(i, carry):
        cv = cntb[pl.ds(i, L)]
        scale = (0.5 / cv)[0]
        for k in range(4):
          sl = pl.ds(k * L, L)
          fbuf[i, sl] = fbuf[i, sl] * scale
        return carry
      lax.fori_loop(0, FB, fin_row, 0)
      pltpu.sync_copy(fbuf, out_hbm.at[pl.ds(c * n_nodes + r0, FB)])


@jax.jit
def kernel(to_concat, node_features, edges, count):
  n_nodes, d = node_features.shape
  dh = d // 2
  e = edges.astype(jnp.int32)
  e0 = e[:, 0]
  e1 = e[:, 1]
  xs = node_features.astype(jnp.bfloat16).reshape(2 * n_nodes, 2, 2, L)
  xs = xs.transpose(0, 1, 3, 2).reshape(2 * n_nodes, dh)
  cnt = count.reshape(n_nodes)

  mesh = plsc.VectorSubcoreMesh(
      core_axis_name="c", subcore_axis_name="s",
      num_cores=NC, num_subcores=NS)
  smooth = pl.kernel(
      _body,
      out_type=jax.ShapeDtypeStruct((2 * n_nodes, dh), jnp.float32),
      mesh=mesh,
      compiler_params=pltpu.CompilerParams(
          use_tc_tiling_on_sc=False, needs_layout_passes=False),
      scratch_types=[
          pltpu.VMEM((SEP,), jnp.int32),
          pltpu.VMEM((SEP,), jnp.int32),
          [pltpu.VMEM((CH,), jnp.int32)] * NB,
          [pltpu.VMEM((CH,), jnp.int32)] * NB,
          [pltpu.VMEM((CH,), jnp.int32)] * NB,
          [pltpu.VMEM((CH,), jnp.int32)] * NB,
          [pltpu.VMEM((CH, dh), jnp.bfloat16)] * NB,
          [pltpu.VMEM((CH, dh), jnp.bfloat16)] * NB,
          [pltpu.VMEM((CH, dh), jnp.float32)] * NB,
          pltpu.VMEM((FB, dh), jnp.float32),
          pltpu.VMEM((FB + L,), jnp.float32),
          pltpu.VMEM_SHARED((n_nodes, dh), jnp.float32),
          [pltpu.SemaphoreType.DMA] * NB,
          [pltpu.SemaphoreType.DMA] * NB,
          [pltpu.SemaphoreType.DMA] * NB,
          [pltpu.SemaphoreType.DMA] * NB,
      ],
  )
  outs = smooth(xs, e0, e1, cnt)
  smoothed = outs.reshape(2, n_nodes, dh).transpose(1, 0, 2).reshape(n_nodes, d)
  return jnp.concatenate([to_concat, smoothed], axis=1)

# --- scband reference (transcript-rebuilt; emitter-appended) ---
"""Pipeline reference for scband-edge-smoothing-58222576665062 (READ-ONLY COPY).

The authoritative reference and input builder live on the scoring server;
editing this copy changes nothing except your own understanding.
"""

import jax, jax.numpy as jnp
import numpy as np


def setup_inputs(seed: int = 0) -> dict:
    key = jax.random.key(seed)
    k1, k2, k3 = jax.random.split(key, 3)
    N = 10000
    E = 320000
    D = 128
    to_concat = jax.random.normal(k1, (N, D), dtype=jnp.float32)
    node_features = jax.random.normal(k2, (N, D), dtype=jnp.float32)
    edges = jax.random.randint(k3, (E, 2), 0, N, dtype=jnp.int64)
    count = jnp.ones((N, 1), dtype=jnp.float32)
    return {"to_concat": to_concat, "node_features": node_features, "edges": edges, "count": count}


def reference(to_concat, node_features, edges, count):
    n_nodes = node_features.shape[0]
    # gather node features at both endpoints of each edge: [E, 2, D]
    gathered = jnp.take(node_features, edges, axis=0)
    # mean over the two endpoints -> flow on each edge: [E, D]
    flow_on_edge = jnp.mean(gathered, axis=1)
    # scatter-add edge flow back to both endpoints
    agg0 = jax.ops.segment_sum(flow_on_edge, edges[:, 0], num_segments=n_nodes)
    agg1 = jax.ops.segment_sum(flow_on_edge, edges[:, 1], num_segments=n_nodes)
    aggre_flow = agg0 + agg1
    smoothed = aggre_flow / count
    return jnp.concatenate([to_concat, smoothed], axis=1)

if __name__ == "__main__":
    import jax
    _d = setup_inputs()
    print(jax.jit(kernel)(*tuple(_d.values())))

</pallas_src>

<mosaic_0001>
#map = affine_map<(d0, d1) -> (0, 0)>
#map1 = affine_map<(d0, d1) -> (0)>
module attributes {stable_mosaic.version = 14 : i64} {
  func.func @_body(%arg0: i32, %arg1: i32, %arg2: memref<20000x64xbf16, #tpu.memory_space<hbm>>, %arg3: memref<320000xi32, #tpu.memory_space<hbm>>, %arg4: memref<320000xi32, #tpu.memory_space<hbm>>, %arg5: memref<10000xf32, #tpu.memory_space<hbm>>, %arg6: memref<20000x64xf32, #tpu.memory_space<hbm>>, %arg7: memref<4000xi32, #tpu.memory_space<vmem>>, %arg8: memref<4000xi32, #tpu.memory_space<vmem>>, %arg9: memref<80xi32, #tpu.memory_space<vmem>>, %arg10: memref<80xi32, #tpu.memory_space<vmem>>, %arg11: memref<80xi32, #tpu.memory_space<vmem>>, %arg12: memref<80xi32, #tpu.memory_space<vmem>>, %arg13: memref<80xi32, #tpu.memory_space<vmem>>, %arg14: memref<80xi32, #tpu.memory_space<vmem>>, %arg15: memref<80xi32, #tpu.memory_space<vmem>>, %arg16: memref<80xi32, #tpu.memory_space<vmem>>, %arg17: memref<80xi32, #tpu.memory_space<vmem>>, %arg18: memref<80xi32, #tpu.memory_space<vmem>>, %arg19: memref<80xi32, #tpu.memory_space<vmem>>, %arg20: memref<80xi32, #tpu.memory_space<vmem>>, %arg21: memref<80xi32, #tpu.memory_space<vmem>>, %arg22: memref<80xi32, #tpu.memory_space<vmem>>, %arg23: memref<80xi32, #tpu.memory_space<vmem>>, %arg24: memref<80xi32, #tpu.memory_space<vmem>>, %arg25: memref<80xi32, #tpu.memory_space<vmem>>, %arg26: memref<80xi32, #tpu.memory_space<vmem>>, %arg27: memref<80xi32, #tpu.memory_space<vmem>>, %arg28: memref<80xi32, #tpu.memory_space<vmem>>, %arg29: memref<80xi32, #tpu.memory_space<vmem>>, %arg30: memref<80xi32, #tpu.memory_space<vmem>>, %arg31: memref<80xi32, #tpu.memory_space<vmem>>, %arg32: memref<80xi32, #tpu.memory_space<vmem>>, %arg33: memref<80x64xbf16, #tpu.memory_space<vmem>>, %arg34: memref<80x64xbf16, #tpu.memory_space<vmem>>, %arg35: memref<80x64xbf16, #tpu.memory_space<vmem>>, %arg36: memref<80x64xbf16, #tpu.memory_space<vmem>>, %arg37: memref<80x64xbf16, #tpu.memory_space<vmem>>, %arg38: memref<80x64xbf16, #tpu.memory_space<vmem>>, %arg39: memref<80x64xbf16, #tpu.memory_space<vmem>>, %arg40: memref<80x64xbf16, #tpu.memory_space<vmem>>, %arg41: memref<80x64xbf16, #tpu.memory_space<vmem>>, %arg42: memref<80x64xbf16, #tpu.memory_space<vmem>>, %arg43: memref<80x64xbf16, #tpu.memory_space<vmem>>, %arg44: memref<80x64xbf16, #tpu.memory_space<vmem>>, %arg45: memref<80x64xf32, #tpu.memory_space<vmem>>, %arg46: memref<80x64xf32, #tpu.memory_space<vmem>>, %arg47: memref<80x64xf32, #tpu.memory_space<vmem>>, %arg48: memref<80x64xf32, #tpu.memory_space<vmem>>, %arg49: memref<80x64xf32, #tpu.memory_space<vmem>>, %arg50: memref<80x64xf32, #tpu.memory_space<vmem>>, %arg51: memref<80x64xf32, #tpu.memory_space<vmem>>, %arg52: memref<96xf32, #tpu.memory_space<vmem>>, %arg53: memref<10000x64xf32, #tpu.memory_space<vmem_shared>>, %arg54: memref<!tpu.dma_semaphore, #tpu.memory_space<semaphore_mem>>, %arg55: memref<!tpu.dma_semaphore, #tpu.memory_space<semaphore_mem>>, %arg56: memref<!tpu.dma_semaphore, #tpu.memory_space<semaphore_mem>>, %arg57: memref<!tpu.dma_semaphore, #tpu.memory_space<semaphore_mem>>, %arg58: memref<!tpu.dma_semaphore, #tpu.memory_space<semaphore_mem>>, %arg59: memref<!tpu.dma_semaphore, #tpu.memory_space<semaphore_mem>>, %arg60: memref<!tpu.dma_semaphore, #tpu.memory_space<semaphore_mem>>, %arg61: memref<!tpu.dma_semaphore, #tpu.memory_space<semaphore_mem>>, %arg62: memref<!tpu.dma_semaphore, #tpu.memory_space<semaphore_mem>>, %arg63: memref<!tpu.dma_semaphore, #tpu.memory_space<semaphore_mem>>, %arg64: memref<!tpu.dma_semaphore, #tpu.memory_space<semaphore_mem>>, %arg65: memref<!tpu.dma_semaphore, #tpu.memory_space<semaphore_mem>>, %arg66: memref<!tpu.dma_semaphore, #tpu.memory_space<semaphore_mem>>, %arg67: memref<!tpu.dma_semaphore, #tpu.memory_space<semaphore_mem>>, %arg68: memref<!tpu.dma_semaphore, #tpu.memory_space<semaphore_mem>>, %arg69: memref<!tpu.dma_semaphore, #tpu.memory_space<semaphore_mem>>, %arg70: memref<!tpu.dma_semaphore, #tpu.memory_space<semaphore_mem>>, %arg71: memref<!tpu.dma_semaphore, #tpu.memory_space<semaphore_mem>>, %arg72: memref<!tpu.dma_semaphore, #tpu.memory_space<semaphore_mem>>, %arg73: memref<!tpu.dma_semaphore, #tpu.memory_space<semaphore_mem>>, %arg74: memref<!tpu.dma_semaphore, #tpu.memory_space<semaphore_mem>>, %arg75: memref<!tpu.dma_semaphore, #tpu.memory_space<semaphore_mem>>, %arg76: memref<!tpu.dma_semaphore, #tpu.memory_space<semaphore_mem>>, %arg77: memref<!tpu.dma_semaphore, #tpu.memory_space<semaphore_mem>>) attributes {dimension_semantics = [#tpu.dimension_semantics<core_parallel>, #tpu.dimension_semantics<subcore_parallel>], iteration_bounds = array<i64: 2, 16>, scalar_prefetch = 0 : i64, scratch_operands = 71 : i64, tpu.core_type = #tpu.core_type<sc_vector_subcore>, window_params = [{transform_indices = #map}, {transform_indices = #map1}, {transform_indices = #map1}, {transform_indices = #map1}, {transform_indices = #map}]} {
    %broadcast_in_dim3A = arith.constant 0.000000e+00 : f32
    %broadcast_in_dim3A_0 = vector.broadcast %broadcast_in_dim3A : f32 to vector<16xf32>
    %scan3A = arith.constant 0 : i32
    %scan3A_1 = arith.constant 0 : i32
    %scan3A_2 = arith.constant 80 : i32
    %scan3A_3 = arith.addi %scan3A_1, %scan3A_2 : i32
    %scan3A_4 = arith.constant 1 : i32
    scf.for %scan3A_156 = %scan3A_1 to %scan3A_3 step %scan3A_4  : i32 {
      %swap3A = arith.index_cast %scan3A_156 : i32 to index
      %swap3A_157 = arith.constant 0 : index
      %swap3A_158 = tpu.vector_load %arg51[%swap3A, %swap3A_157] {strides = array<i32>} : memref<80x64xf32, #tpu.memory_space<vmem>>, vector<16xf32>,
      tpu.vector_store %arg51[%swap3A, %swap3A_157], %broadcast_in_dim3A_0 {strides = array<i32>} : memref<80x64xf32, #tpu.memory_space<vmem>>, vector<16xf32>,
      %swap3A_159 = arith.index_cast %scan3A_156 : i32 to index
      %swap3A_160 = arith.constant 16 : index
      %swap3A_161 = tpu.vector_load %arg51[%swap3A_159, %swap3A_160] {strides = array<i32>} : memref<80x64xf32, #tpu.memory_space<vmem>>, vector<16xf32>,
      tpu.vector_store %arg51[%swap3A_159, %swap3A_160], %broadcast_in_dim3A_0 {strides = array<i32>} : memref<80x64xf32, #tpu.memory_space<vmem>>, vector<16xf32>,
      %swap3A_162 = arith.index_cast %scan3A_156 : i32 to index
      %swap3A_163 = arith.constant 32 : index
      %swap3A_164 = tpu.vector_load %arg51[%swap3A_162, %swap3A_163] {strides = array<i32>} : memref<80x64xf32, #tpu.memory_space<vmem>>, vector<16xf32>,
      tpu.vector_store %arg51[%swap3A_162, %swap3A_163], %broadcast_in_dim3A_0 {strides = array<i32>} : memref<80x64xf32, #tpu.memory_space<vmem>>, vector<16xf32>,
      %swap3A_165 = arith.index_cast %scan3A_156 : i32 to index
      %swap3A_166 = arith.constant 48 : index
      %swap3A_167 = tpu.vector_load %arg51[%swap3A_165, %swap3A_166] {strides = array<i32>} : memref<80x64xf32, #tpu.memory_space<vmem>>, vector<16xf32>,
      tpu.vector_store %arg51[%swap3A_165, %swap3A_166], %broadcast_in_dim3A_0 {strides = array<i32>} : memref<80x64xf32, #tpu.memory_space<vmem>>, vector<16xf32>,
    }
    %scan3A_5 = arith.constant 80 : i32
    %add3A = arith.constant 0 : i32
    %add3A_6 = arith.addi %arg1, %add3A : i32
    %lt3A = arith.constant 125 : i32
    %lt3A_7 = arith.cmpi slt, %add3A_6, %lt3A : i32
    %convert_element_type3A = arith.extui %lt3A_7 : i1 to i32
    %cond3A = arith.constant 0 : i32
    %cond3A_8 = arith.cmpi ne, %convert_element_type3A, %cond3A : i32
    scf.if %cond3A_8 {
      %mul3A = arith.constant 80 : i32
      %mul3A_156 = arith.muli %add3A_6, %mul3A : i32
      "tpu.region"() ({
        %run_scoped3A = tpu.sem_alloc : memref<!tpu.dma_semaphore, #tpu.memory_space<semaphore_mem>>
        %dma_start3A = arith.constant 0 : i32
        %dma_start3A_157 = tpu.memref_slice %arg53[%mul3A_156, %dma_start3A] : memref<10000x64xf32, #tpu.memory_space<vmem_shared>> -> memref<80x64xf32, #tpu.memory_space<vmem_shared>>
        %dma_start3A_158 = arith.constant 0 : i32
        %dma_start3A_159 = tpu.memref_slice %arg53[%mul3A_156, %dma_start3A_158] : memref<10000x64xf32, #tpu.memory_space<vmem_shared>> -> memref<80x64xf32, #tpu.memory_space<vmem_shared>>
        tpu.enqueue_dma source(%arg51 : memref<80x64xf32, #tpu.memory_space<vmem>>) target(%dma_start3A_159 : memref<80x64xf32, #tpu.memory_space<vmem_shared>>) target_semaphore(%run_scoped3A : memref<!tpu.dma_semaphore, #tpu.memory_space<semaphore_mem>>)
        %dma_wait3A_160 = arith.constant 0 : i32
        %dma_wait3A_161 = tpu.memref_slice %arg53[%mul3A_156, %dma_wait3A_160] : memref<10000x64xf32, #tpu.memory_space<vmem_shared>> -> memref<80x64xf32, #tpu.memory_space<vmem_shared>>
        %dma_wait3A_162 = arith.constant 0 : i32
        %dma_wait3A_163 = tpu.memref_slice %arg53[%mul3A_156, %dma_wait3A_162] : memref<10000x64xf32, #tpu.memory_space<vmem_shared>> -> memref<80x64xf32, #tpu.memory_space<vmem_shared>>
        tpu.wait_dma2 semaphore(%run_scoped3A : memref<!tpu.dma_semaphore, #tpu.memory_space<semaphore_mem>>) src(%arg51 : memref<80x64xf32, #tpu.memory_space<vmem>>) dst(%dma_wait3A_163 : memref<80x64xf32, #tpu.memory_space<vmem_shared>>)
        tpu.yield
      }) : () -> ()
    } else {
    }
    %add3A_9 = arith.constant 16 : i32
    %add3A_10 = arith.addi %arg1, %add3A_9 : i32
    %lt3A_11 = arith.constant 125 : i32
    %lt3A_12 = arith.cmpi slt, %add3A_10, %lt3A_11 : i32
    %convert_element_type3A_13 = arith.extui %lt3A_12 : i1 to i32
    %cond3A_14 = arith.constant 0 : i32
    %cond3A_15 = arith.cmpi ne, %convert_element_type3A_13, %cond3A_14 : i32
    scf.if %cond3A_15 {
      %mul3A = arith.constant 80 : i32
      %mul3A_156 = arith.muli %add3A_10, %mul3A : i32
      "tpu.region"() ({
        %run_scoped3A = tpu.sem_alloc : memref<!tpu.dma_semaphore, #tpu.memory_space<semaphore_mem>>
        %dma_start3A = arith.constant 0 : i32
        %dma_start3A_157 = tpu.memref_slice %arg53[%mul3A_156, %dma_start3A] : memref<10000x64xf32, #tpu.memory_space<vmem_shared>> -> memref<80x64xf32, #tpu.memory_space<vmem_shared>>
        %dma_start3A_158 = arith.constant 0 : i32
        %dma_start3A_159 = tpu.memref_slice %arg53[%mul3A_156, %dma_start3A_158] : memref<10000x64xf32, #tpu.memory_space<vmem_shared>> -> memref<80x64xf32, #tpu.memory_space<vmem_shared>>
        tpu.enqueue_dma source(%arg51 : memref<80x64xf32, #tpu.memory_space<vmem>>) target(%dma_start3A_159 : memref<80x64xf32, #tpu.memory_space<vmem_shared>>) target_semaphore(%run_scoped3A : memref<!tpu.dma_semaphore, #tpu.memory_space<semaphore_mem>>)
        %dma_wait3A_160 = arith.constant 0 : i32
        %dma_wait3A_161 = tpu.memref_slice %arg53[%mul3A_156, %dma_wait3A_160] : memref<10000x64xf32, #tpu.memory_space<vmem_shared>> -> memref<80x64xf32, #tpu.memory_space<vmem_shared>>
        %dma_wait3A_162 = arith.constant 0 : i32
        %dma_wait3A_163 = tpu.memref_slice %arg53[%mul3A_156, %dma_wait3A_162] : memref<10000x64xf32, #tpu.memory_space<vmem_shared>> -> memref<80x64xf32, #tpu.memory_space<vmem_shared>>
        tpu.wait_dma2 semaphore(%run_scoped3A : memref<!tpu.dma_semaphore, #tpu.memory_space<semaphore_mem>>) src(%arg51 : memref<80x64xf32, #tpu.memory_space<vmem>>) dst(%dma_wait3A_163 : memref<80x64xf32, #tpu.memory_space<vmem_shared>>)
        tpu.yield
      }) : () -> ()
    } else {
    }
    %add3A_16 = arith.constant 32 : i32
    %add3A_17 = arith.addi %arg1, %add3A_16 : i32
    %lt3A_18 = arith.constant 125 : i32
    %lt3A_19 = arith.cmpi slt, %add3A_17, %lt3A_18 : i32
    %convert_element_type3A_20 = arith.extui %lt3A_19 : i1 to i32
    %cond3A_21 = arith.constant 0 : i32
    %cond3A_22 = arith.cmpi ne, %convert_element_type3A_20, %cond3A_21 : i32
    scf.if %cond3A_22 {
      %mul3A = arith.constant 80 : i32
      %mul3A_156 = arith.muli %add3A_17, %mul3A : i32
      "tpu.region"() ({
        %run_scoped3A = tpu.sem_alloc : memref<!tpu.dma_semaphore, #tpu.memory_space<semaphore_mem>>
        %dma_start3A = arith.constant 0 : i32
        %dma_start3A_157 = tpu.memref_slice %arg53[%mul3A_156, %dma_start3A] : memref<10000x64xf32, #tpu.memory_space<vmem_shared>> -> memref<80x64xf32, #tpu.memory_space<vmem_shared>>
        %dma_start3A_158 = arith.constant 0 : i32
        %dma_start3A_159 = tpu.memref_slice %arg53[%mul3A_156, %dma_start3A_158] : memref<10000x64xf32, #tpu.memory_space<vmem_shared>> -> memref<80x64xf32, #tpu.memory_space<vmem_shared>>
        tpu.enqueue_dma source(%arg51 : memref<80x64xf32, #tpu.memory_space<vmem>>) target(%dma_start3A_159 : memref<80x64xf32, #tpu.memory_space<vmem_shared>>) target_semaphore(%run_scoped3A : memref<!tpu.dma_semaphore, #tpu.memory_space<semaphore_mem>>)
        %dma_wait3A_160 = arith.constant 0 : i32
        %dma_wait3A_161 = tpu.memref_slice %arg53[%mul3A_156, %dma_wait3A_160] : memref<10000x64xf32, #tpu.memory_space<vmem_shared>> -> memref<80x64xf32, #tpu.memory_space<vmem_shared>>
        %dma_wait3A_162 = arith.constant 0 : i32
        %dma_wait3A_163 = tpu.memref_slice %arg53[%mul3A_156, %dma_wait3A_162] : memref<10000x64xf32, #tpu.memory_space<vmem_shared>> -> memref<80x64xf32, #tpu.memory_space<vmem_shared>>
        tpu.wait_dma2 semaphore(%run_scoped3A : memref<!tpu.dma_semaphore, #tpu.memory_space<semaphore_mem>>) src(%arg51 : memref<80x64xf32, #tpu.memory_space<vmem>>) dst(%dma_wait3A_163 : memref<80x64xf32, #tpu.memory_space<vmem_shared>>)
        tpu.yield
      }) : () -> ()
    } else {
    }
    %add3A_23 = arith.constant 48 : i32
    %add3A_24 = arith.addi %arg1, %add3A_23 : i32
    %lt3A_25 = arith.constant 125 : i32
    %lt3A_26 = arith.cmpi slt, %add3A_24, %lt3A_25 : i32
    %convert_element_type3A_27 = arith.extui %lt3A_26 : i1 to i32
    %cond3A_28 = arith.constant 0 : i32
    %cond3A_29 = arith.cmpi ne, %convert_element_type3A_27, %cond3A_28 : i32
    scf.if %cond3A_29 {
      %mul3A = arith.constant 80 : i32
      %mul3A_156 = arith.muli %add3A_24, %mul3A : i32
      "tpu.region"() ({
        %run_scoped3A = tpu.sem_alloc : memref<!tpu.dma_semaphore, #tpu.memory_space<semaphore_mem>>
        %dma_start3A = arith.constant 0 : i32
        %dma_start3A_157 = tpu.memref_slice %arg53[%mul3A_156, %dma_start3A] : memref<10000x64xf32, #tpu.memory_space<vmem_shared>> -> memref<80x64xf32, #tpu.memory_space<vmem_shared>>
        %dma_start3A_158 = arith.constant 0 : i32
        %dma_start3A_159 = tpu.memref_slice %arg53[%mul3A_156, %dma_start3A_158] : memref<10000x64xf32, #tpu.memory_space<vmem_shared>> -> memref<80x64xf32, #tpu.memory_space<vmem_shared>>
        tpu.enqueue_dma source(%arg51 : memref<80x64xf32, #tpu.memory_space<vmem>>) target(%dma_start3A_159 : memref<80x64xf32, #tpu.memory_space<vmem_shared>>) target_semaphore(%run_scoped3A : memref<!tpu.dma_semaphore, #tpu.memory_space<semaphore_mem>>)
        %dma_wait3A_160 = arith.constant 0 : i32
        %dma_wait3A_161 = tpu.memref_slice %arg53[%mul3A_156, %dma_wait3A_160] : memref<10000x64xf32, #tpu.memory_space<vmem_shared>> -> memref<80x64xf32, #tpu.memory_space<vmem_shared>>
        %dma_wait3A_162 = arith.constant 0 : i32
        %dma_wait3A_163 = tpu.memref_slice %arg53[%mul3A_156, %dma_wait3A_162] : memref<10000x64xf32, #tpu.memory_space<vmem_shared>> -> memref<80x64xf32, #tpu.memory_space<vmem_shared>>
        tpu.wait_dma2 semaphore(%run_scoped3A : memref<!tpu.dma_semaphore, #tpu.memory_space<semaphore_mem>>) src(%arg51 : memref<80x64xf32, #tpu.memory_space<vmem>>) dst(%dma_wait3A_163 : memref<80x64xf32, #tpu.memory_space<vmem_shared>>)
        tpu.yield
      }) : () -> ()
    } else {
    }
    %add3A_30 = arith.constant 64 : i32
    %add3A_31 = arith.addi %arg1, %add3A_30 : i32
    %lt3A_32 = arith.constant 125 : i32
    %lt3A_33 = arith.cmpi slt, %add3A_31, %lt3A_32 : i32
    %convert_element_type3A_34 = arith.extui %lt3A_33 : i1 to i32
    %cond3A_35 = arith.constant 0 : i32
    %cond3A_36 = arith.cmpi ne, %convert_element_type3A_34, %cond3A_35 : i32
    scf.if %cond3A_36 {
      %mul3A = arith.constant 80 : i32
      %mul3A_156 = arith.muli %add3A_31, %mul3A : i32
      "tpu.region"() ({
        %run_scoped3A = tpu.sem_alloc : memref<!tpu.dma_semaphore, #tpu.memory_space<semaphore_mem>>
        %dma_start3A = arith.constant 0 : i32
        %dma_start3A_157 = tpu.memref_slice %arg53[%mul3A_156, %dma_start3A] : memref<10000x64xf32, #tpu.memory_space<vmem_shared>> -> memref<80x64xf32, #tpu.memory_space<vmem_shared>>
        %dma_start3A_158 = arith.constant 0 : i32
        %dma_start3A_159 = tpu.memref_slice %arg53[%mul3A_156, %dma_start3A_158] : memref<10000x64xf32, #tpu.memory_space<vmem_shared>> -> memref<80x64xf32, #tpu.memory_space<vmem_shared>>
        tpu.enqueue_dma source(%arg51 : memref<80x64xf32, #tpu.memory_space<vmem>>) target(%dma_start3A_159 : memref<80x64xf32, #tpu.memory_space<vmem_shared>>) target_semaphore(%run_scoped3A : memref<!tpu.dma_semaphore, #tpu.memory_space<semaphore_mem>>)
        %dma_wait3A_160 = arith.constant 0 : i32
        %dma_wait3A_161 = tpu.memref_slice %arg53[%mul3A_156, %dma_wait3A_160] : memref<10000x64xf32, #tpu.memory_space<vmem_shared>> -> memref<80x64xf32, #tpu.memory_space<vmem_shared>>
        %dma_wait3A_162 = arith.constant 0 : i32
        %dma_wait3A_163 = tpu.memref_slice %arg53[%mul3A_156, %dma_wait3A_162] : memref<10000x64xf32, #tpu.memory_space<vmem_shared>> -> memref<80x64xf32, #tpu.memory_space<vmem_shared>>
        tpu.wait_dma2 semaphore(%run_scoped3A : memref<!tpu.dma_semaphore, #tpu.memory_space<semaphore_mem>>) src(%arg51 : memref<80x64xf32, #tpu.memory_space<vmem>>) dst(%dma_wait3A_163 : memref<80x64xf32, #tpu.memory_space<vmem_shared>>)
        tpu.yield
      }) : () -> ()
    } else {
    }
    %add3A_37 = arith.constant 80 : i32
    %add3A_38 = arith.addi %arg1, %add3A_37 : i32
    %lt3A_39 = arith.constant 125 : i32
    %lt3A_40 = arith.cmpi slt, %add3A_38, %lt3A_39 : i32
    %convert_element_type3A_41 = arith.extui %lt3A_40 : i1 to i32
    %cond3A_42 = arith.constant 0 : i32
    %cond3A_43 = arith.cmpi ne, %convert_element_type3A_41, %cond3A_42 : i32
    scf.if %cond3A_43 {
      %mul3A = arith.constant 80 : i32
      %mul3A_156 = arith.muli %add3A_38, %mul3A : i32
      "tpu.region"() ({
        %run_scoped3A = tpu.sem_alloc : memref<!tpu.dma_semaphore, #tpu.memory_space<semaphore_mem>>
        %dma_start3A = arith.constant 0 : i32
        %dma_start3A_157 = tpu.memref_slice %arg53[%mul3A_156, %dma_start3A] : memref<10000x64xf32, #tpu.memory_space<vmem_shared>> -> memref<80x64xf32, #tpu.memory_space<vmem_shared>>
        %dma_start3A_158 = arith.constant 0 : i32
        %dma_start3A_159 = tpu.memref_slice %arg53[%mul3A_156, %dma_start3A_158] : memref<10000x64xf32, #tpu.memory_space<vmem_shared>> -> memref<80x64xf32, #tpu.memory_space<vmem_shared>>
        tpu.enqueue_dma source(%arg51 : memref<80x64xf32, #tpu.memory_space<vmem>>) target(%dma_start3A_159 : memref<80x64xf32, #tpu.memory_space<vmem_shared>>) target_semaphore(%run_scoped3A : memref<!tpu.dma_semaphore, #tpu.memory_space<semaphore_mem>>)
        %dma_wait3A_160 = arith.constant 0 : i32
        %dma_wait3A_161 = tpu.memref_slice %arg53[%mul3A_156, %dma_wait3A_160] : memref<10000x64xf32, #tpu.memory_space<vmem_shared>> -> memref<80x64xf32, #tpu.memory_space<vmem_shared>>
        %dma_wait3A_162 = arith.constant 0 : i32
        %dma_wait3A_163 = tpu.memref_slice %arg53[%mul3A_156, %dma_wait3A_162] : memref<10000x64xf32, #tpu.memory_space<vmem_shared>> -> memref<80x64xf32, #tpu.memory_space<vmem_shared>>
        tpu.wait_dma2 semaphore(%run_scoped3A : memref<!tpu.dma_semaphore, #tpu.memory_space<semaphore_mem>>) src(%arg51 : memref<80x64xf32, #tpu.memory_space<vmem>>) dst(%dma_wait3A_163 : memref<80x64xf32, #tpu.memory_space<vmem_shared>>)
        tpu.yield
      }) : () -> ()
    } else {
    }
    %add3A_44 = arith.constant 96 : i32
    %add3A_45 = arith.addi %arg1, %add3A_44 : i32
    %lt3A_46 = arith.constant 125 : i32
    %lt3A_47 = arith.cmpi slt, %add3A_45, %lt3A_46 : i32
    %convert_element_type3A_48 = arith.extui %lt3A_47 : i1 to i32
    %cond3A_49 = arith.constant 0 : i32
    %cond3A_50 = arith.cmpi ne, %convert_element_type3A_48, %cond3A_49 : i32
    scf.if %cond3A_50 {
      %mul3A = arith.constant 80 : i32
      %mul3A_156 = arith.muli %add3A_45, %mul3A : i32
      "tpu.region"() ({
        %run_scoped3A = tpu.sem_alloc : memref<!tpu.dma_semaphore, #tpu.memory_space<semaphore_mem>>
        %dma_start3A = arith.constant 0 : i32
        %dma_start3A_157 = tpu.memref_slice %arg53[%mul3A_156, %dma_start3A] : memref<10000x64xf32, #tpu.memory_space<vmem_shared>> -> memref<80x64xf32, #tpu.memory_space<vmem_shared>>
        %dma_start3A_158 = arith.constant 0 : i32
        %dma_start3A_159 = tpu.memref_slice %arg53[%mul3A_156, %dma_start3A_158] : memref<10000x64xf32, #tpu.memory_space<vmem_shared>> -> memref<80x64xf32, #tpu.memory_space<vmem_shared>>
        tpu.enqueue_dma source(%arg51 : memref<80x64xf32, #tpu.memory_space<vmem>>) target(%dma_start3A_159 : memref<80x64xf32, #tpu.memory_space<vmem_shared>>) target_semaphore(%run_scoped3A : memref<!tpu.dma_semaphore, #tpu.memory_space<semaphore_mem>>)
        %dma_wait3A_160 = arith.constant 0 : i32
        %dma_wait3A_161 = tpu.memref_slice %arg53[%mul3A_156, %dma_wait3A_160] : memref<10000x64xf32, #tpu.memory_space<vmem_shared>> -> memref<80x64xf32, #tpu.memory_space<vmem_shared>>
        %dma_wait3A_162 = arith.constant 0 : i32
        %dma_wait3A_163 = tpu.memref_slice %arg53[%mul3A_156, %dma_wait3A_162] : memref<10000x64xf32, #tpu.memory_space<vmem_shared>> -> memref<80x64xf32, #tpu.memory_space<vmem_shared>>
        tpu.wait_dma2 semaphore(%run_scoped3A : memref<!tpu.dma_semaphore, #tpu.memory_space<semaphore_mem>>) src(%arg51 : memref<80x64xf32, #tpu.memory_space<vmem>>) dst(%dma_wait3A_163 : memref<80x64xf32, #tpu.memory_space<vmem_shared>>)
        tpu.yield
      }) : () -> ()
    } else {
    }
    %add3A_51 = arith.constant 112 : i32
    %add3A_52 = arith.addi %arg1, %add3A_51 : i32
    %lt3A_53 = arith.constant 125 : i32
    %lt3A_54 = arith.cmpi slt, %add3A_52, %lt3A_53 : i32
    %convert_element_type3A_55 = arith.extui %lt3A_54 : i1 to i32
    %cond3A_56 = arith.constant 0 : i32
    %cond3A_57 = arith.cmpi ne, %convert_element_type3A_55, %cond3A_56 : i32
    scf.if %cond3A_57 {
      %mul3A = arith.constant 80 : i32
      %mul3A_156 = arith.muli %add3A_52, %mul3A : i32
      "tpu.region"() ({
        %run_scoped3A = tpu.sem_alloc : memref<!tpu.dma_semaphore, #tpu.memory_space<semaphore_mem>>
        %dma_start3A = arith.constant 0 : i32
        %dma_start3A_157 = tpu.memref_slice %arg53[%mul3A_156, %dma_start3A] : memref<10000x64xf32, #tpu.memory_space<vmem_shared>> -> memref<80x64xf32, #tpu.memory_space<vmem_shared>>
        %dma_start3A_158 = arith.constant 0 : i32
        %dma_start3A_159 = tpu.memref_slice %arg53[%mul3A_156, %dma_start3A_158] : memref<10000x64xf32, #tpu.memory_space<vmem_shared>> -> memref<80x64xf32, #tpu.memory_space<vmem_shared>>
        tpu.enqueue_dma source(%arg51 : memref<80x64xf32, #tpu.memory_space<vmem>>) target(%dma_start3A_159 : memref<80x64xf32, #tpu.memory_space<vmem_shared>>) target_semaphore(%run_scoped3A : memref<!tpu.dma_semaphore, #tpu.memory_space<semaphore_mem>>)
        %dma_wait3A_160 = arith.constant 0 : i32
        %dma_wait3A_161 = tpu.memref_slice %arg53[%mul3A_156, %dma_wait3A_160] : memref<10000x64xf32, #tpu.memory_space<vmem_shared>> -> memref<80x64xf32, #tpu.memory_space<vmem_shared>>
        %dma_wait3A_162 = arith.constant 0 : i32
        %dma_wait3A_163 = tpu.memref_slice %arg53[%mul3A_156, %dma_wait3A_162] : memref<10000x64xf32, #tpu.memory_space<vmem_shared>> -> memref<80x64xf32, #tpu.memory_space<vmem_shared>>
        tpu.wait_dma2 semaphore(%run_scoped3A : memref<!tpu.dma_semaphore, #tpu.memory_space<semaphore_mem>>) src(%arg51 : memref<80x64xf32, #tpu.memory_space<vmem>>) dst(%dma_wait3A_163 : memref<80x64xf32, #tpu.memory_space<vmem_shared>>)
        tpu.yield
      }) : () -> ()
    } else {
    }
    %barrier3A = arith.constant 0 : index
    tpu.barrier barrier_id(%barrier3A)
    %scan3A_58 = arith.constant 0 : i32
    %scan3A_59 = arith.constant 0 : i32
    %scan3A_60 = arith.constant 5 : i32
    %scan3A_61 = arith.addi %scan3A_59, %scan3A_60 : i32
    %scan3A_62 = arith.constant 1 : i32
    scf.for %scan3A_156 = %scan3A_59 to %scan3A_61 step %scan3A_62  : i32 {
      %mul3A = arith.constant 20000 : i32
      %mul3A_157 = arith.muli %arg1, %mul3A : i32
      %mul3A_158 = arith.constant 4000 : i32
      %mul3A_159 = arith.muli %scan3A_156, %mul3A_158 : i32
      %add3A_160 = arith.addi %mul3A_157, %mul3A_159 : i32
      "tpu.region"() ({
        %run_scoped3A = tpu.sem_alloc : memref<!tpu.dma_semaphore, #tpu.memory_space<semaphore_mem>>
        %dma_start3A_647 = tpu.memref_slice %arg3[%add3A_160] : memref<320000xi32, #tpu.memory_space<hbm>> -> memref<4000xi32, #tpu.memory_space<hbm>>
        %dma_start3A_648 = tpu.memref_slice %arg3[%add3A_160] : memref<320000xi32, #tpu.memory_space<hbm>> -> memref<4000xi32, #tpu.memory_space<hbm>>
        tpu.enqueue_dma source(%dma_start3A_648 : memref<4000xi32, #tpu.memory_space<hbm>>) target(%arg7 : memref<4000xi32, #tpu.memory_space<vmem>>) target_semaphore(%run_scoped3A : memref<!tpu.dma_semaphore, #tpu.memory_space<semaphore_mem>>)
        %dma_wait3A_649 = tpu.memref_slice %arg3[%add3A_160] : memref<320000xi32, #tpu.memory_space<hbm>> -> memref<4000xi32, #tpu.memory_space<hbm>>
        %dma_wait3A_650 = tpu.memref_slice %arg3[%add3A_160] : memref<320000xi32, #tpu.memory_space<hbm>> -> memref<4000xi32, #tpu.memory_space<hbm>>
        tpu.wait_dma2 semaphore(%run_scoped3A : memref<!tpu.dma_semaphore, #tpu.memory_space<semaphore_mem>>) src(%dma_wait3A_650 : memref<4000xi32, #tpu.memory_space<hbm>>) dst(%arg7 : memref<4000xi32, #tpu.memory_space<vmem>>)
        tpu.yield
      }) : () -> ()
      "tpu.region"() ({
        %run_scoped3A = tpu.sem_alloc : memref<!tpu.dma_semaphore, #tpu.memory_space<semaphore_mem>>
        %dma_start3A_647 = tpu.memref_slice %arg4[%add3A_160] : memref<320000xi32, #tpu.memory_space<hbm>> -> memref<4000xi32, #tpu.memory_space<hbm>>
        %dma_start3A_648 = tpu.memref_slice %arg4[%add3A_160] : memref<320000xi32, #tpu.memory_space<hbm>> -> memref<4000xi32, #tpu.memory_space<hbm>>
        tpu.enqueue_dma source(%dma_start3A_648 : memref<4000xi32, #tpu.memory_space<hbm>>) target(%arg8 : memref<4000xi32, #tpu.memory_space<vmem>>) target_semaphore(%run_scoped3A : memref<!tpu.dma_semaphore, #tpu.memory_space<semaphore_mem>>)
        %dma_wait3A_649 = tpu.memref_slice %arg4[%add3A_160] : memref<320000xi32, #tpu.memory_space<hbm>> -> memref<4000xi32, #tpu.memory_space<hbm>>
        %dma_wait3A_650 = tpu.memref_slice %arg4[%add3A_160] : memref<320000xi32, #tpu.memory_space<hbm>> -> memref<4000xi32, #tpu.memory_space<hbm>>
        tpu.wait_dma2 semaphore(%run_scoped3A : memref<!tpu.dma_semaphore, #tpu.memory_space<semaphore_mem>>) src(%dma_wait3A_650 : memref<4000xi32, #tpu.memory_space<hbm>>) dst(%arg8 : memref<4000xi32, #tpu.memory_space<vmem>>)
        tpu.yield
      }) : () -> ()
      %gt3A = arith.constant 0 : i32
      %gt3A_161 = arith.cmpi sgt, %scan3A_156, %gt3A : i32
      %convert_element_type3A_162 = arith.extui %gt3A_161 : i1 to i32
      %cond3A_163 = arith.constant 0 : i32
      %cond3A_164 = arith.cmpi ne, %convert_element_type3A_162, %cond3A_163 : i32
      scf.if %cond3A_164 {
        %dma_wait3A_647 = arith.constant 0 : i32
        %dma_wait3A_648 = arith.constant 0 : i32
        %dma_wait3A_649 = tpu.memref_slice %arg53[%dma_wait3A_647, %dma_wait3A_648] : memref<10000x64xf32, #tpu.memory_space<vmem_shared>> -> memref<10000x64xf32, #tpu.memory_space<vmem_shared>>
        tpu.wait_indirect_dma semaphore(%arg66 : memref<!tpu.dma_semaphore, #tpu.memory_space<semaphore_mem>>) src(%arg45 : memref<80x64xf32, #tpu.memory_space<vmem>>) dst(%dma_wait3A_649 : memref<10000x64xf32, #tpu.memory_space<vmem_shared>>)
        %dma_wait3A_650 = arith.constant 0 : i32
        %dma_wait3A_651 = arith.constant 0 : i32
        %dma_wait3A_652 = tpu.memref_slice %arg53[%dma_wait3A_650, %dma_wait3A_651] : memref<10000x64xf32, #tpu.memory_space<vmem_shared>> -> memref<10000x64xf32, #tpu.memory_space<vmem_shared>>
        tpu.wait_indirect_dma semaphore(%arg72 : memref<!tpu.dma_semaphore, #tpu.memory_space<semaphore_mem>>) src(%arg45 : memref<80x64xf32, #tpu.memory_space<vmem>>) dst(%dma_wait3A_652 : memref<10000x64xf32, #tpu.memory_space<vmem_shared>>)
      } else {
      }
      %get3A = arith.constant 0 : index
      %get3A_165 = tpu.vector_load %arg7[%get3A] {strides = array<i32>} : memref<4000xi32, #tpu.memory_space<vmem>>, vector<16xi32>,
      %get3A_166 = arith.constant 0 : index
      %get3A_167 = tpu.vector_load %arg8[%get3A_166] {strides = array<i32>} : memref<4000xi32, #tpu.memory_space<vmem>>, vector<16xi32>,
      %swap3A = arith.constant 0 : index
      %swap3A_168 = tpu.vector_load %arg9[%swap3A] {strides = array<i32>} : memref<80xi32, #tpu.memory_space<vmem>>, vector<16xi32>,
      tpu.vector_store %arg9[%swap3A], %get3A_165 {strides = array<i32>} : memref<80xi32, #tpu.memory_space<vmem>>, vector<16xi32>,
      %swap3A_169 = arith.constant 0 : index
      %swap3A_170 = tpu.vector_load %arg15[%swap3A_169] {strides = array<i32>} : memref<80xi32, #tpu.memory_space<vmem>>, vector<16xi32>,
      tpu.vector_store %arg15[%swap3A_169], %get3A_167 {strides = array<i32>} : memref<80xi32, #tpu.memory_space<vmem>>, vector<16xi32>,
      %mul3A_171 = arith.constant 2 : i32
      %mul3A_172 = vector.broadcast %mul3A_171 : i32 to vector<16xi32>
      %mul3A_173 = arith.muli %mul3A_172, %get3A_165 : vector<16xi32>
      %add3A_174 = vector.broadcast %arg0 : i32 to vector<16xi32>
      %add3A_175 = arith.addi %mul3A_173, %add3A_174 : vector<16xi32>
      %swap3A_176 = arith.constant 0 : index
      %swap3A_177 = tpu.vector_load %arg21[%swap3A_176] {strides = array<i32>} : memref<80xi32, #tpu.memory_space<vmem>>, vector<16xi32>,
      tpu.vector_store %arg21[%swap3A_176], %add3A_175 {strides = array<i32>} : memref<80xi32, #tpu.memory_space<vmem>>, vector<16xi32>,
      %mul3A_178 = arith.constant 2 : i32
      %mul3A_179 = vector.broadcast %mul3A_178 : i32 to vector<16xi32>
      %mul3A_180 = arith.muli %mul3A_179, %get3A_167 : vector<16xi32>
      %add3A_181 = vector.broadcast %arg0 : i32 to vector<16xi32>
      %add3A_182 = arith.addi %mul3A_180, %add3A_181 : vector<16xi32>
      %swap3A_183 = arith.constant 0 : index
      %swap3A_184 = tpu.vector_load %arg27[%swap3A_183] {strides = array<i32>} : memref<80xi32, #tpu.memory_space<vmem>>, vector<16xi32>,
      tpu.vector_store %arg27[%swap3A_183], %add3A_182 {strides = array<i32>} : memref<80xi32, #tpu.memory_space<vmem>>, vector<16xi32>,
      %get3A_185 = arith.constant 16 : index
      %get3A_186 = tpu.vector_load %arg7[%get3A_185] {strides = array<i32>} : memref<4000xi32, #tpu.memory_space<vmem>>, vector<16xi32>,
      %get3A_187 = arith.constant 16 : index
      %get3A_188 = tpu.vector_load %arg8[%get3A_187] {strides = array<i32>} : memref<4000xi32, #tpu.memory_space<vmem>>, vector<16xi32>,
      %swap3A_189 = arith.constant 16 : index
      %swap3A_190 = tpu.vector_load %arg9[%swap3A_189] {strides = array<i32>} : memref<80xi32, #tpu.memory_space<vmem>>, vector<16xi32>,
      tpu.vector_store %arg9[%swap3A_189], %get3A_186 {strides = array<i32>} : memref<80xi32, #tpu.memory_space<vmem>>, vector<16xi32>,
      %swap3A_191 = arith.constant 16 : index
      %swap3A_192 = tpu.vector_load %arg15[%swap3A_191] {strides = array<i32>} : memref<80xi32, #tpu.memory_space<vmem>>, vector<16xi32>,
      tpu.vector_store %arg15[%swap3A_191], %get3A_188 {strides = array<i32>} : memref<80xi32, #tpu.memory_space<vmem>>, vector<16xi32>,
      %mul3A_193 = arith.constant 2 : i32
      %mul3A_194 = vector.broadcast %mul3A_193 : i32 to vector<16xi32>
      %mul3A_195 = arith.muli %mul3A_194, %get3A_186 : vector<16xi32>
      %add3A_196 = vector.broadcast %arg0 : i32 to vector<16xi32>
      %add3A_197 = arith.addi %mul3A_195, %add3A_196 : vector<16xi32>
      %swap3A_198 = arith.constant 16 : index
      %swap3A_199 = tpu.vector_load %arg21[%swap3A_198] {strides = array<i32>} : memref<80xi32, #tpu.memory_space<vmem>>, vector<16xi32>,
      tpu.vector_store %arg21[%swap3A_198], %add3A_197 {strides = array<i32>} : memref<80xi32, #tpu.memory_space<vmem>>, vector<16xi32>,
      %mul3A_200 = arith.constant 2 : i32
      %mul3A_201 = vector.broadcast %mul3A_200 : i32 to vector<16xi32>
      %mul3A_202 = arith.muli %mul3A_201, %get3A_188 : vector<16xi32>
      %add3A_203 = vector.broadcast %arg0 : i32 to vector<16xi32>
      %add3A_204 = arith.addi %mul3A_202, %add3A_203 : vector<16xi32>
      %swap3A_205 = arith.constant 16 : index
      %swap3A_206 = tpu.vector_load %arg27[%swap3A_205] {strides = array<i32>} : memref<80xi32, #tpu.memory_space<vmem>>, vector<16xi32>,
      tpu.vector_store %arg27[%swap3A_205], %add3A_204 {strides = array<i32>} : memref<80xi32, #tpu.memory_space<vmem>>, vector<16xi32>,
      %get3A_207 = arith.constant 32 : index
      %get3A_208 = tpu.vector_load %arg7[%get3A_207] {strides = array<i32>} : memref<4000xi32, #tpu.memory_space<vmem>>, vector<16xi32>,
      %get3A_209 = arith.constant 32 : index
      %get3A_210 = tpu.vector_load %arg8[%get3A_209] {strides = array<i32>} : memref<4000xi32, #tpu.memory_space<vmem>>, vector<16xi32>,
      %swap3A_211 = arith.constant 32 : index
      %swap3A_212 = tpu.vector_load %arg9[%swap3A_211] {strides = array<i32>} : memref<80xi32, #tpu.memory_space<vmem>>, vector<16xi32>,
      tpu.vector_store %arg9[%swap3A_211], %get3A_208 {strides = array<i32>} : memref<80xi32, #tpu.memory_space<vmem>>, vector<16xi32>,
      %swap3A_213 = arith.constant 32 : index
      %swap3A_214 = tpu.vector_load %arg15[%swap3A_213] {strides = array<i32>} : memref<80xi32, #tpu.memory_space<vmem>>, vector<16xi32>,
      tpu.vector_store %arg15[%swap3A_213], %get3A_210 {strides = array<i32>} : memref<80xi32, #tpu.memory_space<vmem>>, vector<16xi32>,
      %mul3A_215 = arith.constant 2 : i32
      %mul3A_216 = vector.broadcast %mul3A_215 : i32 to vector<16xi32>
      %mul3A_217 = arith.muli %mul3A_216, %get3A_208 : vector<16xi32>
      %add3A_218 = vector.broadcast %arg0 : i32 to vector<16xi32>
      %add3A_219 = arith.addi %mul3A_217, %add3A_218 : vector<16xi32>
      %swap3A_220 = arith.constant 32 : index
      %swap3A_221 = tpu.vector_load %arg21[%swap3A_220] {strides = array<i32>} : memref<80xi32, #tpu.memory_space<vmem>>, vector<16xi32>,
      tpu.vector_store %arg21[%swap3A_220], %add3A_219 {strides = array<i32>} : memref<80xi32, #tpu.memory_space<vmem>>, vector<16xi32>,
      %mul3A_222 = arith.constant 2 : i32
      %mul3A_223 = vector.broadcast %mul3A_222 : i32 to vector<16xi32>
      %mul3A_224 = arith.muli %mul3A_223, %get3A_210 : vector<16xi32>
      %add3A_225 = vector.broadcast %arg0 : i32 to vector<16xi32>
      %add3A_226 = arith.addi %mul3A_224, %add3A_225 : vector<16xi32>
      %swap3A_227 = arith.constant 32 : index
      %swap3A_228 = tpu.vector_load %arg27[%swap3A_227] {strides = array<i32>} : memref<80xi32, #tpu.memory_space<vmem>>, vector<16xi32>,
      tpu.vector_store %arg27[%swap3A_227], %add3A_226 {strides = array<i32>} : memref<80xi32, #tpu.memory_space<vmem>>, vector<16xi32>,
      %get3A_229 = arith.constant 48 : index
      %get3A_230 = tpu.vector_load %arg7[%get3A_229] {strides = array<i32>} : memref<4000xi32, #tpu.memory_space<vmem>>, vector<16xi32>,
      %get3A_231 = arith.constant 48 : index
      %get3A_232 = tpu.vector_load %arg8[%get3A_231] {strides = array<i32>} : memref<4000xi32, #tpu.memory_space<vmem>>, vector<16xi32>,
      %swap3A_233 = arith.constant 48 : index
      %swap3A_234 = tpu.vector_load %arg9[%swap3A_233] {strides = array<i32>} : memref<80xi32, #tpu.memory_space<vmem>>, vector<16xi32>,
      tpu.vector_store %arg9[%swap3A_233], %get3A_230 {strides = array<i32>} : memref<80xi32, #tpu.memory_space<vmem>>, vector<16xi32>,
      %swap3A_235 = arith.constant 48 : index
      %swap3A_236 = tpu.vector_load %arg15[%swap3A_235] {strides = array<i32>} : memref<80xi32, #tpu.memory_space<vmem>>, vector<16xi32>,
      tpu.vector_store %arg15[%swap3A_235], %get3A_232 {strides = array<i32>} : memref<80xi32, #tpu.memory_space<vmem>>, vector<16xi32>,
      %mul3A_237 = arith.constant 2 : i32
      %mul3A_238 = vector.broadcast %mul3A_237 : i32 to vector<16xi32>
      %mul3A_239 = arith.muli %mul3A_238, %get3A_230 : vector<16xi32>
      %add3A_240 = vector.broadcast %arg0 : i32 to vector<16xi32>
      %add3A_241 = arith.addi %mul3A_239, %add3A_240 : vector<16xi32>
      %swap3A_242 = arith.constant 48 : index
      %swap3A_243 = tpu.vector_load %arg21[%swap3A_242] {strides = array<i32>} : memref<80xi32, #tpu.memory_space<vmem>>, vector<16xi32>,
      tpu.vector_store %arg21[%swap3A_242], %add3A_241 {strides = array<i32>} : memref<80xi32, #tpu.memory_space<vmem>>, vector<16xi32>,
      %mul3A_244 = arith.constant 2 : i32
      %mul3A_245 = vector.broadcast %mul3A_244 : i32 to vector<16xi32>
      %mul3A_246 = arith.muli %mul3A_245, %get3A_232 : vector<16xi32>
      %add3A_247 = vector.broadcast %arg0 : i32 to vector<16xi32>
      %add3A_248 = arith.addi %mul3A_246, %add3A_247 : vector<16xi32>
      %swap3A_249 = arith.constant 48 : index
      %swap3A_250 = tpu.vector_load %arg27[%swap3A_249] {strides = array<i32>} : memref<80xi32, #tpu.memory_space<vmem>>, vector<16xi32>,
      tpu.vector_store %arg27[%swap3A_249], %add3A_248 {strides = array<i32>} : memref<80xi32, #tpu.memory_space<vmem>>, vector<16xi32>,
      %get3A_251 = arith.constant 64 : index
      %get3A_252 = tpu.vector_load %arg7[%get3A_251] {strides = array<i32>} : memref<4000xi32, #tpu.memory_space<vmem>>, vector<16xi32>,
      %get3A_253 = arith.constant 64 : index
      %get3A_254 = tpu.vector_load %arg8[%get3A_253] {strides = array<i32>} : memref<4000xi32, #tpu.memory_space<vmem>>, vector<16xi32>,
      %swap3A_255 = arith.constant 64 : index
      %swap3A_256 = tpu.vector_load %arg9[%swap3A_255] {strides = array<i32>} : memref<80xi32, #tpu.memory_space<vmem>>, vector<16xi32>,
      tpu.vector_store %arg9[%swap3A_255], %get3A_252 {strides = array<i32>} : memref<80xi32, #tpu.memory_space<vmem>>, vector<16xi32>,
      %swap3A_257 = arith.constant 64 : index
      %swap3A_258 = tpu.vector_load %arg15[%swap3A_257] {strides = array<i32>} : memref<80xi32, #tpu.memory_space<vmem>>, vector<16xi32>,
      tpu.vector_store %arg15[%swap3A_257], %get3A_254 {strides = array<i32>} : memref<80xi32, #tpu.memory_space<vmem>>, vector<16xi32>,
      %mul3A_259 = arith.constant 2 : i32
      %mul3A_260 = vector.broadcast %mul3A_259 : i32 to vector<16xi32>
      %mul3A_261 = arith.muli %mul3A_260, %get3A_252 : vector<16xi32>
      %add3A_262 = vector.broadcast %arg0 : i32 to vector<16xi32>
      %add3A_263 = arith.addi %mul3A_261, %add3A_262 : vector<16xi32>
      %swap3A_264 = arith.constant 64 : index
      %swap3A_265 = tpu.vector_load %arg21[%swap3A_264] {strides = array<i32>} : memref<80xi32, #tpu.memory_space<vmem>>, vector<16xi32>,
      tpu.vector_store %arg21[%swap3A_264], %add3A_263 {strides = array<i32>} : memref<80xi32, #tpu.memory_space<vmem>>, vector<16xi32>,
      %mul3A_266 = arith.constant 2 : i32
      %mul3A_267 = vector.broadcast %mul3A_266 : i32 to vector<16xi32>
      %mul3A_268 = arith.muli %mul3A_267, %get3A_254 : vector<16xi32>
      %add3A_269 = vector.broadcast %arg0 : i32 to vector<16xi32>
      %add3A_270 = arith.addi %mul3A_268, %add3A_269 : vector<16xi32>
      %swap3A_271 = arith.constant 64 : index
      %swap3A_272 = tpu.vector_load %arg27[%swap3A_271] {strides = array<i32>} : memref<80xi32, #tpu.memory_space<vmem>>, vector<16xi32>,
      tpu.vector_store %arg27[%swap3A_271], %add3A_270 {strides = array<i32>} : memref<80xi32, #tpu.memory_space<vmem>>, vector<16xi32>,
      %dma_start3A = arith.constant 0 : i32
      %dma_start3A_273 = arith.constant 0 : i32
      %dma_start3A_274 = tpu.memref_slice %arg2[%dma_start3A, %dma_start3A_273] : memref<20000x64xbf16, #tpu.memory_space<hbm>> -> memref<20000x64xbf16, #tpu.memory_space<hbm>>
      tpu.enqueue_indirect_dma source(%dma_start3A_274 : memref<20000x64xbf16, #tpu.memory_space<hbm>>) target(%arg33 : memref<80x64xbf16, #tpu.memory_space<vmem>>) offsets(%arg21 : memref<80xi32, #tpu.memory_space<vmem>>) semaphore(%arg54 : memref<!tpu.dma_semaphore, #tpu.memory_space<semaphore_mem>>)
      %dma_start3A_275 = arith.constant 0 : i32
      %dma_start3A_276 = arith.constant 0 : i32
      %dma_start3A_277 = tpu.memref_slice %arg2[%dma_start3A_275, %dma_start3A_276] : memref<20000x64xbf16, #tpu.memory_space<hbm>> -> memref<20000x64xbf16, #tpu.memory_space<hbm>>
      tpu.enqueue_indirect_dma source(%dma_start3A_277 : memref<20000x64xbf16, #tpu.memory_space<hbm>>) target(%arg39 : memref<80x64xbf16, #tpu.memory_space<vmem>>) offsets(%arg27 : memref<80xi32, #tpu.memory_space<vmem>>) semaphore(%arg60 : memref<!tpu.dma_semaphore, #tpu.memory_space<semaphore_mem>>)
      %gt3A_278 = arith.constant 0 : i32
      %gt3A_279 = arith.cmpi sgt, %scan3A_156, %gt3A_278 : i32
      %convert_element_type3A_280 = arith.extui %gt3A_279 : i1 to i32
      %cond3A_281 = arith.constant 0 : i32
      %cond3A_282 = arith.cmpi ne, %convert_element_type3A_280, %cond3A_281 : i32
      scf.if %cond3A_282 {
        %dma_wait3A_647 = arith.constant 0 : i32
        %dma_wait3A_648 = arith.constant 0 : i32
        %dma_wait3A_649 = tpu.memref_slice %arg53[%dma_wait3A_647, %dma_wait3A_648] : memref<10000x64xf32, #tpu.memory_space<vmem_shared>> -> memref<10000x64xf32, #tpu.memory_space<vmem_shared>>
        tpu.wait_indirect_dma semaphore(%arg67 : memref<!tpu.dma_semaphore, #tpu.memory_space<semaphore_mem>>) src(%arg46 : memref<80x64xf32, #tpu.memory_space<vmem>>) dst(%dma_wait3A_649 : memref<10000x64xf32, #tpu.memory_space<vmem_shared>>)
        %dma_wait3A_650 = arith.constant 0 : i32
        %dma_wait3A_651 = arith.constant 0 : i32
        %dma_wait3A_652 = tpu.memref_slice %arg53[%dma_wait3A_650, %dma_wait3A_651] : memref<10000x64xf32, #tpu.memory_space<vmem_shared>> -> memref<10000x64xf32, #tpu.memory_space<vmem_shared>>
        tpu.wait_indirect_dma semaphore(%arg73 : memref<!tpu.dma_semaphore, #tpu.memory_space<semaphore_mem>>) src(%arg46 : memref<80x64xf32, #tpu.memory_space<vmem>>) dst(%dma_wait3A_652 : memref<10000x64xf32, #tpu.memory_space<vmem_shared>>)
      } else {
      }
      %get3A_283 = arith.constant 80 : index
      %get3A_284 = tpu.vector_load %arg7[%get3A_283] {strides = array<i32>} : memref<4000xi32, #tpu.memory_space<vmem>>, vector<16xi32>,
      %get3A_285 = arith.constant 80 : index
      %get3A_286 = tpu.vector_load %arg8[%get3A_285] {strides = array<i32>} : memref<4000xi32, #tpu.memory_space<vmem>>, vector<16xi32>,
      %swap3A_287 = arith.constant 0 : index
      %swap3A_288 = tpu.vector_load %arg10[%swap3A_287] {strides = array<i32>} : memref<80xi32, #tpu.memory_space<vmem>>, vector<16xi32>,
      tpu.vector_store %arg10[%swap3A_287], %get3A_284 {strides = array<i32>} : memref<80xi32, #tpu.memory_space<vmem>>, vector<16xi32>,
      %swap3A_289 = arith.constant 0 : index
      %swap3A_290 = tpu.vector_load %arg16[%swap3A_289] {strides = array<i32>} : memref<80xi32, #tpu.memory_space<vmem>>, vector<16xi32>,
      tpu.vector_store %arg16[%swap3A_289], %get3A_286 {strides = array<i32>} : memref<80xi32, #tpu.memory_space<vmem>>, vector<16xi32>,
      %mul3A_291 = arith.constant 2 : i32
      %mul3A_292 = vector.broadcast %mul3A_291 : i32 to vector<16xi32>
      %mul3A_293 = arith.muli %mul3A_292, %get3A_284 : vector<16xi32>
      %add3A_294 = vector.broadcast %arg0 : i32 to vector<16xi32>
      %add3A_295 = arith.addi %mul3A_293, %add3A_294 : vector<16xi32>
      %swap3A_296 = arith.constant 0 : index
      %swap3A_297 = tpu.vector_load %arg22[%swap3A_296] {strides = array<i32>} : memref<80xi32, #tpu.memory_space<vmem>>, vector<16xi32>,
      tpu.vector_store %arg22[%swap3A_296], %add3A_295 {strides = array<i32>} : memref<80xi32, #tpu.memory_space<vmem>>, vector<16xi32>,
      %mul3A_298 = arith.constant 2 : i32
      %mul3A_299 = vector.broadcast %mul3A_298 : i32 to vector<16xi32>
      %mul3A_300 = arith.muli %mul3A_299, %get3A_286 : vector<16xi32>
      %add3A_301 = vector.broadcast %arg0 : i32 to vector<16xi32>
      %add3A_302 = arith.addi %mul3A_300, %add3A_301 : vector<16xi32>
      %swap3A_303 = arith.constant 0 : index
      %swap3A_304 = tpu.vector_load %arg28[%swap3A_303] {strides = array<i32>} : memref<80xi32, #tpu.memory_space<vmem>>, vector<16xi32>,
      tpu.vector_store %arg28[%swap3A_303], %add3A_302 {strides = array<i32>} : memref<80xi32, #tpu.memory_space<vmem>>, vector<16xi32>,
      %get3A_305 = arith.constant 96 : index
      %get3A_306 = tpu.vector_load %arg7[%get3A_305] {strides = array<i32>} : memref<4000xi32, #tpu.memory_space<vmem>>, vector<16xi32>,
      %get3A_307 = arith.constant 96 : index
      %get3A_308 = tpu.vector_load %arg8[%get3A_307] {strides = array<i32>} : memref<4000xi32, #tpu.memory_space<vmem>>, vector<16xi32>,
      %swap3A_309 = arith.constant 16 : index
      %swap3A_310 = tpu.vector_load %arg10[%swap3A_309] {strides = array<i32>} : memref<80xi32, #tpu.memory_space<vmem>>, vector<16xi32>,
      tpu.vector_store %arg10[%swap3A_309], %get3A_306 {strides = array<i32>} : memref<80xi32, #tpu.memory_space<vmem>>, vector<16xi32>,
      %swap3A_311 = arith.constant 16 : index
      %swap3A_312 = tpu.vector_load %arg16[%swap3A_311] {strides = array<i32>} : memref<80xi32, #tpu.memory_space<vmem>>, vector<16xi32>,
      tpu.vector_store %arg16[%swap3A_311], %get3A_308 {strides = array<i32>} : memref<80xi32, #tpu.memory_space<vmem>>, vector<16xi32>,
      %mul3A_313 = arith.constant 2 : i32
      %mul3A_314 = vector.broadcast %mul3A_313 : i32 to vector<16xi32>
      %mul3A_315 = arith.muli %mul3A_314, %get3A_306 : vector<16xi32>
      %add3A_316 = vector.broadcast %arg0 : i32 to vector<16xi32>
      %add3A_317 = arith.addi %mul3A_315, %add3A_316 : vector<16xi32>
      %swap3A_318 = arith.constant 16 : index
      %swap3A_319 = tpu.vector_load %arg22[%swap3A_318] {strides = array<i32>} : memref<80xi32, #tpu.memory_space<vmem>>, vector<16xi32>,
      tpu.vector_store %arg22[%swap3A_318], %add3A_317 {strides = array<i32>} : memref<80xi32, #tpu.memory_space<vmem>>, vector<16xi32>,
      %mul3A_320 = arith.constant 2 : i32
      %mul3A_321 = vector.broadcast %mul3A_320 : i32 to vector<16xi32>
      %mul3A_322 = arith.muli %mul3A_321, %get3A_308 : vector<16xi32>
      %add3A_323 = vector.broadcast %arg0 : i32 to vector<16xi32>
      %add3A_324 = arith.addi %mul3A_322, %add3A_323 : vector<16xi32>
      %swap3A_325 = arith.constant 16 : index
      %swap3A_326 = tpu.vector_load %arg28[%swap3A_325] {strides = array<i32>} : memref<80xi32, #tpu.memory_space<vmem>>, vector<16xi32>,
      tpu.vector_store %arg28[%swap3A_325], %add3A_324 {strides = array<i32>} : memref<80xi32, #tpu.memory_space<vmem>>, vector<16xi32>,
      %get3A_327 = arith.constant 112 : index
      %get3A_328 = tpu.vector_load %arg7[%get3A_327] {strides = array<i32>} : memref<4000xi32, #tpu.memory_space<vmem>>, vector<16xi32>,
      %get3A_329 = arith.constant 112 : index
      %get3A_330 = tpu.vector_load %arg8[%get3A_329] {strides = array<i32>} : memref<4000xi32, #tpu.memory_space<vmem>>, vector<16xi32>,
      %swap3A_331 = arith.constant 32 : index
      %swap3A_332 = tpu.vector_load %arg10[%swap3A_331] {strides = array<i32>} : memref<80xi32, #tpu.memory_space<vmem>>, vector<16xi32>,
      tpu.vector_store %arg10[%swap3A_331], %get3A_328 {strides = array<i32>} : memref<80xi32, #tpu.memory_space<vmem>>, vector<16xi32>,
      %swap3A_333 = arith.constant 32 : index
      %swap3A_334 = tpu.vector_load %arg16[%swap3A_333] {strides = array<i32>} : memref<80xi32, #tpu.memory_space<vmem>>, vector<16xi32>,
      tpu.vector_store %arg16[%swap3A_333], %get3A_330 {strides = array<i32>} : memref<80xi32, #tpu.memory_space<vmem>>, vector<16xi32>,
      %mul3A_335 = arith.constant 2 : i32
      %mul3A_336 = vector.broadcast %mul3A_335 : i32 to vector<16xi32>
      %mul3A_337 = arith.muli %mul3A_336, %get3A_328 : vector<16xi32>
      %add3A_338 = vector.broadcast %arg0 : i32 to vector<16xi32>
      %add3A_339 = arith.addi %mul3A_337, %add3A_338 : vector<16xi32>
      %swap3A_340 = arith.constant 32 : index
      %swap3A_341 = tpu.vector_load %arg22[%swap3A_340] {strides = array<i32>} : memref<80xi32, #tpu.memory_space<vmem>>, vector<16xi32>,
      tpu.vector_store %arg22[%swap3A_340], %add3A_339 {strides = array<i32>} : memref<80xi32, #tpu.memory_space<vmem>>, vector<16xi32>,
      %mul3A_342 = arith.constant 2 : i32
      %mul3A_343 = vector.broadcast %mul3A_342 : i32 to vector<16xi32>
      %mul3A_344 = arith.muli %mul3A_343, %get3A_330 : vector<16xi32>
      %add3A_345 = vector.broadcast %arg0 : i32 to vector<16xi32>
      %add3A_346 = arith.addi %mul3A_344, %add3A_345 : vector<16xi32>
      %swap3A_347 = arith.constant 32 : index
      %swap3A_348 = tpu.vector_load %arg28[%swap3A_347] {strides = array<i32>} : memref<80xi32, #tpu.memory_space<vmem>>, vector<16xi32>,
      tpu.vector_store %arg28[%swap3A_347], %add3A_346 {strides = array<i32>} : memref<80xi32, #tpu.memory_space<vmem>>, vector<16xi32>,
      %get3A_349 = arith.constant 128 : index
      %get3A_350 = tpu.vector_load %arg7[%get3A_349] {strides = array<i32>} : memref<4000xi32, #tpu.memory_space<vmem>>, vector<16xi32>,
      %get3A_351 = arith.constant 128 : index
      %get3A_352 = tpu.vector_load %arg8[%get3A_351] {strides = array<i32>} : memref<4000xi32, #tpu.memory_space<vmem>>, vector<16xi32>,
      %swap3A_353 = arith.constant 48 : index
      %swap3A_354 = tpu.vector_load %arg10[%swap3A_353] {strides = array<i32>} : memref<80xi32, #tpu.memory_space<vmem>>, vector<16xi32>,
      tpu.vector_store %arg10[%swap3A_353], %get3A_350 {strides = array<i32>} : memref<80xi32, #tpu.memory_space<vmem>>, vector<16xi32>,
      %swap3A_355 = arith.constant 48 : index
      %swap3A_356 = tpu.vector_load %arg16[%swap3A_355] {strides = array<i32>} : memref<80xi32, #tpu.memory_space<vmem>>, vector<16xi32>,
      tpu.vector_store %arg16[%swap3A_355], %get3A_352 {strides = array<i32>} : memref<80xi32, #tpu.memory_space<vmem>>, vector<16xi32>,
      %mul3A_357 = arith.constant 2 : i32
      %mul3A_358 = vector.broadcast %mul3A_357 : i32 to vector<16xi32>
      %mul3A_359 = arith.muli %mul3A_358, %get3A_350 : vector<16xi32>
      %add3A_360 = vector.broadcast %arg0 : i32 to vector<16xi32>
      %add3A_361 = arith.addi %mul3A_359, %add3A_360 : vector<16xi32>
      %swap3A_362 = arith.constant 48 : index
      %swap3A_363 = tpu.vector_load %arg22[%swap3A_362] {strides = array<i32>} : memref<80xi32, #tpu.memory_space<vmem>>, vector<16xi32>,
      tpu.vector_store %arg22[%swap3A_362], %add3A_361 {strides = array<i32>} : memref<80xi32, #tpu.memory_space<vmem>>, vector<16xi32>,
      %mul3A_364 = arith.constant 2 : i32
      %mul3A_365 = vector.broadcast %mul3A_364 : i32 to vector<16xi32>
      %mul3A_366 = arith.muli %mul3A_365, %get3A_352 : vector<16xi32>
      %add3A_367 = vector.broadcast %arg0 : i32 to vector<16xi32>
      %add3A_368 = arith.addi %mul3A_366, %add3A_367 : vector<16xi32>
      %swap3A_369 = arith.constant 48 : index
      %swap3A_370 = tpu.vector_load %arg28[%swap3A_369] {strides = array<i32>} : memref<80xi32, #tpu.memory_space<vmem>>, vector<16xi32>,
      tpu.vector_store %arg28[%swap3A_369], %add3A_368 {strides = array<i32>} : memref<80xi32, #tpu.memory_space<vmem>>, vector<16xi32>,
      %get3A_371 = arith.constant 144 : index
      %get3A_372 = tpu.vector_load %arg7[%get3A_371] {strides = array<i32>} : memref<4000xi32, #tpu.memory_space<vmem>>, vector<16xi32>,
      %get3A_373 = arith.constant 144 : index
      %get3A_374 = tpu.vector_load %arg8[%get3A_373] {strides = array<i32>} : memref<4000xi32, #tpu.memory_space<vmem>>, vector<16xi32>,
      %swap3A_375 = arith.constant 64 : index
      %swap3A_376 = tpu.vector_load %arg10[%swap3A_375] {strides = array<i32>} : memref<80xi32, #tpu.memory_space<vmem>>, vector<16xi32>,
      tpu.vector_store %arg10[%swap3A_375], %get3A_372 {strides = array<i32>} : memref<80xi32, #tpu.memory_space<vmem>>, vector<16xi32>,
      %swap3A_377 = arith.constant 64 : index
      %swap3A_378 = tpu.vector_load %arg16[%swap3A_377] {strides = array<i32>} : memref<80xi32, #tpu.memory_space<vmem>>, vector<16xi32>,
      tpu.vector_store %arg16[%swap3A_377], %get3A_374 {strides = array<i32>} : memref<80xi32, #tpu.memory_space<vmem>>, vector<16xi32>,
      %mul3A_379 = arith.constant 2 : i32
      %mul3A_380 = vector.broadcast %mul3A_379 : i32 to vector<16xi32>
      %mul3A_381 = arith.muli %mul3A_380, %get3A_372 : vector<16xi32>
      %add3A_382 = vector.broadcast %arg0 : i32 to vector<16xi32>
      %add3A_383 = arith.addi %mul3A_381, %add3A_382 : vector<16xi32>
      %swap3A_384 = arith.constant 64 : index
      %swap3A_385 = tpu.vector_load %arg22[%swap3A_384] {strides = array<i32>} : memref<80xi32, #tpu.memory_space<vmem>>, vector<16xi32>,
      tpu.vector_store %arg22[%swap3A_384], %add3A_383 {strides = array<i32>} : memref<80xi32, #tpu.memory_space<vmem>>, vector<16xi32>,
      %mul3A_386 = arith.constant 2 : i32
      %mul3A_387 = vector.broadcast %mul3A_386 : i32 to vector<16xi32>
      %mul3A_388 = arith.muli %mul3A_387, %get3A_374 : vector<16xi32>
      %add3A_389 = vector.broadcast %arg0 : i32 to vector<16xi32>
      %add3A_390 = arith.addi %mul3A_388, %add3A_389 : vector<16xi32>
      %swap3A_391 = arith.constant 64 : index
      %swap3A_392 = tpu.vector_load %arg28[%swap3A_391] {strides = array<i32>} : memref<80xi32, #tpu.memory_space<vmem>>, vector<16xi32>,
      tpu.vector_store %arg28[%swap3A_391], %add3A_390 {strides = array<i32>} : memref<80xi32, #tpu.memory_space<vmem>>, vector<16xi32>,
      %dma_start3A_393 = arith.constant 0 : i32
      %dma_start3A_394 = arith.constant 0 : i32
      %dma_start3A_395 = tpu.memref_slice %arg2[%dma_start3A_393, %dma_start3A_394] : memref<20000x64xbf16, #tpu.memory_space<hbm>> -> memref<20000x64xbf16, #tpu.memory_space<hbm>>
      tpu.enqueue_indirect_dma source(%dma_start3A_395 : memref<20000x64xbf16, #tpu.memory_space<hbm>>) target(%arg34 : memref<80x64xbf16, #tpu.memory_space<vmem>>) offsets(%arg22 : memref<80xi32, #tpu.memory_space<vmem>>) semaphore(%arg55 : memref<!tpu.dma_semaphore, #tpu.memory_space<semaphore_mem>>)
      %dma_start3A_396 = arith.constant 0 : i32
      %dma_start3A_397 = arith.constant 0 : i32
      %dma_start3A_398 = tpu.memref_slice %arg2[%dma_start3A_396, %dma_start3A_397] : memref<20000x64xbf16, #tpu.memory_space<hbm>> -> memref<20000x64xbf16, #tpu.memory_space<hbm>>
      tpu.enqueue_indirect_dma source(%dma_start3A_398 : memref<20000x64xbf16, #tpu.memory_space<hbm>>) target(%arg40 : memref<80x64xbf16, #tpu.memory_space<vmem>>) offsets(%arg28 : memref<80xi32, #tpu.memory_space<vmem>>) semaphore(%arg61 : memref<!tpu.dma_semaphore, #tpu.memory_space<semaphore_mem>>)
      %gt3A_399 = arith.constant 0 : i32
      %gt3A_400 = arith.cmpi sgt, %scan3A_156, %gt3A_399 : i32
      %convert_element_type3A_401 = arith.extui %gt3A_400 : i1 to i32
      %cond3A_402 = arith.constant 0 : i32
      %cond3A_403 = arith.cmpi ne, %convert_element_type3A_401, %cond3A_402 : i32
      scf.if %cond3A_403 {
        %dma_wait3A_647 = arith.constant 0 : i32
        %dma_wait3A_648 = arith.constant 0 : i32
        %dma_wait3A_649 = tpu.memref_slice %arg53[%dma_wait3A_647, %dma_wait3A_648] : memref<10000x64xf32, #tpu.memory_space<vmem_shared>> -> memref<10000x64xf32, #tpu.memory_space<vmem_shared>>
        tpu.wait_indirect_dma semaphore(%arg68 : memref<!tpu.dma_semaphore, #tpu.memory_space<semaphore_mem>>) src(%arg47 : memref<80x64xf32, #tpu.memory_space<vmem>>) dst(%dma_wait3A_649 : memref<10000x64xf32, #tpu.memory_space<vmem_shared>>)
        %dma_wait3A_650 = arith.constant 0 : i32
        %dma_wait3A_651 = arith.constant 0 : i32
        %dma_wait3A_652 = tpu.memref_slice %arg53[%dma_wait3A_650, %dma_wait3A_651] : memref<10000x64xf32, #tpu.memory_space<vmem_shared>> -> memref<10000x64xf32, #tpu.memory_space<vmem_shared>>
        tpu.wait_indirect_dma semaphore(%arg74 : memref<!tpu.dma_semaphore, #tpu.memory_space<semaphore_mem>>) src(%arg47 : memref<80x64xf32, #tpu.memory_space<vmem>>) dst(%dma_wait3A_652 : memref<10000x64xf32, #tpu.memory_space<vmem_shared>>)
      } else {
      }
      %get3A_404 = arith.constant 160 : index
      %get3A_405 = tpu.vector_load %arg7[%get3A_404] {strides = array<i32>} : memref<4000xi32, #tpu.memory_space<vmem>>, vector<16xi32>,
      %get3A_406 = arith.constant 160 : index
      %get3A_407 = tpu.vector_load %arg8[%get3A_406] {strides = array<i32>} : memref<4000xi32, #tpu.memory_space<vmem>>, vector<16xi32>,
      %swap3A_408 = arith.constant 0 : index
      %swap3A_409 = tpu.vector_load %arg11[%swap3A_408] {strides = array<i32>} : memref<80xi32, #tpu.memory_space<vmem>>, vector<16xi32>,
      tpu.vector_store %arg11[%swap3A_408], %get3A_405 {strides = array<i32>} : memref<80xi32, #tpu.memory_space<vmem>>, vector<16xi32>,
      %swap3A_410 = arith.constant 0 : index
      %swap3A_411 = tpu.vector_load %arg17[%swap3A_410] {strides = array<i32>} : memref<80xi32, #tpu.memory_space<vmem>>, vector<16xi32>,
      tpu.vector_store %arg17[%swap3A_410], %get3A_407 {strides = array<i32>} : memref<80xi32, #tpu.memory_space<vmem>>, vector<16xi32>,
      %mul3A_412 = arith.constant 2 : i32
      %mul3A_413 = vector.broadcast %mul3A_412 : i32 to vector<16xi32>
      %mul3A_414 = arith.muli %mul3A_413, %get3A_405 : vector<16xi32>
      %add3A_415 = vector.broadcast %arg0 : i32 to vector<16xi32>
      %add3A_416 = arith.addi %mul3A_414, %add3A_415 : vector<16xi32>
      %swap3A_417 = arith.constant 0 : index
      %swap3A_418 = tpu.vector_load %arg23[%swap3A_417] {strides = array<i32>} : memref<80xi32, #tpu.memory_space<vmem>>, vector<16xi32>,
      tpu.vector_store %arg23[%swap3A_417], %add3A_416 {strides = array<i32>} : memref<80xi32, #tpu.memory_space<vmem>>, vector<16xi32>,
      %mul3A_419 = arith.constant 2 : i32
      %mul3A_420 = vector.broadcast %mul3A_419 : i32 to vector<16xi32>
      %mul3A_421 = arith.muli %mul3A_420, %get3A_407 : vector<16xi32>
      %add3A_422 = vector.broadcast %arg0 : i32 to vector<16xi32>
      %add3A_423 = arith.addi %mul3A_421, %add3A_422 : vector<16xi32>
      %swap3A_424 = arith.constant 0 : index
      %swap3A_425 = tpu.vector_load %arg29[%swap3A_424] {strides = array<i32>} : memref<80xi32, #tpu.memory_space<vmem>>, vector<16xi32>,
      tpu.vector_store %arg29[%swap3A_424], %add3A_423 {strides = array<i32>} : memref<80xi32, #tpu.memory_space<vmem>>, vector<16xi32>,
      %get3A_426 = arith.constant 176 : index
      %get3A_427 = tpu.vector_load %arg7[%get3A_426] {strides = array<i32>} : memref<4000xi32, #tpu.memory_space<vmem>>, vector<16xi32>,
      %get3A_428 = arith.constant 176 : index
      %get3A_429 = tpu.vector_load %arg8[%get3A_428] {strides = array<i32>} : memref<4000xi32, #tpu.memory_space<vmem>>, vector<16xi32>,
      %swap3A_430 = arith.constant 16 : index
      %swap3A_431 = tpu.vector_load %arg11[%swap3A_430] {strides = array<i32>} : memref<80xi32, #tpu.memory_space<vmem>>, vector<16xi32>,
      tpu.vector_store %arg11[%swap3A_430], %get3A_427 {strides = array<i32>} : memref<80xi32, #tpu.memory_space<vmem>>, vector<16xi32>,
      %swap3A_432 = arith.constant 16 : index
      %swap3A_433 = tpu.vector_load %arg17[%swap3A_432] {strides = array<i32>} : memref<80xi32, #tpu.memory_space<vmem>>, vector<16xi32>,
      tpu.vector_store %arg17[%swap3A_432], %get3A_429 {strides = array<i32>} : memref<80xi32, #tpu.memory_space<vmem>>, vector<16xi32>,
      %mul3A_434 = arith.constant 2 : i32
      %mul3A_435 = vector.broadcast %mul3A_434 : i32 to vector<16xi32>
      %mul3A_436 = arith.muli %mul3A_435, %get3A_427 : vector<16xi32>
      %add3A_437 = vector.broadcast %arg0 : i32 to vector<16xi32>
      %add3A_438 = arith.addi %mul3A_436, %add3A_437 : vector<16xi32>
      %swap3A_439 = arith.constant 16 : index
      %swap3A_440 = tpu.vector_load %arg23[%swap3A_439] {strides = array<i32>} : memref<80xi32, #tpu.memory_space<vmem>>, vector<16xi32>,
      tpu.vector_store %arg23[%swap3A_439], %add3A_438 {strides = array<i32>} : memref<80xi32, #tpu.memory_space<vmem>>, vector<16xi32>,
      %mul3A_441 = arith.constant 2 : i32
      %mul3A_442 = vector.broadcast %mul3A_441 : i32 to vector<16xi32>
      %mul3A_443 = arith.muli %mul3A_442, %get3A_429 : vector<16xi32>
      %add3A_444 = vector.broadcast %arg0 : i32 to vector<16xi32>
      %add3A_445 = arith.addi %mul3A_443, %add3A_444 : vector<16xi32>
      %swap3A_446 = arith.constant 16 : index
      %swap3A_447 = tpu.vector_load %arg29[%swap3A_446] {strides = array<i32>} : memref<80xi32, #tpu.memory_space<vmem>>, vector<16xi32>,
      tpu.vector_store %arg29[%swap3A_446], %add3A_445 {strides = array<i32>} : memref<80xi32, #tpu.memory_space<vmem>>, vector<16xi32>,
      %get3A_448 = arith.constant 192 : index
      %get3A_449 = tpu.vector_load %arg7[%get3A_448] {strides = array<i32>} : memref<4000xi32, #tpu.memory_space<vmem>>, vector<16xi32>,
      %get3A_450 = arith.constant 192 : index
      %get3A_451 = tpu.vector_load %arg8[%get3A_450] {strides = array<i32>} : memref<4000xi32, #tpu.memory_space<vmem>>, vector<16xi32>,
      %swap3A_452 = arith.constant 32 : index
      %swap3A_453 = tpu.vector_load %arg11[%swap3A_452] {strides = array<i32>} : memref<80xi32, #tpu.memory_space<vmem>>, vector<16xi32>,
      tpu.vector_store %arg11[%swap3A_452], %get3A_449 {strides = array<i32>} : memref<80xi32, #tpu.memory_space<vmem>>, vector<16xi32>,
      %swap3A_454 = arith.constant 32 : index
      %swap3A_455 = tpu.vector_load %arg17[%swap3A_454] {strides = array<i32>} : memref<80xi32, #tpu.memory_space<vmem>>, vector<16xi32>,
      tpu.vector_store %arg17[%swap3A_454], %get3A_451 {strides = array<i32>} : memref<80xi32, #tpu.memory_space<vmem>>, vector<16xi32>,
      %mul3A_456 = arith.constant 2 : i32
      %mul3A_457 = vector.broadcast %mul3A_456 : i32 to vector<16xi32>
      %mul3A_458 = arith.muli %mul3A_457, %get3A_449 : vector<16xi32>
      %add3A_459 = vector.broadcast %arg0 : i32 to vector<16xi32>
      %add3A_460 = arith.addi %mul3A_458, %add3A_459 : vector<16xi32>
      %swap3A_461 = arith.constant 32 : index
      %swap3A_462 = tpu.vector_load %arg23[%swap3A_461] {strides = array<i32>} : memref<80xi32, #tpu.memory_space<vmem>>, vector<16xi32>,
      tpu.vector_store %arg23[%swap3A_461], %add3A_460 {strides = array<i32>} : memref<80xi32, #tpu.memory_space<vmem>>, vector<16xi32>,
      %mul3A_463 = arith.constant 2 : i32
      %mul3A_464 = vector.broadcast %mul3A_463 : i32 to vector<16xi32>
      %mul3A_465 = arith.muli %mul3A_464, %get3A_451 : vector<16xi32>
      %add3A_466 = vector.broadcast %arg0 : i32 to vector<16xi32>
      %add3A_467 = arith.addi %mul3A_465, %add3A_466 : vector<16xi32>
      %swap3A_468 = arith.constant 32 : index
      %swap3A_469 = tpu.vector_load %arg29[%swap3A_468] {strides = array<i32>} : memref<80xi32, #tpu.memory_space<vmem>>, vector<16xi32>,
      tpu.vector_store %arg29[%swap3A_468], %add3A_467 {strides = array<i32>} : memref<80xi32, #tpu.memory_space<vmem>>, vector<16xi32>,
      %get3A_470 = arith.constant 208 : index
      %get3A_471 = tpu.vector_load %arg7[%get3A_470] {strides = array<i32>} : memref<4000xi32, #tpu.memory_space<vmem>>, vector<16xi32>,
      %get3A_472 = arith.constant 208 : index
      %get3A_473 = tpu.vector_load %arg8[%get3A_472] {strides = array<i32>} : memref<4000xi32, #tpu.memory_space<vmem>>, vector<16xi32>,
      %swap3A_474 = arith.constant 48 : index
      %swap3A_475 = tpu.vector_load %arg11[%swap3A_474] {strides = array<i32>} : memref<80xi32, #tpu.memory_space<vmem>>, vector<16xi32>,
      tpu.vector_store %arg11[%swap3A_474], %get3A_471 {strides = array<i32>} : memref<80xi32, #tpu.memory_space<vmem>>, vector<16xi32>,
      %swap3A_476 = arith.constant 48 : index
      %swap3A_477 = tpu.vector_load %arg17[%swap3A_476] {strides = array<i32>} : memref<80xi32, #tpu.memory_space<vmem>>, vector<16xi32>,
      tpu.vector_store %arg17[%swap3A_476], %get3A_473 {strides = array<i32>} : memref<80xi32, #tpu.memory_space<vmem>>, vector<16xi32>,
      %mul3A_478 = arith.constant 2 : i32
      %mul3A_479 = vector.broadcast %mul3A_478 : i32 to vector<16xi32>
      %mul3A_480 = arith.muli %mul3A_479, %get3A_471 : vector<16xi32>
      %add3A_481 = vector.broadcast %arg0 : i32 to vector<16xi32>
      %add3A_482 = arith.addi %mul3A_480, %add3A_481 : vector<16xi32>
      %swap3A_483 = arith.constant 48 : index
      %swap3A_484 = tpu.vector_load %arg23[%swap3A_483] {strides = array<i32>} : memref<80xi32, #tpu.memory_space<vmem>>, vector<16xi32>,
      tpu.vector_store %arg23[%swap3A_483], %add3A_482 {strides = array<i32>} : memref<80xi32, #tpu.memory_space<vmem>>, vector<16xi32>,
      %mul3A_485 = arith.constant 2 : i32
      %mul3A_486 = vector.broadcast %mul3A_485 : i32 to vector<16xi32>
      %mul3A_487 = arith.muli %mul3A_486, %get3A_473 : vector<16xi32>
      %add3A_488 = vector.broadcast %arg0 : i32 to vector<16xi32>
      %add3A_489 = arith.addi %mul3A_487, %add3A_488 : vector<16xi32>
      %swap3A_490 = arith.constant 48 : index
      %swap3A_491 = tpu.vector_load %arg29[%swap3A_490] {strides = array<i32>} : memref<80xi32, #tpu.memory_space<vmem>>, vector<16xi32>,
      tpu.vector_store %arg29[%swap3A_490], %add3A_489 {strides = array<i32>} : memref<80xi32, #tpu.memory_space<vmem>>, vector<16xi32>,
      %get3A_492 = arith.constant 224 : index
      %get3A_493 = tpu.vector_load %arg7[%get3A_492] {strides = array<i32>} : memref<4000xi32, #tpu.memory_space<vmem>>, vector<16xi32>,
      %get3A_494 = arith.constant 224 : index
      %get3A_495 = tpu.vector_load %arg8[%get3A_494] {strides = array<i32>} : memref<4000xi32, #tpu.memory_space<vmem>>, vector<16xi32>,
      %swap3A_496 = arith.constant 64 : index
      %swap3A_497 = tpu.vector_load %arg11[%swap3A_496] {strides = array<i32>} : memref<80xi32, #tpu.memory_space<vmem>>, vector<16xi32>,
      tpu.vector_store %arg11[%swap3A_496], %get3A_493 {strides = array<i32>} : memref<80xi32, #tpu.memory_space<vmem>>, vector<16xi32>,
      %swap3A_498 = arith.constant 64 : index
      %swap3A_499 = tpu.vector_load %arg17[%swap3A_498] {strides = array<i32>} : memref<80xi32, #tpu.memory_space<vmem>>, vector<16xi32>,
      tpu.vector_store %arg17[%swap3A_498], %get3A_495 {strides = array<i32>} : memref<80xi32, #tpu.memory_space<vmem>>, vector<16xi32>,
      %mul3A_500 = arith.constant 2 : i32
      %mul3A_501 = vector.broadcast %mul3A_500 : i32 to vector<16xi32>
      %mul3A_502 = arith.muli %mul3A_501, %get3A_493 : vector<16xi32>
      %add3A_503 = vector.broadcast %arg0 : i32 to vector<16xi32>
      %add3A_504 = arith.addi %mul3A_502, %add3A_503 : vector<16xi32>
      %swap3A_505 = arith.constant 64 : index
      %swap3A_506 = tpu.vector_load %arg23[%swap3A_505] {strides = array<i32>} : memref<80xi32, #tpu.memory_space<vmem>>, vector<16xi32>,
      tpu.vector_store %arg23[%swap3A_505], %add3A_504 {strides = array<i32>} : memref<80xi32, #tpu.memory_space<vmem>>, vector<16xi32>,
      %mul3A_507 = arith.constant 2 : i32
      %mul3A_508 = vector.broadcast %mul3A_507 : i32 to vector<16xi32>
      %mul3A_509 = arith.muli %mul3A_508, %get3A_495 : vector<16xi32>
      %add3A_510 = vector.broadcast %arg0 : i32 to vector<16xi32>
      %add3A_511 = arith.addi %mul3A_509, %add3A_510 : vector<16xi32>
      %swap3A_512 = arith.constant 64 : index
      %swap3A_513 = tpu.vector_load %arg29[%swap3A_512] {strides = array<i32>} : memref<80xi32, #tpu.memory_space<vmem>>, vector<16xi32>,
      tpu.vector_store %arg29[%swap3A_512], %add3A_511 {strides = array<i32>} : memref<80xi32, #tpu.memory_space<vmem>>, vector<16xi32>,
      %dma_start3A_514 = arith.constant 0 : i32
      %dma_start3A_515 = arith.constant 0 : i32
      %dma_start3A_516 = tpu.memref_slice %arg2[%dma_start3A_514, %dma_start3A_515] : memref<20000x64xbf16, #tpu.memory_space<hbm>> -> memref<20000x64xbf16, #tpu.memory_space<hbm>>
      tpu.enqueue_indirect_dma source(%dma_start3A_516 : memref<20000x64xbf16, #tpu.memory_space<hbm>>) target(%arg35 : memref<80x64xbf16, #tpu.memory_space<vmem>>) offsets(%arg23 : memref<80xi32, #tpu.memory_space<vmem>>) semaphore(%arg56 : memref<!tpu.dma_semaphore, #tpu.memory_space<semaphore_mem>>)
      %dma_start3A_517 = arith.constant 0 : i32
      %dma_start3A_518 = arith.constant 0 : i32
      %dma_start3A_519 = tpu.memref_slice %arg2[%dma_start3A_517, %dma_start3A_518] : memref<20000x64xbf16, #tpu.memory_space<hbm>> -> memref<20000x64xbf16, #tpu.memory_space<hbm>>
      tpu.enqueue_indirect_dma source(%dma_start3A_519 : memref<20000x64xbf16, #tpu.memory_space<hbm>>) target(%arg41 : memref<80x64xbf16, #tpu.memory_space<vmem>>) offsets(%arg29 : memref<80xi32, #tpu.memory_space<vmem>>) semaphore(%arg62 : memref<!tpu.dma_semaphore, #tpu.memory_space<semaphore_mem>>)
      %gt3A_520 = arith.constant 0 : i32
      %gt3A_521 = arith.cmpi sgt, %scan3A_156, %gt3A_520 : i32
      %convert_element_type3A_522 = arith.extui %gt3A_521 : i1 to i32
      %cond3A_523 = arith.constant 0 : i32
      %cond3A_524 = arith.cmpi ne, %convert_element_type3A_522, %cond3A_523 : i32
      scf.if %cond3A_524 {
        %dma_wait3A_647 = arith.constant 0 : i32
        %dma_wait3A_648 = arith.constant 0 : i32
        %dma_wait3A_649 = tpu.memref_slice %arg53[%dma_wait3A_647, %dma_wait3A_648] : memref<10000x64xf32, #tpu.memory_space<vmem_shared>> -> memref<10000x64xf32, #tpu.memory_space<vmem_shared>>
        tpu.wait_indirect_dma semaphore(%arg69 : memref<!tpu.dma_semaphore, #tpu.memory_space<semaphore_mem>>) src(%arg48 : memref<80x64xf32, #tpu.memory_space<vmem>>) dst(%dma_wait3A_649 : memref<10000x64xf32, #tpu.memory_space<vmem_shared>>)
        %dma_wait3A_650 = arith.constant 0 : i32
        %dma_wait3A_651 = arith.constant 0 : i32
        %dma_wait3A_652 = tpu.memref_slice %arg53[%dma_wait3A_650, %dma_wait3A_651] : memref<10000x64xf32, #tpu.memory_space<vmem_shared>> -> memref<10000x64xf32, #tpu.memory_space<vmem_shared>>
        tpu.wait_indirect_dma semaphore(%arg75 : memref<!tpu.dma_semaphore, #tpu.memory_space<semaphore_mem>>) src(%arg48 : memref<80x64xf32, #tpu.memory_space<vmem>>) dst(%dma_wait3A_652 : memref<10000x64xf32, #tpu.memory_space<vmem_shared>>)
      } else {
      }
      %get3A_525 = arith.constant 240 : index
      %get3A_526 = tpu.vector_load %arg7[%get3A_525] {strides = array<i32>} : memref<4000xi32, #tpu.memory_space<vmem>>, vector<16xi32>,
      %get3A_527 = arith.constant 240 : index
      %get3A_528 = tpu.vector_load %arg8[%get3A_527] {strides = array<i32>} : memref<4000xi32, #tpu.memory_space<vmem>>, vector<16xi32>,
      %swap3A_529 = arith.constant 0 : index
      %swap3A_530 = tpu.vector_load %arg12[%swap3A_529] {strides = array<i32>} : memref<80xi32, #tpu.memory_space<vmem>>, vector<16xi32>,
      tpu.vector_store %arg12[%swap3A_529], %get3A_526 {strides = array<i32>} : memref<80xi32, #tpu.memory_space<vmem>>, vector<16xi32>,
      %swap3A_531 = arith.constant 0 : index
      %swap3A_532 = tpu.vector_load %arg18[%swap3A_531] {strides = array<i32>} : memref<80xi32, #tpu.memory_space<vmem>>, vector<16xi32>,
      tpu.vector_store %arg18[%swap3A_531], %get3A_528 {strides = array<i32>} : memref<80xi32, #tpu.memory_space<vmem>>, vector<16xi32>,
      %mul3A_533 = arith.constant 2 : i32
      %mul3A_534 = vector.broadcast %mul3A_533 : i32 to vector<16xi32>
      %mul3A_535 = arith.muli %mul3A_534, %get3A_526 : vector<16xi32>
      %add3A_536 = vector.broadcast %arg0 : i32 to vector<16xi32>
      %add3A_537 = arith.addi %mul3A_535, %add3A_536 : vector<16xi32>
      %swap3A_538 = arith.constant 0 : index
      %swap3A_539 = tpu.vector_load %arg24[%swap3A_538] {strides = array<i32>} : memref<80xi32, #tpu.memory_space<vmem>>, vector<16xi32>,
      tpu.vector_store %arg24[%swap3A_538], %add3A_537 {strides = array<i32>} : memref<80xi32, #tpu.memory_space<vmem>>, vector<16xi32>,
      %mul3A_540 = arith.constant 2 : i32
      %mul3A_541 = vector.broadcast %mul3A_540 : i32 to vector<16xi32>
      %mul3A_542 = arith.muli %mul3A_541, %get3A_528 : vector<16xi32>
      %add3A_543 = vector.broadcast %arg0 : i32 to vector<16xi32>
      %add3A_544 = arith.addi %mul3A_542, %add3A_543 : vector<16xi32>
      %swap3A_545 = arith.constant 0 : index
      %swap3A_546 = tpu.vector_load %arg30[%swap3A_545] {strides = array<i32>} : memref<80xi32, #tpu.memory_space<vmem>>, vector<16xi32>,
      tpu.vector_store %arg30[%swap3A_545], %add3A_544 {strides = array<i32>} : memref<80xi32, #tpu.memory_space<vmem>>, vector<16xi32>,
      %get3A_547 = arith.constant 256 : index
      %get3A_548 = tpu.vector_load %arg7[%get3A_547] {strides = array<i32>} : memref<4000xi32, #tpu.memory_space<vmem>>, vector<16xi32>,
      %get3A_549 = arith.constant 256 : index
      %get3A_550 = tpu.vector_load %arg8[%get3A_549] {strides = array<i32>} : memref<4000xi32, #tpu.memory_space<vmem>>, vector<16xi32>,
      %swap3A_551 = arith.constant 16 : index
      %swap3A_552 = tpu.vector_load %arg12[%swap3A_551] {strides = array<i32>} : memref<80xi32, #tpu.memory_space<vmem>>, vector<16xi32>,
      tpu.vector_store %arg12[%swap3A_551], %get3A_548 {strides = array<i32>} : memref<80xi32, #tpu.memory_space<vmem>>, vector<16xi32>,
      %swap3A_553 = arith.constant 16 : index
      %swap3A_554 = tpu.vector_load %arg18[%swap3A_553] {strides = array<i32>} : memref<80xi32, #tpu.memory_space<vmem>>, vector<16xi32>,
      tpu.vector_store %arg18[%swap3A_553], %get3A_550 {strides = array<i32>} : memref<80xi32, #tpu.memory_space<vmem>>, vector<16xi32>,
      %mul3A_555 = arith.constant 2 : i32
      %mul3A_556 = vector.broadcast %mul3A_555 : i32 to vector<16xi32>
      %mul3A_557 = arith.muli %mul3A_556, %get3A_548 : vector<16xi32>
      %add3A_558 = vector.broadcast %arg0 : i32 to vector<16xi32>
      %add3A_559 = arith.addi %mul3A_557, %add3A_558 : vector<16xi32>
      %swap3A_560 = arith.constant 16 : index
      %swap3A_561 = tpu.vector_load %arg24[%swap3A_560] {strides = array<i32>} : memref<80xi32, #tpu.memory_space<vmem>>, vector<16xi32>,
      tpu.vector_store %arg24[%swap3A_560], %add3A_559 {strides = array<i32>} : memref<80xi32, #tpu.memory_space<vmem>>, vector<16xi32>,
      %mul3A_562 = arith.constant 2 : i32
      %mul3A_563 = vector.broadcast %mul3A_562 : i32 to vector<16xi32>
      %mul3A_564 = arith.muli %mul3A_563, %get3A_550 : vector<16xi32>
      %add3A_565 = vector.broadcast %arg0 : i32 to vector<16xi32>
      %add3A_566 = arith.addi %mul3A_564, %add3A_565 : vector<16xi32>
      %swap3A_567 = arith.constant 16 : index
      %swap3A_568 = tpu.vector_load %arg30[%swap3A_567] {strides = array<i32>} : memref<80xi32, #tpu.memory_space<vmem>>, vector<16xi32>,
      tpu.vector_store %arg30[%swap3A_567], %add3A_566 {strides = array<i32>} : memref<80xi32, #tpu.memory_space<vmem>>, vector<16xi32>,
      %get3A_569 = arith.constant 272 : index
      %get3A_570 = tpu.vector_load %arg7[%get3A_569] {strides = array<i32>} : memref<4000xi32, #tpu.memory_space<vmem>>, vector<16xi32>,
      %get3A_571 = arith.constant 272 : index
      %get3A_572 = tpu.vector_load %arg8[%get3A_571] {strides = array<i32>} : memref<4000xi32, #tpu.memory_space<vmem>>, vector<16xi32>,
      %swap3A_573 = arith.constant 32 : index
      %swap3A_574 = tpu.vector_load %arg12[%swap3A_573] {strides = array<i32>} : memref<80xi32, #tpu.memory_space<vmem>>, vector<16xi32>,
      tpu.vector_store %arg12[%swap3A_573], %get3A_570 {strides = array<i32>} : memref<80xi32, #tpu.memory_space<vmem>>, vector<16xi32>,
      %swap3A_575 = arith.constant 32 : index
      %swap3A_576 = tpu.vector_load %arg18[%swap3A_575] {strides = array<i32>} : memref<80xi32, #tpu.memory_space<vmem>>, vector<16xi32>,
      tpu.vector_store %arg18[%swap3A_575], %get3A_572 {strides = array<i32>} : memref<80xi32, #tpu.memory_space<vmem>>, vector<16xi32>,
      %mul3A_577 = arith.constant 2 : i32
      %mul3A_578 = vector.broadcast %mul3A_577 : i32 to vector<16xi32>
      %mul3A_579 = arith.muli %mul3A_578, %get3A_570 : vector<16xi32>
      %add3A_580 = vector.broadcast %arg0 : i32 to vector<16xi32>
      %add3A_581 = arith.addi %mul3A_579, %add3A_580 : vector<16xi32>
      %swap3A_582 = arith.constant 32 : index
      %swap3A_583 = tpu.vector_load %arg24[%swap3A_582] {strides = array<i32>} : memref<80xi32, #tpu.memory_space<vmem>>, vector<16xi32>,
      tpu.vector_store %arg24[%swap3A_582], %add3A_581 {strides = array<i32>} : memref<80xi32, #tpu.memory_space<vmem>>, vector<16xi32>,
      %mul3A_584 = arith.constant 2 : i32
      %mul3A_585 = vector.broadcast %mul3A_584 : i32 to vector<16xi32>
      %mul3A_586 = arith.muli %mul3A_585, %get3A_572 : vector<16xi32>
      %add3A_587 = vector.broadcast %arg0 : i32 to vector<16xi32>
      %add3A_588 = arith.addi %mul3A_586, %add3A_587 : vector<16xi32>
      %swap3A_589 = arith.constant 32 : index
      %swap3A_590 = tpu.vector_load %arg30[%swap3A_589] {strides = array<i32>} : memref<80xi32, #tpu.memory_space<vmem>>, vector<16xi32>,
      tpu.vector_store %arg30[%swap3A_589], %add3A_588 {strides = array<i32>} : memref<80xi32, #tpu.memory_space<vmem>>, vector<16xi32>,
      %get3A_591 = arith.constant 288 : index
      %get3A_592 = tpu.vector_load %arg7[%get3A_591] {strides = array<i32>} : memref<4000xi32, #tpu.memory_space<vmem>>, vector<16xi32>,
      %get3A_593 = arith.constant 288 : index
      %get3A_594 = tpu.vector_load %arg8[%get3A_593] {strides = array<i32>} : memref<4000xi32, #tpu.memory_space<vmem>>, vector<16xi32>,
      %swap3A_595 = arith.constant 48 : index
      %swap3A_596 = tpu.vector_load %arg12[%swap3A_595] {strides = array<i32>} : memref<80xi32, #tpu.memory_space<vmem>>, vector<16xi32>,
      tpu.vector_store %arg12[%swap3A_595], %get3A_592 {strides = array<i32>} : memref<80xi32, #tpu.memory_space<vmem>>, vector<16xi32>,
      %swap3A_597 = arith.constant 48 : index
      %swap3A_598 = tpu.vector_load %arg18[%swap3A_597] {strides = array<i32>} : memref<80xi32, #tpu.memory_space<vmem>>, vector<16xi32>,
      tpu.vector_store %arg18[%swap3A_597], %get3A_594 {strides = array<i32>} : memref<80xi32, #tpu.memory_space<vmem>>, vector<16xi32>,
      %mul3A_599 = arith.constant 2 : i32
      %mul3A_600 = vector.broadcast %mul3A_599 : i32 to vector<16xi32>
      %mul3A_601 = arith.muli %mul3A_600, %get3A_592 : vector<16xi32>
      %add3A_602 = vector.broadcast %arg0 : i32 to vector<16xi32>
      %add3A_603 = arith.addi %mul3A_601, %add3A_602 : vector<16xi32>
      %swap3A_604 = arith.constant 48 : index
      %swap3A_605 = tpu.vector_load %arg24[%swap3A_604] {strides = array<i32>} : memref<80xi32, #tpu.memory_space<vmem>>, vector<16xi32>,
      tpu.vector_store %arg24[%swap3A_604], %add3A_603 {strides = array<i32>} : memref<80xi32, #tpu.memory_space<vmem>>, vector<16xi32>,
      %mul3A_606 = arith.constant 2 : i32
      %mul3A_607 = vector.broadcast %mul3A_606 : i32 to vector<16xi32>
      %mul3A_608 = arith.muli %mul3A_607, %get3A_594 : vector<16xi32>
      %add3A_609 = vector.broadcast %arg0 : i32 to vector<16xi32>
      %add3A_610 = arith.addi %mul3A_608, %add3A_609 : vector<16xi32>
      %swap3A_611 = arith.constant 48 : index
      %swap3A_612 = tpu.vector_load %arg30[%swap3A_611] {strides = array<i32>} : memref<80xi32, #tpu.memory_space<vmem>>, vector<16xi32>,
      tpu.vector_store %arg30[%swap3A_611], %add3A_610 {strides = array<i32>} : memref<80xi32, #tpu.memory_space<vmem>>, vector<16xi32>,
      %get3A_613 = arith.constant 304 : index
      %get3A_614 = tpu.vector_load %arg7[%get3A_613] {strides = array<i32>} : memref<4000xi32, #tpu.memory_space<vmem>>, vector<16xi32>,
      %get3A_615 = arith.constant 304 : index
      %get3A_616 = tpu.vector_load %arg8[%get3A_615] {strides = array<i32>} : memref<4000xi32, #tpu.memory_space<vmem>>, vector<16xi32>,
      %swap3A_617 = arith.constant 64 : index
      %swap3A_618 = tpu.vector_load %arg12[%swap3A_617] {strides = array<i32>} : memref<80xi32, #tpu.memory_space<vmem>>, vector<16xi32>,
      tpu.vector_store %arg12[%swap3A_617], %get3A_614 {strides = array<i32>} : memref<80xi32, #tpu.memory_space<vmem>>, vector<16xi32>,
      %swap3A_619 = arith.constant 64 : index
      %swap3A_620 = tpu.vector_load %arg18[%swap3A_619] {strides = array<i32>} : memref<80xi32, #tpu.memory_space<vmem>>, vector<16xi32>,
      tpu.vector_store %arg18[%swap3A_619], %get3A_616 {strides = array<i32>} : memref<80xi32, #tpu.memory_space<vmem>>, vector<16xi32>,
      %mul3A_621 = arith.constant 2 : i32
      %mul3A_622 = vector.broadcast %mul3A_621 : i32 to vector<16xi32>
      %mul3A_623 = arith.muli %mul3A_622, %get3A_614 : vector<16xi32>
      %add3A_624 = vector.broadcast %arg0 : i32 to vector<16xi32>
      %add3A_625 = arith.addi %mul3A_623, %add3A_624 : vector<16xi32>
      %swap3A_626 = arith.constant 64 : index
      %swap3A_627 = tpu.vector_load %arg24[%swap3A_626] {strides = array<i32>} : memref<80xi32, #tpu.memory_space<vmem>>, vector<16xi32>,
      tpu.vector_store %arg24[%swap3A_626], %add3A_625 {strides = array<i32>} : memref<80xi32, #tpu.memory_space<vmem>>, vector<16xi32>,
      %mul3A_628 = arith.constant 2 : i32
      %mul3A_629 = vector.broadcast %mul3A_628 : i32 to vector<16xi32>
      %mul3A_630 = arith.muli %mul3A_629, %get3A_616 : vector<16xi32>
      %add3A_631 = vector.broadcast %arg0 : i32 to vector<16xi32>
      %add3A_632 = arith.addi %mul3A_630, %add3A_631 : vector<16xi32>
      %swap3A_633 = arith.constant 64 : index
      %swap3A_634 = tpu.vector_load %arg30[%swap3A_633] {strides = array<i32>} : memref<80xi32, #tpu.memory_space<vmem>>, vector<16xi32>,
      tpu.vector_store %arg30[%swap3A_633], %add3A_632 {strides = array<i32>} : memref<80xi32, #tpu.memory_space<vmem>>, vector<16xi32>,
      %dma_start3A_635 = arith.constant 0 : i32
      %dma_start3A_636 = arith.constant 0 : i32
      %dma_start3A_637 = tpu.memref_slice %arg2[%dma_start3A_635, %dma_start3A_636] : memref<20000x64xbf16, #tpu.memory_space<hbm>> -> memref<20000x64xbf16, #tpu.memory_space<hbm>>
      tpu.enqueue_indirect_dma source(%dma_start3A_637 : memref<20000x64xbf16, #tpu.memory_space<hbm>>) target(%arg36 : memref<80x64xbf16, #tpu.memory_space<vmem>>) offsets(%arg24 : memref<80xi32, #tpu.memory_space<vmem>>) semaphore(%arg57 : memref<!tpu.dma_semaphore, #tpu.memory_space<semaphore_mem>>)
      %dma_start3A_638 = arith.constant 0 : i32
      %dma_start3A_639 = arith.constant 0 : i32
      %dma_start3A_640 = tpu.memref_slice %arg2[%dma_start3A_638, %dma_start3A_639] : memref<20000x64xbf16, #tpu.memory_space<hbm>> -> memref<20000x64xbf16, #tpu.memory_space<hbm>>
      tpu.enqueue_indirect_dma source(%dma_start3A_640 : memref<20000x64xbf16, #tpu.memory_space<hbm>>) target(%arg42 : memref<80x64xbf16, #tpu.memory_space<vmem>>) offsets(%arg30 : memref<80xi32, #tpu.memory_space<vmem>>) semaphore(%arg63 : memref<!tpu.dma_semaphore, #tpu.memory_space<semaphore_mem>>)
      %scan3A_641 = arith.constant 0 : i32
      %scan3A_642 = arith.constant 0 : i32
      %scan3A_643 = arith.constant 9 : i32
      %scan3A_644 = arith.addi %scan3A_642, %scan3A_643 : i32
      %scan3A_645 = arith.constant 1 : i32
      scf.for %scan3A_647 = %scan3A_642 to %scan3A_644 step %scan3A_645  : i32 {
        %mul3A_648 = arith.constant 6 : i32
        %mul3A_649 = arith.muli %mul3A_648, %scan3A_647 : i32
        %add3A_650 = arith.constant 0 : i32
        %add3A_651 = arith.addi %mul3A_649, %add3A_650 : i32
        %lt3A_652 = arith.constant 50 : i32
        %lt3A_653 = arith.cmpi slt, %add3A_651, %lt3A_652 : i32
        %convert_element_type3A_654 = arith.extui %lt3A_653 : i1 to i32
        %cond3A_655 = arith.constant 0 : i32
        %cond3A_656 = arith.cmpi ne, %convert_element_type3A_654, %cond3A_655 : i32
        scf.if %cond3A_656 {
          %dma_wait3A_744 = arith.constant 0 : i32
          %dma_wait3A_745 = arith.constant 0 : i32
          %dma_wait3A_746 = tpu.memref_slice %arg2[%dma_wait3A_744, %dma_wait3A_745] : memref<20000x64xbf16, #tpu.memory_space<hbm>> -> memref<20000x64xbf16, #tpu.memory_space<hbm>>
          tpu.wait_indirect_dma semaphore(%arg54 : memref<!tpu.dma_semaphore, #tpu.memory_space<semaphore_mem>>) src(%dma_wait3A_746 : memref<20000x64xbf16, #tpu.memory_space<hbm>>) dst(%arg33 : memref<80x64xbf16, #tpu.memory_space<vmem>>)
          %dma_wait3A_747 = arith.constant 0 : i32
          %dma_wait3A_748 = arith.constant 0 : i32
          %dma_wait3A_749 = tpu.memref_slice %arg2[%dma_wait3A_747, %dma_wait3A_748] : memref<20000x64xbf16, #tpu.memory_space<hbm>> -> memref<20000x64xbf16, #tpu.memory_space<hbm>>
          tpu.wait_indirect_dma semaphore(%arg60 : memref<!tpu.dma_semaphore, #tpu.memory_space<semaphore_mem>>) src(%dma_wait3A_749 : memref<20000x64xbf16, #tpu.memory_space<hbm>>) dst(%arg39 : memref<80x64xbf16, #tpu.memory_space<vmem>>)
          %scan3A_750 = arith.constant 0 : i32
          %scan3A_751 = arith.constant 0 : i32
          %scan3A_752 = arith.constant 20 : i32
          %scan3A_753 = arith.addi %scan3A_751, %scan3A_752 : i32
          %scan3A_754 = arith.constant 1 : i32
          scf.for %scan3A_762 = %scan3A_751 to %scan3A_753 step %scan3A_754  : i32 {
            %mul3A_763 = arith.constant 4 : i32
            %mul3A_764 = arith.muli %scan3A_762, %mul3A_763 : i32
            %add3A_765 = arith.constant 0 : i32
            %add3A_766 = arith.addi %mul3A_764, %add3A_765 : i32
            %get3A_767 = arith.index_cast %add3A_766 : i32 to index
            %get3A_768 = arith.constant 0 : index
            %get3A_769 = tpu.vector_load %arg33[%get3A_767, %get3A_768] {strides = array<i32>} : memref<80x64xbf16, #tpu.memory_space<vmem>>, vector<32xbf16>,
            %add3A_770 = arith.constant 0 : i32
            %add3A_771 = arith.addi %mul3A_764, %add3A_770 : i32
            %get3A_772 = arith.index_cast %add3A_771 : i32 to index
            %get3A_773 = arith.constant 0 : index
            %get3A_774 = tpu.vector_load %arg39[%get3A_772, %get3A_773] {strides = array<i32>} : memref<80x64xbf16, #tpu.memory_space<vmem>>, vector<32xbf16>,
            %add3A_775 = arith.addf %get3A_769, %get3A_774 : vector<32xbf16>
            %bitcast3A = vector.bitcast %add3A_775 : vector<32xbf16> to vector<16xi32>
            %shift_left3A = arith.constant 16 : i32
            %shift_left3A_776 = vector.broadcast %shift_left3A : i32 to vector<16xi32>
            %shift_left3A_777 = arith.shli %bitcast3A, %shift_left3A_776 : vector<16xi32>
            %bitcast3A_778 = vector.bitcast %shift_left3A_777 : vector<16xi32> to vector<16xf32>
            %and3A = arith.constant -65536 : i32
            %and3A_779 = vector.broadcast %and3A : i32 to vector<16xi32>
            %and3A_780 = arith.andi %bitcast3A, %and3A_779 : vector<16xi32>
            %bitcast3A_781 = vector.bitcast %and3A_780 : vector<16xi32> to vector<16xf32>
            %add3A_782 = arith.constant 0 : i32
            %add3A_783 = arith.addi %mul3A_764, %add3A_782 : i32
            %swap3A_784 = arith.index_cast %add3A_783 : i32 to index
            %swap3A_785 = arith.constant 0 : index
            %swap3A_786 = tpu.vector_load %arg45[%swap3A_784, %swap3A_785] {strides = array<i32>} : memref<80x64xf32, #tpu.memory_space<vmem>>, vector<16xf32>,
            tpu.vector_store %arg45[%swap3A_784, %swap3A_785], %bitcast3A_778 {strides = array<i32>} : memref<80x64xf32, #tpu.memory_space<vmem>>, vector<16xf32>,
            %add3A_787 = arith.constant 0 : i32
            %add3A_788 = arith.addi %mul3A_764, %add3A_787 : i32
            %swap3A_789 = arith.index_cast %add3A_788 : i32 to index
            %swap3A_790 = arith.constant 16 : index
            %swap3A_791 = tpu.vector_load %arg45[%swap3A_789, %swap3A_790] {strides = array<i32>} : memref<80x64xf32, #tpu.memory_space<vmem>>, vector<16xf32>,
            tpu.vector_store %arg45[%swap3A_789, %swap3A_790], %bitcast3A_781 {strides = array<i32>} : memref<80x64xf32, #tpu.memory_space<vmem>>, vector<16xf32>,
            %add3A_792 = arith.constant 0 : i32
            %add3A_793 = arith.addi %mul3A_764, %add3A_792 : i32
            %get3A_794 = arith.index_cast %add3A_793 : i32 to index
            %get3A_795 = arith.constant 32 : index
            %get3A_796 = tpu.vector_load %arg33[%get3A_794, %get3A_795] {strides = array<i32>} : memref<80x64xbf16, #tpu.memory_space<vmem>>, vector<32xbf16>,
            %add3A_797 = arith.constant 0 : i32
            %add3A_798 = arith.addi %mul3A_764, %add3A_797 : i32
            %get3A_799 = arith.index_cast %add3A_798 : i32 to index
            %get3A_800 = arith.constant 32 : index
            %get3A_801 = tpu.vector_load %arg39[%get3A_799, %get3A_800] {strides = array<i32>} : memref<80x64xbf16, #tpu.memory_space<vmem>>, vector<32xbf16>,
            %add3A_802 = arith.addf %get3A_796, %get3A_801 : vector<32xbf16>
            %bitcast3A_803 = vector.bitcast %add3A_802 : vector<32xbf16> to vector<16xi32>
            %shift_left3A_804 = arith.constant 16 : i32
            %shift_left3A_805 = vector.broadcast %shift_left3A_804 : i32 to vector<16xi32>
            %shift_left3A_806 = arith.shli %bitcast3A_803, %shift_left3A_805 : vector<16xi32>
            %bitcast3A_807 = vector.bitcast %shift_left3A_806 : vector<16xi32> to vector<16xf32>
            %and3A_808 = arith.constant -65536 : i32
            %and3A_809 = vector.broadcast %and3A_808 : i32 to vector<16xi32>
            %and3A_810 = arith.andi %bitcast3A_803, %and3A_809 : vector<16xi32>
            %bitcast3A_811 = vector.bitcast %and3A_810 : vector<16xi32> to vector<16xf32>
            %add3A_812 = arith.constant 0 : i32
            %add3A_813 = arith.addi %mul3A_764, %add3A_812 : i32
            %swap3A_814 = arith.index_cast %add3A_813 : i32 to index
            %swap3A_815 = arith.constant 32 : index
            %swap3A_816 = tpu.vector_load %arg45[%swap3A_814, %swap3A_815] {strides = array<i32>} : memref<80x64xf32, #tpu.memory_space<vmem>>, vector<16xf32>,
            tpu.vector_store %arg45[%swap3A_814, %swap3A_815], %bitcast3A_807 {strides = array<i32>} : memref<80x64xf32, #tpu.memory_space<vmem>>, vector<16xf32>,
            %add3A_817 = arith.constant 0 : i32
            %add3A_818 = arith.addi %mul3A_764, %add3A_817 : i32
            %swap3A_819 = arith.index_cast %add3A_818 : i32 to index
            %swap3A_820 = arith.constant 48 : index
            %swap3A_821 = tpu.vector_load %arg45[%swap3A_819, %swap3A_820] {strides = array<i32>} : memref<80x64xf32, #tpu.memory_space<vmem>>, vector<16xf32>,
            tpu.vector_store %arg45[%swap3A_819, %swap3A_820], %bitcast3A_811 {strides = array<i32>} : memref<80x64xf32, #tpu.memory_space<vmem>>, vector<16xf32>,
            %add3A_822 = arith.constant 1 : i32
            %add3A_823 = arith.addi %mul3A_764, %add3A_822 : i32
            %get3A_824 = arith.index_cast %add3A_823 : i32 to index
            %get3A_825 = arith.constant 0 : index
            %get3A_826 = tpu.vector_load %arg33[%get3A_824, %get3A_825] {strides = array<i32>} : memref<80x64xbf16, #tpu.memory_space<vmem>>, vector<32xbf16>,
            %add3A_827 = arith.constant 1 : i32
            %add3A_828 = arith.addi %mul3A_764, %add3A_827 : i32
            %get3A_829 = arith.index_cast %add3A_828 : i32 to index
            %get3A_830 = arith.constant 0 : index
            %get3A_831 = tpu.vector_load %arg39[%get3A_829, %get3A_830] {strides = array<i32>} : memref<80x64xbf16, #tpu.memory_space<vmem>>, vector<32xbf16>,
            %add3A_832 = arith.addf %get3A_826, %get3A_831 : vector<32xbf16>
            %bitcast3A_833 = vector.bitcast %add3A_832 : vector<32xbf16> to vector<16xi32>
            %shift_left3A_834 = arith.constant 16 : i32
            %shift_left3A_835 = vector.broadcast %shift_left3A_834 : i32 to vector<16xi32>
            %shift_left3A_836 = arith.shli %bitcast3A_833, %shift_left3A_835 : vector<16xi32>
            %bitcast3A_837 = vector.bitcast %shift_left3A_836 : vector<16xi32> to vector<16xf32>
            %and3A_838 = arith.constant -65536 : i32
            %and3A_839 = vector.broadcast %and3A_838 : i32 to vector<16xi32>
            %and3A_840 = arith.andi %bitcast3A_833, %and3A_839 : vector<16xi32>
            %bitcast3A_841 = vector.bitcast %and3A_840 : vector<16xi32> to vector<16xf32>
            %add3A_842 = arith.constant 1 : i32
            %add3A_843 = arith.addi %mul3A_764, %add3A_842 : i32
            %swap3A_844 = arith.index_cast %add3A_843 : i32 to index
            %swap3A_845 = arith.constant 0 : index
            %swap3A_846 = tpu.vector_load %arg45[%swap3A_844, %swap3A_845] {strides = array<i32>} : memref<80x64xf32, #tpu.memory_space<vmem>>, vector<16xf32>,
            tpu.vector_store %arg45[%swap3A_844, %swap3A_845], %bitcast3A_837 {strides = array<i32>} : memref<80x64xf32, #tpu.memory_space<vmem>>, vector<16xf32>,
            %add3A_847 = arith.constant 1 : i32
            %add3A_848 = arith.addi %mul3A_764, %add3A_847 : i32
            %swap3A_849 = arith.index_cast %add3A_848 : i32 to index
            %swap3A_850 = arith.constant 16 : index
            %swap3A_851 = tpu.vector_load %arg45[%swap3A_849, %swap3A_850] {strides = array<i32>} : memref<80x64xf32, #tpu.memory_space<vmem>>, vector<16xf32>,
            tpu.vector_store %arg45[%swap3A_849, %swap3A_850], %bitcast3A_841 {strides = array<i32>} : memref<80x64xf32, #tpu.memory_space<vmem>>, vector<16xf32>,
            %add3A_852 = arith.constant 1 : i32
            %add3A_853 = arith.addi %mul3A_764, %add3A_852 : i32
            %get3A_854 = arith.index_cast %add3A_853 : i32 to index
            %get3A_855 = arith.constant 32 : index
            %get3A_856 = tpu.vector_load %arg33[%get3A_854, %get3A_855] {strides = array<i32>} : memref<80x64xbf16, #tpu.memory_space<vmem>>, vector<32xbf16>,
            %add3A_857 = arith.constant 1 : i32
            %add3A_858 = arith.addi %mul3A_764, %add3A_857 : i32
            %get3A_859 = arith.index_cast %add3A_858 : i32 to index
            %get3A_860 = arith.constant 32 : index
            %get3A_861 = tpu.vector_load %arg39[%get3A_859, %get3A_860] {strides = array<i32>} : memref<80x64xbf16, #tpu.memory_space<vmem>>, vector<32xbf16>,
            %add3A_862 = arith.addf %get3A_856, %get3A_861 : vector<32xbf16>
            %bitcast3A_863 = vector.bitcast %add3A_862 : vector<32xbf16> to vector<16xi32>
            %shift_left3A_864 = arith.constant 16 : i32
            %shift_left3A_865 = vector.broadcast %shift_left3A_864 : i32 to vector<16xi32>
            %shift_left3A_866 = arith.shli %bitcast3A_863, %shift_left3A_865 : vector<16xi32>
            %bitcast3A_867 = vector.bitcast %shift_left3A_866 : vector<16xi32> to vector<16xf32>
            %and3A_868 = arith.constant -65536 : i32
            %and3A_869 = vector.broadcast %and3A_868 : i32 to vector<16xi32>
            %and3A_870 = arith.andi %bitcast3A_863, %and3A_869 : vector<16xi32>
            %bitcast3A_871 = vector.bitcast %and3A_870 : vector<16xi32> to vector<16xf32>
            %add3A_872 = arith.constant 1 : i32
            %add3A_873 = arith.addi %mul3A_764, %add3A_872 : i32
            %swap3A_874 = arith.index_cast %add3A_873 : i32 to index
            %swap3A_875 = arith.constant 32 : index
            %swap3A_876 = tpu.vector_load %arg45[%swap3A_874, %swap3A_875] {strides = array<i32>} : memref<80x64xf32, #tpu.memory_space<vmem>>, vector<16xf32>,
            tpu.vector_store %arg45[%swap3A_874, %swap3A_875], %bitcast3A_867 {strides = array<i32>} : memref<80x64xf32, #tpu.memory_space<vmem>>, vector<16xf32>,
            %add3A_877 = arith.constant 1 : i32
            %add3A_878 = arith.addi %mul3A_764, %add3A_877 : i32
            %swap3A_879 = arith.index_cast %add3A_878 : i32 to index
            %swap3A_880 = arith.constant 48 : index
            %swap3A_881 = tpu.vector_load %arg45[%swap3A_879, %swap3A_880] {strides = array<i32>} : memref<80x64xf32, #tpu.memory_space<vmem>>, vector<16xf32>,
            tpu.vector_store %arg45[%swap3A_879, %swap3A_880], %bitcast3A_871 {strides = array<i32>} : memref<80x64xf32, #tpu.memory_space<vmem>>, vector<16xf32>,
            %add3A_882 = arith.constant 2 : i32
            %add3A_883 = arith.addi %mul3A_764, %add3A_882 : i32
            %get3A_884 = arith.index_cast %add3A_883 : i32 to index
            %get3A_885 = arith.constant 0 : index
            %get3A_886 = tpu.vector_load %arg33[%get3A_884, %get3A_885] {strides = array<i32>} : memref<80x64xbf16, #tpu.memory_space<vmem>>, vector<32xbf16>,
            %add3A_887 = arith.constant 2 : i32
            %add3A_888 = arith.addi %mul3A_764, %add3A_887 : i32
            %get3A_889 = arith.index_cast %add3A_888 : i32 to index
            %get3A_890 = arith.constant 0 : index
            %get3A_891 = tpu.vector_load %arg39[%get3A_889, %get3A_890] {strides = array<i32>} : memref<80x64xbf16, #tpu.memory_space<vmem>>, vector<32xbf16>,
            %add3A_892 = arith.addf %get3A_886, %get3A_891 : vector<32xbf16>
            %bitcast3A_893 = vector.bitcast %add3A_892 : vector<32xbf16> to vector<16xi32>
            %shift_left3A_894 = arith.constant 16 : i32
            %shift_left3A_895 = vector.broadcast %shift_left3A_894 : i32 to vector<16xi32>
            %shift_left3A_896 = arith.shli %bitcast3A_893, %shift_left3A_895 : vector<16xi32>
            %bitcast3A_897 = vector.bitcast %shift_left3A_896 : vector<16xi32> to vector<16xf32>
            %and3A_898 = arith.constant -65536 : i32
            %and3A_899 = vector.broadcast %and3A_898 : i32 to vector<16xi32>
            %and3A_900 = arith.andi %bitcast3A_893, %and3A_899 : vector<16xi32>
            %bitcast3A_901 = vector.bitcast %and3A_900 : vector<16xi32> to vector<16xf32>
            %add3A_902 = arith.constant 2 : i32
            %add3A_903 = arith.addi %mul3A_764, %add3A_902 : i32
            %swap3A_904 = arith.index_cast %add3A_903 : i32 to index
            %swap3A_905 = arith.constant 0 : index
            %swap3A_906 = tpu.vector_load %arg45[%swap3A_904, %swap3A_905] {strides = array<i32>} : memref<80x64xf32, #tpu.memory_space<vmem>>, vector<16xf32>,
            tpu.vector_store %arg45[%swap3A_904, %swap3A_905], %bitcast3A_897 {strides = array<i32>} : memref<80x64xf32, #tpu.memory_space<vmem>>, vector<16xf32>,
            %add3A_907 = arith.constant 2 : i32
            %add3A_908 = arith.addi %mul3A_764, %add3A_907 : i32
            %swap3A_909 = arith.index_cast %add3A_908 : i32 to index
            %swap3A_910 = arith.constant 16 : index
            %swap3A_911 = tpu.vector_load %arg45[%swap3A_909, %swap3A_910] {strides = array<i32>} : memref<80x64xf32, #tpu.memory_space<vmem>>, vector<16xf32>,
            tpu.vector_store %arg45[%swap3A_909, %swap3A_910], %bitcast3A_901 {strides = array<i32>} : memref<80x64xf32, #tpu.memory_space<vmem>>, vector<16xf32>,
            %add3A_912 = arith.constant 2 : i32
            %add3A_913 = arith.addi %mul3A_764, %add3A_912 : i32
            %get3A_914 = arith.index_cast %add3A_913 : i32 to index
            %get3A_915 = arith.constant 32 : index
            %get3A_916 = tpu.vector_load %arg33[%get3A_914, %get3A_915] {strides = array<i32>} : memref<80x64xbf16, #tpu.memory_space<vmem>>, vector<32xbf16>,
            %add3A_917 = arith.constant 2 : i32
            %add3A_918 = arith.addi %mul3A_764, %add3A_917 : i32
            %get3A_919 = arith.index_cast %add3A_918 : i32 to index
            %get3A_920 = arith.constant 32 : index
            %get3A_921 = tpu.vector_load %arg39[%get3A_919, %get3A_920] {strides = array<i32>} : memref<80x64xbf16, #tpu.memory_space<vmem>>, vector<32xbf16>,
            %add3A_922 = arith.addf %get3A_916, %get3A_921 : vector<32xbf16>
            %bitcast3A_923 = vector.bitcast %add3A_922 : vector<32xbf16> to vector<16xi32>
            %shift_left3A_924 = arith.constant 16 : i32
            %shift_left3A_925 = vector.broadcast %shift_left3A_924 : i32 to vector<16xi32>
            %shift_left3A_926 = arith.shli %bitcast3A_923, %shift_left3A_925 : vector<16xi32>
            %bitcast3A_927 = vector.bitcast %shift_left3A_926 : vector<16xi32> to vector<16xf32>
            %and3A_928 = arith.constant -65536 : i32
            %and3A_929 = vector.broadcast %and3A_928 : i32 to vector<16xi32>
            %and3A_930 = arith.andi %bitcast3A_923, %and3A_929 : vector<16xi32>
            %bitcast3A_931 = vector.bitcast %and3A_930 : vector<16xi32> to vector<16xf32>
            %add3A_932 = arith.constant 2 : i32
            %add3A_933 = arith.addi %mul3A_764, %add3A_932 : i32
            %swap3A_934 = arith.index_cast %add3A_933 : i32 to index
            %swap3A_935 = arith.constant 32 : index
            %swap3A_936 = tpu.vector_load %arg45[%swap3A_934, %swap3A_935] {strides = array<i32>} : memref<80x64xf32, #tpu.memory_space<vmem>>, vector<16xf32>,
            tpu.vector_store %arg45[%swap3A_934, %swap3A_935], %bitcast3A_927 {strides = array<i32>} : memref<80x64xf32, #tpu.memory_space<vmem>>, vector<16xf32>,
            %add3A_937 = arith.constant 2 : i32
            %add3A_938 = arith.addi %mul3A_764, %add3A_937 : i32
            %swap3A_939 = arith.index_cast %add3A_938 : i32 to index
            %swap3A_940 = arith.constant 48 : index
            %swap3A_941 = tpu.vector_load %arg45[%swap3A_939, %swap3A_940] {strides = array<i32>} : memref<80x64xf32, #tpu.memory_space<vmem>>, vector<16xf32>,
            tpu.vector_store %arg45[%swap3A_939, %swap3A_940], %bitcast3A_931 {strides = array<i32>} : memref<80x64xf32, #tpu.memory_space<vmem>>, vector<16xf32>,
            %add3A_942 = arith.constant 3 : i32
            %add3A_943 = arith.addi %mul3A_764, %add3A_942 : i32
            %get3A_944 = arith.index_cast %add3A_943 : i32 to index
            %get3A_945 = arith.constant 0 : index
            %get3A_946 = tpu.vector_load %arg33[%get3A_944, %get3A_945] {strides = array<i32>} : memref<80x64xbf16, #tpu.memory_space<vmem>>, vector<32xbf16>,
            %add3A_947 = arith.constant 3 : i32
            %add3A_948 = arith.addi %mul3A_764, %add3A_947 : i32
            %get3A_949 = arith.index_cast %add3A_948 : i32 to index
            %get3A_950 = arith.constant 0 : index
            %get3A_951 = tpu.vector_load %arg39[%get3A_949, %get3A_950] {strides = array<i32>} : memref<80x64xbf16, #tpu.memory_space<vmem>>, vector<32xbf16>,
            %add3A_952 = arith.addf %get3A_946, %get3A_951 : vector<32xbf16>
            %bitcast3A_953 = vector.bitcast %add3A_952 : vector<32xbf16> to vector<16xi32>
            %shift_left3A_954 = arith.constant 16 : i32
            %shift_left3A_955 = vector.broadcast %shift_left3A_954 : i32 to vector<16xi32>
            %shift_left3A_956 = arith.shli %bitcast3A_953, %shift_left3A_955 : vector<16xi32>
            %bitcast3A_957 = vector.bitcast %shift_left3A_956 : vector<16xi32> to vector<16xf32>
            %and3A_958 = arith.constant -65536 : i32
            %and3A_959 = vector.broadcast %and3A_958 : i32 to vector<16xi32>
            %and3A_960 = arith.andi %bitcast3A_953, %and3A_959 : vector<16xi32>
            %bitcast3A_961 = vector.bitcast %and3A_960 : vector<16xi32> to vector<16xf32>
            %add3A_962 = arith.constant 3 : i32
            %add3A_963 = arith.addi %mul3A_764, %add3A_962 : i32
            %swap3A_964 = arith.index_cast %add3A_963 : i32 to index
            %swap3A_965 = arith.constant 0 : index
            %swap3A_966 = tpu.vector_load %arg45[%swap3A_964, %swap3A_965] {strides = array<i32>} : memref<80x64xf32, #tpu.memory_space<vmem>>, vector<16xf32>,
            tpu.vector_store %arg45[%swap3A_964, %swap3A_965], %bitcast3A_957 {strides = array<i32>} : memref<80x64xf32, #tpu.memory_space<vmem>>, vector<16xf32>,
            %add3A_967 = arith.constant 3 : i32
            %add3A_968 = arith.addi %mul3A_764, %add3A_967 : i32
            %swap3A_969 = arith.index_cast %add3A_968 : i32 to index
            %swap3A_970 = arith.constant 16 : index
            %swap3A_971 = tpu.vector_load %arg45[%swap3A_969, %swap3A_970] {strides = array<i32>} : memref<80x64xf32, #tpu.memory_space<vmem>>, vector<16xf32>,
            tpu.vector_store %arg45[%swap3A_969, %swap3A_970], %bitcast3A_961 {strides = array<i32>} : memref<80x64xf32, #tpu.memory_space<vmem>>, vector<16xf32>,
            %add3A_972 = arith.constant 3 : i32
            %add3A_973 = arith.addi %mul3A_764, %add3A_972 : i32
            %get3A_974 = arith.index_cast %add3A_973 : i32 to index
            %get3A_975 = arith.constant 32 : index
            %get3A_976 = tpu.vector_load %arg33[%get3A_974, %get3A_975] {strides = array<i32>} : memref<80x64xbf16, #tpu.memory_space<vmem>>, vector<32xbf16>,
            %add3A_977 = arith.constant 3 : i32
            %add3A_978 = arith.addi %mul3A_764, %add3A_977 : i32
            %get3A_979 = arith.index_cast %add3A_978 : i32 to index
            %get3A_980 = arith.constant 32 : index
            %get3A_981 = tpu.vector_load %arg39[%get3A_979, %get3A_980] {strides = array<i32>} : memref<80x64xbf16, #tpu.memory_space<vmem>>, vector<32xbf16>,
            %add3A_982 = arith.addf %get3A_976, %get3A_981 : vector<32xbf16>
            %bitcast3A_983 = vector.bitcast %add3A_982 : vector<32xbf16> to vector<16xi32>
            %shift_left3A_984 = arith.constant 16 : i32
            %shift_left3A_985 = vector.broadcast %shift_left3A_984 : i32 to vector<16xi32>
            %shift_left3A_986 = arith.shli %bitcast3A_983, %shift_left3A_985 : vector<16xi32>
            %bitcast3A_987 = vector.bitcast %shift_left3A_986 : vector<16xi32> to vector<16xf32>
            %and3A_988 = arith.constant -65536 : i32
            %and3A_989 = vector.broadcast %and3A_988 : i32 to vector<16xi32>
            %and3A_990 = arith.andi %bitcast3A_983, %and3A_989 : vector<16xi32>
            %bitcast3A_991 = vector.bitcast %and3A_990 : vector<16xi32> to vector<16xf32>
            %add3A_992 = arith.constant 3 : i32
            %add3A_993 = arith.addi %mul3A_764, %add3A_992 : i32
            %swap3A_994 = arith.index_cast %add3A_993 : i32 to index
            %swap3A_995 = arith.constant 32 : index
            %swap3A_996 = tpu.vector_load %arg45[%swap3A_994, %swap3A_995] {strides = array<i32>} : memref<80x64xf32, #tpu.memory_space<vmem>>, vector<16xf32>,
            tpu.vector_store %arg45[%swap3A_994, %swap3A_995], %bitcast3A_987 {strides = array<i32>} : memref<80x64xf32, #tpu.memory_space<vmem>>, vector<16xf32>,
            %add3A_997 = arith.constant 3 : i32
            %add3A_998 = arith.addi %mul3A_764, %add3A_997 : i32
            %swap3A_999 = arith.index_cast %add3A_998 : i32 to index
            %swap3A_1000 = arith.constant 48 : index
            %swap3A_1001 = tpu.vector_load %arg45[%swap3A_999, %swap3A_1000] {strides = array<i32>} : memref<80x64xf32, #tpu.memory_space<vmem>>, vector<16xf32>,
            tpu.vector_store %arg45[%swap3A_999, %swap3A_1000], %bitcast3A_991 {strides = array<i32>} : memref<80x64xf32, #tpu.memory_space<vmem>>, vector<16xf32>,
          }
          %scan3A_755 = arith.constant 20 : i32
          %dma_start3A_756 = arith.constant 0 : i32
          %dma_start3A_757 = arith.constant 0 : i32
          %dma_start3A_758 = tpu.memref_slice %arg53[%dma_start3A_756, %dma_start3A_757] : memref<10000x64xf32, #tpu.memory_space<vmem_shared>> -> memref<10000x64xf32, #tpu.memory_space<vmem_shared>>
          tpu.enqueue_indirect_dma source(%arg45 : memref<80x64xf32, #tpu.memory_space<vmem>>) target(%dma_start3A_758 : memref<10000x64xf32, #tpu.memory_space<vmem_shared>>) offsets(%arg9 : memref<80xi32, #tpu.memory_space<vmem>>) semaphore(%arg66 : memref<!tpu.dma_semaphore, #tpu.memory_space<semaphore_mem>>) {add = true}
          %dma_start3A_759 = arith.constant 0 : i32
          %dma_start3A_760 = arith.constant 0 : i32
          %dma_start3A_761 = tpu.memref_slice %arg53[%dma_start3A_759, %dma_start3A_760] : memref<10000x64xf32, #tpu.memory_space<vmem_shared>> -> memref<10000x64xf32, #tpu.memory_space<vmem_shared>>
          tpu.enqueue_indirect_dma source(%arg45 : memref<80x64xf32, #tpu.memory_space<vmem>>) target(%dma_start3A_761 : memref<10000x64xf32, #tpu.memory_space<vmem_shared>>) offsets(%arg15 : memref<80xi32, #tpu.memory_space<vmem>>) semaphore(%arg72 : memref<!tpu.dma_semaphore, #tpu.memory_space<semaphore_mem>>) {add = true}
        } else {
        }
        %add3A_657 = arith.constant 4 : i32
        %add3A_658 = arith.addi %add3A_651, %add3A_657 : i32
        %lt3A_659 = arith.constant 50 : i32
        %lt3A_660 = arith.cmpi slt, %add3A_658, %lt3A_659 : i32
        %convert_element_type3A_661 = arith.extui %lt3A_660 : i1 to i32
        %cond3A_662 = arith.constant 0 : i32
        %cond3A_663 = arith.cmpi ne, %convert_element_type3A_661, %cond3A_662 : i32
        scf.if %cond3A_663 {
          %gt3A_744 = arith.constant 0 : i32
          %gt3A_745 = arith.cmpi sgt, %scan3A_156, %gt3A_744 : i32
          %ge3A = arith.constant 6 : i32
          %ge3A_746 = arith.cmpi sge, %add3A_658, %ge3A : i32
          %or3A = arith.ori %gt3A_745, %ge3A_746 : i1
          %convert_element_type3A_747 = arith.extui %or3A : i1 to i32
          %cond3A_748 = arith.constant 0 : i32
          %cond3A_749 = arith.cmpi ne, %convert_element_type3A_747, %cond3A_748 : i32
          scf.if %cond3A_749 {
            %dma_wait3A_888 = arith.constant 0 : i32
            %dma_wait3A_889 = arith.constant 0 : i32
            %dma_wait3A_890 = tpu.memref_slice %arg53[%dma_wait3A_888, %dma_wait3A_889] : memref<10000x64xf32, #tpu.memory_space<vmem_shared>> -> memref<10000x64xf32, #tpu.memory_space<vmem_shared>>
            tpu.wait_indirect_dma semaphore(%arg70 : memref<!tpu.dma_semaphore, #tpu.memory_space<semaphore_mem>>) src(%arg49 : memref<80x64xf32, #tpu.memory_space<vmem>>) dst(%dma_wait3A_890 : memref<10000x64xf32, #tpu.memory_space<vmem_shared>>)
            %dma_wait3A_891 = arith.constant 0 : i32
            %dma_wait3A_892 = arith.constant 0 : i32
            %dma_wait3A_893 = tpu.memref_slice %arg53[%dma_wait3A_891, %dma_wait3A_892] : memref<10000x64xf32, #tpu.memory_space<vmem_shared>> -> memref<10000x64xf32, #tpu.memory_space<vmem_shared>>
            tpu.wait_indirect_dma semaphore(%arg76 : memref<!tpu.dma_semaphore, #tpu.memory_space<semaphore_mem>>) src(%arg49 : memref<80x64xf32, #tpu.memory_space<vmem>>) dst(%dma_wait3A_893 : memref<10000x64xf32, #tpu.memory_space<vmem_shared>>)
          } else {
          }
          %mul3A_750 = arith.constant 80 : i32
          %mul3A_751 = arith.muli %add3A_658, %mul3A_750 : i32
          %add3A_752 = arith.constant 0 : i32
          %add3A_753 = arith.addi %mul3A_751, %add3A_752 : i32
          %get3A_754 = arith.index_cast %add3A_753 : i32 to index
          %get3A_755 = tpu.vector_load %arg7[%get3A_754] {strides = array<i32>} : memref<4000xi32, #tpu.memory_space<vmem>>, vector<16xi32>,
          %add3A_756 = arith.constant 0 : i32
          %add3A_757 = arith.addi %mul3A_751, %add3A_756 : i32
          %get3A_758 = arith.index_cast %add3A_757 : i32 to index
          %get3A_759 = tpu.vector_load %arg8[%get3A_758] {strides = array<i32>} : memref<4000xi32, #tpu.memory_space<vmem>>, vector<16xi32>,
          %swap3A_760 = arith.constant 0 : index
          %swap3A_761 = tpu.vector_load %arg13[%swap3A_760] {strides = array<i32>} : memref<80xi32, #tpu.memory_space<vmem>>, vector<16xi32>,
          tpu.vector_store %arg13[%swap3A_760], %get3A_755 {strides = array<i32>} : memref<80xi32, #tpu.memory_space<vmem>>, vector<16xi32>,
          %swap3A_762 = arith.constant 0 : index
          %swap3A_763 = tpu.vector_load %arg19[%swap3A_762] {strides = array<i32>} : memref<80xi32, #tpu.memory_space<vmem>>, vector<16xi32>,
          tpu.vector_store %arg19[%swap3A_762], %get3A_759 {strides = array<i32>} : memref<80xi32, #tpu.memory_space<vmem>>, vector<16xi32>,
          %mul3A_764 = arith.constant 2 : i32
          %mul3A_765 = vector.broadcast %mul3A_764 : i32 to vector<16xi32>
          %mul3A_766 = arith.muli %mul3A_765, %get3A_755 : vector<16xi32>
          %add3A_767 = vector.broadcast %arg0 : i32 to vector<16xi32>
          %add3A_768 = arith.addi %mul3A_766, %add3A_767 : vector<16xi32>
          %swap3A_769 = arith.constant 0 : index
          %swap3A_770 = tpu.vector_load %arg25[%swap3A_769] {strides = array<i32>} : memref<80xi32, #tpu.memory_space<vmem>>, vector<16xi32>,
          tpu.vector_store %arg25[%swap3A_769], %add3A_768 {strides = array<i32>} : memref<80xi32, #tpu.memory_space<vmem>>, vector<16xi32>,
          %mul3A_771 = arith.constant 2 : i32
          %mul3A_772 = vector.broadcast %mul3A_771 : i32 to vector<16xi32>
          %mul3A_773 = arith.muli %mul3A_772, %get3A_759 : vector<16xi32>
          %add3A_774 = vector.broadcast %arg0 : i32 to vector<16xi32>
          %add3A_775 = arith.addi %mul3A_773, %add3A_774 : vector<16xi32>
          %swap3A_776 = arith.constant 0 : index
          %swap3A_777 = tpu.vector_load %arg31[%swap3A_776] {strides = array<i32>} : memref<80xi32, #tpu.memory_space<vmem>>, vector<16xi32>,
          tpu.vector_store %arg31[%swap3A_776], %add3A_775 {strides = array<i32>} : memref<80xi32, #tpu.memory_space<vmem>>, vector<16xi32>,
          %add3A_778 = arith.constant 16 : i32
          %add3A_779 = arith.addi %mul3A_751, %add3A_778 : i32
          %get3A_780 = arith.index_cast %add3A_779 : i32 to index
          %get3A_781 = tpu.vector_load %arg7[%get3A_780] {strides = array<i32>} : memref<4000xi32, #tpu.memory_space<vmem>>, vector<16xi32>,
          %add3A_782 = arith.constant 16 : i32
          %add3A_783 = arith.addi %mul3A_751, %add3A_782 : i32
          %get3A_784 = arith.index_cast %add3A_783 : i32 to index
          %get3A_785 = tpu.vector_load %arg8[%get3A_784] {strides = array<i32>} : memref<4000xi32, #tpu.memory_space<vmem>>, vector<16xi32>,
          %swap3A_786 = arith.constant 16 : index
          %swap3A_787 = tpu.vector_load %arg13[%swap3A_786] {strides = array<i32>} : memref<80xi32, #tpu.memory_space<vmem>>, vector<16xi32>,
          tpu.vector_store %arg13[%swap3A_786], %get3A_781 {strides = array<i32>} : memref<80xi32, #tpu.memory_space<vmem>>, vector<16xi32>,
          %swap3A_788 = arith.constant 16 : index
          %swap3A_789 = tpu.vector_load %arg19[%swap3A_788] {strides = array<i32>} : memref<80xi32, #tpu.memory_space<vmem>>, vector<16xi32>,
          tpu.vector_store %arg19[%swap3A_788], %get3A_785 {strides = array<i32>} : memref<80xi32, #tpu.memory_space<vmem>>, vector<16xi32>,
          %mul3A_790 = arith.constant 2 : i32
          %mul3A_791 = vector.broadcast %mul3A_790 : i32 to vector<16xi32>
          %mul3A_792 = arith.muli %mul3A_791, %get3A_781 : vector<16xi32>
          %add3A_793 = vector.broadcast %arg0 : i32 to vector<16xi32>
          %add3A_794 = arith.addi %mul3A_792, %add3A_793 : vector<16xi32>
          %swap3A_795 = arith.constant 16 : index
          %swap3A_796 = tpu.vector_load %arg25[%swap3A_795] {strides = array<i32>} : memref<80xi32, #tpu.memory_space<vmem>>, vector<16xi32>,
          tpu.vector_store %arg25[%swap3A_795], %add3A_794 {strides = array<i32>} : memref<80xi32, #tpu.memory_space<vmem>>, vector<16xi32>,
          %mul3A_797 = arith.constant 2 : i32
          %mul3A_798 = vector.broadcast %mul3A_797 : i32 to vector<16xi32>
          %mul3A_799 = arith.muli %mul3A_798, %get3A_785 : vector<16xi32>
          %add3A_800 = vector.broadcast %arg0 : i32 to vector<16xi32>
          %add3A_801 = arith.addi %mul3A_799, %add3A_800 : vector<16xi32>
          %swap3A_802 = arith.constant 16 : index
          %swap3A_803 = tpu.vector_load %arg31[%swap3A_802] {strides = array<i32>} : memref<80xi32, #tpu.memory_space<vmem>>, vector<16xi32>,
          tpu.vector_store %arg31[%swap3A_802], %add3A_801 {strides = array<i32>} : memref<80xi32, #tpu.memory_space<vmem>>, vector<16xi32>,
          %add3A_804 = arith.constant 32 : i32
          %add3A_805 = arith.addi %mul3A_751, %add3A_804 : i32
          %get3A_806 = arith.index_cast %add3A_805 : i32 to index
          %get3A_807 = tpu.vector_load %arg7[%get3A_806] {strides = array<i32>} : memref<4000xi32, #tpu.memory_space<vmem>>, vector<16xi32>,
          %add3A_808 = arith.constant 32 : i32
          %add3A_809 = arith.addi %mul3A_751, %add3A_808 : i32
          %get3A_810 = arith.index_cast %add3A_809 : i32 to index
          %get3A_811 = tpu.vector_load %arg8[%get3A_810] {strides = array<i32>} : memref<4000xi32, #tpu.memory_space<vmem>>, vector<16xi32>,
          %swap3A_812 = arith.constant 32 : index
          %swap3A_813 = tpu.vector_load %arg13[%swap3A_812] {strides = array<i32>} : memref<80xi32, #tpu.memory_space<vmem>>, vector<16xi32>,
          tpu.vector_store %arg13[%swap3A_812], %get3A_807 {strides = array<i32>} : memref<80xi32, #tpu.memory_space<vmem>>, vector<16xi32>,
          %swap3A_814 = arith.constant 32 : index
          %swap3A_815 = tpu.vector_load %arg19[%swap3A_814] {strides = array<i32>} : memref<80xi32, #tpu.memory_space<vmem>>, vector<16xi32>,
          tpu.vector_store %arg19[%swap3A_814], %get3A_811 {strides = array<i32>} : memref<80xi32, #tpu.memory_space<vmem>>, vector<16xi32>,
          %mul3A_816 = arith.constant 2 : i32
          %mul3A_817 = vector.broadcast %mul3A_816 : i32 to vector<16xi32>
          %mul3A_818 = arith.muli %mul3A_817, %get3A_807 : vector<16xi32>
          %add3A_819 = vector.broadcast %arg0 : i32 to vector<16xi32>
          %add3A_820 = arith.addi %mul3A_818, %add3A_819 : vector<16xi32>
          %swap3A_821 = arith.constant 32 : index
          %swap3A_822 = tpu.vector_load %arg25[%swap3A_821] {strides = array<i32>} : memref<80xi32, #tpu.memory_space<vmem>>, vector<16xi32>,
          tpu.vector_store %arg25[%swap3A_821], %add3A_820 {strides = array<i32>} : memref<80xi32, #tpu.memory_space<vmem>>, vector<16xi32>,
          %mul3A_823 = arith.constant 2 : i32
          %mul3A_824 = vector.broadcast %mul3A_823 : i32 to vector<16xi32>
          %mul3A_825 = arith.muli %mul3A_824, %get3A_811 : vector<16xi32>
          %add3A_826 = vector.broadcast %arg0 : i32 to vector<16xi32>
          %add3A_827 = arith.addi %mul3A_825, %add3A_826 : vector<16xi32>
          %swap3A_828 = arith.constant 32 : index
          %swap3A_829 = tpu.vector_load %arg31[%swap3A_828] {strides = array<i32>} : memref<80xi32, #tpu.memory_space<vmem>>, vector<16xi32>,
          tpu.vector_store %arg31[%swap3A_828], %add3A_827 {strides = array<i32>} : memref<80xi32, #tpu.memory_space<vmem>>, vector<16xi32>,
          %add3A_830 = arith.constant 48 : i32
          %add3A_831 = arith.addi %mul3A_751, %add3A_830 : i32
          %get3A_832 = arith.index_cast %add3A_831 : i32 to index
          %get3A_833 = tpu.vector_load %arg7[%get3A_832] {strides = array<i32>} : memref<4000xi32, #tpu.memory_space<vmem>>, vector<16xi32>,
          %add3A_834 = arith.constant 48 : i32
          %add3A_835 = arith.addi %mul3A_751, %add3A_834 : i32
          %get3A_836 = arith.index_cast %add3A_835 : i32 to index
          %get3A_837 = tpu.vector_load %arg8[%get3A_836] {strides = array<i32>} : memref<4000xi32, #tpu.memory_space<vmem>>, vector<16xi32>,
          %swap3A_838 = arith.constant 48 : index
          %swap3A_839 = tpu.vector_load %arg13[%swap3A_838] {strides = array<i32>} : memref<80xi32, #tpu.memory_space<vmem>>, vector<16xi32>,
          tpu.vector_store %arg13[%swap3A_838], %get3A_833 {strides = array<i32>} : memref<80xi32, #tpu.memory_space<vmem>>, vector<16xi32>,
          %swap3A_840 = arith.constant 48 : index
          %swap3A_841 = tpu.vector_load %arg19[%swap3A_840] {strides = array<i32>} : memref<80xi32, #tpu.memory_space<vmem>>, vector<16xi32>,
          tpu.vector_store %arg19[%swap3A_840], %get3A_837 {strides = array<i32>} : memref<80xi32, #tpu.memory_space<vmem>>, vector<16xi32>,
          %mul3A_842 = arith.constant 2 : i32
          %mul3A_843 = vector.broadcast %mul3A_842 : i32 to vector<16xi32>
          %mul3A_844 = arith.muli %mul3A_843, %get3A_833 : vector<16xi32>
          %add3A_845 = vector.broadcast %arg0 : i32 to vector<16xi32>
          %add3A_846 = arith.addi %mul3A_844, %add3A_845 : vector<16xi32>
          %swap3A_847 = arith.constant 48 : index
          %swap3A_848 = tpu.vector_load %arg25[%swap3A_847] {strides = array<i32>} : memref<80xi32, #tpu.memory_space<vmem>>, vector<16xi32>,
          tpu.vector_store %arg25[%swap3A_847], %add3A_846 {strides = array<i32>} : memref<80xi32, #tpu.memory_space<vmem>>, vector<16xi32>,
          %mul3A_849 = arith.constant 2 : i32
          %mul3A_850 = vector.broadcast %mul3A_849 : i32 to vector<16xi32>
          %mul3A_851 = arith.muli %mul3A_850, %get3A_837 : vector<16xi32>
          %add3A_852 = vector.broadcast %arg0 : i32 to vector<16xi32>
          %add3A_853 = arith.addi %mul3A_851, %add3A_852 : vector<16xi32>
          %swap3A_854 = arith.constant 48 : index
          %swap3A_855 = tpu.vector_load %arg31[%swap3A_854] {strides = array<i32>} : memref<80xi32, #tpu.memory_space<vmem>>, vector<16xi32>,
          tpu.vector_store %arg31[%swap3A_854], %add3A_853 {strides = array<i32>} : memref<80xi32, #tpu.memory_space<vmem>>, vector<16xi32>,
          %add3A_856 = arith.constant 64 : i32
          %add3A_857 = arith.addi %mul3A_751, %add3A_856 : i32
          %get3A_858 = arith.index_cast %add3A_857 : i32 to index
          %get3A_859 = tpu.vector_load %arg7[%get3A_858] {strides = array<i32>} : memref<4000xi32, #tpu.memory_space<vmem>>, vector<16xi32>,
          %add3A_860 = arith.constant 64 : i32
          %add3A_861 = arith.addi %mul3A_751, %add3A_860 : i32
          %get3A_862 = arith.index_cast %add3A_861 : i32 to index
          %get3A_863 = tpu.vector_load %arg8[%get3A_862] {strides = array<i32>} : memref<4000xi32, #tpu.memory_space<vmem>>, vector<16xi32>,
          %swap3A_864 = arith.constant 64 : index
          %swap3A_865 = tpu.vector_load %arg13[%swap3A_864] {strides = array<i32>} : memref<80xi32, #tpu.memory_space<vmem>>, vector<16xi32>,
          tpu.vector_store %arg13[%swap3A_864], %get3A_859 {strides = array<i32>} : memref<80xi32, #tpu.memory_space<vmem>>, vector<16xi32>,
          %swap3A_866 = arith.constant 64 : index
          %swap3A_867 = tpu.vector_load %arg19[%swap3A_866] {strides = array<i32>} : memref<80xi32, #tpu.memory_space<vmem>>, vector<16xi32>,
          tpu.vector_store %arg19[%swap3A_866], %get3A_863 {strides = array<i32>} : memref<80xi32, #tpu.memory_space<vmem>>, vector<16xi32>,
          %mul3A_868 = arith.constant 2 : i32
          %mul3A_869 = vector.broadcast %mul3A_868 : i32 to vector<16xi32>
          %mul3A_870 = arith.muli %mul3A_869, %get3A_859 : vector<16xi32>
          %add3A_871 = vector.broadcast %arg0 : i32 to vector<16xi32>
          %add3A_872 = arith.addi %mul3A_870, %add3A_871 : vector<16xi32>
          %swap3A_873 = arith.constant 64 : index
          %swap3A_874 = tpu.vector_load %arg25[%swap3A_873] {strides = array<i32>} : memref<80xi32, #tpu.memory_space<vmem>>, vector<16xi32>,
          tpu.vector_store %arg25[%swap3A_873], %add3A_872 {strides = array<i32>} : memref<80xi32, #tpu.memory_space<vmem>>, vector<16xi32>,
          %mul3A_875 = arith.constant 2 : i32
          %mul3A_876 = vector.broadcast %mul3A_875 : i32 to vector<16xi32>
          %mul3A_877 = arith.muli %mul3A_876, %get3A_863 : vector<16xi32>
          %add3A_878 = vector.broadcast %arg0 : i32 to vector<16xi32>
          %add3A_879 = arith.addi %mul3A_877, %add3A_878 : vector<16xi32>
          %swap3A_880 = arith.constant 64 : index
          %swap3A_881 = tpu.vector_load %arg31[%swap3A_880] {strides = array<i32>} : memref<80xi32, #tpu.memory_space<vmem>>, vector<16xi32>,
          tpu.vector_store %arg31[%swap3A_880], %add3A_879 {strides = array<i32>} : memref<80xi32, #tpu.memory_space<vmem>>, vector<16xi32>,
          %dma_start3A_882 = arith.constant 0 : i32
          %dma_start3A_883 = arith.constant 0 : i32
          %dma_start3A_884 = tpu.memref_slice %arg2[%dma_start3A_882, %dma_start3A_883] : memref<20000x64xbf16, #tpu.memory_space<hbm>> -> memref<20000x64xbf16, #tpu.memory_space<hbm>>
          tpu.enqueue_indirect_dma source(%dma_start3A_884 : memref<20000x64xbf16, #tpu.memory_space<hbm>>) target(%arg37 : memref<80x64xbf16, #tpu.memory_space<vmem>>) offsets(%arg25 : memref<80xi32, #tpu.memory_space<vmem>>) semaphore(%arg58 : memref<!tpu.dma_semaphore, #tpu.memory_space<semaphore_mem>>)
          %dma_start3A_885 = arith.constant 0 : i32
          %dma_start3A_886 = arith.constant 0 : i32
          %dma_start3A_887 = tpu.memref_slice %arg2[%dma_start3A_885, %dma_start3A_886] : memref<20000x64xbf16, #tpu.memory_space<hbm>> -> memref<20000x64xbf16, #tpu.memory_space<hbm>>
          tpu.enqueue_indirect_dma source(%dma_start3A_887 : memref<20000x64xbf16, #tpu.memory_space<hbm>>) target(%arg43 : memref<80x64xbf16, #tpu.memory_space<vmem>>) offsets(%arg31 : memref<80xi32, #tpu.memory_space<vmem>>) semaphore(%arg64 : memref<!tpu.dma_semaphore, #tpu.memory_space<semaphore_mem>>)
        } else {
        }
        %mul3A_664 = arith.constant 6 : i32
        %mul3A_665 = arith.muli %mul3A_664, %scan3A_647 : i32
        %add3A_666 = arith.constant 1 : i32
        %add3A_667 = arith.addi %mul3A_665, %add3A_666 : i32
        %lt3A_668 = arith.constant 50 : i32
        %lt3A_669 = arith.cmpi slt, %add3A_667, %lt3A_668 : i32
        %convert_element_type3A_670 = arith.extui %lt3A_669 : i1 to i32
        %cond3A_671 = arith.constant 0 : i32
        %cond3A_672 = arith.cmpi ne, %convert_element_type3A_670, %cond3A_671 : i32
        scf.if %cond3A_672 {
          %dma_wait3A_744 = arith.constant 0 : i32
          %dma_wait3A_745 = arith.constant 0 : i32
          %dma_wait3A_746 = tpu.memref_slice %arg2[%dma_wait3A_744, %dma_wait3A_745] : memref<20000x64xbf16, #tpu.memory_space<hbm>> -> memref<20000x64xbf16, #tpu.memory_space<hbm>>
          tpu.wait_indirect_dma semaphore(%arg55 : memref<!tpu.dma_semaphore, #tpu.memory_space<semaphore_mem>>) src(%dma_wait3A_746 : memref<20000x64xbf16, #tpu.memory_space<hbm>>) dst(%arg34 : memref<80x64xbf16, #tpu.memory_space<vmem>>)
          %dma_wait3A_747 = arith.constant 0 : i32
          %dma_wait3A_748 = arith.constant 0 : i32
          %dma_wait3A_749 = tpu.memref_slice %arg2[%dma_wait3A_747, %dma_wait3A_748] : memref<20000x64xbf16, #tpu.memory_space<hbm>> -> memref<20000x64xbf16, #tpu.memory_space<hbm>>
          tpu.wait_indirect_dma semaphore(%arg61 : memref<!tpu.dma_semaphore, #tpu.memory_space<semaphore_mem>>) src(%dma_wait3A_749 : memref<20000x64xbf16, #tpu.memory_space<hbm>>) dst(%arg40 : memref<80x64xbf16, #tpu.memory_space<vmem>>)
          %scan3A_750 = arith.constant 0 : i32
          %scan3A_751 = arith.constant 0 : i32
          %scan3A_752 = arith.constant 20 : i32
          %scan3A_753 = arith.addi %scan3A_751, %scan3A_752 : i32
          %scan3A_754 = arith.constant 1 : i32
          scf.for %scan3A_762 = %scan3A_751 to %scan3A_753 step %scan3A_754  : i32 {
            %mul3A_763 = arith.constant 4 : i32
            %mul3A_764 = arith.muli %scan3A_762, %mul3A_763 : i32
            %add3A_765 = arith.constant 0 : i32
            %add3A_766 = arith.addi %mul3A_764, %add3A_765 : i32
            %get3A_767 = arith.index_cast %add3A_766 : i32 to index
            %get3A_768 = arith.constant 0 : index
            %get3A_769 = tpu.vector_load %arg34[%get3A_767, %get3A_768] {strides = array<i32>} : memref<80x64xbf16, #tpu.memory_space<vmem>>, vector<32xbf16>,
            %add3A_770 = arith.constant 0 : i32
            %add3A_771 = arith.addi %mul3A_764, %add3A_770 : i32
            %get3A_772 = arith.index_cast %add3A_771 : i32 to index
            %get3A_773 = arith.constant 0 : index
            %get3A_774 = tpu.vector_load %arg40[%get3A_772, %get3A_773] {strides = array<i32>} : memref<80x64xbf16, #tpu.memory_space<vmem>>, vector<32xbf16>,
            %add3A_775 = arith.addf %get3A_769, %get3A_774 : vector<32xbf16>
            %bitcast3A = vector.bitcast %add3A_775 : vector<32xbf16> to vector<16xi32>
            %shift_left3A = arith.constant 16 : i32
            %shift_left3A_776 = vector.broadcast %shift_left3A : i32 to vector<16xi32>
            %shift_left3A_777 = arith.shli %bitcast3A, %shift_left3A_776 : vector<16xi32>
            %bitcast3A_778 = vector.bitcast %shift_left3A_777 : vector<16xi32> to vector<16xf32>
            %and3A = arith.constant -65536 : i32
            %and3A_779 = vector.broadcast %and3A : i32 to vector<16xi32>
            %and3A_780 = arith.andi %bitcast3A, %and3A_779 : vector<16xi32>
            %bitcast3A_781 = vector.bitcast %and3A_780 : vector<16xi32> to vector<16xf32>
            %add3A_782 = arith.constant 0 : i32
            %add3A_783 = arith.addi %mul3A_764, %add3A_782 : i32
            %swap3A_784 = arith.index_cast %add3A_783 : i32 to index
            %swap3A_785 = arith.constant 0 : index
            %swap3A_786 = tpu.vector_load %arg46[%swap3A_784, %swap3A_785] {strides = array<i32>} : memref<80x64xf32, #tpu.memory_space<vmem>>, vector<16xf32>,
            tpu.vector_store %arg46[%swap3A_784, %swap3A_785], %bitcast3A_778 {strides = array<i32>} : memref<80x64xf32, #tpu.memory_space<vmem>>, vector<16xf32>,
            %add3A_787 = arith.constant 0 : i32
            %add3A_788 = arith.addi %mul3A_764, %add3A_787 : i32
            %swap3A_789 = arith.index_cast %add3A_788 : i32 to index
            %swap3A_790 = arith.constant 16 : index
            %swap3A_791 = tpu.vector_load %arg46[%swap3A_789, %swap3A_790] {strides = array<i32>} : memref<80x64xf32, #tpu.memory_space<vmem>>, vector<16xf32>,
            tpu.vector_store %arg46[%swap3A_789, %swap3A_790], %bitcast3A_781 {strides = array<i32>} : memref<80x64xf32, #tpu.memory_space<vmem>>, vector<16xf32>,
            %add3A_792 = arith.constant 0 : i32
            %add3A_793 = arith.addi %mul3A_764, %add3A_792 : i32
            %get3A_794 = arith.index_cast %add3A_793 : i32 to index
            %get3A_795 = arith.constant 32 : index
            %get3A_796 = tpu.vector_load %arg34[%get3A_794, %get3A_795] {strides = array<i32>} : memref<80x64xbf16, #tpu.memory_space<vmem>>, vector<32xbf16>,
            %add3A_797 = arith.constant 0 : i32
            %add3A_798 = arith.addi %mul3A_764, %add3A_797 : i32
            %get3A_799 = arith.index_cast %add3A_798 : i32 to index
            %get3A_800 = arith.constant 32 : index
            %get3A_801 = tpu.vector_load %arg40[%get3A_799, %get3A_800] {strides = array<i32>} : memref<80x64xbf16, #tpu.memory_space<vmem>>, vector<32xbf16>,
            %add3A_802 = arith.addf %get3A_796, %get3A_801 : vector<32xbf16>
            %bitcast3A_803 = vector.bitcast %add3A_802 : vector<32xbf16> to vector<16xi32>
            %shift_left3A_804 = arith.constant 16 : i32
            %shift_left3A_805 = vector.broadcast %shift_left3A_804 : i32 to vector<16xi32>
            %shift_left3A_806 = arith.shli %bitcast3A_803, %shift_left3A_805 : vector<16xi32>
            %bitcast3A_807 = vector.bitcast %shift_left3A_806 : vector<16xi32> to vector<16xf32>
            %and3A_808 = arith.constant -65536 : i32
            %and3A_809 = vector.broadcast %and3A_808 : i32 to vector<16xi32>
            %and3A_810 = arith.andi %bitcast3A_803, %and3A_809 : vector<16xi32>
            %bitcast3A_811 = vector.bitcast %and3A_810 : vector<16xi32> to vector<16xf32>
            %add3A_812 = arith.constant 0 : i32
            %add3A_813 = arith.addi %mul3A_764, %add3A_812 : i32
            %swap3A_814 = arith.index_cast %add3A_813 : i32 to index
            %swap3A_815 = arith.constant 32 : index
            %swap3A_816 = tpu.vector_load %arg46[%swap3A_814, %swap3A_815] {strides = array<i32>} : memref<80x64xf32, #tpu.memory_space<vmem>>, vector<16xf32>,
            tpu.vector_store %arg46[%swap3A_814, %swap3A_815], %bitcast3A_807 {strides = array<i32>} : memref<80x64xf32, #tpu.memory_space<vmem>>, vector<16xf32>,
            %add3A_817 = arith.constant 0 : i32
            %add3A_818 = arith.addi %mul3A_764, %add3A_817 : i32
            %swap3A_819 = arith.index_cast %add3A_818 : i32 to index
            %swap3A_820 = arith.constant 48 : index
            %swap3A_821 = tpu.vector_load %arg46[%swap3A_819, %swap3A_820] {strides = array<i32>} : memref<80x64xf32, #tpu.memory_space<vmem>>, vector<16xf32>,
            tpu.vector_store %arg46[%swap3A_819, %swap3A_820], %bitcast3A_811 {strides = array<i32>} : memref<80x64xf32, #tpu.memory_space<vmem>>, vector<16xf32>,
            %add3A_822 = arith.constant 1 : i32
            %add3A_823 = arith.addi %mul3A_764, %add3A_822 : i32
            %get3A_824 = arith.index_cast %add3A_823 : i32 to index
            %get3A_825 = arith.constant 0 : index
            %get3A_826 = tpu.vector_load %arg34[%get3A_824, %get3A_825] {strides = array<i32>} : memref<80x64xbf16, #tpu.memory_space<vmem>>, vector<32xbf16>,
            %add3A_827 = arith.constant 1 : i32
            %add3A_828 = arith.addi %mul3A_764, %add3A_827 : i32
            %get3A_829 = arith.index_cast %add3A_828 : i32 to index
            %get3A_830 = arith.constant 0 : index
            %get3A_831 = tpu.vector_load %arg40[%get3A_829, %get3A_830] {strides = array<i32>} : memref<80x64xbf16, #tpu.memory_space<vmem>>, vector<32xbf16>,
            %add3A_832 = arith.addf %get3A_826, %get3A_831 : vector<32xbf16>
            %bitcast3A_833 = vector.bitcast %add3A_832 : vector<32xbf16> to vector<16xi32>
            %shift_left3A_834 = arith.constant 16 : i32
            %shift_left3A_835 = vector.broadcast %shift_left3A_834 : i32 to vector<16xi32>
            %shift_left3A_836 = arith.shli %bitcast3A_833, %shift_left3A_835 : vector<16xi32>
            %bitcast3A_837 = vector.bitcast %shift_left3A_836 : vector<16xi32> to vector<16xf32>
            %and3A_838 = arith.constant -65536 : i32
            %and3A_839 = vector.broadcast %and3A_838 : i32 to vector<16xi32>
            %and3A_840 = arith.andi %bitcast3A_833, %and3A_839 : vector<16xi32>
            %bitcast3A_841 = vector.bitcast %and3A_840 : vector<16xi32> to vector<16xf32>
            %add3A_842 = arith.constant 1 : i32
            %add3A_843 = arith.addi %mul3A_764, %add3A_842 : i32
            %swap3A_844 = arith.index_cast %add3A_843 : i32 to index
            %swap3A_845 = arith.constant 0 : index
            %swap3A_846 = tpu.vector_load %arg46[%swap3A_844, %swap3A_845] {strides = array<i32>} : memref<80x64xf32, #tpu.memory_space<vmem>>, vector<16xf32>,
            tpu.vector_store %arg46[%swap3A_844, %swap3A_845], %bitcast3A_837 {strides = array<i32>} : memref<80x64xf32, #tpu.memory_space<vmem>>, vector<16xf32>,
            %add3A_847 = arith.constant 1 : i32
            %add3A_848 = arith.addi %mul3A_764, %add3A_847 : i32
            %swap3A_849 = arith.index_cast %add3A_848 : i32 to index
            %swap3A_850 = arith.constant 16 : index
            %swap3A_851 = tpu.vector_load %arg46[%swap3A_849, %swap3A_850] {strides = array<i32>} : memref<80x64xf32, #tpu.memory_space<vmem>>, vector<16xf32>,
            tpu.vector_store %arg46[%swap3A_849, %swap3A_850], %bitcast3A_841 {strides = array<i32>} : memref<80x64xf32, #tpu.memory_space<vmem>>, vector<16xf32>,
            %add3A_852 = arith.constant 1 : i32
            %add3A_853 = arith.addi %mul3A_764, %add3A_852 : i32
            %get3A_854 = arith.index_cast %add3A_853 : i32 to index
            %get3A_855 = arith.constant 32 : index
            %get3A_856 = tpu.vector_load %arg34[%get3A_854, %get3A_855] {strides = array<i32>} : memref<80x64xbf16, #tpu.memory_space<vmem>>, vector<32xbf16>,
            %add3A_857 = arith.constant 1 : i32
            %add3A_858 = arith.addi %mul3A_764, %add3A_857 : i32
            %get3A_859 = arith.index_cast %add3A_858 : i32 to index
            %get3A_860 = arith.constant 32 : index
            %get3A_861 = tpu.vector_load %arg40[%get3A_859, %get3A_860] {strides = array<i32>} : memref<80x64xbf16, #tpu.memory_space<vmem>>, vector<32xbf16>,
            %add3A_862 = arith.addf %get3A_856, %get3A_861 : vector<32xbf16>
            %bitcast3A_863 = vector.bitcast %add3A_862 : vector<32xbf16> to vector<16xi32>
            %shift_left3A_864 = arith.constant 16 : i32
            %shift_left3A_865 = vector.broadcast %shift_left3A_864 : i32 to vector<16xi32>
            %shift_left3A_866 = arith.shli %bitcast3A_863, %shift_left3A_865 : vector<16xi32>
            %bitcast3A_867 = vector.bitcast %shift_left3A_866 : vector<16xi32> to vector<16xf32>
            %and3A_868 = arith.constant -65536 : i32
            %and3A_869 = vector.broadcast %and3A_868 : i32 to vector<16xi32>
            %and3A_870 = arith.andi %bitcast3A_863, %and3A_869 : vector<16xi32>
            %bitcast3A_871 = vector.bitcast %and3A_870 : vector<16xi32> to vector<16xf32>
            %add3A_872 = arith.constant 1 : i32
            %add3A_873 = arith.addi %mul3A_764, %add3A_872 : i32
            %swap3A_874 = arith.index_cast %add3A_873 : i32 to index
            %swap3A_875 = arith.constant 32 : index
            %swap3A_876 = tpu.vector_load %arg46[%swap3A_874, %swap3A_875] {strides = array<i32>} : memref<80x64xf32, #tpu.memory_space<vmem>>, vector<16xf32>,
            tpu.vector_store %arg46[%swap3A_874, %swap3A_875], %bitcast3A_867 {strides = array<i32>} : memref<80x64xf32, #tpu.memory_space<vmem>>, vector<16xf32>,
            %add3A_877 = arith.constant 1 : i32
            %add3A_878 = arith.addi %mul3A_764, %add3A_877 : i32
            %swap3A_879 = arith.index_cast %add3A_878 : i32 to index
            %swap3A_880 = arith.constant 48 : index
            %swap3A_881 = tpu.vector_load %arg46[%swap3A_879, %swap3A_880] {strides = array<i32>} : memref<80x64xf32, #tpu.memory_space<vmem>>, vector<16xf32>,
            tpu.vector_store %arg46[%swap3A_879, %swap3A_880], %bitcast3A_871 {strides = array<i32>} : memref<80x64xf32, #tpu.memory_space<vmem>>, vector<16xf32>,
            %add3A_882 = arith.constant 2 : i32
            %add3A_883 = arith.addi %mul3A_764, %add3A_882 : i32
            %get3A_884 = arith.index_cast %add3A_883 : i32 to index
            %get3A_885 = arith.constant 0 : index
            %get3A_886 = tpu.vector_load %arg34[%get3A_884, %get3A_885] {strides = array<i32>} : memref<80x64xbf16, #tpu.memory_space<vmem>>, vector<32xbf16>,
            %add3A_887 = arith.constant 2 : i32
            %add3A_888 = arith.addi %mul3A_764, %add3A_887 : i32
            %get3A_889 = arith.index_cast %add3A_888 : i32 to index
            %get3A_890 = arith.constant 0 : index
            %get3A_891 = tpu.vector_load %arg40[%get3A_889, %get3A_890] {strides = array<i32>} : memref<80x64xbf16, #tpu.memory_space<vmem>>, vector<32xbf16>,
            %add3A_892 = arith.addf %get3A_886, %get3A_891 : vector<32xbf16>
            %bitcast3A_893 = vector.bitcast %add3A_892 : vector<32xbf16> to vector<16xi32>
            %shift_left3A_894 = arith.constant 16 : i32
            %shift_left3A_895 = vector.broadcast %shift_left3A_894 : i32 to vector<16xi32>
            %shift_left3A_896 = arith.shli %bitcast3A_893, %shift_left3A_895 : vector<16xi32>
            %bitcast3A_897 = vector.bitcast %shift_left3A_896 : vector<16xi32> to vector<16xf32>
            %and3A_898 = arith.constant -65536 : i32
            %and3A_899 = vector.broadcast %and3A_898 : i32 to vector<16xi32>
            %and3A_900 = arith.andi %bitcast3A_893, %and3A_899 : vector<16xi32>
            %bitcast3A_901 = vector.bitcast %and3A_900 : vector<16xi32> to vector<16xf32>
            %add3A_902 = arith.constant 2 : i32
            %add3A_903 = arith.addi %mul3A_764, %add3A_902 : i32
            %swap3A_904 = arith.index_cast %add3A_903 : i32 to index
            %swap3A_905 = arith.constant 0 : index
            %swap3A_906 = tpu.vector_load %arg46[%swap3A_904, %swap3A_905] {strides = array<i32>} : memref<80x64xf32, #tpu.memory_space<vmem>>, vector<16xf32>,
            tpu.vector_store %arg46[%swap3A_904, %swap3A_905], %bitcast3A_897 {strides = array<i32>} : memref<80x64xf32, #tpu.memory_space<vmem>>, vector<16xf32>,
            %add3A_907 = arith.constant 2 : i32
            %add3A_908 = arith.addi %mul3A_764, %add3A_907 : i32
            %swap3A_909 = arith.index_cast %add3A_908 : i32 to index
            %swap3A_910 = arith.constant 16 : index
            %swap3A_911 = tpu.vector_load %arg46[%swap3A_909, %swap3A_910] {strides = array<i32>} : memref<80x64xf32, #tpu.memory_space<vmem>>, vector<16xf32>,
            tpu.vector_store %arg46[%swap3A_909, %swap3A_910], %bitcast3A_901 {strides = array<i32>} : memref<80x64xf32, #tpu.memory_space<vmem>>, vector<16xf32>,
            %add3A_912 = arith.constant 2 : i32
            %add3A_913 = arith.addi %mul3A_764, %add3A_912 : i32
            %get3A_914 = arith.index_cast %add3A_913 : i32 to index
            %get3A_915 = arith.constant 32 : index
            %get3A_916 = tpu.vector_load %arg34[%get3A_914, %get3A_915] {strides = array<i32>} : memref<80x64xbf16, #tpu.memory_space<vmem>>, vector<32xbf16>,
            %add3A_917 = arith.constant 2 : i32
            %add3A_918 = arith.addi %mul3A_764, %add3A_917 : i32
            %get3A_919 = arith.index_cast %add3A_918 : i32 to index
            %get3A_920 = arith.constant 32 : index
            %get3A_921 = tpu.vector_load %arg40[%get3A_919, %get3A_920] {strides = array<i32>} : memref<80x64xbf16, #tpu.memory_space<vmem>>, vector<32xbf16>,
            %add3A_922 = arith.addf %get3A_916, %get3A_921 : vector<32xbf16>
            %bitcast3A_923 = vector.bitcast %add3A_922 : vector<32xbf16> to vector<16xi32>
            %shift_left3A_924 = arith.constant 16 : i32
            %shift_left3A_925 = vector.broadcast %shift_left3A_924 : i32 to vector<16xi32>
            %shift_left3A_926 = arith.shli %bitcast3A_923, %shift_left3A_925 : vector<16xi32>
            %bitcast3A_927 = vector.bitcast %shift_left3A_926 : vector<16xi32> to vector<16xf32>
            %and3A_928 = arith.constant -65536 : i32
            %and3A_929 = vector.broadcast %and3A_928 : i32 to vector<16xi32>
            %and3A_930 = arith.andi %bitcast3A_923, %and3A_929 : vector<16xi32>
            %bitcast3A_931 = vector.bitcast %and3A_930 : vector<16xi32> to vector<16xf32>
            %add3A_932 = arith.constant 2 : i32
            %add3A_933 = arith.addi %mul3A_764, %add3A_932 : i32
            %swap3A_934 = arith.index_cast %add3A_933 : i32 to index
            %swap3A_935 = arith.constant 32 : index
            %swap3A_936 = tpu.vector_load %arg46[%swap3A_934, %swap3A_935] {strides = array<i32>} : memref<80x64xf32, #tpu.memory_space<vmem>>, vector<16xf32>,
            tpu.vector_store %arg46[%swap3A_934, %swap3A_935], %bitcast3A_927 {strides = array<i32>} : memref<80x64xf32, #tpu.memory_space<vmem>>, vector<16xf32>,
            %add3A_937 = arith.constant 2 : i32
            %add3A_938 = arith.addi %mul3A_764, %add3A_937 : i32
            %swap3A_939 = arith.index_cast %add3A_938 : i32 to index
            %swap3A_940 = arith.constant 48 : index
            %swap3A_941 = tpu.vector_load %arg46[%swap3A_939, %swap3A_940] {strides = array<i32>} : memref<80x64xf32, #tpu.memory_space<vmem>>, vector<16xf32>,
            tpu.vector_store %arg46[%swap3A_939, %swap3A_940], %bitcast3A_931 {strides = array<i32>} : memref<80x64xf32, #tpu.memory_space<vmem>>, vector<16xf32>,
            %add3A_942 = arith.constant 3 : i32
            %add3A_943 = arith.addi %mul3A_764, %add3A_942 : i32
            %get3A_944 = arith.index_cast %add3A_943 : i32 to index
            %get3A_945 = arith.constant 0 : index
            %get3A_946 = tpu.vector_load %arg34[%get3A_944, %get3A_945] {strides = array<i32>} : memref<80x64xbf16, #tpu.memory_space<vmem>>, vector<32xbf16>,
            %add3A_947 = arith.constant 3 : i32
            %add3A_948 = arith.addi %mul3A_764, %add3A_947 : i32
            %get3A_949 = arith.index_cast %add3A_948 : i32 to index
            %get3A_950 = arith.constant 0 : index
            %get3A_951 = tpu.vector_load %arg40[%get3A_949, %get3A_950] {strides = array<i32>} : memref<80x64xbf16, #tpu.memory_space<vmem>>, vector<32xbf16>,
            %add3A_952 = arith.addf %get3A_946, %get3A_951 : vector<32xbf16>
            %bitcast3A_953 = vector.bitcast %add3A_952 : vector<32xbf16> to vector<16xi32>
            %shift_left3A_954 = arith.constant 16 : i32
            %shift_left3A_955 = vector.broadcast %shift_left3A_954 : i32 to vector<16xi32>
            %shift_left3A_956 = arith.shli %bitcast3A_953, %shift_left3A_955 : vector<16xi32>
            %bitcast3A_957 = vector.bitcast %shift_left3A_956 : vector<16xi32> to vector<16xf32>
            %and3A_958 = arith.constant -65536 : i32
            %and3A_959 = vector.broadcast %and3A_958 : i32 to vector<16xi32>
            %and3A_960 = arith.andi %bitcast3A_953, %and3A_959 : vector<16xi32>
            %bitcast3A_961 = vector.bitcast %and3A_960 : vector<16xi32> to vector<16xf32>
            %add3A_962 = arith.constant 3 : i32
            %add3A_963 = arith.addi %mul3A_764, %add3A_962 : i32
            %swap3A_964 = arith.index_cast %add3A_963 : i32 to index
            %swap3A_965 = arith.constant 0 : index
            %swap3A_966 = tpu.vector_load %arg46[%swap3A_964, %swap3A_965] {strides = array<i32>} : memref<80x64xf32, #tpu.memory_space<vmem>>, vector<16xf32>,
            tpu.vector_store %arg46[%swap3A_964, %swap3A_965], %bitcast3A_957 {strides = array<i32>} : memref<80x64xf32, #tpu.memory_space<vmem>>, vector<16xf32>,
            %add3A_967 = arith.constant 3 : i32
            %add3A_968 = arith.addi %mul3A_764, %add3A_967 : i32
            %swap3A_969 = arith.index_cast %add3A_968 : i32 to index
            %swap3A_970 = arith.constant 16 : index
            %swap3A_971 = tpu.vector_load %arg46[%swap3A_969, %swap3A_970] {strides = array<i32>} : memref<80x64xf32, #tpu.memory_space<vmem>>, vector<16xf32>,
            tpu.vector_store %arg46[%swap3A_969, %swap3A_970], %bitcast3A_961 {strides = array<i32>} : memref<80x64xf32, #tpu.memory_space<vmem>>, vector<16xf32>,
            %add3A_972 = arith.constant 3 : i32
            %add3A_973 = arith.addi %mul3A_764, %add3A_972 : i32
            %get3A_974 = arith.index_cast %add3A_973 : i32 to index
            %get3A_975 = arith.constant 32 : index
            %get3A_976 = tpu.vector_load %arg34[%get3A_974, %get3A_975] {strides = array<i32>} : memref<80x64xbf16, #tpu.memory_space<vmem>>, vector<32xbf16>,
            %add3A_977 = arith.constant 3 : i32
            %add3A_978 = arith.addi %mul3A_764, %add3A_977 : i32
            %get3A_979 = arith.index_cast %add3A_978 : i32 to index
            %get3A_980 = arith.constant 32 : index
            %get3A_981 = tpu.vector_load %arg40[%get3A_979, %get3A_980] {strides = array<i32>} : memref<80x64xbf16, #tpu.memory_space<vmem>>, vector<32xbf16>,
            %add3A_982 = arith.addf %get3A_976, %get3A_981 : vector<32xbf16>
            %bitcast3A_983 = vector.bitcast %add3A_982 : vector<32xbf16> to vector<16xi32>
            %shift_left3A_984 = arith.constant 16 : i32
            %shift_left3A_985 = vector.broadcast %shift_left3A_984 : i32 to vector<16xi32>
            %shift_left3A_986 = arith.shli %bitcast3A_983, %shift_left3A_985 : vector<16xi32>
            %bitcast3A_987 = vector.bitcast %shift_left3A_986 : vector<16xi32> to vector<16xf32>
            %and3A_988 = arith.constant -65536 : i32
            %and3A_989 = vector.broadcast %and3A_988 : i32 to vector<16xi32>
            %and3A_990 = arith.andi %bitcast3A_983, %and3A_989 : vector<16xi32>
            %bitcast3A_991 = vector.bitcast %and3A_990 : vector<16xi32> to vector<16xf32>
            %add3A_992 = arith.constant 3 : i32
            %add3A_993 = arith.addi %mul3A_764, %add3A_992 : i32
            %swap3A_994 = arith.index_cast %add3A_993 : i32 to index
            %swap3A_995 = arith.constant 32 : index
            %swap3A_996 = tpu.vector_load %arg46[%swap3A_994, %swap3A_995] {strides = array<i32>} : memref<80x64xf32, #tpu.memory_space<vmem>>, vector<16xf32>,
            tpu.vector_store %arg46[%swap3A_994, %swap3A_995], %bitcast3A_987 {strides = array<i32>} : memref<80x64xf32, #tpu.memory_space<vmem>>, vector<16xf32>,
            %add3A_997 = arith.constant 3 : i32
            %add3A_998 = arith.addi %mul3A_764, %add3A_997 : i32
            %swap3A_999 = arith.index_cast %add3A_998 : i32 to index
            %swap3A_1000 = arith.constant 48 : index
            %swap3A_1001 = tpu.vector_load %arg46[%swap3A_999, %swap3A_1000] {strides = array<i32>} : memref<80x64xf32, #tpu.memory_space<vmem>>, vector<16xf32>,
            tpu.vector_store %arg46[%swap3A_999, %swap3A_1000], %bitcast3A_991 {strides = array<i32>} : memref<80x64xf32, #tpu.memory_space<vmem>>, vector<16xf32>,
          }
          %scan3A_755 = arith.constant 20 : i32
          %dma_start3A_756 = arith.constant 0 : i32
          %dma_start3A_757 = arith.constant 0 : i32
          %dma_start3A_758 = tpu.memref_slice %arg53[%dma_start3A_756, %dma_start3A_757] : memref<10000x64xf32, #tpu.memory_space<vmem_shared>> -> memref<10000x64xf32, #tpu.memory_space<vmem_shared>>
          tpu.enqueue_indirect_dma source(%arg46 : memref<80x64xf32, #tpu.memory_space<vmem>>) target(%dma_start3A_758 : memref<10000x64xf32, #tpu.memory_space<vmem_shared>>) offsets(%arg10 : memref<80xi32, #tpu.memory_space<vmem>>) semaphore(%arg67 : memref<!tpu.dma_semaphore, #tpu.memory_space<semaphore_mem>>) {add = true}
          %dma_start3A_759 = arith.constant 0 : i32
          %dma_start3A_760 = arith.constant 0 : i32
          %dma_start3A_761 = tpu.memref_slice %arg53[%dma_start3A_759, %dma_start3A_760] : memref<10000x64xf32, #tpu.memory_space<vmem_shared>> -> memref<10000x64xf32, #tpu.memory_space<vmem_shared>>
          tpu.enqueue_indirect_dma source(%arg46 : memref<80x64xf32, #tpu.memory_space<vmem>>) target(%dma_start3A_761 : memref<10000x64xf32, #tpu.memory_space<vmem_shared>>) offsets(%arg16 : memref<80xi32, #tpu.memory_space<vmem>>) semaphore(%arg73 : memref<!tpu.dma_semaphore, #tpu.memory_space<semaphore_mem>>) {add = true}
        } else {
        }
        %add3A_673 = arith.constant 4 : i32
        %add3A_674 = arith.addi %add3A_667, %add3A_673 : i32
        %lt3A_675 = arith.constant 50 : i32
        %lt3A_676 = arith.cmpi slt, %add3A_674, %lt3A_675 : i32
        %convert_element_type3A_677 = arith.extui %lt3A_676 : i1 to i32
        %cond3A_678 = arith.constant 0 : i32
        %cond3A_679 = arith.cmpi ne, %convert_element_type3A_677, %cond3A_678 : i32
        scf.if %cond3A_679 {
          %gt3A_744 = arith.constant 0 : i32
          %gt3A_745 = arith.cmpi sgt, %scan3A_156, %gt3A_744 : i32
          %ge3A = arith.constant 6 : i32
          %ge3A_746 = arith.cmpi sge, %add3A_674, %ge3A : i32
          %or3A = arith.ori %gt3A_745, %ge3A_746 : i1
          %convert_element_type3A_747 = arith.extui %or3A : i1 to i32
          %cond3A_748 = arith.constant 0 : i32
          %cond3A_749 = arith.cmpi ne, %convert_element_type3A_747, %cond3A_748 : i32
          scf.if %cond3A_749 {
            %dma_wait3A_888 = arith.constant 0 : i32
            %dma_wait3A_889 = arith.constant 0 : i32
            %dma_wait3A_890 = tpu.memref_slice %arg53[%dma_wait3A_888, %dma_wait3A_889] : memref<10000x64xf32, #tpu.memory_space<vmem_shared>> -> memref<10000x64xf32, #tpu.memory_space<vmem_shared>>
            tpu.wait_indirect_dma semaphore(%arg71 : memref<!tpu.dma_semaphore, #tpu.memory_space<semaphore_mem>>) src(%arg50 : memref<80x64xf32, #tpu.memory_space<vmem>>) dst(%dma_wait3A_890 : memref<10000x64xf32, #tpu.memory_space<vmem_shared>>)
            %dma_wait3A_891 = arith.constant 0 : i32
            %dma_wait3A_892 = arith.constant 0 : i32
            %dma_wait3A_893 = tpu.memref_slice %arg53[%dma_wait3A_891, %dma_wait3A_892] : memref<10000x64xf32, #tpu.memory_space<vmem_shared>> -> memref<10000x64xf32, #tpu.memory_space<vmem_shared>>
            tpu.wait_indirect_dma semaphore(%arg77 : memref<!tpu.dma_semaphore, #tpu.memory_space<semaphore_mem>>) src(%arg50 : memref<80x64xf32, #tpu.memory_space<vmem>>) dst(%dma_wait3A_893 : memref<10000x64xf32, #tpu.memory_space<vmem_shared>>)
          } else {
          }
          %mul3A_750 = arith.constant 80 : i32
          %mul3A_751 = arith.muli %add3A_674, %mul3A_750 : i32
          %add3A_752 = arith.constant 0 : i32
          %add3A_753 = arith.addi %mul3A_751, %add3A_752 : i32
          %get3A_754 = arith.index_cast %add3A_753 : i32 to index
          %get3A_755 = tpu.vector_load %arg7[%get3A_754] {strides = array<i32>} : memref<4000xi32, #tpu.memory_space<vmem>>, vector<16xi32>,
          %add3A_756 = arith.constant 0 : i32
          %add3A_757 = arith.addi %mul3A_751, %add3A_756 : i32
          %get3A_758 = arith.index_cast %add3A_757 : i32 to index
          %get3A_759 = tpu.vector_load %arg8[%get3A_758] {strides = array<i32>} : memref<4000xi32, #tpu.memory_space<vmem>>, vector<16xi32>,
          %swap3A_760 = arith.constant 0 : index
          %swap3A_761 = tpu.vector_load %arg14[%swap3A_760] {strides = array<i32>} : memref<80xi32, #tpu.memory_space<vmem>>, vector<16xi32>,
          tpu.vector_store %arg14[%swap3A_760], %get3A_755 {strides = array<i32>} : memref<80xi32, #tpu.memory_space<vmem>>, vector<16xi32>,
          %swap3A_762 = arith.constant 0 : index
          %swap3A_763 = tpu.vector_load %arg20[%swap3A_762] {strides = array<i32>} : memref<80xi32, #tpu.memory_space<vmem>>, vector<16xi32>,
          tpu.vector_store %arg20[%swap3A_762], %get3A_759 {strides = array<i32>} : memref<80xi32, #tpu.memory_space<vmem>>, vector<16xi32>,
          %mul3A_764 = arith.constant 2 : i32
          %mul3A_765 = vector.broadcast %mul3A_764 : i32 to vector<16xi32>
          %mul3A_766 = arith.muli %mul3A_765, %get3A_755 : vector<16xi32>
          %add3A_767 = vector.broadcast %arg0 : i32 to vector<16xi32>
          %add3A_768 = arith.addi %mul3A_766, %add3A_767 : vector<16xi32>
          %swap3A_769 = arith.constant 0 : index
          %swap3A_770 = tpu.vector_load %arg26[%swap3A_769] {strides = array<i32>} : memref<80xi32, #tpu.memory_space<vmem>>, vector<16xi32>,
          tpu.vector_store %arg26[%swap3A_769], %add3A_768 {strides = array<i32>} : memref<80xi32, #tpu.memory_space<vmem>>, vector<16xi32>,
          %mul3A_771 = arith.constant 2 : i32
          %mul3A_772 = vector.broadcast %mul3A_771 : i32 to vector<16xi32>
          %mul3A_773 = arith.muli %mul3A_772, %get3A_759 : vector<16xi32>
          %add3A_774 = vector.broadcast %arg0 : i32 to vector<16xi32>
          %add3A_775 = arith.addi %mul3A_773, %add3A_774 : vector<16xi32>
          %swap3A_776 = arith.constant 0 : index
          %swap3A_777 = tpu.vector_load %arg32[%swap3A_776] {strides = array<i32>} : memref<80xi32, #tpu.memory_space<vmem>>, vector<16xi32>,
          tpu.vector_store %arg32[%swap3A_776], %add3A_775 {strides = array<i32>} : memref<80xi32, #tpu.memory_space<vmem>>, vector<16xi32>,
          %add3A_778 = arith.constant 16 : i32
          %add3A_779 = arith.addi %mul3A_751, %add3A_778 : i32
          %get3A_780 = arith.index_cast %add3A_779 : i32 to index
          %get3A_781 = tpu.vector_load %arg7[%get3A_780] {strides = array<i32>} : memref<4000xi32, #tpu.memory_space<vmem>>, vector<16xi32>,
          %add3A_782 = arith.constant 16 : i32
          %add3A_783 = arith.addi %mul3A_751, %add3A_782 : i32
          %get3A_784 = arith.index_cast %add3A_783 : i32 to index
          %get3A_785 = tpu.vector_load %arg8[%get3A_784] {strides = array<i32>} : memref<4000xi32, #tpu.memory_space<vmem>>, vector<16xi32>,
          %swap3A_786 = arith.constant 16 : index
          %swap3A_787 = tpu.vector_load %arg14[%swap3A_786] {strides = array<i32>} : memref<80xi32, #tpu.memory_space<vmem>>, vector<16xi32>,
          tpu.vector_store %arg14[%swap3A_786], %get3A_781 {strides = array<i32>} : memref<80xi32, #tpu.memory_space<vmem>>, vector<16xi32>,
          %swap3A_788 = arith.constant 16 : index
          %swap3A_789 = tpu.vector_load %arg20[%swap3A_788] {strides = array<i32>} : memref<80xi32, #tpu.memory_space<vmem>>, vector<16xi32>,
          tpu.vector_store %arg20[%swap3A_788], %get3A_785 {strides = array<i32>} : memref<80xi32, #tpu.memory_space<vmem>>, vector<16xi32>,
          %mul3A_790 = arith.constant 2 : i32
          %mul3A_791 = vector.broadcast %mul3A_790 : i32 to vector<16xi32>
          %mul3A_792 = arith.muli %mul3A_791, %get3A_781 : vector<16xi32>
          %add3A_793 = vector.broadcast %arg0 : i32 to vector<16xi32>
          %add3A_794 = arith.addi %mul3A_792, %add3A_793 : vector<16xi32>
          %swap3A_795 = arith.constant 16 : index
          %swap3A_796 = tpu.vector_load %arg26[%swap3A_795] {strides = array<i32>} : memref<80xi32, #tpu.memory_space<vmem>>, vector<16xi32>,
          tpu.vector_store %arg26[%swap3A_795], %add3A_794 {strides = array<i32>} : memref<80xi32, #tpu.memory_space<vmem>>, vector<16xi32>,
          %mul3A_797 = arith.constant 2 : i32
          %mul3A_798 = vector.broadcast %mul3A_797 : i32 to vector<16xi32>
          %mul3A_799 = arith.muli %mul3A_798, %get3A_785 : vector<16xi32>
          %add3A_800 = vector.broadcast %arg0 : i32 to vector<16xi32>
          %add3A_801 = arith.addi %mul3A_799, %add3A_800 : vector<16xi32>
          %swap3A_802 = arith.constant 16 : index
          %swap3A_803 = tpu.vector_load %arg32[%swap3A_802] {strides = array<i32>} : memref<80xi32, #tpu.memory_space<vmem>>, vector<16xi32>,
          tpu.vector_store %arg32[%swap3A_802], %add3A_801 {strides = array<i32>} : memref<80xi32, #tpu.memory_space<vmem>>, vector<16xi32>,
          %add3A_804 = arith.constant 32 : i32
          %add3A_805 = arith.addi %mul3A_751, %add3A_804 : i32
          %get3A_806 = arith.index_cast %add3A_805 : i32 to index
          %get3A_807 = tpu.vector_load %arg7[%get3A_806] {strides = array<i32>} : memref<4000xi32, #tpu.memory_space<vmem>>, vector<16xi32>,
          %add3A_808 = arith.constant 32 : i32
          %add3A_809 = arith.addi %mul3A_751, %add3A_808 : i32
          %get3A_810 = arith.index_cast %add3A_809 : i32 to index
          %get3A_811 = tpu.vector_load %arg8[%get3A_810] {strides = array<i32>} : memref<4000xi32, #tpu.memory_space<vmem>>, vector<16xi32>,
          %swap3A_812 = arith.constant 32 : index
          %swap3A_813 = tpu.vector_load %arg14[%swap3A_812] {strides = array<i32>} : memref<80xi32, #tpu.memory_space<vmem>>, vector<16xi32>,
          tpu.vector_store %arg14[%swap3A_812], %get3A_807 {strides = array<i32>} : memref<80xi32, #tpu.memory_space<vmem>>, vector<16xi32>,
          %swap3A_814 = arith.constant 32 : index
          %swap3A_815 = tpu.vector_load %arg20[%swap3A_814] {strides = array<i32>} : memref<80xi32, #tpu.memory_space<vmem>>, vector<16xi32>,
          tpu.vector_store %arg20[%swap3A_814], %get3A_811 {strides = array<i32>} : memref<80xi32, #tpu.memory_space<vmem>>, vector<16xi32>,
          %mul3A_816 = arith.constant 2 : i32
          %mul3A_817 = vector.broadcast %mul3A_816 : i32 to vector<16xi32>
          %mul3A_818 = arith.muli %mul3A_817, %get3A_807 : vector<16xi32>
          %add3A_819 = vector.broadcast %arg0 : i32 to vector<16xi32>
          %add3A_820 = arith.addi %mul3A_818, %add3A_819 : vector<16xi32>
          %swap3A_821 = arith.constant 32 : index
          %swap3A_822 = tpu.vector_load %arg26[%swap3A_821] {strides = array<i32>} : memref<80xi32, #tpu.memory_space<vmem>>, vector<16xi32>,
          tpu.vector_store %arg26[%swap3A_821], %add3A_820 {strides = array<i32>} : memref<80xi32, #tpu.memory_space<vmem>>, vector<16xi32>,
          %mul3A_823 = arith.constant 2 : i32
          %mul3A_824 = vector.broadcast %mul3A_823 : i32 to vector<16xi32>
          %mul3A_825 = arith.muli %mul3A_824, %get3A_811 : vector<16xi32>
          %add3A_826 = vector.broadcast %arg0 : i32 to vector<16xi32>
          %add3A_827 = arith.addi %mul3A_825, %add3A_826 : vector<16xi32>
          %swap3A_828 = arith.constant 32 : index
          %swap3A_829 = tpu.vector_load %arg32[%swap3A_828] {strides = array<i32>} : memref<80xi32, #tpu.memory_space<vmem>>, vector<16xi32>,
          tpu.vector_store %arg32[%swap3A_828], %add3A_827 {strides = array<i32>} : memref<80xi32, #tpu.memory_space<vmem>>, vector<16xi32>,
          %add3A_830 = arith.constant 48 : i32
          %add3A_831 = arith.addi %mul3A_751, %add3A_830 : i32
          %get3A_832 = arith.index_cast %add3A_831 : i32 to index
          %get3A_833 = tpu.vector_load %arg7[%get3A_832] {strides = array<i32>} : memref<4000xi32, #tpu.memory_space<vmem>>, vector<16xi32>,
          %add3A_834 = arith.constant 48 : i32
          %add3A_835 = arith.addi %mul3A_751, %add3A_834 : i32
          %get3A_836 = arith.index_cast %add3A_835 : i32 to index
          %get3A_837 = tpu.vector_load %arg8[%get3A_836] {strides = array<i32>} : memref<4000xi32, #tpu.memory_space<vmem>>, vector<16xi32>,
          %swap3A_838 = arith.constant 48 : index
          %swap3A_839 = tpu.vector_load %arg14[%swap3A_838] {strides = array<i32>} : memref<80xi32, #tpu.memory_space<vmem>>, vector<16xi32>,
          tpu.vector_store %arg14[%swap3A_838], %get3A_833 {strides = array<i32>} : memref<80xi32, #tpu.memory_space<vmem>>, vector<16xi32>,
          %swap3A_840 = arith.constant 48 : index
          %swap3A_841 = tpu.vector_load %arg20[%swap3A_840] {strides = array<i32>} : memref<80xi32, #tpu.memory_space<vmem>>, vector<16xi32>,
          tpu.vector_store %arg20[%swap3A_840], %get3A_837 {strides = array<i32>} : memref<80xi32, #tpu.memory_space<vmem>>, vector<16xi32>,
          %mul3A_842 = arith.constant 2 : i32
          %mul3A_843 = vector.broadcast %mul3A_842 : i32 to vector<16xi32>
          %mul3A_844 = arith.muli %mul3A_843, %get3A_833 : vector<16xi32>
          %add3A_845 = vector.broadcast %arg0 : i32 to vector<16xi32>
          %add3A_846 = arith.addi %mul3A_844, %add3A_845 : vector<16xi32>
          %swap3A_847 = arith.constant 48 : index
          %swap3A_848 = tpu.vector_load %arg26[%swap3A_847] {strides = array<i32>} : memref<80xi32, #tpu.memory_space<vmem>>, vector<16xi32>,
          tpu.vector_store %arg26[%swap3A_847], %add3A_846 {strides = array<i32>} : memref<80xi32, #tpu.memory_space<vmem>>, vector<16xi32>,
          %mul3A_849 = arith.constant 2 : i32
          %mul3A_850 = vector.broadcast %mul3A_849 : i32 to vector<16xi32>
          %mul3A_851 = arith.muli %mul3A_850, %get3A_837 : vector<16xi32>
          %add3A_852 = vector.broadcast %arg0 : i32 to vector<16xi32>
          %add3A_853 = arith.addi %mul3A_851, %add3A_852 : vector<16xi32>
          %swap3A_854 = arith.constant 48 : index
          %swap3A_855 = tpu.vector_load %arg32[%swap3A_854] {strides = array<i32>} : memref<80xi32, #tpu.memory_space<vmem>>, vector<16xi32>,
          tpu.vector_store %arg32[%swap3A_854], %add3A_853 {strides = array<i32>} : memref<80xi32, #tpu.memory_space<vmem>>, vector<16xi32>,
          %add3A_856 = arith.constant 64 : i32
          %add3A_857 = arith.addi %mul3A_751, %add3A_856 : i32
          %get3A_858 = arith.index_cast %add3A_857 : i32 to index
          %get3A_859 = tpu.vector_load %arg7[%get3A_858] {strides = array<i32>} : memref<4000xi32, #tpu.memory_space<vmem>>, vector<16xi32>,
          %add3A_860 = arith.constant 64 : i32
          %add3A_861 = arith.addi %mul3A_751, %add3A_860 : i32
          %get3A_862 = arith.index_cast %add3A_861 : i32 to index
          %get3A_863 = tpu.vector_load %arg8[%get3A_862] {strides = array<i32>} : memref<4000xi32, #tpu.memory_space<vmem>>, vector<16xi32>,
          %swap3A_864 = arith.constant 64 : index
          %swap3A_865 = tpu.vector_load %arg14[%swap3A_864] {strides = array<i32>} : memref<80xi32, #tpu.memory_space<vmem>>, vector<16xi32>,
          tpu.vector_store %arg14[%swap3A_864], %get3A_859 {strides = array<i32>} : memref<80xi32, #tpu.memory_space<vmem>>, vector<16xi32>,
          %swap3A_866 = arith.constant 64 : index
          %swap3A_867 = tpu.vector_load %arg20[%swap3A_866] {strides = array<i32>} : memref<80xi32, #tpu.memory_space<vmem>>, vector<16xi32>,
          tpu.vector_store %arg20[%swap3A_866], %get3A_863 {strides = array<i32>} : memref<80xi32, #tpu.memory_space<vmem>>, vector<16xi32>,
          %mul3A_868 = arith.constant 2 : i32
          %mul3A_869 = vector.broadcast %mul3A_868 : i32 to vector<16xi32>
          %mul3A_870 = arith.muli %mul3A_869, %get3A_859 : vector<16xi32>
          %add3A_871 = vector.broadcast %arg0 : i32 to vector<16xi32>
          %add3A_872 = arith.addi %mul3A_870, %add3A_871 : vector<16xi32>
          %swap3A_873 = arith.constant 64 : index
          %swap3A_874 = tpu.vector_load %arg26[%swap3A_873] {strides = array<i32>} : memref<80xi32, #tpu.memory_space<vmem>>, vector<16xi32>,
          tpu.vector_store %arg26[%swap3A_873], %add3A_872 {strides = array<i32>} : memref<80xi32, #tpu.memory_space<vmem>>, vector<16xi32>,
          %mul3A_875 = arith.constant 2 : i32
          %mul3A_876 = vector.broadcast %mul3A_875 : i32 to vector<16xi32>
          %mul3A_877 = arith.muli %mul3A_876, %get3A_863 : vector<16xi32>
          %add3A_878 = vector.broadcast %arg0 : i32 to vector<16xi32>
          %add3A_879 = arith.addi %mul3A_877, %add3A_878 : vector<16xi32>
          %swap3A_880 = arith.constant 64 : index
          %swap3A_881 = tpu.vector_load %arg32[%swap3A_880] {strides = array<i32>} : memref<80xi32, #tpu.memory_space<vmem>>, vector<16xi32>,
          tpu.vector_store %arg32[%swap3A_880], %add3A_879 {strides = array<i32>} : memref<80xi32, #tpu.memory_space<vmem>>, vector<16xi32>,
          %dma_start3A_882 = arith.constant 0 : i32
          %dma_start3A_883 = arith.constant 0 : i32
          %dma_start3A_884 = tpu.memref_slice %arg2[%dma_start3A_882, %dma_start3A_883] : memref<20000x64xbf16, #tpu.memory_space<hbm>> -> memref<20000x64xbf16, #tpu.memory_space<hbm>>
          tpu.enqueue_indirect_dma source(%dma_start3A_884 : memref<20000x64xbf16, #tpu.memory_space<hbm>>) target(%arg38 : memref<80x64xbf16, #tpu.memory_space<vmem>>) offsets(%arg26 : memref<80xi32, #tpu.memory_space<vmem>>) semaphore(%arg59 : memref<!tpu.dma_semaphore, #tpu.memory_space<semaphore_mem>>)
          %dma_start3A_885 = arith.constant 0 : i32
          %dma_start3A_886 = arith.constant 0 : i32
          %dma_start3A_887 = tpu.memref_slice %arg2[%dma_start3A_885, %dma_start3A_886] : memref<20000x64xbf16, #tpu.memory_space<hbm>> -> memref<20000x64xbf16, #tpu.memory_space<hbm>>
          tpu.enqueue_indirect_dma source(%dma_start3A_887 : memref<20000x64xbf16, #tpu.memory_space<hbm>>) target(%arg44 : memref<80x64xbf16, #tpu.memory_space<vmem>>) offsets(%arg32 : memref<80xi32, #tpu.memory_space<vmem>>) semaphore(%arg65 : memref<!tpu.dma_semaphore, #tpu.memory_space<semaphore_mem>>)
        } else {
        }
        %mul3A_680 = arith.constant 6 : i32
        %mul3A_681 = arith.muli %mul3A_680, %scan3A_647 : i32
        %add3A_682 = arith.constant 2 : i32
        %add3A_683 = arith.addi %mul3A_681, %add3A_682 : i32
        %lt3A_684 = arith.constant 50 : i32
        %lt3A_685 = arith.cmpi slt, %add3A_683, %lt3A_684 : i32
        %convert_element_type3A_686 = arith.extui %lt3A_685 : i1 to i32
        %cond3A_687 = arith.constant 0 : i32
        %cond3A_688 = arith.cmpi ne, %convert_element_type3A_686, %cond3A_687 : i32
        scf.if %cond3A_688 {
          %dma_wait3A_744 = arith.constant 0 : i32
          %dma_wait3A_745 = arith.constant 0 : i32
          %dma_wait3A_746 = tpu.memref_slice %arg2[%dma_wait3A_744, %dma_wait3A_745] : memref<20000x64xbf16, #tpu.memory_space<hbm>> -> memref<20000x64xbf16, #tpu.memory_space<hbm>>
          tpu.wait_indirect_dma semaphore(%arg56 : memref<!tpu.dma_semaphore, #tpu.memory_space<semaphore_mem>>) src(%dma_wait3A_746 : memref<20000x64xbf16, #tpu.memory_space<hbm>>) dst(%arg35 : memref<80x64xbf16, #tpu.memory_space<vmem>>)
          %dma_wait3A_747 = arith.constant 0 : i32
          %dma_wait3A_748 = arith.constant 0 : i32
          %dma_wait3A_749 = tpu.memref_slice %arg2[%dma_wait3A_747, %dma_wait3A_748] : memref<20000x64xbf16, #tpu.memory_space<hbm>> -> memref<20000x64xbf16, #tpu.memory_space<hbm>>
          tpu.wait_indirect_dma semaphore(%arg62 : memref<!tpu.dma_semaphore, #tpu.memory_space<semaphore_mem>>) src(%dma_wait3A_749 : memref<20000x64xbf16, #tpu.memory_space<hbm>>) dst(%arg41 : memref<80x64xbf16, #tpu.memory_space<vmem>>)
          %scan3A_750 = arith.constant 0 : i32
          %scan3A_751 = arith.constant 0 : i32
          %scan3A_752 = arith.constant 20 : i32
          %scan3A_753 = arith.addi %scan3A_751, %scan3A_752 : i32
          %scan3A_754 = arith.constant 1 : i32
          scf.for %scan3A_762 = %scan3A_751 to %scan3A_753 step %scan3A_754  : i32 {
            %mul3A_763 = arith.constant 4 : i32
            %mul3A_764 = arith.muli %scan3A_762, %mul3A_763 : i32
            %add3A_765 = arith.constant 0 : i32
            %add3A_766 = arith.addi %mul3A_764, %add3A_765 : i32
            %get3A_767 = arith.index_cast %add3A_766 : i32 to index
            %get3A_768 = arith.constant 0 : index
            %get3A_769 = tpu.vector_load %arg35[%get3A_767, %get3A_768] {strides = array<i32>} : memref<80x64xbf16, #tpu.memory_space<vmem>>, vector<32xbf16>,
            %add3A_770 = arith.constant 0 : i32
            %add3A_771 = arith.addi %mul3A_764, %add3A_770 : i32
            %get3A_772 = arith.index_cast %add3A_771 : i32 to index
            %get3A_773 = arith.constant 0 : index
            %get3A_774 = tpu.vector_load %arg41[%get3A_772, %get3A_773] {strides = array<i32>} : memref<80x64xbf16, #tpu.memory_space<vmem>>, vector<32xbf16>,
            %add3A_775 = arith.addf %get3A_769, %get3A_774 : vector<32xbf16>
            %bitcast3A = vector.bitcast %add3A_775 : vector<32xbf16> to vector<16xi32>
            %shift_left3A = arith.constant 16 : i32
            %shift_left3A_776 = vector.broadcast %shift_left3A : i32 to vector<16xi32>
            %shift_left3A_777 = arith.shli %bitcast3A, %shift_left3A_776 : vector<16xi32>
            %bitcast3A_778 = vector.bitcast %shift_left3A_777 : vector<16xi32> to vector<16xf32>
            %and3A = arith.constant -65536 : i32
            %and3A_779 = vector.broadcast %and3A : i32 to vector<16xi32>
            %and3A_780 = arith.andi %bitcast3A, %and3A_779 : vector<16xi32>
            %bitcast3A_781 = vector.bitcast %and3A_780 : vector<16xi32> to vector<16xf32>
            %add3A_782 = arith.constant 0 : i32
            %add3A_783 = arith.addi %mul3A_764, %add3A_782 : i32
            %swap3A_784 = arith.index_cast %add3A_783 : i32 to index
            %swap3A_785 = arith.constant 0 : index
            %swap3A_786 = tpu.vector_load %arg47[%swap3A_784, %swap3A_785] {strides = array<i32>} : memref<80x64xf32, #tpu.memory_space<vmem>>, vector<16xf32>,
            tpu.vector_store %arg47[%swap3A_784, %swap3A_785], %bitcast3A_778 {strides = array<i32>} : memref<80x64xf32, #tpu.memory_space<vmem>>, vector<16xf32>,
            %add3A_787 = arith.constant 0 : i32
            %add3A_788 = arith.addi %mul3A_764, %add3A_787 : i32
            %swap3A_789 = arith.index_cast %add3A_788 : i32 to index
            %swap3A_790 = arith.constant 16 : index
            %swap3A_791 = tpu.vector_load %arg47[%swap3A_789, %swap3A_790] {strides = array<i32>} : memref<80x64xf32, #tpu.memory_space<vmem>>, vector<16xf32>,
            tpu.vector_store %arg47[%swap3A_789, %swap3A_790], %bitcast3A_781 {strides = array<i32>} : memref<80x64xf32, #tpu.memory_space<vmem>>, vector<16xf32>,
            %add3A_792 = arith.constant 0 : i32
            %add3A_793 = arith.addi %mul3A_764, %add3A_792 : i32
            %get3A_794 = arith.index_cast %add3A_793 : i32 to index
            %get3A_795 = arith.constant 32 : index
            %get3A_796 = tpu.vector_load %arg35[%get3A_794, %get3A_795] {strides = array<i32>} : memref<80x64xbf16, #tpu.memory_space<vmem>>, vector<32xbf16>,
            %add3A_797 = arith.constant 0 : i32
            %add3A_798 = arith.addi %mul3A_764, %add3A_797 : i32
            %get3A_799 = arith.index_cast %add3A_798 : i32 to index
            %get3A_800 = arith.constant 32 : index
            %get3A_801 = tpu.vector_load %arg41[%get3A_799, %get3A_800] {strides = array<i32>} : memref<80x64xbf16, #tpu.memory_space<vmem>>, vector<32xbf16>,
            %add3A_802 = arith.addf %get3A_796, %get3A_801 : vector<32xbf16>
            %bitcast3A_803 = vector.bitcast %add3A_802 : vector<32xbf16> to vector<16xi32>
            %shift_left3A_804 = arith.constant 16 : i32
            %shift_left3A_805 = vector.broadcast %shift_left3A_804 : i32 to vector<16xi32>
            %shift_left3A_806 = arith.shli %bitcast3A_803, %shift_left3A_805 : vector<16xi32>
            %bitcast3A_807 = vector.bitcast %shift_left3A_806 : vector<16xi32> to vector<16xf32>
            %and3A_808 = arith.constant -65536 : i32
            %and3A_809 = vector.broadcast %and3A_808 : i32 to vector<16xi32>
            %and3A_810 = arith.andi %bitcast3A_803, %and3A_809 : vector<16xi32>
            %bitcast3A_811 = vector.bitcast %and3A_810 : vector<16xi32> to vector<16xf32>
            %add3A_812 = arith.constant 0 : i32
            %add3A_813 = arith.addi %mul3A_764, %add3A_812 : i32
            %swap3A_814 = arith.index_cast %add3A_813 : i32 to index
            %swap3A_815 = arith.constant 32 : index
            %swap3A_816 = tpu.vector_load %arg47[%swap3A_814, %swap3A_815] {strides = array<i32>} : memref<80x64xf32, #tpu.memory_space<vmem>>, vector<16xf32>,
            tpu.vector_store %arg47[%swap3A_814, %swap3A_815], %bitcast3A_807 {strides = array<i32>} : memref<80x64xf32, #tpu.memory_space<vmem>>, vector<16xf32>,
            %add3A_817 = arith.constant 0 : i32
            %add3A_818 = arith.addi %mul3A_764, %add3A_817 : i32
            %swap3A_819 = arith.index_cast %add3A_818 : i32 to index
            %swap3A_820 = arith.constant 48 : index
            %swap3A_821 = tpu.vector_load %arg47[%swap3A_819, %swap3A_820] {strides = array<i32>} : memref<80x64xf32, #tpu.memory_space<vmem>>, vector<16xf32>,
            tpu.vector_store %arg47[%swap3A_819, %swap3A_820], %bitcast3A_811 {strides = array<i32>} : memref<80x64xf32, #tpu.memory_space<vmem>>, vector<16xf32>,
            %add3A_822 = arith.constant 1 : i32
            %add3A_823 = arith.addi %mul3A_764, %add3A_822 : i32
            %get3A_824 = arith.index_cast %add3A_823 : i32 to index
            %get3A_825 = arith.constant 0 : index
            %get3A_826 = tpu.vector_load %arg35[%get3A_824, %get3A_825] {strides = array<i32>} : memref<80x64xbf16, #tpu.memory_space<vmem>>, vector<32xbf16>,
            %add3A_827 = arith.constant 1 : i32
            %add3A_828 = arith.addi %mul3A_764, %add3A_827 : i32
            %get3A_829 = arith.index_cast %add3A_828 : i32 to index
            %get3A_830 = arith.constant 0 : index
            %get3A_831 = tpu.vector_load %arg41[%get3A_829, %get3A_830] {strides = array<i32>} : memref<80x64xbf16, #tpu.memory_space<vmem>>, vector<32xbf16>,
            %add3A_832 = arith.addf %get3A_826, %get3A_831 : vector<32xbf16>
            %bitcast3A_833 = vector.bitcast %add3A_832 : vector<32xbf16> to vector<16xi32>
            %shift_left3A_834 = arith.constant 16 : i32
            %shift_left3A_835 = vector.broadcast %shift_left3A_834 : i32 to vector<16xi32>
            %shift_left3A_836 = arith.shli %bitcast3A_833, %shift_left3A_835 : vector<16xi32>
            %bitcast3A_837 = vector.bitcast %shift_left3A_836 : vector<16xi32> to vector<16xf32>
            %and3A_838 = arith.constant -65536 : i32
            %and3A_839 = vector.broadcast %and3A_838 : i32 to vector<16xi32>
            %and3A_840 = arith.andi %bitcast3A_833, %and3A_839 : vector<16xi32>
            %bitcast3A_841 = vector.bitcast %and3A_840 : vector<16xi32> to vector<16xf32>
            %add3A_842 = arith.constant 1 : i32
            %add3A_843 = arith.addi %mul3A_764, %add3A_842 : i32
            %swap3A_844 = arith.index_cast %add3A_843 : i32 to index
            %swap3A_845 = arith.constant 0 : index
            %swap3A_846 = tpu.vector_load %arg47[%swap3A_844, %swap3A_845] {strides = array<i32>} : memref<80x64xf32, #tpu.memory_space<vmem>>, vector<16xf32>,
            tpu.vector_store %arg47[%swap3A_844, %swap3A_845], %bitcast3A_837 {strides = array<i32>} : memref<80x64xf32, #tpu.memory_space<vmem>>, vector<16xf32>,
            %add3A_847 = arith.constant 1 : i32
            %add3A_848 = arith.addi %mul3A_764, %add3A_847 : i32
            %swap3A_849 = arith.index_cast %add3A_848 : i32 to index
            %swap3A_850 = arith.constant 16 : index
            %swap3A_851 = tpu.vector_load %arg47[%swap3A_849, %swap3A_850] {strides = array<i32>} : memref<80x64xf32, #tpu.memory_space<vmem>>, vector<16xf32>,
            tpu.vector_store %arg47[%swap3A_849, %swap3A_850], %bitcast3A_841 {strides = array<i32>} : memref<80x64xf32, #tpu.memory_space<vmem>>, vector<16xf32>,
            %add3A_852 = arith.constant 1 : i32
            %add3A_853 = arith.addi %mul3A_764, %add3A_852 : i32
            %get3A_854 = arith.index_cast %add3A_853 : i32 to index
            %get3A_855 = arith.constant 32 : index
            %get3A_856 = tpu.vector_load %arg35[%get3A_854, %get3A_855] {strides = array<i32>} : memref<80x64xbf16, #tpu.memory_space<vmem>>, vector<32xbf16>,
            %add3A_857 = arith.constant 1 : i32
            %add3A_858 = arith.addi %mul3A_764, %add3A_857 : i32
            %get3A_859 = arith.index_cast %add3A_858 : i32 to index
            %get3A_860 = arith.constant 32 : index
            %get3A_861 = tpu.vector_load %arg41[%get3A_859, %get3A_860] {strides = array<i32>} : memref<80x64xbf16, #tpu.memory_space<vmem>>, vector<32xbf16>,
            %add3A_862 = arith.addf %get3A_856, %get3A_861 : vector<32xbf16>
            %bitcast3A_863 = vector.bitcast %add3A_862 : vector<32xbf16> to vector<16xi32>
            %shift_left3A_864 = arith.constant 16 : i32
            %shift_left3A_865 = vector.broadcast %shift_left3A_864 : i32 to vector<16xi32>
            %shift_left3A_866 = arith.shli %bitcast3A_863, %shift_left3A_865 : vector<16xi32>
            %bitcast3A_867 = vector.bitcast %shift_left3A_866 : vector<16xi32> to vector<16xf32>
            %and3A_868 = arith.constant -65536 : i32
            %and3A_869 = vector.broadcast %and3A_868 : i32 to vector<16xi32>
            %and3A_870 = arith.andi %bitcast3A_863, %and3A_869 : vector<16xi32>
            %bitcast3A_871 = vector.bitcast %and3A_870 : vector<16xi32> to vector<16xf32>
            %add3A_872 = arith.constant 1 : i32
            %add3A_873 = arith.addi %mul3A_764, %add3A_872 : i32
            %swap3A_874 = arith.index_cast %add3A_873 : i32 to index
            %swap3A_875 = arith.constant 32 : index
            %swap3A_876 = tpu.vector_load %arg47[%swap3A_874, %swap3A_875] {strides = array<i32>} : memref<80x64xf32, #tpu.memory_space<vmem>>, vector<16xf32>,
            tpu.vector_store %arg47[%swap3A_874, %swap3A_875], %bitcast3A_867 {strides = array<i32>} : memref<80x64xf32, #tpu.memory_space<vmem>>, vector<16xf32>,
            %add3A_877 = arith.constant 1 : i32
            %add3A_878 = arith.addi %mul3A_764, %add3A_877 : i32
            %swap3A_879 = arith.index_cast %add3A_878 : i32 to index
            %swap3A_880 = arith.constant 48 : index
            %swap3A_881 = tpu.vector_load %arg47[%swap3A_879, %swap3A_880] {strides = array<i32>} : memref<80x64xf32, #tpu.memory_space<vmem>>, vector<16xf32>,
            tpu.vector_store %arg47[%swap3A_879, %swap3A_880], %bitcast3A_871 {strides = array<i32>} : memref<80x64xf32, #tpu.memory_space<vmem>>, vector<16xf32>,
            %add3A_882 = arith.constant 2 : i32
            %add3A_883 = arith.addi %mul3A_764, %add3A_882 : i32
            %get3A_884 = arith.index_cast %add3A_883 : i32 to index
            %get3A_885 = arith.constant 0 : index
            %get3A_886 = tpu.vector_load %arg35[%get3A_884, %get3A_885] {strides = array<i32>} : memref<80x64xbf16, #tpu.memory_space<vmem>>, vector<32xbf16>,
            %add3A_887 = arith.constant 2 : i32
            %add3A_888 = arith.addi %mul3A_764, %add3A_887 : i32
            %get3A_889 = arith.index_cast %add3A_888 : i32 to index
            %get3A_890 = arith.constant 0 : index
            %get3A_891 = tpu.vector_load %arg41[%get3A_889, %get3A_890] {strides = array<i32>} : memref<80x64xbf16, #tpu.memory_space<vmem>>, vector<32xbf16>,
            %add3A_892 = arith.addf %get3A_886, %get3A_891 : vector<32xbf16>
            %bitcast3A_893 = vector.bitcast %add3A_892 : vector<32xbf16> to vector<16xi32>
            %shift_left3A_894 = arith.constant 16 : i32
            %shift_left3A_895 = vector.broadcast %shift_left3A_894 : i32 to vector<16xi32>
            %shift_left3A_896 = arith.shli %bitcast3A_893, %shift_left3A_895 : vector<16xi32>
            %bitcast3A_897 = vector.bitcast %shift_left3A_896 : vector<16xi32> to vector<16xf32>
            %and3A_898 = arith.constant -65536 : i32
            %and3A_899 = vector.broadcast %and3A_898 : i32 to vector<16xi32>
            %and3A_900 = arith.andi %bitcast3A_893, %and3A_899 : vector<16xi32>
            %bitcast3A_901 = vector.bitcast %and3A_900 : vector<16xi32> to vector<16xf32>
            %add3A_902 = arith.constant 2 : i32
            %add3A_903 = arith.addi %mul3A_764, %add3A_902 : i32
            %swap3A_904 = arith.index_cast %add3A_903 : i32 to index
            %swap3A_905 = arith.constant 0 : index
            %swap3A_906 = tpu.vector_load %arg47[%swap3A_904, %swap3A_905] {strides = array<i32>} : memref<80x64xf32, #tpu.memory_space<vmem>>, vector<16xf32>,
            tpu.vector_store %arg47[%swap3A_904, %swap3A_905], %bitcast3A_897 {strides = array<i32>} : memref<80x64xf32, #tpu.memory_space<vmem>>, vector<16xf32>,
            %add3A_907 = arith.constant 2 : i32
            %add3A_908 = arith.addi %mul3A_764, %add3A_907 : i32
            %swap3A_909 = arith.index_cast %add3A_908 : i32 to index
            %swap3A_910 = arith.constant 16 : index
            %swap3A_911 = tpu.vector_load %arg47[%swap3A_909, %swap3A_910] {strides = array<i32>} : memref<80x64xf32, #tpu.memory_space<vmem>>, vector<16xf32>,
            tpu.vector_store %arg47[%swap3A_909, %swap3A_910], %bitcast3A_901 {strides = array<i32>} : memref<80x64xf32, #tpu.memory_space<vmem>>, vector<16xf32>,
            %add3A_912 = arith.constant 2 : i32
            %add3A_913 = arith.addi %mul3A_764, %add3A_912 : i32
            %get3A_914 = arith.index_cast %add3A_913 : i32 to index
            %get3A_915 = arith.constant 32 : index
            %get3A_916 = tpu.vector_load %arg35[%get3A_914, %get3A_915] {strides = array<i32>} : memref<80x64xbf16, #tpu.memory_space<vmem>>, vector<32xbf16>,
            %add3A_917 = arith.constant 2 : i32
            %add3A_918 = arith.addi %mul3A_764, %add3A_917 : i32
            %get3A_919 = arith.index_cast %add3A_918 : i32 to index
            %get3A_920 = arith.constant 32 : index
            %get3A_921 = tpu.vector_load %arg41[%get3A_919, %get3A_920] {strides = array<i32>} : memref<80x64xbf16, #tpu.memory_space<vmem>>, vector<32xbf16>,
            %add3A_922 = arith.addf %get3A_916, %get3A_921 : vector<32xbf16>
            %bitcast3A_923 = vector.bitcast %add3A_922 : vector<32xbf16> to vector<16xi32>
            %shift_left3A_924 = arith.constant 16 : i32
            %shift_left3A_925 = vector.broadcast %shift_left3A_924 : i32 to vector<16xi32>
            %shift_left3A_926 = arith.shli %bitcast3A_923, %shift_left3A_925 : vector<16xi32>
            %bitcast3A_927 = vector.bitcast %shift_left3A_926 : vector<16xi32> to vector<16xf32>
            %and3A_928 = arith.constant -65536 : i32
            %and3A_929 = vector.broadcast %and3A_928 : i32 to vector<16xi32>
            %and3A_930 = arith.andi %bitcast3A_923, %and3A_929 : vector<16xi32>
            %bitcast3A_931 = vector.bitcast %and3A_930 : vector<16xi32> to vector<16xf32>
            %add3A_932 = arith.constant 2 : i32
            %add3A_933 = arith.addi %mul3A_764, %add3A_932 : i32
            %swap3A_934 = arith.index_cast %add3A_933 : i32 to index
            %swap3A_935 = arith.constant 32 : index
            %swap3A_936 = tpu.vector_load %arg47[%swap3A_934, %swap3A_935] {strides = array<i32>} : memref<80x64xf32, #tpu.memory_space<vmem>>, vector<16xf32>,
            tpu.vector_store %arg47[%swap3A_934, %swap3A_935], %bitcast3A_927 {strides = array<i32>} : memref<80x64xf32, #tpu.memory_space<vmem>>, vector<16xf32>,
            %add3A_937 = arith.constant 2 : i32
            %add3A_938 = arith.addi %mul3A_764, %add3A_937 : i32
            %swap3A_939 = arith.index_cast %add3A_938 : i32 to index
            %swap3A_940 = arith.constant 48 : index
            %swap3A_941 = tpu.vector_load %arg47[%swap3A_939, %swap3A_940] {strides = array<i32>} : memref<80x64xf32, #tpu.memory_space<vmem>>, vector<16xf32>,
            tpu.vector_store %arg47[%swap3A_939, %swap3A_940], %bitcast3A_931 {strides = array<i32>} : memref<80x64xf32, #tpu.memory_space<vmem>>, vector<16xf32>,
            %add3A_942 = arith.constant 3 : i32
            %add3A_943 = arith.addi %mul3A_764, %add3A_942 : i32
            %get3A_944 = arith.index_cast %add3A_943 : i32 to index
            %get3A_945 = arith.constant 0 : index
            %get3A_946 = tpu.vector_load %arg35[%get3A_944, %get3A_945] {strides = array<i32>} : memref<80x64xbf16, #tpu.memory_space<vmem>>, vector<32xbf16>,
            %add3A_947 = arith.constant 3 : i32
            %add3A_948 = arith.addi %mul3A_764, %add3A_947 : i32
            %get3A_949 = arith.index_cast %add3A_948 : i32 to index
            %get3A_950 = arith.constant 0 : index
            %get3A_951 = tpu.vector_load %arg41[%get3A_949, %get3A_950] {strides = array<i32>} : memref<80x64xbf16, #tpu.memory_space<vmem>>, vector<32xbf16>,
            %add3A_952 = arith.addf %get3A_946, %get3A_951 : vector<32xbf16>
            %bitcast3A_953 = vector.bitcast %add3A_952 : vector<32xbf16> to vector<16xi32>
            %shift_left3A_954 = arith.constant 16 : i32
            %shift_left3A_955 = vector.broadcast %shift_left3A_954 : i32 to vector<16xi32>
            %shift_left3A_956 = arith.shli %bitcast3A_953, %shift_left3A_955 : vector<16xi32>
            %bitcast3A_957 = vector.bitcast %shift_left3A_956 : vector<16xi32> to vector<16xf32>
            %and3A_958 = arith.constant -65536 : i32
            %and3A_959 = vector.broadcast %and3A_958 : i32 to vector<16xi32>
            %and3A_960 = arith.andi %bitcast3A_953, %and3A_959 : vector<16xi32>
            %bitcast3A_961 = vector.bitcast %and3A_960 : vector<16xi32> to vector<16xf32>
            %add3A_962 = arith.constant 3 : i32
            %add3A_963 = arith.addi %mul3A_764, %add3A_962 : i32
            %swap3A_964 = arith.index_cast %add3A_963 : i32 to index
            %swap3A_965 = arith.constant 0 : index
            %swap3A_966 = tpu.vector_load %arg47[%swap3A_964, %swap3A_965] {strides = array<i32>} : memref<80x64xf32, #tpu.memory_space<vmem>>, vector<16xf32>,
            tpu.vector_store %arg47[%swap3A_964, %swap3A_965], %bitcast3A_957 {strides = array<i32>} : memref<80x64xf32, #tpu.memory_space<vmem>>, vector<16xf32>,
            %add3A_967 = arith.constant 3 : i32
            %add3A_968 = arith.addi %mul3A_764, %add3A_967 : i32
            %swap3A_969 = arith.index_cast %add3A_968 : i32 to index
            %swap3A_970 = arith.constant 16 : index
            %swap3A_971 = tpu.vector_load %arg47[%swap3A_969, %swap3A_970] {strides = array<i32>} : memref<80x64xf32, #tpu.memory_space<vmem>>, vector<16xf32>,
            tpu.vector_store %arg47[%swap3A_969, %swap3A_970], %bitcast3A_961 {strides = array<i32>} : memref<80x64xf32, #tpu.memory_space<vmem>>, vector<16xf32>,
            %add3A_972 = arith.constant 3 : i32
            %add3A_973 = arith.addi %mul3A_764, %add3A_972 : i32
            %get3A_974 = arith.index_cast %add3A_973 : i32 to index
            %get3A_975 = arith.constant 32 : index
            %get3A_976 = tpu.vector_load %arg35[%get3A_974, %get3A_975] {strides = array<i32>} : memref<80x64xbf16, #tpu.memory_space<vmem>>, vector<32xbf16>,
            %add3A_977 = arith.constant 3 : i32
            %add3A_978 = arith.addi %mul3A_764, %add3A_977 : i32
            %get3A_979 = arith.index_cast %add3A_978 : i32 to index
            %get3A_980 = arith.constant 32 : index
            %get3A_981 = tpu.vector_load %arg41[%get3A_979, %get3A_980] {strides = array<i32>} : memref<80x64xbf16, #tpu.memory_space<vmem>>, vector<32xbf16>,
            %add3A_982 = arith.addf %get3A_976, %get3A_981 : vector<32xbf16>
            %bitcast3A_983 = vector.bitcast %add3A_982 : vector<32xbf16> to vector<16xi32>
            %shift_left3A_984 = arith.constant 16 : i32
            %shift_left3A_985 = vector.broadcast %shift_left3A_984 : i32 to vector<16xi32>
            %shift_left3A_986 = arith.shli %bitcast3A_983, %shift_left3A_985 : vector<16xi32>
            %bitcast3A_987 = vector.bitcast %shift_left3A_986 : vector<16xi32> to vector<16xf32>
            %and3A_988 = arith.constant -65536 : i32
            %and3A_989 = vector.broadcast %and3A_988 : i32 to vector<16xi32>
            %and3A_990 = arith.andi %bitcast3A_983, %and3A_989 : vector<16xi32>
            %bitcast3A_991 = vector.bitcast %and3A_990 : vector<16xi32> to vector<16xf32>
            %add3A_992 = arith.constant 3 : i32
            %add3A_993 = arith.addi %mul3A_764, %add3A_992 : i32
            %swap3A_994 = arith.index_cast %add3A_993 : i32 to index
            %swap3A_995 = arith.constant 32 : index
            %swap3A_996 = tpu.vector_load %arg47[%swap3A_994, %swap3A_995] {strides = array<i32>} : memref<80x64xf32, #tpu.memory_space<vmem>>, vector<16xf32>,
            tpu.vector_store %arg47[%swap3A_994, %swap3A_995], %bitcast3A_987 {strides = array<i32>} : memref<80x64xf32, #tpu.memory_space<vmem>>, vector<16xf32>,
            %add3A_997 = arith.constant 3 : i32
            %add3A_998 = arith.addi %mul3A_764, %add3A_997 : i32
            %swap3A_999 = arith.index_cast %add3A_998 : i32 to index
            %swap3A_1000 = arith.constant 48 : index
            %swap3A_1001 = tpu.vector_load %arg47[%swap3A_999, %swap3A_1000] {strides = array<i32>} : memref<80x64xf32, #tpu.memory_space<vmem>>, vector<16xf32>,
            tpu.vector_store %arg47[%swap3A_999, %swap3A_1000], %bitcast3A_991 {strides = array<i32>} : memref<80x64xf32, #tpu.memory_space<vmem>>, vector<16xf32>,
          }
          %scan3A_755 = arith.constant 20 : i32
          %dma_start3A_756 = arith.constant 0 : i32
          %dma_start3A_757 = arith.constant 0 : i32
          %dma_start3A_758 = tpu.memref_slice %arg53[%dma_start3A_756, %dma_start3A_757] : memref<10000x64xf32, #tpu.memory_space<vmem_shared>> -> memref<10000x64xf32, #tpu.memory_space<vmem_shared>>
          tpu.enqueue_indirect_dma source(%arg47 : memref<80x64xf32, #tpu.memory_space<vmem>>) target(%dma_start3A_758 : memref<10000x64xf32, #tpu.memory_space<vmem_shared>>) offsets(%arg11 : memref<80xi32, #tpu.memory_space<vmem>>) semaphore(%arg68 : memref<!tpu.dma_semaphore, #tpu.memory_space<semaphore_mem>>) {add = true}
          %dma_start3A_759 = arith.constant 0 : i32
          %dma_start3A_760 = arith.constant 0 : i32
          %dma_start3A_761 = tpu.memref_slice %arg53[%dma_start3A_759, %dma_start3A_760] : memref<10000x64xf32, #tpu.memory_space<vmem_shared>> -> memref<10000x64xf32, #tpu.memory_space<vmem_shared>>
          tpu.enqueue_indirect_dma source(%arg47 : memref<80x64xf32, #tpu.memory_space<vmem>>) target(%dma_start3A_761 : memref<10000x64xf32, #tpu.memory_space<vmem_shared>>) offsets(%arg17 : memref<80xi32, #tpu.memory_space<vmem>>) semaphore(%arg74 : memref<!tpu.dma_semaphore, #tpu.memory_space<semaphore_mem>>) {add = true}
        } else {
        }
        %add3A_689 = arith.constant 4 : i32
        %add3A_690 = arith.addi %add3A_683, %add3A_689 : i32
        %lt3A_691 = arith.constant 50 : i32
        %lt3A_692 = arith.cmpi slt, %add3A_690, %lt3A_691 : i32
        %convert_element_type3A_693 = arith.extui %lt3A_692 : i1 to i32
        %cond3A_694 = arith.constant 0 : i32
        %cond3A_695 = arith.cmpi ne, %convert_element_type3A_693, %cond3A_694 : i32
        scf.if %cond3A_695 {
          %gt3A_744 = arith.constant 0 : i32
          %gt3A_745 = arith.cmpi sgt, %scan3A_156, %gt3A_744 : i32
          %ge3A = arith.constant 6 : i32
          %ge3A_746 = arith.cmpi sge, %add3A_690, %ge3A : i32
          %or3A = arith.ori %gt3A_745, %ge3A_746 : i1
          %convert_element_type3A_747 = arith.extui %or3A : i1 to i32
          %cond3A_748 = arith.constant 0 : i32
          %cond3A_749 = arith.cmpi ne, %convert_element_type3A_747, %cond3A_748 : i32
          scf.if %cond3A_749 {
            %dma_wait3A_888 = arith.constant 0 : i32
            %dma_wait3A_889 = arith.constant 0 : i32
            %dma_wait3A_890 = tpu.memref_slice %arg53[%dma_wait3A_888, %dma_wait3A_889] : memref<10000x64xf32, #tpu.memory_space<vmem_shared>> -> memref<10000x64xf32, #tpu.memory_space<vmem_shared>>
            tpu.wait_indirect_dma semaphore(%arg66 : memref<!tpu.dma_semaphore, #tpu.memory_space<semaphore_mem>>) src(%arg45 : memref<80x64xf32, #tpu.memory_space<vmem>>) dst(%dma_wait3A_890 : memref<10000x64xf32, #tpu.memory_space<vmem_shared>>)
            %dma_wait3A_891 = arith.constant 0 : i32
            %dma_wait3A_892 = arith.constant 0 : i32
            %dma_wait3A_893 = tpu.memref_slice %arg53[%dma_wait3A_891, %dma_wait3A_892] : memref<10000x64xf32, #tpu.memory_space<vmem_shared>> -> memref<10000x64xf32, #tpu.memory_space<vmem_shared>>
            tpu.wait_indirect_dma semaphore(%arg72 : memref<!tpu.dma_semaphore, #tpu.memory_space<semaphore_mem>>) src(%arg45 : memref<80x64xf32, #tpu.memory_space<vmem>>) dst(%dma_wait3A_893 : memref<10000x64xf32, #tpu.memory_space<vmem_shared>>)
          } else {
          }
          %mul3A_750 = arith.constant 80 : i32
          %mul3A_751 = arith.muli %add3A_690, %mul3A_750 : i32
          %add3A_752 = arith.constant 0 : i32
          %add3A_753 = arith.addi %mul3A_751, %add3A_752 : i32
          %get3A_754 = arith.index_cast %add3A_753 : i32 to index
          %get3A_755 = tpu.vector_load %arg7[%get3A_754] {strides = array<i32>} : memref<4000xi32, #tpu.memory_space<vmem>>, vector<16xi32>,
          %add3A_756 = arith.constant 0 : i32
          %add3A_757 = arith.addi %mul3A_751, %add3A_756 : i32
          %get3A_758 = arith.index_cast %add3A_757 : i32 to index
          %get3A_759 = tpu.vector_load %arg8[%get3A_758] {strides = array<i32>} : memref<4000xi32, #tpu.memory_space<vmem>>, vector<16xi32>,
          %swap3A_760 = arith.constant 0 : index
          %swap3A_761 = tpu.vector_load %arg9[%swap3A_760] {strides = array<i32>} : memref<80xi32, #tpu.memory_space<vmem>>, vector<16xi32>,
          tpu.vector_store %arg9[%swap3A_760], %get3A_755 {strides = array<i32>} : memref<80xi32, #tpu.memory_space<vmem>>, vector<16xi32>,
          %swap3A_762 = arith.constant 0 : index
          %swap3A_763 = tpu.vector_load %arg15[%swap3A_762] {strides = array<i32>} : memref<80xi32, #tpu.memory_space<vmem>>, vector<16xi32>,
          tpu.vector_store %arg15[%swap3A_762], %get3A_759 {strides = array<i32>} : memref<80xi32, #tpu.memory_space<vmem>>, vector<16xi32>,
          %mul3A_764 = arith.constant 2 : i32
          %mul3A_765 = vector.broadcast %mul3A_764 : i32 to vector<16xi32>
          %mul3A_766 = arith.muli %mul3A_765, %get3A_755 : vector<16xi32>
          %add3A_767 = vector.broadcast %arg0 : i32 to vector<16xi32>
          %add3A_768 = arith.addi %mul3A_766, %add3A_767 : vector<16xi32>
          %swap3A_769 = arith.constant 0 : index
          %swap3A_770 = tpu.vector_load %arg21[%swap3A_769] {strides = array<i32>} : memref<80xi32, #tpu.memory_space<vmem>>, vector<16xi32>,
          tpu.vector_store %arg21[%swap3A_769], %add3A_768 {strides = array<i32>} : memref<80xi32, #tpu.memory_space<vmem>>, vector<16xi32>,
          %mul3A_771 = arith.constant 2 : i32
          %mul3A_772 = vector.broadcast %mul3A_771 : i32 to vector<16xi32>
          %mul3A_773 = arith.muli %mul3A_772, %get3A_759 : vector<16xi32>
          %add3A_774 = vector.broadcast %arg0 : i32 to vector<16xi32>
          %add3A_775 = arith.addi %mul3A_773, %add3A_774 : vector<16xi32>
          %swap3A_776 = arith.constant 0 : index
          %swap3A_777 = tpu.vector_load %arg27[%swap3A_776] {strides = array<i32>} : memref<80xi32, #tpu.memory_space<vmem>>, vector<16xi32>,
          tpu.vector_store %arg27[%swap3A_776], %add3A_775 {strides = array<i32>} : memref<80xi32, #tpu.memory_space<vmem>>, vector<16xi32>,
          %add3A_778 = arith.constant 16 : i32
          %add3A_779 = arith.addi %mul3A_751, %add3A_778 : i32
          %get3A_780 = arith.index_cast %add3A_779 : i32 to index
          %get3A_781 = tpu.vector_load %arg7[%get3A_780] {strides = array<i32>} : memref<4000xi32, #tpu.memory_space<vmem>>, vector<16xi32>,
          %add3A_782 = arith.constant 16 : i32
          %add3A_783 = arith.addi %mul3A_751, %add3A_782 : i32
          %get3A_784 = arith.index_cast %add3A_783 : i32 to index
          %get3A_785 = tpu.vector_load %arg8[%get3A_784] {strides = array<i32>} : memref<4000xi32, #tpu.memory_space<vmem>>, vector<16xi32>,
          %swap3A_786 = arith.constant 16 : index
          %swap3A_787 = tpu.vector_load %arg9[%swap3A_786] {strides = array<i32>} : memref<80xi32, #tpu.memory_space<vmem>>, vector<16xi32>,
          tpu.vector_store %arg9[%swap3A_786], %get3A_781 {strides = array<i32>} : memref<80xi32, #tpu.memory_space<vmem>>, vector<16xi32>,
          %swap3A_788 = arith.constant 16 : index
          %swap3A_789 = tpu.vector_load %arg15[%swap3A_788] {strides = array<i32>} : memref<80xi32, #tpu.memory_space<vmem>>, vector<16xi32>,
          tpu.vector_store %arg15[%swap3A_788], %get3A_785 {strides = array<i32>} : memref<80xi32, #tpu.memory_space<vmem>>, vector<16xi32>,
          %mul3A_790 = arith.constant 2 : i32
          %mul3A_791 = vector.broadcast %mul3A_790 : i32 to vector<16xi32>
          %mul3A_792 = arith.muli %mul3A_791, %get3A_781 : vector<16xi32>
          %add3A_793 = vector.broadcast %arg0 : i32 to vector<16xi32>
          %add3A_794 = arith.addi %mul3A_792, %add3A_793 : vector<16xi32>
          %swap3A_795 = arith.constant 16 : index
          %swap3A_796 = tpu.vector_load %arg21[%swap3A_795] {strides = array<i32>} : memref<80xi32, #tpu.memory_space<vmem>>, vector<16xi32>,
          tpu.vector_store %arg21[%swap3A_795], %add3A_794 {strides = array<i32>} : memref<80xi32, #tpu.memory_space<vmem>>, vector<16xi32>,
          %mul3A_797 = arith.constant 2 : i32
          %mul3A_798 = vector.broadcast %mul3A_797 : i32 to vector<16xi32>
          %mul3A_799 = arith.muli %mul3A_798, %get3A_785 : vector<16xi32>
          %add3A_800 = vector.broadcast %arg0 : i32 to vector<16xi32>
          %add3A_801 = arith.addi %mul3A_799, %add3A_800 : vector<16xi32>
          %swap3A_802 = arith.constant 16 : index
          %swap3A_803 = tpu.vector_load %arg27[%swap3A_802] {strides = array<i32>} : memref<80xi32, #tpu.memory_space<vmem>>, vector<16xi32>,
          tpu.vector_store %arg27[%swap3A_802], %add3A_801 {strides = array<i32>} : memref<80xi32, #tpu.memory_space<vmem>>, vector<16xi32>,
          %add3A_804 = arith.constant 32 : i32
          %add3A_805 = arith.addi %mul3A_751, %add3A_804 : i32
          %get3A_806 = arith.index_cast %add3A_805 : i32 to index
          %get3A_807 = tpu.vector_load %arg7[%get3A_806] {strides = array<i32>} : memref<4000xi32, #tpu.memory_space<vmem>>, vector<16xi32>,
          %add3A_808 = arith.constant 32 : i32
          %add3A_809 = arith.addi %mul3A_751, %add3A_808 : i32
          %get3A_810 = arith.index_cast %add3A_809 : i32 to index
          %get3A_811 = tpu.vector_load %arg8[%get3A_810] {strides = array<i32>} : memref<4000xi32, #tpu.memory_space<vmem>>, vector<16xi32>,
          %swap3A_812 = arith.constant 32 : index
          %swap3A_813 = tpu.vector_load %arg9[%swap3A_812] {strides = array<i32>} : memref<80xi32, #tpu.memory_space<vmem>>, vector<16xi32>,
          tpu.vector_store %arg9[%swap3A_812], %get3A_807 {strides = array<i32>} : memref<80xi32, #tpu.memory_space<vmem>>, vector<16xi32>,
          %swap3A_814 = arith.constant 32 : index
          %swap3A_815 = tpu.vector_load %arg15[%swap3A_814] {strides = array<i32>} : memref<80xi32, #tpu.memory_space<vmem>>, vector<16xi32>,
          tpu.vector_store %arg15[%swap3A_814], %get3A_811 {strides = array<i32>} : memref<80xi32, #tpu.memory_space<vmem>>, vector<16xi32>,
          %mul3A_816 = arith.constant 2 : i32
          %mul3A_817 = vector.broadcast %mul3A_816 : i32 to vector<16xi32>
          %mul3A_818 = arith.muli %mul3A_817, %get3A_807 : vector<16xi32>
          %add3A_819 = vector.broadcast %arg0 : i32 to vector<16xi32>
          %add3A_820 = arith.addi %mul3A_818, %add3A_819 : vector<16xi32>
          %swap3A_821 = arith.constant 32 : index
          %swap3A_822 = tpu.vector_load %arg21[%swap3A_821] {strides = array<i32>} : memref<80xi32, #tpu.memory_space<vmem>>, vector<16xi32>,
          tpu.vector_store %arg21[%swap3A_821], %add3A_820 {strides = array<i32>} : memref<80xi32, #tpu.memory_space<vmem>>, vector<16xi32>,
          %mul3A_823 = arith.constant 2 : i32
          %mul3A_824 = vector.broadcast %mul3A_823 : i32 to vector<16xi32>
          %mul3A_825 = arith.muli %mul3A_824, %get3A_811 : vector<16xi32>
          %add3A_826 = vector.broadcast %arg0 : i32 to vector<16xi32>
          %add3A_827 = arith.addi %mul3A_825, %add3A_826 : vector<16xi32>
          %swap3A_828 = arith.constant 32 : index
          %swap3A_829 = tpu.vector_load %arg27[%swap3A_828] {strides = array<i32>} : memref<80xi32, #tpu.memory_space<vmem>>, vector<16xi32>,
          tpu.vector_store %arg27[%swap3A_828], %add3A_827 {strides = array<i32>} : memref<80xi32, #tpu.memory_space<vmem>>, vector<16xi32>,
          %add3A_830 = arith.constant 48 : i32
          %add3A_831 = arith.addi %mul3A_751, %add3A_830 : i32
          %get3A_832 = arith.index_cast %add3A_831 : i32 to index
          %get3A_833 = tpu.vector_load %arg7[%get3A_832] {strides = array<i32>} : memref<4000xi32, #tpu.memory_space<vmem>>, vector<16xi32>,
          %add3A_834 = arith.constant 48 : i32
          %add3A_835 = arith.addi %mul3A_751, %add3A_834 : i32
          %get3A_836 = arith.index_cast %add3A_835 : i32 to index
          %get3A_837 = tpu.vector_load %arg8[%get3A_836] {strides = array<i32>} : memref<4000xi32, #tpu.memory_space<vmem>>, vector<16xi32>,
          %swap3A_838 = arith.constant 48 : index
          %swap3A_839 = tpu.vector_load %arg9[%swap3A_838] {strides = array<i32>} : memref<80xi32, #tpu.memory_space<vmem>>, vector<16xi32>,
          tpu.vector_store %arg9[%swap3A_838], %get3A_833 {strides = array<i32>} : memref<80xi32, #tpu.memory_space<vmem>>, vector<16xi32>,
          %swap3A_840 = arith.constant 48 : index
          %swap3A_841 = tpu.vector_load %arg15[%swap3A_840] {strides = array<i32>} : memref<80xi32, #tpu.memory_space<vmem>>, vector<16xi32>,
          tpu.vector_store %arg15[%swap3A_840], %get3A_837 {strides = array<i32>} : memref<80xi32, #tpu.memory_space<vmem>>, vector<16xi32>,
          %mul3A_842 = arith.constant 2 : i32
          %mul3A_843 = vector.broadcast %mul3A_842 : i32 to vector<16xi32>
          %mul3A_844 = arith.muli %mul3A_843, %get3A_833 : vector<16xi32>
          %add3A_845 = vector.broadcast %arg0 : i32 to vector<16xi32>
          %add3A_846 = arith.addi %mul3A_844, %add3A_845 : vector<16xi32>
          %swap3A_847 = arith.constant 48 : index
          %swap3A_848 = tpu.vector_load %arg21[%swap3A_847] {strides = array<i32>} : memref<80xi32, #tpu.memory_space<vmem>>, vector<16xi32>,
          tpu.vector_store %arg21[%swap3A_847], %add3A_846 {strides = array<i32>} : memref<80xi32, #tpu.memory_space<vmem>>, vector<16xi32>,
          %mul3A_849 = arith.constant 2 : i32
          %mul3A_850 = vector.broadcast %mul3A_849 : i32 to vector<16xi32>
          %mul3A_851 = arith.muli %mul3A_850, %get3A_837 : vector<16xi32>
          %add3A_852 = vector.broadcast %arg0 : i32 to vector<16xi32>
          %add3A_853 = arith.addi %mul3A_851, %add3A_852 : vector<16xi32>
          %swap3A_854 = arith.constant 48 : index
          %swap3A_855 = tpu.vector_load %arg27[%swap3A_854] {strides = array<i32>} : memref<80xi32, #tpu.memory_space<vmem>>, vector<16xi32>,
          tpu.vector_store %arg27[%swap3A_854], %add3A_853 {strides = array<i32>} : memref<80xi32, #tpu.memory_space<vmem>>, vector<16xi32>,
          %add3A_856 = arith.constant 64 : i32
          %add3A_857 = arith.addi %mul3A_751, %add3A_856 : i32
          %get3A_858 = arith.index_cast %add3A_857 : i32 to index
          %get3A_859 = tpu.vector_load %arg7[%get3A_858] {strides = array<i32>} : memref<4000xi32, #tpu.memory_space<vmem>>, vector<16xi32>,
          %add3A_860 = arith.constant 64 : i32
          %add3A_861 = arith.addi %mul3A_751, %add3A_860 : i32
          %get3A_862 = arith.index_cast %add3A_861 : i32 to index
          %get3A_863 = tpu.vector_load %arg8[%get3A_862] {strides = array<i32>} : memref<4000xi32, #tpu.memory_space<vmem>>, vector<16xi32>,
          %swap3A_864 = arith.constant 64 : index
          %swap3A_865 = tpu.vector_load %arg9[%swap3A_864] {strides = array<i32>} : memref<80xi32, #tpu.memory_space<vmem>>, vector<16xi32>,
          tpu.vector_store %arg9[%swap3A_864], %get3A_859 {strides = array<i32>} : memref<80xi32, #tpu.memory_space<vmem>>, vector<16xi32>,
          %swap3A_866 = arith.constant 64 : index
          %swap3A_867 = tpu.vector_load %arg15[%swap3A_866] {strides = array<i32>} : memref<80xi32, #tpu.memory_space<vmem>>, vector<16xi32>,
          tpu.vector_store %arg15[%swap3A_866], %get3A_863 {strides = array<i32>} : memref<80xi32, #tpu.memory_space<vmem>>, vector<16xi32>,
          %mul3A_868 = arith.constant 2 : i32
          %mul3A_869 = vector.broadcast %mul3A_868 : i32 to vector<16xi32>
          %mul3A_870 = arith.muli %mul3A_869, %get3A_859 : vector<16xi32>
          %add3A_871 = vector.broadcast %arg0 : i32 to vector<16xi32>
          %add3A_872 = arith.addi %mul3A_870, %add3A_871 : vector<16xi32>
          %swap3A_873 = arith.constant 64 : index
          %swap3A_874 = tpu.vector_load %arg21[%swap3A_873] {strides = array<i32>} : memref<80xi32, #tpu.memory_space<vmem>>, vector<16xi32>,
          tpu.vector_store %arg21[%swap3A_873], %add3A_872 {strides = array<i32>} : memref<80xi32, #tpu.memory_space<vmem>>, vector<16xi32>,
          %mul3A_875 = arith.constant 2 : i32
          %mul3A_876 = vector.broadcast %mul3A_875 : i32 to vector<16xi32>
          %mul3A_877 = arith.muli %mul3A_876, %get3A_863 : vector<16xi32>
          %add3A_878 = vector.broadcast %arg0 : i32 to vector<16xi32>
          %add3A_879 = arith.addi %mul3A_877, %add3A_878 : vector<16xi32>
          %swap3A_880 = arith.constant 64 : index
          %swap3A_881 = tpu.vector_load %arg27[%swap3A_880] {strides = array<i32>} : memref<80xi32, #tpu.memory_space<vmem>>, vector<16xi32>,
          tpu.vector_store %arg27[%swap3A_880], %add3A_879 {strides = array<i32>} : memref<80xi32, #tpu.memory_space<vmem>>, vector<16xi32>,
          %dma_start3A_882 = arith.constant 0 : i32
          %dma_start3A_883 = arith.constant 0 : i32
          %dma_start3A_884 = tpu.memref_slice %arg2[%dma_start3A_882, %dma_start3A_883] : memref<20000x64xbf16, #tpu.memory_space<hbm>> -> memref<20000x64xbf16, #tpu.memory_space<hbm>>
          tpu.enqueue_indirect_dma source(%dma_start3A_884 : memref<20000x64xbf16, #tpu.memory_space<hbm>>) target(%arg33 : memref<80x64xbf16, #tpu.memory_space<vmem>>) offsets(%arg21 : memref<80xi32, #tpu.memory_space<vmem>>) semaphore(%arg54 : memref<!tpu.dma_semaphore, #tpu.memory_space<semaphore_mem>>)
          %dma_start3A_885 = arith.constant 0 : i32
          %dma_start3A_886 = arith.constant 0 : i32
          %dma_start3A_887 = tpu.memref_slice %arg2[%dma_start3A_885, %dma_start3A_886] : memref<20000x64xbf16, #tpu.memory_space<hbm>> -> memref<20000x64xbf16, #tpu.memory_space<hbm>>
          tpu.enqueue_indirect_dma source(%dma_start3A_887 : memref<20000x64xbf16, #tpu.memory_space<hbm>>) target(%arg39 : memref<80x64xbf16, #tpu.memory_space<vmem>>) offsets(%arg27 : memref<80xi32, #tpu.memory_space<vmem>>) semaphore(%arg60 : memref<!tpu.dma_semaphore, #tpu.memory_space<semaphore_mem>>)
        } else {
        }
        %mul3A_696 = arith.constant 6 : i32
        %mul3A_697 = arith.muli %mul3A_696, %scan3A_647 : i32
        %add3A_698 = arith.constant 3 : i32
        %add3A_699 = arith.addi %mul3A_697, %add3A_698 : i32
        %lt3A_700 = arith.constant 50 : i32
        %lt3A_701 = arith.cmpi slt, %add3A_699, %lt3A_700 : i32
        %convert_element_type3A_702 = arith.extui %lt3A_701 : i1 to i32
        %cond3A_703 = arith.constant 0 : i32
        %cond3A_704 = arith.cmpi ne, %convert_element_type3A_702, %cond3A_703 : i32
        scf.if %cond3A_704 {
          %dma_wait3A_744 = arith.constant 0 : i32
          %dma_wait3A_745 = arith.constant 0 : i32
          %dma_wait3A_746 = tpu.memref_slice %arg2[%dma_wait3A_744, %dma_wait3A_745] : memref<20000x64xbf16, #tpu.memory_space<hbm>> -> memref<20000x64xbf16, #tpu.memory_space<hbm>>
          tpu.wait_indirect_dma semaphore(%arg57 : memref<!tpu.dma_semaphore, #tpu.memory_space<semaphore_mem>>) src(%dma_wait3A_746 : memref<20000x64xbf16, #tpu.memory_space<hbm>>) dst(%arg36 : memref<80x64xbf16, #tpu.memory_space<vmem>>)
          %dma_wait3A_747 = arith.constant 0 : i32
          %dma_wait3A_748 = arith.constant 0 : i32
          %dma_wait3A_749 = tpu.memref_slice %arg2[%dma_wait3A_747, %dma_wait3A_748] : memref<20000x64xbf16, #tpu.memory_space<hbm>> -> memref<20000x64xbf16, #tpu.memory_space<hbm>>
          tpu.wait_indirect_dma semaphore(%arg63 : memref<!tpu.dma_semaphore, #tpu.memory_space<semaphore_mem>>) src(%dma_wait3A_749 : memref<20000x64xbf16, #tpu.memory_space<hbm>>) dst(%arg42 : memref<80x64xbf16, #tpu.memory_space<vmem>>)
          %scan3A_750 = arith.constant 0 : i32
          %scan3A_751 = arith.constant 0 : i32
          %scan3A_752 = arith.constant 20 : i32
          %scan3A_753 = arith.addi %scan3A_751, %scan3A_752 : i32
          %scan3A_754 = arith.constant 1 : i32
          scf.for %scan3A_762 = %scan3A_751 to %scan3A_753 step %scan3A_754  : i32 {
            %mul3A_763 = arith.constant 4 : i32
            %mul3A_764 = arith.muli %scan3A_762, %mul3A_763 : i32
            %add3A_765 = arith.constant 0 : i32
            %add3A_766 = arith.addi %mul3A_764, %add3A_765 : i32
            %get3A_767 = arith.index_cast %add3A_766 : i32 to index
            %get3A_768 = arith.constant 0 : index
            %get3A_769 = tpu.vector_load %arg36[%get3A_767, %get3A_768] {strides = array<i32>} : memref<80x64xbf16, #tpu.memory_space<vmem>>, vector<32xbf16>,
            %add3A_770 = arith.constant 0 : i32
            %add3A_771 = arith.addi %mul3A_764, %add3A_770 : i32
            %get3A_772 = arith.index_cast %add3A_771 : i32 to index
            %get3A_773 = arith.constant 0 : index
            %get3A_774 = tpu.vector_load %arg42[%get3A_772, %get3A_773] {strides = array<i32>} : memref<80x64xbf16, #tpu.memory_space<vmem>>, vector<32xbf16>,
            %add3A_775 = arith.addf %get3A_769, %get3A_774 : vector<32xbf16>
            %bitcast3A = vector.bitcast %add3A_775 : vector<32xbf16> to vector<16xi32>
            %shift_left3A = arith.constant 16 : i32
            %shift_left3A_776 = vector.broadcast %shift_left3A : i32 to vector<16xi32>
            %shift_left3A_777 = arith.shli %bitcast3A, %shift_left3A_776 : vector<16xi32>
            %bitcast3A_778 = vector.bitcast %shift_left3A_777 : vector<16xi32> to vector<16xf32>
            %and3A = arith.constant -65536 : i32
            %and3A_779 = vector.broadcast %and3A : i32 to vector<16xi32>
            %and3A_780 = arith.andi %bitcast3A, %and3A_779 : vector<16xi32>
            %bitcast3A_781 = vector.bitcast %and3A_780 : vector<16xi32> to vector<16xf32>
            %add3A_782 = arith.constant 0 : i32
            %add3A_783 = arith.addi %mul3A_764, %add3A_782 : i32
            %swap3A_784 = arith.index_cast %add3A_783 : i32 to index
            %swap3A_785 = arith.constant 0 : index
            %swap3A_786 = tpu.vector_load %arg48[%swap3A_784, %swap3A_785] {strides = array<i32>} : memref<80x64xf32, #tpu.memory_space<vmem>>, vector<16xf32>,
            tpu.vector_store %arg48[%swap3A_784, %swap3A_785], %bitcast3A_778 {strides = array<i32>} : memref<80x64xf32, #tpu.memory_space<vmem>>, vector<16xf32>,
            %add3A_787 = arith.constant 0 : i32
            %add3A_788 = arith.addi %mul3A_764, %add3A_787 : i32
            %swap3A_789 = arith.index_cast %add3A_788 : i32 to index
            %swap3A_790 = arith.constant 16 : index
            %swap3A_791 = tpu.vector_load %arg48[%swap3A_789, %swap3A_790] {strides = array<i32>} : memref<80x64xf32, #tpu.memory_space<vmem>>, vector<16xf32>,
            tpu.vector_store %arg48[%swap3A_789, %swap3A_790], %bitcast3A_781 {strides = array<i32>} : memref<80x64xf32, #tpu.memory_space<vmem>>, vector<16xf32>,
            %add3A_792 = arith.constant 0 : i32
            %add3A_793 = arith.addi %mul3A_764, %add3A_792 : i32
            %get3A_794 = arith.index_cast %add3A_793 : i32 to index
            %get3A_795 = arith.constant 32 : index
            %get3A_796 = tpu.vector_load %arg36[%get3A_794, %get3A_795] {strides = array<i32>} : memref<80x64xbf16, #tpu.memory_space<vmem>>, vector<32xbf16>,
            %add3A_797 = arith.constant 0 : i32
            %add3A_798 = arith.addi %mul3A_764, %add3A_797 : i32
            %get3A_799 = arith.index_cast %add3A_798 : i32 to index
            %get3A_800 = arith.constant 32 : index
            %get3A_801 = tpu.vector_load %arg42[%get3A_799, %get3A_800] {strides = array<i32>} : memref<80x64xbf16, #tpu.memory_space<vmem>>, vector<32xbf16>,
            %add3A_802 = arith.addf %get3A_796, %get3A_801 : vector<32xbf16>
            %bitcast3A_803 = vector.bitcast %add3A_802 : vector<32xbf16> to vector<16xi32>
            %shift_left3A_804 = arith.constant 16 : i32
            %shift_left3A_805 = vector.broadcast %shift_left3A_804 : i32 to vector<16xi32>
            %shift_left3A_806 = arith.shli %bitcast3A_803, %shift_left3A_805 : vector<16xi32>
            %bitcast3A_807 = vector.bitcast %shift_left3A_806 : vector<16xi32> to vector<16xf32>
            %and3A_808 = arith.constant -65536 : i32
            %and3A_809 = vector.broadcast %and3A_808 : i32 to vector<16xi32>
            %and3A_810 = arith.andi %bitcast3A_803, %and3A_809 : vector<16xi32>
            %bitcast3A_811 = vector.bitcast %and3A_810 : vector<16xi32> to vector<16xf32>
            %add3A_812 = arith.constant 0 : i32
            %add3A_813 = arith.addi %mul3A_764, %add3A_812 : i32
            %swap3A_814 = arith.index_cast %add3A_813 : i32 to index
            %swap3A_815 = arith.constant 32 : index
            %swap3A_816 = tpu.vector_load %arg48[%swap3A_814, %swap3A_815] {strides = array<i32>} : memref<80x64xf32, #tpu.memory_space<vmem>>, vector<16xf32>,
            tpu.vector_store %arg48[%swap3A_814, %swap3A_815], %bitcast3A_807 {strides = array<i32>} : memref<80x64xf32, #tpu.memory_space<vmem>>, vector<16xf32>,
            %add3A_817 = arith.constant 0 : i32
            %add3A_818 = arith.addi %mul3A_764, %add3A_817 : i32
            %swap3A_819 = arith.index_cast %add3A_818 : i32 to index
            %swap3A_820 = arith.constant 48 : index
            %swap3A_821 = tpu.vector_load %arg48[%swap3A_819, %swap3A_820] {strides = array<i32>} : memref<80x64xf32, #tpu.memory_space<vmem>>, vector<16xf32>,
            tpu.vector_store %arg48[%swap3A_819, %swap3A_820], %bitcast3A_811 {strides = array<i32>} : memref<80x64xf32, #tpu.memory_space<vmem>>, vector<16xf32>,
            %add3A_822 = arith.constant 1 : i32
            %add3A_823 = arith.addi %mul3A_764, %add3A_822 : i32
            %get3A_824 = arith.index_cast %add3A_823 : i32 to index
            %get3A_825 = arith.constant 0 : index
            %get3A_826 = tpu.vector_load %arg36[%get3A_824, %get3A_825] {strides = array<i32>} : memref<80x64xbf16, #tpu.memory_space<vmem>>, vector<32xbf16>,
            %add3A_827 = arith.constant 1 : i32
            %add3A_828 = arith.addi %mul3A_764, %add3A_827 : i32
            %get3A_829 = arith.index_cast %add3A_828 : i32 to index
            %get3A_830 = arith.constant 0 : index
            %get3A_831 = tpu.vector_load %arg42[%get3A_829, %get3A_830] {strides = array<i32>} : memref<80x64xbf16, #tpu.memory_space<vmem>>, vector<32xbf16>,
            %add3A_832 = arith.addf %get3A_826, %get3A_831 : vector<32xbf16>
            %bitcast3A_833 = vector.bitcast %add3A_832 : vector<32xbf16> to vector<16xi32>
            %shift_left3A_834 = arith.constant 16 : i32
            %shift_left3A_835 = vector.broadcast %shift_left3A_834 : i32 to vector<16xi32>
            %shift_left3A_836 = arith.shli %bitcast3A_833, %shift_left3A_835 : vector<16xi32>
            %bitcast3A_837 = vector.bitcast %shift_left3A_836 : vector<16xi32> to vector<16xf32>
            %and3A_838 = arith.constant -65536 : i32
            %and3A_839 = vector.broadcast %and3A_838 : i32 to vector<16xi32>
            %and3A_840 = arith.andi %bitcast3A_833, %and3A_839 : vector<16xi32>
            %bitcast3A_841 = vector.bitcast %and3A_840 : vector<16xi32> to vector<16xf32>
            %add3A_842 = arith.constant 1 : i32
            %add3A_843 = arith.addi %mul3A_764, %add3A_842 : i32
            %swap3A_844 = arith.index_cast %add3A_843 : i32 to index
            %swap3A_845 = arith.constant 0 : index
            %swap3A_846 = tpu.vector_load %arg48[%swap3A_844, %swap3A_845] {strides = array<i32>} : memref<80x64xf32, #tpu.memory_space<vmem>>, vector<16xf32>,
            tpu.vector_store %arg48[%swap3A_844, %swap3A_845], %bitcast3A_837 {strides = array<i32>} : memref<80x64xf32, #tpu.memory_space<vmem>>, vector<16xf32>,
            %add3A_847 = arith.constant 1 : i32
            %add3A_848 = arith.addi %mul3A_764, %add3A_847 : i32
            %swap3A_849 = arith.index_cast %add3A_848 : i32 to index
            %swap3A_850 = arith.constant 16 : index
            %swap3A_851 = tpu.vector_load %arg48[%swap3A_849, %swap3A_850] {strides = array<i32>} : memref<80x64xf32, #tpu.memory_space<vmem>>, vector<16xf32>,
            tpu.vector_store %arg48[%swap3A_849, %swap3A_850], %bitcast3A_841 {strides = array<i32>} : memref<80x64xf32, #tpu.memory_space<vmem>>, vector<16xf32>,
            %add3A_852 = arith.constant 1 : i32
            %add3A_853 = arith.addi %mul3A_764, %add3A_852 : i32
            %get3A_854 = arith.index_cast %add3A_853 : i32 to index
            %get3A_855 = arith.constant 32 : index
            %get3A_856 = tpu.vector_load %arg36[%get3A_854, %get3A_855] {strides = array<i32>} : memref<80x64xbf16, #tpu.memory_space<vmem>>, vector<32xbf16>,
            %add3A_857 = arith.constant 1 : i32
            %add3A_858 = arith.addi %mul3A_764, %add3A_857 : i32
            %get3A_859 = arith.index_cast %add3A_858 : i32 to index
            %get3A_860 = arith.constant 32 : index
            %get3A_861 = tpu.vector_load %arg42[%get3A_859, %get3A_860] {strides = array<i32>} : memref<80x64xbf16, #tpu.memory_space<vmem>>, vector<32xbf16>,
            %add3A_862 = arith.addf %get3A_856, %get3A_861 : vector<32xbf16>
            %bitcast3A_863 = vector.bitcast %add3A_862 : vector<32xbf16> to vector<16xi32>
            %shift_left3A_864 = arith.constant 16 : i32
            %shift_left3A_865 = vector.broadcast %shift_left3A_864 : i32 to vector<16xi32>
            %shift_left3A_866 = arith.shli %bitcast3A_863, %shift_left3A_865 : vector<16xi32>
            %bitcast3A_867 = vector.bitcast %shift_left3A_866 : vector<16xi32> to vector<16xf32>
            %and3A_868 = arith.constant -65536 : i32
            %and3A_869 = vector.broadcast %and3A_868 : i32 to vector<16xi32>
            %and3A_870 = arith.andi %bitcast3A_863, %and3A_869 : vector<16xi32>
            %bitcast3A_871 = vector.bitcast %and3A_870 : vector<16xi32> to vector<16xf32>
            %add3A_872 = arith.constant 1 : i32
            %add3A_873 = arith.addi %mul3A_764, %add3A_872 : i32
            %swap3A_874 = arith.index_cast %add3A_873 : i32 to index
            %swap3A_875 = arith.constant 32 : index
            %swap3A_876 = tpu.vector_load %arg48[%swap3A_874, %swap3A_875] {strides = array<i32>} : memref<80x64xf32, #tpu.memory_space<vmem>>, vector<16xf32>,
            tpu.vector_store %arg48[%swap3A_874, %swap3A_875], %bitcast3A_867 {strides = array<i32>} : memref<80x64xf32, #tpu.memory_space<vmem>>, vector<16xf32>,
            %add3A_877 = arith.constant 1 : i32
            %add3A_878 = arith.addi %mul3A_764, %add3A_877 : i32
            %swap3A_879 = arith.index_cast %add3A_878 : i32 to index
            %swap3A_880 = arith.constant 48 : index
            %swap3A_881 = tpu.vector_load %arg48[%swap3A_879, %swap3A_880] {strides = array<i32>} : memref<80x64xf32, #tpu.memory_space<vmem>>, vector<16xf32>,
            tpu.vector_store %arg48[%swap3A_879, %swap3A_880], %bitcast3A_871 {strides = array<i32>} : memref<80x64xf32, #tpu.memory_space<vmem>>, vector<16xf32>,
            %add3A_882 = arith.constant 2 : i32
            %add3A_883 = arith.addi %mul3A_764, %add3A_882 : i32
            %get3A_884 = arith.index_cast %add3A_883 : i32 to index
            %get3A_885 = arith.constant 0 : index
            %get3A_886 = tpu.vector_load %arg36[%get3A_884, %get3A_885] {strides = array<i32>} : memref<80x64xbf16, #tpu.memory_space<vmem>>, vector<32xbf16>,
            %add3A_887 = arith.constant 2 : i32
            %add3A_888 = arith.addi %mul3A_764, %add3A_887 : i32
            %get3A_889 = arith.index_cast %add3A_888 : i32 to index
            %get3A_890 = arith.constant 0 : index
            %get3A_891 = tpu.vector_load %arg42[%get3A_889, %get3A_890] {strides = array<i32>} : memref<80x64xbf16, #tpu.memory_space<vmem>>, vector<32xbf16>,
            %add3A_892 = arith.addf %get3A_886, %get3A_891 : vector<32xbf16>
            %bitcast3A_893 = vector.bitcast %add3A_892 : vector<32xbf16> to vector<16xi32>
            %shift_left3A_894 = arith.constant 16 : i32
            %shift_left3A_895 = vector.broadcast %shift_left3A_894 : i32 to vector<16xi32>
            %shift_left3A_896 = arith.shli %bitcast3A_893, %shift_left3A_895 : vector<16xi32>
            %bitcast3A_897 = vector.bitcast %shift_left3A_896 : vector<16xi32> to vector<16xf32>
            %and3A_898 = arith.constant -65536 : i32
            %and3A_899 = vector.broadcast %and3A_898 : i32 to vector<16xi32>
            %and3A_900 = arith.andi %bitcast3A_893, %and3A_899 : vector<16xi32>
            %bitcast3A_901 = vector.bitcast %and3A_900 : vector<16xi32> to vector<16xf32>
            %add3A_902 = arith.constant 2 : i32
            %add3A_903 = arith.addi %mul3A_764, %add3A_902 : i32
            %swap3A_904 = arith.index_cast %add3A_903 : i32 to index
            %swap3A_905 = arith.constant 0 : index
            %swap3A_906 = tpu.vector_load %arg48[%swap3A_904, %swap3A_905] {strides = array<i32>} : memref<80x64xf32, #tpu.memory_space<vmem>>, vector<16xf32>,
            tpu.vector_store %arg48[%swap3A_904, %swap3A_905], %bitcast3A_897 {strides = array<i32>} : memref<80x64xf32, #tpu.memory_space<vmem>>, vector<16xf32>,
            %add3A_907 = arith.constant 2 : i32
            %add3A_908 = arith.addi %mul3A_764, %add3A_907 : i32
            %swap3A_909 = arith.index_cast %add3A_908 : i32 to index
            %swap3A_910 = arith.constant 16 : index
            %swap3A_911 = tpu.vector_load %arg48[%swap3A_909, %swap3A_910] {strides = array<i32>} : memref<80x64xf32, #tpu.memory_space<vmem>>, vector<16xf32>,
            tpu.vector_store %arg48[%swap3A_909, %swap3A_910], %bitcast3A_901 {strides = array<i32>} : memref<80x64xf32, #tpu.memory_space<vmem>>, vector<16xf32>,
            %add3A_912 = arith.constant 2 : i32
            %add3A_913 = arith.addi %mul3A_764, %add3A_912 : i32
            %get3A_914 = arith.index_cast %add3A_913 : i32 to index
            %get3A_915 = arith.constant 32 : index
            %get3A_916 = tpu.vector_load %arg36[%get3A_914, %get3A_915] {strides = array<i32>} : memref<80x64xbf16, #tpu.memory_space<vmem>>, vector<32xbf16>,
            %add3A_917 = arith.constant 2 : i32
            %add3A_918 = arith.addi %mul3A_764, %add3A_917 : i32
            %get3A_919 = arith.index_cast %add3A_918 : i32 to index
            %get3A_920 = arith.constant 32 : index
            %get3A_921 = tpu.vector_load %arg42[%get3A_919, %get3A_920] {strides = array<i32>} : memref<80x64xbf16, #tpu.memory_space<vmem>>, vector<32xbf16>,
            %add3A_922 = arith.addf %get3A_916, %get3A_921 : vector<32xbf16>
            %bitcast3A_923 = vector.bitcast %add3A_922 : vector<32xbf16> to vector<16xi32>
            %shift_left3A_924 = arith.constant 16 : i32
            %shift_left3A_925 = vector.broadcast %shift_left3A_924 : i32 to vector<16xi32>
            %shift_left3A_926 = arith.shli %bitcast3A_923, %shift_left3A_925 : vector<16xi32>
            %bitcast3A_927 = vector.bitcast %shift_left3A_926 : vector<16xi32> to vector<16xf32>
            %and3A_928 = arith.constant -65536 : i32
            %and3A_929 = vector.broadcast %and3A_928 : i32 to vector<16xi32>
            %and3A_930 = arith.andi %bitcast3A_923, %and3A_929 : vector<16xi32>
            %bitcast3A_931 = vector.bitcast %and3A_930 : vector<16xi32> to vector<16xf32>
            %add3A_932 = arith.constant 2 : i32
            %add3A_933 = arith.addi %mul3A_764, %add3A_932 : i32
            %swap3A_934 = arith.index_cast %add3A_933 : i32 to index
            %swap3A_935 = arith.constant 32 : index
            %swap3A_936 = tpu.vector_load %arg48[%swap3A_934, %swap3A_935] {strides = array<i32>} : memref<80x64xf32, #tpu.memory_space<vmem>>, vector<16xf32>,
            tpu.vector_store %arg48[%swap3A_934, %swap3A_935], %bitcast3A_927 {strides = array<i32>} : memref<80x64xf32, #tpu.memory_space<vmem>>, vector<16xf32>,
            %add3A_937 = arith.constant 2 : i32
            %add3A_938 = arith.addi %mul3A_764, %add3A_937 : i32
            %swap3A_939 = arith.index_cast %add3A_938 : i32 to index
            %swap3A_940 = arith.constant 48 : index
            %swap3A_941 = tpu.vector_load %arg48[%swap3A_939, %swap3A_940] {strides = array<i32>} : memref<80x64xf32, #tpu.memory_space<vmem>>, vector<16xf32>,
            tpu.vector_store %arg48[%swap3A_939, %swap3A_940], %bitcast3A_931 {strides = array<i32>} : memref<80x64xf32, #tpu.memory_space<vmem>>, vector<16xf32>,
            %add3A_942 = arith.constant 3 : i32
            %add3A_943 = arith.addi %mul3A_764, %add3A_942 : i32
            %get3A_944 = arith.index_cast %add3A_943 : i32 to index
            %get3A_945 = arith.constant 0 : index
            %get3A_946 = tpu.vector_load %arg36[%get3A_944, %get3A_945] {strides = array<i32>} : memref<80x64xbf16, #tpu.memory_space<vmem>>, vector<32xbf16>,
            %add3A_947 = arith.constant 3 : i32
            %add3A_948 = arith.addi %mul3A_764, %add3A_947 : i32
            %get3A_949 = arith.index_cast %add3A_948 : i32 to index
            %get3A_950 = arith.constant 0 : index
            %get3A_951 = tpu.vector_load %arg42[%get3A_949, %get3A_950] {strides = array<i32>} : memref<80x64xbf16, #tpu.memory_space<vmem>>, vector<32xbf16>,
            %add3A_952 = arith.addf %get3A_946, %get3A_951 : vector<32xbf16>
            %bitcast3A_953 = vector.bitcast %add3A_952 : vector<32xbf16> to vector<16xi32>
            %shift_left3A_954 = arith.constant 16 : i32
            %shift_left3A_955 = vector.broadcast %shift_left3A_954 : i32 to vector<16xi32>
            %shift_left3A_956 = arith.shli %bitcast3A_953, %shift_left3A_955 : vector<16xi32>
            %bitcast3A_957 = vector.bitcast %shift_left3A_956 : vector<16xi32> to vector<16xf32>
            %and3A_958 = arith.constant -65536 : i32
            %and3A_959 = vector.broadcast %and3A_958 : i32 to vector<16xi32>
            %and3A_960 = arith.andi %bitcast3A_953, %and3A_959 : vector<16xi32>
            %bitcast3A_961 = vector.bitcast %and3A_960 : vector<16xi32> to vector<16xf32>
            %add3A_962 = arith.constant 3 : i32
            %add3A_963 = arith.addi %mul3A_764, %add3A_962 : i32
            %swap3A_964 = arith.index_cast %add3A_963 : i32 to index
            %swap3A_965 = arith.constant 0 : index
            %swap3A_966 = tpu.vector_load %arg48[%swap3A_964, %swap3A_965] {strides = array<i32>} : memref<80x64xf32, #tpu.memory_space<vmem>>, vector<16xf32>,
            tpu.vector_store %arg48[%swap3A_964, %swap3A_965], %bitcast3A_957 {strides = array<i32>} : memref<80x64xf32, #tpu.memory_space<vmem>>, vector<16xf32>,
            %add3A_967 = arith.constant 3 : i32
            %add3A_968 = arith.addi %mul3A_764, %add3A_967 : i32
            %swap3A_969 = arith.index_cast %add3A_968 : i32 to index
            %swap3A_970 = arith.constant 16 : index
            %swap3A_971 = tpu.vector_load %arg48[%swap3A_969, %swap3A_970] {strides = array<i32>} : memref<80x64xf32, #tpu.memory_space<vmem>>, vector<16xf32>,
            tpu.vector_store %arg48[%swap3A_969, %swap3A_970], %bitcast3A_961 {strides = array<i32>} : memref<80x64xf32, #tpu.memory_space<vmem>>, vector<16xf32>,
            %add3A_972 = arith.constant 3 : i32
            %add3A_973 = arith.addi %mul3A_764, %add3A_972 : i32
            %get3A_974 = arith.index_cast %add3A_973 : i32 to index
            %get3A_975 = arith.constant 32 : index
            %get3A_976 = tpu.vector_load %arg36[%get3A_974, %get3A_975] {strides = array<i32>} : memref<80x64xbf16, #tpu.memory_space<vmem>>, vector<32xbf16>,
            %add3A_977 = arith.constant 3 : i32
            %add3A_978 = arith.addi %mul3A_764, %add3A_977 : i32
            %get3A_979 = arith.index_cast %add3A_978 : i32 to index
            %get3A_980 = arith.constant 32 : index
            %get3A_981 = tpu.vector_load %arg42[%get3A_979, %get3A_980] {strides = array<i32>} : memref<80x64xbf16, #tpu.memory_space<vmem>>, vector<32xbf16>,
            %add3A_982 = arith.addf %get3A_976, %get3A_981 : vector<32xbf16>
            %bitcast3A_983 = vector.bitcast %add3A_982 : vector<32xbf16> to vector<16xi32>
            %shift_left3A_984 = arith.constant 16 : i32
            %shift_left3A_985 = vector.broadcast %shift_left3A_984 : i32 to vector<16xi32>
            %shift_left3A_986 = arith.shli %bitcast3A_983, %shift_left3A_985 : vector<16xi32>
            %bitcast3A_987 = vector.bitcast %shift_left3A_986 : vector<16xi32> to vector<16xf32>
            %and3A_988 = arith.constant -65536 : i32
            %and3A_989 = vector.broadcast %and3A_988 : i32 to vector<16xi32>
            %and3A_990 = arith.andi %bitcast3A_983, %and3A_989 : vector<16xi32>
            %bitcast3A_991 = vector.bitcast %and3A_990 : vector<16xi32> to vector<16xf32>
            %add3A_992 = arith.constant 3 : i32
            %add3A_993 = arith.addi %mul3A_764, %add3A_992 : i32
            %swap3A_994 = arith.index_cast %add3A_993 : i32 to index
            %swap3A_995 = arith.constant 32 : index
            %swap3A_996 = tpu.vector_load %arg48[%swap3A_994, %swap3A_995] {strides = array<i32>} : memref<80x64xf32, #tpu.memory_space<vmem>>, vector<16xf32>,
            tpu.vector_store %arg48[%swap3A_994, %swap3A_995], %bitcast3A_987 {strides = array<i32>} : memref<80x64xf32, #tpu.memory_space<vmem>>, vector<16xf32>,
            %add3A_997 = arith.constant 3 : i32
            %add3A_998 = arith.addi %mul3A_764, %add3A_997 : i32
            %swap3A_999 = arith.index_cast %add3A_998 : i32 to index
            %swap3A_1000 = arith.constant 48 : index
            %swap3A_1001 = tpu.vector_load %arg48[%swap3A_999, %swap3A_1000] {strides = array<i32>} : memref<80x64xf32, #tpu.memory_space<vmem>>, vector<16xf32>,
            tpu.vector_store %arg48[%swap3A_999, %swap3A_1000], %bitcast3A_991 {strides = array<i32>} : memref<80x64xf32, #tpu.memory_space<vmem>>, vector<16xf32>,
          }
          %scan3A_755 = arith.constant 20 : i32
          %dma_start3A_756 = arith.constant 0 : i32
          %dma_start3A_757 = arith.constant 0 : i32
          %dma_start3A_758 = tpu.memref_slice %arg53[%dma_start3A_756, %dma_start3A_757] : memref<10000x64xf32, #tpu.memory_space<vmem_shared>> -> memref<10000x64xf32, #tpu.memory_space<vmem_shared>>
          tpu.enqueue_indirect_dma source(%arg48 : memref<80x64xf32, #tpu.memory_space<vmem>>) target(%dma_start3A_758 : memref<10000x64xf32, #tpu.memory_space<vmem_shared>>) offsets(%arg12 : memref<80xi32, #tpu.memory_space<vmem>>) semaphore(%arg69 : memref<!tpu.dma_semaphore, #tpu.memory_space<semaphore_mem>>) {add = true}
          %dma_start3A_759 = arith.constant 0 : i32
          %dma_start3A_760 = arith.constant 0 : i32
          %dma_start3A_761 = tpu.memref_slice %arg53[%dma_start3A_759, %dma_start3A_760] : memref<10000x64xf32, #tpu.memory_space<vmem_shared>> -> memref<10000x64xf32, #tpu.memory_space<vmem_shared>>
          tpu.enqueue_indirect_dma source(%arg48 : memref<80x64xf32, #tpu.memory_space<vmem>>) target(%dma_start3A_761 : memref<10000x64xf32, #tpu.memory_space<vmem_shared>>) offsets(%arg18 : memref<80xi32, #tpu.memory_space<vmem>>) semaphore(%arg75 : memref<!tpu.dma_semaphore, #tpu.memory_space<semaphore_mem>>) {add = true}
        } else {
        }
        %add3A_705 = arith.constant 4 : i32
        %add3A_706 = arith.addi %add3A_699, %add3A_705 : i32
        %lt3A_707 = arith.constant 50 : i32
        %lt3A_708 = arith.cmpi slt, %add3A_706, %lt3A_707 : i32
        %convert_element_type3A_709 = arith.extui %lt3A_708 : i1 to i32
        %cond3A_710 = arith.constant 0 : i32
        %cond3A_711 = arith.cmpi ne, %convert_element_type3A_709, %cond3A_710 : i32
        scf.if %cond3A_711 {
          %gt3A_744 = arith.constant 0 : i32
          %gt3A_745 = arith.cmpi sgt, %scan3A_156, %gt3A_744 : i32
          %ge3A = arith.constant 6 : i32
          %ge3A_746 = arith.cmpi sge, %add3A_706, %ge3A : i32
          %or3A = arith.ori %gt3A_745, %ge3A_746 : i1
          %convert_element_type3A_747 = arith.extui %or3A : i1 to i32
          %cond3A_748 = arith.constant 0 : i32
          %cond3A_749 = arith.cmpi ne, %convert_element_type3A_747, %cond3A_748 : i32
          scf.if %cond3A_749 {
            %dma_wait3A_888 = arith.constant 0 : i32
            %dma_wait3A_889 = arith.constant 0 : i32
            %dma_wait3A_890 = tpu.memref_slice %arg53[%dma_wait3A_888, %dma_wait3A_889] : memref<10000x64xf32, #tpu.memory_space<vmem_shared>> -> memref<10000x64xf32, #tpu.memory_space<vmem_shared>>
            tpu.wait_indirect_dma semaphore(%arg67 : memref<!tpu.dma_semaphore, #tpu.memory_space<semaphore_mem>>) src(%arg46 : memref<80x64xf32, #tpu.memory_space<vmem>>) dst(%dma_wait3A_890 : memref<10000x64xf32, #tpu.memory_space<vmem_shared>>)
            %dma_wait3A_891 = arith.constant 0 : i32
            %dma_wait3A_892 = arith.constant 0 : i32
            %dma_wait3A_893 = tpu.memref_slice %arg53[%dma_wait3A_891, %dma_wait3A_892] : memref<10000x64xf32, #tpu.memory_space<vmem_shared>> -> memref<10000x64xf32, #tpu.memory_space<vmem_shared>>
            tpu.wait_indirect_dma semaphore(%arg73 : memref<!tpu.dma_semaphore, #tpu.memory_space<semaphore_mem>>) src(%arg46 : memref<80x64xf32, #tpu.memory_space<vmem>>) dst(%dma_wait3A_893 : memref<10000x64xf32, #tpu.memory_space<vmem_shared>>)
          } else {
          }
          %mul3A_750 = arith.constant 80 : i32
          %mul3A_751 = arith.muli %add3A_706, %mul3A_750 : i32
          %add3A_752 = arith.constant 0 : i32
          %add3A_753 = arith.addi %mul3A_751, %add3A_752 : i32
          %get3A_754 = arith.index_cast %add3A_753 : i32 to index
          %get3A_755 = tpu.vector_load %arg7[%get3A_754] {strides = array<i32>} : memref<4000xi32, #tpu.memory_space<vmem>>, vector<16xi32>,
          %add3A_756 = arith.constant 0 : i32
          %add3A_757 = arith.addi %mul3A_751, %add3A_756 : i32
          %get3A_758 = arith.index_cast %add3A_757 : i32 to index
          %get3A_759 = tpu.vector_load %arg8[%get3A_758] {strides = array<i32>} : memref<4000xi32, #tpu.memory_space<vmem>>, vector<16xi32>,
          %swap3A_760 = arith.constant 0 : index
          %swap3A_761 = tpu.vector_load %arg10[%swap3A_760] {strides = array<i32>} : memref<80xi32, #tpu.memory_space<vmem>>, vector<16xi32>,
          tpu.vector_store %arg10[%swap3A_760], %get3A_755 {strides = array<i32>} : memref<80xi32, #tpu.memory_space<vmem>>, vector<16xi32>,
          %swap3A_762 = arith.constant 0 : index
          %swap3A_763 = tpu.vector_load %arg16[%swap3A_762] {strides = array<i32>} : memref<80xi32, #tpu.memory_space<vmem>>, vector<16xi32>,
          tpu.vector_store %arg16[%swap3A_762], %get3A_759 {strides = array<i32>} : memref<80xi32, #tpu.memory_space<vmem>>, vector<16xi32>,
          %mul3A_764 = arith.constant 2 : i32
          %mul3A_765 = vector.broadcast %mul3A_764 : i32 to vector<16xi32>
          %mul3A_766 = arith.muli %mul3A_765, %get3A_755 : vector<16xi32>
          %add3A_767 = vector.broadcast %arg0 : i32 to vector<16xi32>
          %add3A_768 = arith.addi %mul3A_766, %add3A_767 : vector<16xi32>
          %swap3A_769 = arith.constant 0 : index
          %swap3A_770 = tpu.vector_load %arg22[%swap3A_769] {strides = array<i32>} : memref<80xi32, #tpu.memory_space<vmem>>, vector<16xi32>,
          tpu.vector_store %arg22[%swap3A_769], %add3A_768 {strides = array<i32>} : memref<80xi32, #tpu.memory_space<vmem>>, vector<16xi32>,
          %mul3A_771 = arith.constant 2 : i32
          %mul3A_772 = vector.broadcast %mul3A_771 : i32 to vector<16xi32>
          %mul3A_773 = arith.muli %mul3A_772, %get3A_759 : vector<16xi32>
          %add3A_774 = vector.broadcast %arg0 : i32 to vector<16xi32>
          %add3A_775 = arith.addi %mul3A_773, %add3A_774 : vector<16xi32>
          %swap3A_776 = arith.constant 0 : index
          %swap3A_777 = tpu.vector_load %arg28[%swap3A_776] {strides = array<i32>} : memref<80xi32, #tpu.memory_space<vmem>>, vector<16xi32>,
          tpu.vector_store %arg28[%swap3A_776], %add3A_775 {strides = array<i32>} : memref<80xi32, #tpu.memory_space<vmem>>, vector<16xi32>,
          %add3A_778 = arith.constant 16 : i32
          %add3A_779 = arith.addi %mul3A_751, %add3A_778 : i32
          %get3A_780 = arith.index_cast %add3A_779 : i32 to index
          %get3A_781 = tpu.vector_load %arg7[%get3A_780] {strides = array<i32>} : memref<4000xi32, #tpu.memory_space<vmem>>, vector<16xi32>,
          %add3A_782 = arith.constant 16 : i32
          %add3A_783 = arith.addi %mul3A_751, %add3A_782 : i32
          %get3A_784 = arith.index_cast %add3A_783 : i32 to index
          %get3A_785 = tpu.vector_load %arg8[%get3A_784] {strides = array<i32>} : memref<4000xi32, #tpu.memory_space<vmem>>, vector<16xi32>,
          %swap3A_786 = arith.constant 16 : index
          %swap3A_787 = tpu.vector_load %arg10[%swap3A_786] {strides = array<i32>} : memref<80xi32, #tpu.memory_space<vmem>>, vector<16xi32>,
          tpu.vector_store %arg10[%swap3A_786], %get3A_781 {strides = array<i32>} : memref<80xi32, #tpu.memory_space<vmem>>, vector<16xi32>,
          %swap3A_788 = arith.constant 16 : index
          %swap3A_789 = tpu.vector_load %arg16[%swap3A_788] {strides = array<i32>} : memref<80xi32, #tpu.memory_space<vmem>>, vector<16xi32>,
          tpu.vector_store %arg16[%swap3A_788], %get3A_785 {strides = array<i32>} : memref<80xi32, #tpu.memory_space<vmem>>, vector<16xi32>,
          %mul3A_790 = arith.constant 2 : i32
          %mul3A_791 = vector.broadcast %mul3A_790 : i32 to vector<16xi32>
          %mul3A_792 = arith.muli %mul3A_791, %get3A_781 : vector<16xi32>
          %add3A_793 = vector.broadcast %arg0 : i32 to vector<16xi32>
          %add3A_794 = arith.addi %mul3A_792, %add3A_793 : vector<16xi32>
          %swap3A_795 = arith.constant 16 : index
          %swap3A_796 = tpu.vector_load %arg22[%swap3A_795] {strides = array<i32>} : memref<80xi32, #tpu.memory_space<vmem>>, vector<16xi32>,
          tpu.vector_store %arg22[%swap3A_795], %add3A_794 {strides = array<i32>} : memref<80xi32, #tpu.memory_space<vmem>>, vector<16xi32>,
          %mul3A_797 = arith.constant 2 : i32
          %mul3A_798 = vector.broadcast %mul3A_797 : i32 to vector<16xi32>
          %mul3A_799 = arith.muli %mul3A_798, %get3A_785 : vector<16xi32>
          %add3A_800 = vector.broadcast %arg0 : i32 to vector<16xi32>
          %add3A_801 = arith.addi %mul3A_799, %add3A_800 : vector<16xi32>
          %swap3A_802 = arith.constant 16 : index
          %swap3A_803 = tpu.vector_load %arg28[%swap3A_802] {strides = array<i32>} : memref<80xi32, #tpu.memory_space<vmem>>, vector<16xi32>,
          tpu.vector_store %arg28[%swap3A_802], %add3A_801 {strides = array<i32>} : memref<80xi32, #tpu.memory_space<vmem>>, vector<16xi32>,
          %add3A_804 = arith.constant 32 : i32
          %add3A_805 = arith.addi %mul3A_751, %add3A_804 : i32
          %get3A_806 = arith.index_cast %add3A_805 : i32 to index
          %get3A_807 = tpu.vector_load %arg7[%get3A_806] {strides = array<i32>} : memref<4000xi32, #tpu.memory_space<vmem>>, vector<16xi32>,
          %add3A_808 = arith.constant 32 : i32
          %add3A_809 = arith.addi %mul3A_751, %add3A_808 : i32
          %get3A_810 = arith.index_cast %add3A_809 : i32 to index
          %get3A_811 = tpu.vector_load %arg8[%get3A_810] {strides = array<i32>} : memref<4000xi32, #tpu.memory_space<vmem>>, vector<16xi32>,
          %swap3A_812 = arith.constant 32 : index
          %swap3A_813 = tpu.vector_load %arg10[%swap3A_812] {strides = array<i32>} : memref<80xi32, #tpu.memory_space<vmem>>, vector<16xi32>,
          tpu.vector_store %arg10[%swap3A_812], %get3A_807 {strides = array<i32>} : memref<80xi32, #tpu.memory_space<vmem>>, vector<16xi32>,
          %swap3A_814 = arith.constant 32 : index
          %swap3A_815 = tpu.vector_load %arg16[%swap3A_814] {strides = array<i32>} : memref<80xi32, #tpu.memory_space<vmem>>, vector<16xi32>,
          tpu.vector_store %arg16[%swap3A_814], %get3A_811 {strides = array<i32>} : memref<80xi32, #tpu.memory_space<vmem>>, vector<16xi32>,
          %mul3A_816 = arith.constant 2 : i32
          %mul3A_817 = vector.broadcast %mul3A_816 : i32 to vector<16xi32>
          %mul3A_818 = arith.muli %mul3A_817, %get3A_807 : vector<16xi32>
          %add3A_819 = vector.broadcast %arg0 : i32 to vector<16xi32>
          %add3A_820 = arith.addi %mul3A_818, %add3A_819 : vector<16xi32>
          %swap3A_821 = arith.constant 32 : index
          %swap3A_822 = tpu.vector_load %arg22[%swap3A_821] {strides = array<i32>} : memref<80xi32, #tpu.memory_space<vmem>>, vector<16xi32>,
          tpu.vector_store %arg22[%swap3A_821], %add3A_820 {strides = array<i32>} : memref<80xi32, #tpu.memory_space<vmem>>, vector<16xi32>,
          %mul3A_823 = arith.constant 2 : i32
          %mul3A_824 = vector.broadcast %mul3A_823 : i32 to vector<16xi32>
          %mul3A_825 = arith.muli %mul3A_824, %get3A_811 : vector<16xi32>
          %add3A_826 = vector.broadcast %arg0 : i32 to vector<16xi32>
          %add3A_827 = arith.addi %mul3A_825, %add3A_826 : vector<16xi32>
          %swap3A_828 = arith.constant 32 : index
          %swap3A_829 = tpu.vector_load %arg28[%swap3A_828] {strides = array<i32>} : memref<80xi32, #tpu.memory_space<vmem>>, vector<16xi32>,
          tpu.vector_store %arg28[%swap3A_828], %add3A_827 {strides = array<i32>} : memref<80xi32, #tpu.memory_space<vmem>>, vector<16xi32>,
          %add3A_830 = arith.constant 48 : i32
          %add3A_831 = arith.addi %mul3A_751, %add3A_830 : i32
          %get3A_832 = arith.index_cast %add3A_831 : i32 to index
          %get3A_833 = tpu.vector_load %arg7[%get3A_832] {strides = array<i32>} : memref<4000xi32, #tpu.memory_space<vmem>>, vector<16xi32>,
          %add3A_834 = arith.constant 48 : i32
          %add3A_835 = arith.addi %mul3A_751, %add3A_834 : i32
          %get3A_836 = arith.index_cast %add3A_835 : i32 to index
          %get3A_837 = tpu.vector_load %arg8[%get3A_836] {strides = array<i32>} : memref<4000xi32, #tpu.memory_space<vmem>>, vector<16xi32>,
          %swap3A_838 = arith.constant 48 : index
          %swap3A_839 = tpu.vector_load %arg10[%swap3A_838] {strides = array<i32>} : memref<80xi32, #tpu.memory_space<vmem>>, vector<16xi32>,
          tpu.vector_store %arg10[%swap3A_838], %get3A_833 {strides = array<i32>} : memref<80xi32, #tpu.memory_space<vmem>>, vector<16xi32>,
          %swap3A_840 = arith.constant 48 : index
          %swap3A_841 = tpu.vector_load %arg16[%swap3A_840] {strides = array<i32>} : memref<80xi32, #tpu.memory_space<vmem>>, vector<16xi32>,
          tpu.vector_store %arg16[%swap3A_840], %get3A_837 {strides = array<i32>} : memref<80xi32, #tpu.memory_space<vmem>>, vector<16xi32>,
          %mul3A_842 = arith.constant 2 : i32
          %mul3A_843 = vector.broadcast %mul3A_842 : i32 to vector<16xi32>
          %mul3A_844 = arith.muli %mul3A_843, %get3A_833 : vector<16xi32>
          %add3A_845 = vector.broadcast %arg0 : i32 to vector<16xi32>
          %add3A_846 = arith.addi %mul3A_844, %add3A_845 : vector<16xi32>
          %swap3A_847 = arith.constant 48 : index
          %swap3A_848 = tpu.vector_load %arg22[%swap3A_847] {strides = array<i32>} : memref<80xi32, #tpu.memory_space<vmem>>, vector<16xi32>,
          tpu.vector_store %arg22[%swap3A_847], %add3A_846 {strides = array<i32>} : memref<80xi32, #tpu.memory_space<vmem>>, vector<16xi32>,
          %mul3A_849 = arith.constant 2 : i32
          %mul3A_850 = vector.broadcast %mul3A_849 : i32 to vector<16xi32>
          %mul3A_851 = arith.muli %mul3A_850, %get3A_837 : vector<16xi32>
          %add3A_852 = vector.broadcast %arg0 : i32 to vector<16xi32>
          %add3A_853 = arith.addi %mul3A_851, %add3A_852 : vector<16xi32>
          %swap3A_854 = arith.constant 48 : index
          %swap3A_855 = tpu.vector_load %arg28[%swap3A_854] {strides = array<i32>} : memref<80xi32, #tpu.memory_space<vmem>>, vector<16xi32>,
          tpu.vector_store %arg28[%swap3A_854], %add3A_853 {strides = array<i32>} : memref<80xi32, #tpu.memory_space<vmem>>, vector<16xi32>,
          %add3A_856 = arith.constant 64 : i32
          %add3A_857 = arith.addi %mul3A_751, %add3A_856 : i32
          %get3A_858 = arith.index_cast %add3A_857 : i32 to index
          %get3A_859 = tpu.vector_load %arg7[%get3A_858] {strides = array<i32>} : memref<4000xi32, #tpu.memory_space<vmem>>, vector<16xi32>,
          %add3A_860 = arith.constant 64 : i32
          %add3A_861 = arith.addi %mul3A_751, %add3A_860 : i32
          %get3A_862 = arith.index_cast %add3A_861 : i32 to index
          %get3A_863 = tpu.vector_load %arg8[%get3A_862] {strides = array<i32>} : memref<4000xi32, #tpu.memory_space<vmem>>, vector<16xi32>,
          %swap3A_864 = arith.constant 64 : index
          %swap3A_865 = tpu.vector_load %arg10[%swap3A_864] {strides = array<i32>} : memref<80xi32, #tpu.memory_space<vmem>>, vector<16xi32>,
          tpu.vector_store %arg10[%swap3A_864], %get3A_859 {strides = array<i32>} : memref<80xi32, #tpu.memory_space<vmem>>, vector<16xi32>,
          %swap3A_866 = arith.constant 64 : index
          %swap3A_867 = tpu.vector_load %arg16[%swap3A_866] {strides = array<i32>} : memref<80xi32, #tpu.memory_space<vmem>>, vector<16xi32>,
          tpu.vector_store %arg16[%swap3A_866], %get3A_863 {strides = array<i32>} : memref<80xi32, #tpu.memory_space<vmem>>, vector<16xi32>,
          %mul3A_868 = arith.constant 2 : i32
          %mul3A_869 = vector.broadcast %mul3A_868 : i32 to vector<16xi32>
          %mul3A_870 = arith.muli %mul3A_869, %get3A_859 : vector<16xi32>
          %add3A_871 = vector.broadcast %arg0 : i32 to vector<16xi32>
          %add3A_872 = arith.addi %mul3A_870, %add3A_871 : vector<16xi32>
          %swap3A_873 = arith.constant 64 : index
          %swap3A_874 = tpu.vector_load %arg22[%swap3A_873] {strides = array<i32>} : memref<80xi32, #tpu.memory_space<vmem>>, vector<16xi32>,
          tpu.vector_store %arg22[%swap3A_873], %add3A_872 {strides = array<i32>} : memref<80xi32, #tpu.memory_space<vmem>>, vector<16xi32>,
          %mul3A_875 = arith.constant 2 : i32
          %mul3A_876 = vector.broadcast %mul3A_875 : i32 to vector<16xi32>
          %mul3A_877 = arith.muli %mul3A_876, %get3A_863 : vector<16xi32>
          %add3A_878 = vector.broadcast %arg0 : i32 to vector<16xi32>
          %add3A_879 = arith.addi %mul3A_877, %add3A_878 : vector<16xi32>
          %swap3A_880 = arith.constant 64 : index
          %swap3A_881 = tpu.vector_load %arg28[%swap3A_880] {strides = array<i32>} : memref<80xi32, #tpu.memory_space<vmem>>, vector<16xi32>,
          tpu.vector_store %arg28[%swap3A_880], %add3A_879 {strides = array<i32>} : memref<80xi32, #tpu.memory_space<vmem>>, vector<16xi32>,
          %dma_start3A_882 = arith.constant 0 : i32
          %dma_start3A_883 = arith.constant 0 : i32
          %dma_start3A_884 = tpu.memref_slice %arg2[%dma_start3A_882, %dma_start3A_883] : memref<20000x64xbf16, #tpu.memory_space<hbm>> -> memref<20000x64xbf16, #tpu.memory_space<hbm>>
          tpu.enqueue_indirect_dma source(%dma_start3A_884 : memref<20000x64xbf16, #tpu.memory_space<hbm>>) target(%arg34 : memref<80x64xbf16, #tpu.memory_space<vmem>>) offsets(%arg22 : memref<80xi32, #tpu.memory_space<vmem>>) semaphore(%arg55 : memref<!tpu.dma_semaphore, #tpu.memory_space<semaphore_mem>>)
          %dma_start3A_885 = arith.constant 0 : i32
          %dma_start3A_886 = arith.constant 0 : i32
          %dma_start3A_887 = tpu.memref_slice %arg2[%dma_start3A_885, %dma_start3A_886] : memref<20000x64xbf16, #tpu.memory_space<hbm>> -> memref<20000x64xbf16, #tpu.memory_space<hbm>>
          tpu.enqueue_indirect_dma source(%dma_start3A_887 : memref<20000x64xbf16, #tpu.memory_space<hbm>>) target(%arg40 : memref<80x64xbf16, #tpu.memory_space<vmem>>) offsets(%arg28 : memref<80xi32, #tpu.memory_space<vmem>>) semaphore(%arg61 : memref<!tpu.dma_semaphore, #tpu.memory_space<semaphore_mem>>)
        } else {
        }
        %mul3A_712 = arith.constant 6 : i32
        %mul3A_713 = arith.muli %mul3A_712, %scan3A_647 : i32
        %add3A_714 = arith.constant 4 : i32
        %add3A_715 = arith.addi %mul3A_713, %add3A_714 : i32
        %lt3A_716 = arith.constant 50 : i32
        %lt3A_717 = arith.cmpi slt, %add3A_715, %lt3A_716 : i32
        %convert_element_type3A_718 = arith.extui %lt3A_717 : i1 to i32
        %cond3A_719 = arith.constant 0 : i32
        %cond3A_720 = arith.cmpi ne, %convert_element_type3A_718, %cond3A_719 : i32
        scf.if %cond3A_720 {
          %dma_wait3A_744 = arith.constant 0 : i32
          %dma_wait3A_745 = arith.constant 0 : i32
          %dma_wait3A_746 = tpu.memref_slice %arg2[%dma_wait3A_744, %dma_wait3A_745] : memref<20000x64xbf16, #tpu.memory_space<hbm>> -> memref<20000x64xbf16, #tpu.memory_space<hbm>>
          tpu.wait_indirect_dma semaphore(%arg58 : memref<!tpu.dma_semaphore, #tpu.memory_space<semaphore_mem>>) src(%dma_wait3A_746 : memref<20000x64xbf16, #tpu.memory_space<hbm>>) dst(%arg37 : memref<80x64xbf16, #tpu.memory_space<vmem>>)
          %dma_wait3A_747 = arith.constant 0 : i32
          %dma_wait3A_748 = arith.constant 0 : i32
          %dma_wait3A_749 = tpu.memref_slice %arg2[%dma_wait3A_747, %dma_wait3A_748] : memref<20000x64xbf16, #tpu.memory_space<hbm>> -> memref<20000x64xbf16, #tpu.memory_space<hbm>>
          tpu.wait_indirect_dma semaphore(%arg64 : memref<!tpu.dma_semaphore, #tpu.memory_space<semaphore_mem>>) src(%dma_wait3A_749 : memref<20000x64xbf16, #tpu.memory_space<hbm>>) dst(%arg43 : memref<80x64xbf16, #tpu.memory_space<vmem>>)
          %scan3A_750 = arith.constant 0 : i32
          %scan3A_751 = arith.constant 0 : i32
          %scan3A_752 = arith.constant 20 : i32
          %scan3A_753 = arith.addi %scan3A_751, %scan3A_752 : i32
          %scan3A_754 = arith.constant 1 : i32
          scf.for %scan3A_762 = %scan3A_751 to %scan3A_753 step %scan3A_754  : i32 {
            %mul3A_763 = arith.constant 4 : i32
            %mul3A_764 = arith.muli %scan3A_762, %mul3A_763 : i32
            %add3A_765 = arith.constant 0 : i32
            %add3A_766 = arith.addi %mul3A_764, %add3A_765 : i32
            %get3A_767 = arith.index_cast %add3A_766 : i32 to index
            %get3A_768 = arith.constant 0 : index
            %get3A_769 = tpu.vector_load %arg37[%get3A_767, %get3A_768] {strides = array<i32>} : memref<80x64xbf16, #tpu.memory_space<vmem>>, vector<32xbf16>,
            %add3A_770 = arith.constant 0 : i32
            %add3A_771 = arith.addi %mul3A_764, %add3A_770 : i32
            %get3A_772 = arith.index_cast %add3A_771 : i32 to index
            %get3A_773 = arith.constant 0 : index
            %get3A_774 = tpu.vector_load %arg43[%get3A_772, %get3A_773] {strides = array<i32>} : memref<80x64xbf16, #tpu.memory_space<vmem>>, vector<32xbf16>,
            %add3A_775 = arith.addf %get3A_769, %get3A_774 : vector<32xbf16>
            %bitcast3A = vector.bitcast %add3A_775 : vector<32xbf16> to vector<16xi32>
            %shift_left3A = arith.constant 16 : i32
            %shift_left3A_776 = vector.broadcast %shift_left3A : i32 to vector<16xi32>
            %shift_left3A_777 = arith.shli %bitcast3A, %shift_left3A_776 : vector<16xi32>
            %bitcast3A_778 = vector.bitcast %shift_left3A_777 : vector<16xi32> to vector<16xf32>
            %and3A = arith.constant -65536 : i32
            %and3A_779 = vector.broadcast %and3A : i32 to vector<16xi32>
            %and3A_780 = arith.andi %bitcast3A, %and3A_779 : vector<16xi32>
            %bitcast3A_781 = vector.bitcast %and3A_780 : vector<16xi32> to vector<16xf32>
            %add3A_782 = arith.constant 0 : i32
            %add3A_783 = arith.addi %mul3A_764, %add3A_782 : i32
            %swap3A_784 = arith.index_cast %add3A_783 : i32 to index
            %swap3A_785 = arith.constant 0 : index
            %swap3A_786 = tpu.vector_load %arg49[%swap3A_784, %swap3A_785] {strides = array<i32>} : memref<80x64xf32, #tpu.memory_space<vmem>>, vector<16xf32>,
            tpu.vector_store %arg49[%swap3A_784, %swap3A_785], %bitcast3A_778 {strides = array<i32>} : memref<80x64xf32, #tpu.memory_space<vmem>>, vector<16xf32>,
            %add3A_787 = arith.constant 0 : i32
            %add3A_788 = arith.addi %mul3A_764, %add3A_787 : i32
            %swap3A_789 = arith.index_cast %add3A_788 : i32 to index
            %swap3A_790 = arith.constant 16 : index
            %swap3A_791 = tpu.vector_load %arg49[%swap3A_789, %swap3A_790] {strides = array<i32>} : memref<80x64xf32, #tpu.memory_space<vmem>>, vector<16xf32>,
            tpu.vector_store %arg49[%swap3A_789, %swap3A_790], %bitcast3A_781 {strides = array<i32>} : memref<80x64xf32, #tpu.memory_space<vmem>>, vector<16xf32>,
            %add3A_792 = arith.constant 0 : i32
            %add3A_793 = arith.addi %mul3A_764, %add3A_792 : i32
            %get3A_794 = arith.index_cast %add3A_793 : i32 to index
            %get3A_795 = arith.constant 32 : index
            %get3A_796 = tpu.vector_load %arg37[%get3A_794, %get3A_795] {strides = array<i32>} : memref<80x64xbf16, #tpu.memory_space<vmem>>, vector<32xbf16>,
            %add3A_797 = arith.constant 0 : i32
            %add3A_798 = arith.addi %mul3A_764, %add3A_797 : i32
            %get3A_799 = arith.index_cast %add3A_798 : i32 to index
            %get3A_800 = arith.constant 32 : index
            %get3A_801 = tpu.vector_load %arg43[%get3A_799, %get3A_800] {strides = array<i32>} : memref<80x64xbf16, #tpu.memory_space<vmem>>, vector<32xbf16>,
            %add3A_802 = arith.addf %get3A_796, %get3A_801 : vector<32xbf16>
            %bitcast3A_803 = vector.bitcast %add3A_802 : vector<32xbf16> to vector<16xi32>
            %shift_left3A_804 = arith.constant 16 : i32
            %shift_left3A_805 = vector.broadcast %shift_left3A_804 : i32 to vector<16xi32>
            %shift_left3A_806 = arith.shli %bitcast3A_803, %shift_left3A_805 : vector<16xi32>
            %bitcast3A_807 = vector.bitcast %shift_left3A_806 : vector<16xi32> to vector<16xf32>
            %and3A_808 = arith.constant -65536 : i32
            %and3A_809 = vector.broadcast %and3A_808 : i32 to vector<16xi32>
            %and3A_810 = arith.andi %bitcast3A_803, %and3A_809 : vector<16xi32>
            %bitcast3A_811 = vector.bitcast %and3A_810 : vector<16xi32> to vector<16xf32>
            %add3A_812 = arith.constant 0 : i32
            %add3A_813 = arith.addi %mul3A_764, %add3A_812 : i32
            %swap3A_814 = arith.index_cast %add3A_813 : i32 to index
            %swap3A_815 = arith.constant 32 : index
            %swap3A_816 = tpu.vector_load %arg49[%swap3A_814, %swap3A_815] {strides = array<i32>} : memref<80x64xf32, #tpu.memory_space<vmem>>, vector<16xf32>,
            tpu.vector_store %arg49[%swap3A_814, %swap3A_815], %bitcast3A_807 {strides = array<i32>} : memref<80x64xf32, #tpu.memory_space<vmem>>, vector<16xf32>,
            %add3A_817 = arith.constant 0 : i32
            %add3A_818 = arith.addi %mul3A_764, %add3A_817 : i32
            %swap3A_819 = arith.index_cast %add3A_818 : i32 to index
            %swap3A_820 = arith.constant 48 : index
            %swap3A_821 = tpu.vector_load %arg49[%swap3A_819, %swap3A_820] {strides = array<i32>} : memref<80x64xf32, #tpu.memory_space<vmem>>, vector<16xf32>,
            tpu.vector_store %arg49[%swap3A_819, %swap3A_820], %bitcast3A_811 {strides = array<i32>} : memref<80x64xf32, #tpu.memory_space<vmem>>, vector<16xf32>,
            %add3A_822 = arith.constant 1 : i32
            %add3A_823 = arith.addi %mul3A_764, %add3A_822 : i32
            %get3A_824 = arith.index_cast %add3A_823 : i32 to index
            %get3A_825 = arith.constant 0 : index
            %get3A_826 = tpu.vector_load %arg37[%get3A_824, %get3A_825] {strides = array<i32>} : memref<80x64xbf16, #tpu.memory_space<vmem>>, vector<32xbf16>,
            %add3A_827 = arith.constant 1 : i32
            %add3A_828 = arith.addi %mul3A_764, %add3A_827 : i32
            %get3A_829 = arith.index_cast %add3A_828 : i32 to index
            %get3A_830 = arith.constant 0 : index
            %get3A_831 = tpu.vector_load %arg43[%get3A_829, %get3A_830] {strides = array<i32>} : memref<80x64xbf16, #tpu.memory_space<vmem>>, vector<32xbf16>,
            %add3A_832 = arith.addf %get3A_826, %get3A_831 : vector<32xbf16>
            %bitcast3A_833 = vector.bitcast %add3A_832 : vector<32xbf16> to vector<16xi32>
            %shift_left3A_834 = arith.constant 16 : i32
            %shift_left3A_835 = vector.broadcast %shift_left3A_834 : i32 to vector<16xi32>
            %shift_left3A_836 = arith.shli %bitcast3A_833, %shift_left3A_835 : vector<16xi32>
            %bitcast3A_837 = vector.bitcast %shift_left3A_836 : vector<16xi32> to vector<16xf32>
            %and3A_838 = arith.constant -65536 : i32
            %and3A_839 = vector.broadcast %and3A_838 : i32 to vector<16xi32>
            %and3A_840 = arith.andi %bitcast3A_833, %and3A_839 : vector<16xi32>
            %bitcast3A_841 = vector.bitcast %and3A_840 : vector<16xi32> to vector<16xf32>
            %add3A_842 = arith.constant 1 : i32
            %add3A_843 = arith.addi %mul3A_764, %add3A_842 : i32
            %swap3A_844 = arith.index_cast %add3A_843 : i32 to index
            %swap3A_845 = arith.constant 0 : index
            %swap3A_846 = tpu.vector_load %arg49[%swap3A_844, %swap3A_845] {strides = array<i32>} : memref<80x64xf32, #tpu.memory_space<vmem>>, vector<16xf32>,
            tpu.vector_store %arg49[%swap3A_844, %swap3A_845], %bitcast3A_837 {strides = array<i32>} : memref<80x64xf32, #tpu.memory_space<vmem>>, vector<16xf32>,
            %add3A_847 = arith.constant 1 : i32
            %add3A_848 = arith.addi %mul3A_764, %add3A_847 : i32
            %swap3A_849 = arith.index_cast %add3A_848 : i32 to index
            %swap3A_850 = arith.constant 16 : index
            %swap3A_851 = tpu.vector_load %arg49[%swap3A_849, %swap3A_850] {strides = array<i32>} : memref<80x64xf32, #tpu.memory_space<vmem>>, vector<16xf32>,
            tpu.vector_store %arg49[%swap3A_849, %swap3A_850], %bitcast3A_841 {strides = array<i32>} : memref<80x64xf32, #tpu.memory_space<vmem>>, vector<16xf32>,
            %add3A_852 = arith.constant 1 : i32
            %add3A_853 = arith.addi %mul3A_764, %add3A_852 : i32
            %get3A_854 = arith.index_cast %add3A_853 : i32 to index
            %get3A_855 = arith.constant 32 : index
            %get3A_856 = tpu.vector_load %arg37[%get3A_854, %get3A_855] {strides = array<i32>} : memref<80x64xbf16, #tpu.memory_space<vmem>>, vector<32xbf16>,
            %add3A_857 = arith.constant 1 : i32
            %add3A_858 = arith.addi %mul3A_764, %add3A_857 : i32
            %get3A_859 = arith.index_cast %add3A_858 : i32 to index
            %get3A_860 = arith.constant 32 : index
            %get3A_861 = tpu.vector_load %arg43[%get3A_859, %get3A_860] {strides = array<i32>} : memref<80x64xbf16, #tpu.memory_space<vmem>>, vector<32xbf16>,
            %add3A_862 = arith.addf %get3A_856, %get3A_861 : vector<32xbf16>
            %bitcast3A_863 = vector.bitcast %add3A_862 : vector<32xbf16> to vector<16xi32>
            %shift_left3A_864 = arith.constant 16 : i32
            %shift_left3A_865 = vector.broadcast %shift_left3A_864 : i32 to vector<16xi32>
            %shift_left3A_866 = arith.shli %bitcast3A_863, %shift_left3A_865 : vector<16xi32>
            %bitcast3A_867 = vector.bitcast %shift_left3A_866 : vector<16xi32> to vector<16xf32>
            %and3A_868 = arith.constant -65536 : i32
            %and3A_869 = vector.broadcast %and3A_868 : i32 to vector<16xi32>
            %and3A_870 = arith.andi %bitcast3A_863, %and3A_869 : vector<16xi32>
            %bitcast3A_871 = vector.bitcast %and3A_870 : vector<16xi32> to vector<16xf32>
            %add3A_872 = arith.constant 1 : i32
            %add3A_873 = arith.addi %mul3A_764, %add3A_872 : i32
            %swap3A_874 = arith.index_cast %add3A_873 : i32 to index
            %swap3A_875 = arith.constant 32 : index
            %swap3A_876 = tpu.vector_load %arg49[%swap3A_874, %swap3A_875] {strides = array<i32>} : memref<80x64xf32, #tpu.memory_space<vmem>>, vector<16xf32>,
            tpu.vector_store %arg49[%swap3A_874, %swap3A_875], %bitcast3A_867 {strides = array<i32>} : memref<80x64xf32, #tpu.memory_space<vmem>>, vector<16xf32>,
            %add3A_877 = arith.constant 1 : i32
            %add3A_878 = arith.addi %mul3A_764, %add3A_877 : i32
            %swap3A_879 = arith.index_cast %add3A_878 : i32 to index
            %swap3A_880 = arith.constant 48 : index
            %swap3A_881 = tpu.vector_load %arg49[%swap3A_879, %swap3A_880] {strides = array<i32>} : memref<80x64xf32, #tpu.memory_space<vmem>>, vector<16xf32>,
            tpu.vector_store %arg49[%swap3A_879, %swap3A_880], %bitcast3A_871 {strides = array<i32>} : memref<80x64xf32, #tpu.memory_space<vmem>>, vector<16xf32>,
            %add3A_882 = arith.constant 2 : i32
            %add3A_883 = arith.addi %mul3A_764, %add3A_882 : i32
            %get3A_884 = arith.index_cast %add3A_883 : i32 to index
            %get3A_885 = arith.constant 0 : index
            %get3A_886 = tpu.vector_load %arg37[%get3A_884, %get3A_885] {strides = array<i32>} : memref<80x64xbf16, #tpu.memory_space<vmem>>, vector<32xbf16>,
            %add3A_887 = arith.constant 2 : i32
            %add3A_888 = arith.addi %mul3A_764, %add3A_887 : i32
            %get3A_889 = arith.index_cast %add3A_888 : i32 to index
            %get3A_890 = arith.constant 0 : index
            %get3A_891 = tpu.vector_load %arg43[%get3A_889, %get3A_890] {strides = array<i32>} : memref<80x64xbf16, #tpu.memory_space<vmem>>, vector<32xbf16>,
            %add3A_892 = arith.addf %get3A_886, %get3A_891 : vector<32xbf16>
            %bitcast3A_893 = vector.bitcast %add3A_892 : vector<32xbf16> to vector<16xi32>
            %shift_left3A_894 = arith.constant 16 : i32
            %shift_left3A_895 = vector.broadcast %shift_left3A_894 : i32 to vector<16xi32>
            %shift_left3A_896 = arith.shli %bitcast3A_893, %shift_left3A_895 : vector<16xi32>
            %bitcast3A_897 = vector.bitcast %shift_left3A_896 : vector<16xi32> to vector<16xf32>
            %and3A_898 = arith.constant -65536 : i32
            %and3A_899 = vector.broadcast %and3A_898 : i32 to vector<16xi32>
            %and3A_900 = arith.andi %bitcast3A_893, %and3A_899 : vector<16xi32>
            %bitcast3A_901 = vector.bitcast %and3A_900 : vector<16xi32> to vector<16xf32>
            %add3A_902 = arith.constant 2 : i32
            %add3A_903 = arith.addi %mul3A_764, %add3A_902 : i32
            %swap3A_904 = arith.index_cast %add3A_903 : i32 to index
            %swap3A_905 = arith.constant 0 : index
            %swap3A_906 = tpu.vector_load %arg49[%swap3A_904, %swap3A_905] {strides = array<i32>} : memref<80x64xf32, #tpu.memory_space<vmem>>, vector<16xf32>,
            tpu.vector_store %arg49[%swap3A_904, %swap3A_905], %bitcast3A_897 {strides = array<i32>} : memref<80x64xf32, #tpu.memory_space<vmem>>, vector<16xf32>,
            %add3A_907 = arith.constant 2 : i32
            %add3A_908 = arith.addi %mul3A_764, %add3A_907 : i32
            %swap3A_909 = arith.index_cast %add3A_908 : i32 to index
            %swap3A_910 = arith.constant 16 : index
            %swap3A_911 = tpu.vector_load %arg49[%swap3A_909, %swap3A_910] {strides = array<i32>} : memref<80x64xf32, #tpu.memory_space<vmem>>, vector<16xf32>,
            tpu.vector_store %arg49[%swap3A_909, %swap3A_910], %bitcast3A_901 {strides = array<i32>} : memref<80x64xf32, #tpu.memory_space<vmem>>, vector<16xf32>,
            %add3A_912 = arith.constant 2 : i32
            %add3A_913 = arith.addi %mul3A_764, %add3A_912 : i32
            %get3A_914 = arith.index_cast %add3A_913 : i32 to index
            %get3A_915 = arith.constant 32 : index
            %get3A_916 = tpu.vector_load %arg37[%get3A_914, %get3A_915] {strides = array<i32>} : memref<80x64xbf16, #tpu.memory_space<vmem>>, vector<32xbf16>,
            %add3A_917 = arith.constant 2 : i32
            %add3A_918 = arith.addi %mul3A_764, %add3A_917 : i32
            %get3A_919 = arith.index_cast %add3A_918 : i32 to index
            %get3A_920 = arith.constant 32 : index
            %get3A_921 = tpu.vector_load %arg43[%get3A_919, %get3A_920] {strides = array<i32>} : memref<80x64xbf16, #tpu.memory_space<vmem>>, vector<32xbf16>,
            %add3A_922 = arith.addf %get3A_916, %get3A_921 : vector<32xbf16>
            %bitcast3A_923 = vector.bitcast %add3A_922 : vector<32xbf16> to vector<16xi32>
            %shift_left3A_924 = arith.constant 16 : i32
            %shift_left3A_925 = vector.broadcast %shift_left3A_924 : i32 to vector<16xi32>
            %shift_left3A_926 = arith.shli %bitcast3A_923, %shift_left3A_925 : vector<16xi32>
            %bitcast3A_927 = vector.bitcast %shift_left3A_926 : vector<16xi32> to vector<16xf32>
            %and3A_928 = arith.constant -65536 : i32
            %and3A_929 = vector.broadcast %and3A_928 : i32 to vector<16xi32>
            %and3A_930 = arith.andi %bitcast3A_923, %and3A_929 : vector<16xi32>
            %bitcast3A_931 = vector.bitcast %and3A_930 : vector<16xi32> to vector<16xf32>
            %add3A_932 = arith.constant 2 : i32
            %add3A_933 = arith.addi %mul3A_764, %add3A_932 : i32
            %swap3A_934 = arith.index_cast %add3A_933 : i32 to index
            %swap3A_935 = arith.constant 32 : index
            %swap3A_936 = tpu.vector_load %arg49[%swap3A_934, %swap3A_935] {strides = array<i32>} : memref<80x64xf32, #tpu.memory_space<vmem>>, vector<16xf32>,
            tpu.vector_store %arg49[%swap3A_934, %swap3A_935], %bitcast3A_927 {strides = array<i32>} : memref<80x64xf32, #tpu.memory_space<vmem>>, vector<16xf32>,
            %add3A_937 = arith.constant 2 : i32
            %add3A_938 = arith.addi %mul3A_764, %add3A_937 : i32
            %swap3A_939 = arith.index_cast %add3A_938 : i32 to index
            %swap3A_940 = arith.constant 48 : index
            %swap3A_941 = tpu.vector_load %arg49[%swap3A_939, %swap3A_940] {strides = array<i32>} : memref<80x64xf32, #tpu.memory_space<vmem>>, vector<16xf32>,
            tpu.vector_store %arg49[%swap3A_939, %swap3A_940], %bitcast3A_931 {strides = array<i32>} : memref<80x64xf32, #tpu.memory_space<vmem>>, vector<16xf32>,
            %add3A_942 = arith.constant 3 : i32
            %add3A_943 = arith.addi %mul3A_764, %add3A_942 : i32
            %get3A_944 = arith.index_cast %add3A_943 : i32 to index
            %get3A_945 = arith.constant 0 : index
            %get3A_946 = tpu.vector_load %arg37[%get3A_944, %get3A_945] {strides = array<i32>} : memref<80x64xbf16, #tpu.memory_space<vmem>>, vector<32xbf16>,
            %add3A_947 = arith.constant 3 : i32
            %add3A_948 = arith.addi %mul3A_764, %add3A_947 : i32
            %get3A_949 = arith.index_cast %add3A_948 : i32 to index
            %get3A_950 = arith.constant 0 : index
            %get3A_951 = tpu.vector_load %arg43[%get3A_949, %get3A_950] {strides = array<i32>} : memref<80x64xbf16, #tpu.memory_space<vmem>>, vector<32xbf16>,
            %add3A_952 = arith.addf %get3A_946, %get3A_951 : vector<32xbf16>
            %bitcast3A_953 = vector.bitcast %add3A_952 : vector<32xbf16> to vector<16xi32>
            %shift_left3A_954 = arith.constant 16 : i32
            %shift_left3A_955 = vector.broadcast %shift_left3A_954 : i32 to vector<16xi32>
            %shift_left3A_956 = arith.shli %bitcast3A_953, %shift_left3A_955 : vector<16xi32>
            %bitcast3A_957 = vector.bitcast %shift_left3A_956 : vector<16xi32> to vector<16xf32>
            %and3A_958 = arith.constant -65536 : i32
            %and3A_959 = vector.broadcast %and3A_958 : i32 to vector<16xi32>
            %and3A_960 = arith.andi %bitcast3A_953, %and3A_959 : vector<16xi32>
            %bitcast3A_961 = vector.bitcast %and3A_960 : vector<16xi32> to vector<16xf32>
            %add3A_962 = arith.constant 3 : i32
            %add3A_963 = arith.addi %mul3A_764, %add3A_962 : i32
            %swap3A_964 = arith.index_cast %add3A_963 : i32 to index
            %swap3A_965 = arith.constant 0 : index
            %swap3A_966 = tpu.vector_load %arg49[%swap3A_964, %swap3A_965] {strides = array<i32>} : memref<80x64xf32, #tpu.memory_space<vmem>>, vector<16xf32>,
            tpu.vector_store %arg49[%swap3A_964, %swap3A_965], %bitcast3A_957 {strides = array<i32>} : memref<80x64xf32, #tpu.memory_space<vmem>>, vector<16xf32>,
            %add3A_967 = arith.constant 3 : i32
            %add3A_968 = arith.addi %mul3A_764, %add3A_967 : i32
            %swap3A_969 = arith.index_cast %add3A_968 : i32 to index
            %swap3A_970 = arith.constant 16 : index
            %swap3A_971 = tpu.vector_load %arg49[%swap3A_969, %swap3A_970] {strides = array<i32>} : memref<80x64xf32, #tpu.memory_space<vmem>>, vector<16xf32>,
            tpu.vector_store %arg49[%swap3A_969, %swap3A_970], %bitcast3A_961 {strides = array<i32>} : memref<80x64xf32, #tpu.memory_space<vmem>>, vector<16xf32>,
            %add3A_972 = arith.constant 3 : i32
            %add3A_973 = arith.addi %mul3A_764, %add3A_972 : i32
            %get3A_974 = arith.index_cast %add3A_973 : i32 to index
            %get3A_975 = arith.constant 32 : index
            %get3A_976 = tpu.vector_load %arg37[%get3A_974, %get3A_975] {strides = array<i32>} : memref<80x64xbf16, #tpu.memory_space<vmem>>, vector<32xbf16>,
            %add3A_977 = arith.constant 3 : i32
            %add3A_978 = arith.addi %mul3A_764, %add3A_977 : i32
            %get3A_979 = arith.index_cast %add3A_978 : i32 to index
            %get3A_980 = arith.constant 32 : index
            %get3A_981 = tpu.vector_load %arg43[%get3A_979, %get3A_980] {strides = array<i32>} : memref<80x64xbf16, #tpu.memory_space<vmem>>, vector<32xbf16>,
            %add3A_982 = arith.addf %get3A_976, %get3A_981 : vector<32xbf16>
            %bitcast3A_983 = vector.bitcast %add3A_982 : vector<32xbf16> to vector<16xi32>
            %shift_left3A_984 = arith.constant 16 : i32
            %shift_left3A_985 = vector.broadcast %shift_left3A_984 : i32 to vector<16xi32>
            %shift_left3A_986 = arith.shli %bitcast3A_983, %shift_left3A_985 : vector<16xi32>
            %bitcast3A_987 = vector.bitcast %shift_left3A_986 : vector<16xi32> to vector<16xf32>
            %and3A_988 = arith.constant -65536 : i32
            %and3A_989 = vector.broadcast %and3A_988 : i32 to vector<16xi32>
            %and3A_990 = arith.andi %bitcast3A_983, %and3A_989 : vector<16xi32>
            %bitcast3A_991 = vector.bitcast %and3A_990 : vector<16xi32> to vector<16xf32>
            %add3A_992 = arith.constant 3 : i32
            %add3A_993 = arith.addi %mul3A_764, %add3A_992 : i32
            %swap3A_994 = arith.index_cast %add3A_993 : i32 to index
            %swap3A_995 = arith.constant 32 : index
            %swap3A_996 = tpu.vector_load %arg49[%swap3A_994, %swap3A_995] {strides = array<i32>} : memref<80x64xf32, #tpu.memory_space<vmem>>, vector<16xf32>,
            tpu.vector_store %arg49[%swap3A_994, %swap3A_995], %bitcast3A_987 {strides = array<i32>} : memref<80x64xf32, #tpu.memory_space<vmem>>, vector<16xf32>,
            %add3A_997 = arith.constant 3 : i32
            %add3A_998 = arith.addi %mul3A_764, %add3A_997 : i32
            %swap3A_999 = arith.index_cast %add3A_998 : i32 to index
            %swap3A_1000 = arith.constant 48 : index
            %swap3A_1001 = tpu.vector_load %arg49[%swap3A_999, %swap3A_1000] {strides = array<i32>} : memref<80x64xf32, #tpu.memory_space<vmem>>, vector<16xf32>,
            tpu.vector_store %arg49[%swap3A_999, %swap3A_1000], %bitcast3A_991 {strides = array<i32>} : memref<80x64xf32, #tpu.memory_space<vmem>>, vector<16xf32>,
          }
          %scan3A_755 = arith.constant 20 : i32
          %dma_start3A_756 = arith.constant 0 : i32
          %dma_start3A_757 = arith.constant 0 : i32
          %dma_start3A_758 = tpu.memref_slice %arg53[%dma_start3A_756, %dma_start3A_757] : memref<10000x64xf32, #tpu.memory_space<vmem_shared>> -> memref<10000x64xf32, #tpu.memory_space<vmem_shared>>
          tpu.enqueue_indirect_dma source(%arg49 : memref<80x64xf32, #tpu.memory_space<vmem>>) target(%dma_start3A_758 : memref<10000x64xf32, #tpu.memory_space<vmem_shared>>) offsets(%arg13 : memref<80xi32, #tpu.memory_space<vmem>>) semaphore(%arg70 : memref<!tpu.dma_semaphore, #tpu.memory_space<semaphore_mem>>) {add = true}
          %dma_start3A_759 = arith.constant 0 : i32
          %dma_start3A_760 = arith.constant 0 : i32
          %dma_start3A_761 = tpu.memref_slice %arg53[%dma_start3A_759, %dma_start3A_760] : memref<10000x64xf32, #tpu.memory_space<vmem_shared>> -> memref<10000x64xf32, #tpu.memory_space<vmem_shared>>
          tpu.enqueue_indirect_dma source(%arg49 : memref<80x64xf32, #tpu.memory_space<vmem>>) target(%dma_start3A_761 : memref<10000x64xf32, #tpu.memory_space<vmem_shared>>) offsets(%arg19 : memref<80xi32, #tpu.memory_space<vmem>>) semaphore(%arg76 : memref<!tpu.dma_semaphore, #tpu.memory_space<semaphore_mem>>) {add = true}
        } else {
        }
        %add3A_721 = arith.constant 4 : i32
        %add3A_722 = arith.addi %add3A_715, %add3A_721 : i32
        %lt3A_723 = arith.constant 50 : i32
        %lt3A_724 = arith.cmpi slt, %add3A_722, %lt3A_723 : i32
        %convert_element_type3A_725 = arith.extui %lt3A_724 : i1 to i32
        %cond3A_726 = arith.constant 0 : i32
        %cond3A_727 = arith.cmpi ne, %convert_element_type3A_725, %cond3A_726 : i32
        scf.if %cond3A_727 {
          %gt3A_744 = arith.constant 0 : i32
          %gt3A_745 = arith.cmpi sgt, %scan3A_156, %gt3A_744 : i32
          %ge3A = arith.constant 6 : i32
          %ge3A_746 = arith.cmpi sge, %add3A_722, %ge3A : i32
          %or3A = arith.ori %gt3A_745, %ge3A_746 : i1
          %convert_element_type3A_747 = arith.extui %or3A : i1 to i32
          %cond3A_748 = arith.constant 0 : i32
          %cond3A_749 = arith.cmpi ne, %convert_element_type3A_747, %cond3A_748 : i32
          scf.if %cond3A_749 {
            %dma_wait3A_888 = arith.constant 0 : i32
            %dma_wait3A_889 = arith.constant 0 : i32
            %dma_wait3A_890 = tpu.memref_slice %arg53[%dma_wait3A_888, %dma_wait3A_889] : memref<10000x64xf32, #tpu.memory_space<vmem_shared>> -> memref<10000x64xf32, #tpu.memory_space<vmem_shared>>
            tpu.wait_indirect_dma semaphore(%arg68 : memref<!tpu.dma_semaphore, #tpu.memory_space<semaphore_mem>>) src(%arg47 : memref<80x64xf32, #tpu.memory_space<vmem>>) dst(%dma_wait3A_890 : memref<10000x64xf32, #tpu.memory_space<vmem_shared>>)
            %dma_wait3A_891 = arith.constant 0 : i32
            %dma_wait3A_892 = arith.constant 0 : i32
            %dma_wait3A_893 = tpu.memref_slice %arg53[%dma_wait3A_891, %dma_wait3A_892] : memref<10000x64xf32, #tpu.memory_space<vmem_shared>> -> memref<10000x64xf32, #tpu.memory_space<vmem_shared>>
            tpu.wait_indirect_dma semaphore(%arg74 : memref<!tpu.dma_semaphore, #tpu.memory_space<semaphore_mem>>) src(%arg47 : memref<80x64xf32, #tpu.memory_space<vmem>>) dst(%dma_wait3A_893 : memref<10000x64xf32, #tpu.memory_space<vmem_shared>>)
          } else {
          }
          %mul3A_750 = arith.constant 80 : i32
          %mul3A_751 = arith.muli %add3A_722, %mul3A_750 : i32
          %add3A_752 = arith.constant 0 : i32
          %add3A_753 = arith.addi %mul3A_751, %add3A_752 : i32
          %get3A_754 = arith.index_cast %add3A_753 : i32 to index
          %get3A_755 = tpu.vector_load %arg7[%get3A_754] {strides = array<i32>} : memref<4000xi32, #tpu.memory_space<vmem>>, vector<16xi32>,
          %add3A_756 = arith.constant 0 : i32
          %add3A_757 = arith.addi %mul3A_751, %add3A_756 : i32
          %get3A_758 = arith.index_cast %add3A_757 : i32 to index
          %get3A_759 = tpu.vector_load %arg8[%get3A_758] {strides = array<i32>} : memref<4000xi32, #tpu.memory_space<vmem>>, vector<16xi32>,
          %swap3A_760 = arith.constant 0 : index
          %swap3A_761 = tpu.vector_load %arg11[%swap3A_760] {strides = array<i32>} : memref<80xi32, #tpu.memory_space<vmem>>, vector<16xi32>,
          tpu.vector_store %arg11[%swap3A_760], %get3A_755 {strides = array<i32>} : memref<80xi32, #tpu.memory_space<vmem>>, vector<16xi32>,
          %swap3A_762 = arith.constant 0 : index
          %swap3A_763 = tpu.vector_load %arg17[%swap3A_762] {strides = array<i32>} : memref<80xi32, #tpu.memory_space<vmem>>, vector<16xi32>,
          tpu.vector_store %arg17[%swap3A_762], %get3A_759 {strides = array<i32>} : memref<80xi32, #tpu.memory_space<vmem>>, vector<16xi32>,
          %mul3A_764 = arith.constant 2 : i32
          %mul3A_765 = vector.broadcast %mul3A_764 : i32 to vector<16xi32>
          %mul3A_766 = arith.muli %mul3A_765, %get3A_755 : vector<16xi32>
          %add3A_767 = vector.broadcast %arg0 : i32 to vector<16xi32>
          %add3A_768 = arith.addi %mul3A_766, %add3A_767 : vector<16xi32>
          %swap3A_769 = arith.constant 0 : index
          %swap3A_770 = tpu.vector_load %arg23[%swap3A_769] {strides = array<i32>} : memref<80xi32, #tpu.memory_space<vmem>>, vector<16xi32>,
          tpu.vector_store %arg23[%swap3A_769], %add3A_768 {strides = array<i32>} : memref<80xi32, #tpu.memory_space<vmem>>, vector<16xi32>,
          %mul3A_771 = arith.constant 2 : i32
          %mul3A_772 = vector.broadcast %mul3A_771 : i32 to vector<16xi32>
          %mul3A_773 = arith.muli %mul3A_772, %get3A_759 : vector<16xi32>
          %add3A_774 = vector.broadcast %arg0 : i32 to vector<16xi32>
          %add3A_775 = arith.addi %mul3A_773, %add3A_774 : vector<16xi32>
          %swap3A_776 = arith.constant 0 : index
          %swap3A_777 = tpu.vector_load %arg29[%swap3A_776] {strides = array<i32>} : memref<80xi32, #tpu.memory_space<vmem>>, vector<16xi32>,
          tpu.vector_store %arg29[%swap3A_776], %add3A_775 {strides = array<i32>} : memref<80xi32, #tpu.memory_space<vmem>>, vector<16xi32>,
          %add3A_778 = arith.constant 16 : i32
          %add3A_779 = arith.addi %mul3A_751, %add3A_778 : i32
          %get3A_780 = arith.index_cast %add3A_779 : i32 to index
          %get3A_781 = tpu.vector_load %arg7[%get3A_780] {strides = array<i32>} : memref<4000xi32, #tpu.memory_space<vmem>>, vector<16xi32>,
          %add3A_782 = arith.constant 16 : i32
          %add3A_783 = arith.addi %mul3A_751, %add3A_782 : i32
          %get3A_784 = arith.index_cast %add3A_783 : i32 to index
          %get3A_785 = tpu.vector_load %arg8[%get3A_784] {strides = array<i32>} : memref<4000xi32, #tpu.memory_space<vmem>>, vector<16xi32>,
          %swap3A_786 = arith.constant 16 : index
          %swap3A_787 = tpu.vector_load %arg11[%swap3A_786] {strides = array<i32>} : memref<80xi32, #tpu.memory_space<vmem>>, vector<16xi32>,
          tpu.vector_store %arg11[%swap3A_786], %get3A_781 {strides = array<i32>} : memref<80xi32, #tpu.memory_space<vmem>>, vector<16xi32>,
          %swap3A_788 = arith.constant 16 : index
          %swap3A_789 = tpu.vector_load %arg17[%swap3A_788] {strides = array<i32>} : memref<80xi32, #tpu.memory_space<vmem>>, vector<16xi32>,
          tpu.vector_store %arg17[%swap3A_788], %get3A_785 {strides = array<i32>} : memref<80xi32, #tpu.memory_space<vmem>>, vector<16xi32>,
          %mul3A_790 = arith.constant 2 : i32
          %mul3A_791 = vector.broadcast %mul3A_790 : i32 to vector<16xi32>
          %mul3A_792 = arith.muli %mul3A_791, %get3A_781 : vector<16xi32>
          %add3A_793 = vector.broadcast %arg0 : i32 to vector<16xi32>
          %add3A_794 = arith.addi %mul3A_792, %add3A_793 : vector<16xi32>
          %swap3A_795 = arith.constant 16 : index
          %swap3A_796 = tpu.vector_load %arg23[%swap3A_795] {strides = array<i32>} : memref<80xi32, #tpu.memory_space<vmem>>, vector<16xi32>,
          tpu.vector_store %arg23[%swap3A_795], %add3A_794 {strides = array<i32>} : memref<80xi32, #tpu.memory_space<vmem>>, vector<16xi32>,
          %mul3A_797 = arith.constant 2 : i32
          %mul3A_798 = vector.broadcast %mul3A_797 : i32 to vector<16xi32>
          %mul3A_799 = arith.muli %mul3A_798, %get3A_785 : vector<16xi32>
          %add3A_800 = vector.broadcast %arg0 : i32 to vector<16xi32>
          %add3A_801 = arith.addi %mul3A_799, %add3A_800 : vector<16xi32>
          %swap3A_802 = arith.constant 16 : index
          %swap3A_803 = tpu.vector_load %arg29[%swap3A_802] {strides = array<i32>} : memref<80xi32, #tpu.memory_space<vmem>>, vector<16xi32>,
          tpu.vector_store %arg29[%swap3A_802], %add3A_801 {strides = array<i32>} : memref<80xi32, #tpu.memory_space<vmem>>, vector<16xi32>,
          %add3A_804 = arith.constant 32 : i32
          %add3A_805 = arith.addi %mul3A_751, %add3A_804 : i32
          %get3A_806 = arith.index_cast %add3A_805 : i32 to index
          %get3A_807 = tpu.vector_load %arg7[%get3A_806] {strides = array<i32>} : memref<4000xi32, #tpu.memory_space<vmem>>, vector<16xi32>,
          %add3A_808 = arith.constant 32 : i32
          %add3A_809 = arith.addi %mul3A_751, %add3A_808 : i32
          %get3A_810 = arith.index_cast %add3A_809 : i32 to index
          %get3A_811 = tpu.vector_load %arg8[%get3A_810] {strides = array<i32>} : memref<4000xi32, #tpu.memory_space<vmem>>, vector<16xi32>,
          %swap3A_812 = arith.constant 32 : index
          %swap3A_813 = tpu.vector_load %arg11[%swap3A_812] {strides = array<i32>} : memref<80xi32, #tpu.memory_space<vmem>>, vector<16xi32>,
          tpu.vector_store %arg11[%swap3A_812], %get3A_807 {strides = array<i32>} : memref<80xi32, #tpu.memory_space<vmem>>, vector<16xi32>,
          %swap3A_814 = arith.constant 32 : index
          %swap3A_815 = tpu.vector_load %arg17[%swap3A_814] {strides = array<i32>} : memref<80xi32, #tpu.memory_space<vmem>>, vector<16xi32>,
          tpu.vector_store %arg17[%swap3A_814], %get3A_811 {strides = array<i32>} : memref<80xi32, #tpu.memory_space<vmem>>, vector<16xi32>,
          %mul3A_816 = arith.constant 2 : i32
          %mul3A_817 = vector.broadcast %mul3A_816 : i32 to vector<16xi32>
          %mul3A_818 = arith.muli %mul3A_817, %get3A_807 : vector<16xi32>
          %add3A_819 = vector.broadcast %arg0 : i32 to vector<16xi32>
          %add3A_820 = arith.addi %mul3A_818, %add3A_819 : vector<16xi32>
          %swap3A_821 = arith.constant 32 : index
          %swap3A_822 = tpu.vector_load %arg23[%swap3A_821] {strides = array<i32>} : memref<80xi32, #tpu.memory_space<vmem>>, vector<16xi32>,
          tpu.vector_store %arg23[%swap3A_821], %add3A_820 {strides = array<i32>} : memref<80xi32, #tpu.memory_space<vmem>>, vector<16xi32>,
          %mul3A_823 = arith.constant 2 : i32
          %mul3A_824 = vector.broadcast %mul3A_823 : i32 to vector<16xi32>
          %mul3A_825 = arith.muli %mul3A_824, %get3A_811 : vector<16xi32>
          %add3A_826 = vector.broadcast %arg0 : i32 to vector<16xi32>
          %add3A_827 = arith.addi %mul3A_825, %add3A_826 : vector<16xi32>
          %swap3A_828 = arith.constant 32 : index
          %swap3A_829 = tpu.vector_load %arg29[%swap3A_828] {strides = array<i32>} : memref<80xi32, #tpu.memory_space<vmem>>, vector<16xi32>,
          tpu.vector_store %arg29[%swap3A_828], %add3A_827 {strides = array<i32>} : memref<80xi32, #tpu.memory_space<vmem>>, vector<16xi32>,
          %add3A_830 = arith.constant 48 : i32
          %add3A_831 = arith.addi %mul3A_751, %add3A_830 : i32
          %get3A_832 = arith.index_cast %add3A_831 : i32 to index
          %get3A_833 = tpu.vector_load %arg7[%get3A_832] {strides = array<i32>} : memref<4000xi32, #tpu.memory_space<vmem>>, vector<16xi32>,
          %add3A_834 = arith.constant 48 : i32
          %add3A_835 = arith.addi %mul3A_751, %add3A_834 : i32
          %get3A_836 = arith.index_cast %add3A_835 : i32 to index
          %get3A_837 = tpu.vector_load %arg8[%get3A_836] {strides = array<i32>} : memref<4000xi32, #tpu.memory_space<vmem>>, vector<16xi32>,
          %swap3A_838 = arith.constant 48 : index
          %swap3A_839 = tpu.vector_load %arg11[%swap3A_838] {strides = array<i32>} : memref<80xi32, #tpu.memory_space<vmem>>, vector<16xi32>,
          tpu.vector_store %arg11[%swap3A_838], %get3A_833 {strides = array<i32>} : memref<80xi32, #tpu.memory_space<vmem>>, vector<16xi32>,
          %swap3A_840 = arith.constant 48 : index
          %swap3A_841 = tpu.vector_load %arg17[%swap3A_840] {strides = array<i32>} : memref<80xi32, #tpu.memory_space<vmem>>, vector<16xi32>,
          tpu.vector_store %arg17[%swap3A_840], %get3A_837 {strides = array<i32>} : memref<80xi32, #tpu.memory_space<vmem>>, vector<16xi32>,
          %mul3A_842 = arith.constant 2 : i32
          %mul3A_843 = vector.broadcast %mul3A_842 : i32 to vector<16xi32>
          %mul3A_844 = arith.muli %mul3A_843, %get3A_833 : vector<16xi32>
          %add3A_845 = vector.broadcast %arg0 : i32 to vector<16xi32>
          %add3A_846 = arith.addi %mul3A_844, %add3A_845 : vector<16xi32>
          %swap3A_847 = arith.constant 48 : index
          %swap3A_848 = tpu.vector_load %arg23[%swap3A_847] {strides = array<i32>} : memref<80xi32, #tpu.memory_space<vmem>>, vector<16xi32>,
          tpu.vector_store %arg23[%swap3A_847], %add3A_846 {strides = array<i32>} : memref<80xi32, #tpu.memory_space<vmem>>, vector<16xi32>,
          %mul3A_849 = arith.constant 2 : i32
          %mul3A_850 = vector.broadcast %mul3A_849 : i32 to vector<16xi32>
          %mul3A_851 = arith.muli %mul3A_850, %get3A_837 : vector<16xi32>
          %add3A_852 = vector.broadcast %arg0 : i32 to vector<16xi32>
          %add3A_853 = arith.addi %mul3A_851, %add3A_852 : vector<16xi32>
          %swap3A_854 = arith.constant 48 : index
          %swap3A_855 = tpu.vector_load %arg29[%swap3A_854] {strides = array<i32>} : memref<80xi32, #tpu.memory_space<vmem>>, vector<16xi32>,
          tpu.vector_store %arg29[%swap3A_854], %add3A_853 {strides = array<i32>} : memref<80xi32, #tpu.memory_space<vmem>>, vector<16xi32>,
          %add3A_856 = arith.constant 64 : i32
          %add3A_857 = arith.addi %mul3A_751, %add3A_856 : i32
          %get3A_858 = arith.index_cast %add3A_857 : i32 to index
          %get3A_859 = tpu.vector_load %arg7[%get3A_858] {strides = array<i32>} : memref<4000xi32, #tpu.memory_space<vmem>>, vector<16xi32>,
          %add3A_860 = arith.constant 64 : i32
          %add3A_861 = arith.addi %mul3A_751, %add3A_860 : i32
          %get3A_862 = arith.index_cast %add3A_861 : i32 to index
          %get3A_863 = tpu.vector_load %arg8[%get3A_862] {strides = array<i32>} : memref<4000xi32, #tpu.memory_space<vmem>>, vector<16xi32>,
          %swap3A_864 = arith.constant 64 : index
          %swap3A_865 = tpu.vector_load %arg11[%swap3A_864] {strides = array<i32>} : memref<80xi32, #tpu.memory_space<vmem>>, vector<16xi32>,
          tpu.vector_store %arg11[%swap3A_864], %get3A_859 {strides = array<i32>} : memref<80xi32, #tpu.memory_space<vmem>>, vector<16xi32>,
          %swap3A_866 = arith.constant 64 : index
          %swap3A_867 = tpu.vector_load %arg17[%swap3A_866] {strides = array<i32>} : memref<80xi32, #tpu.memory_space<vmem>>, vector<16xi32>,
          tpu.vector_store %arg17[%swap3A_866], %get3A_863 {strides = array<i32>} : memref<80xi32, #tpu.memory_space<vmem>>, vector<16xi32>,
          %mul3A_868 = arith.constant 2 : i32
          %mul3A_869 = vector.broadcast %mul3A_868 : i32 to vector<16xi32>
          %mul3A_870 = arith.muli %mul3A_869, %get3A_859 : vector<16xi32>
          %add3A_871 = vector.broadcast %arg0 : i32 to vector<16xi32>
          %add3A_872 = arith.addi %mul3A_870, %add3A_871 : vector<16xi32>
          %swap3A_873 = arith.constant 64 : index
          %swap3A_874 = tpu.vector_load %arg23[%swap3A_873] {strides = array<i32>} : memref<80xi32, #tpu.memory_space<vmem>>, vector<16xi32>,
          tpu.vector_store %arg23[%swap3A_873], %add3A_872 {strides = array<i32>} : memref<80xi32, #tpu.memory_space<vmem>>, vector<16xi32>,
          %mul3A_875 = arith.constant 2 : i32
          %mul3A_876 = vector.broadcast %mul3A_875 : i32 to vector<16xi32>
          %mul3A_877 = arith.muli %mul3A_876, %get3A_863 : vector<16xi32>
          %add3A_878 = vector.broadcast %arg0 : i32 to vector<16xi32>
          %add3A_879 = arith.addi %mul3A_877, %add3A_878 : vector<16xi32>
          %swap3A_880 = arith.constant 64 : index
          %swap3A_881 = tpu.vector_load %arg29[%swap3A_880] {strides = array<i32>} : memref<80xi32, #tpu.memory_space<vmem>>, vector<16xi32>,
          tpu.vector_store %arg29[%swap3A_880], %add3A_879 {strides = array<i32>} : memref<80xi32, #tpu.memory_space<vmem>>, vector<16xi32>,
          %dma_start3A_882 = arith.constant 0 : i32
          %dma_start3A_883 = arith.constant 0 : i32
          %dma_start3A_884 = tpu.memref_slice %arg2[%dma_start3A_882, %dma_start3A_883] : memref<20000x64xbf16, #tpu.memory_space<hbm>> -> memref<20000x64xbf16, #tpu.memory_space<hbm>>
          tpu.enqueue_indirect_dma source(%dma_start3A_884 : memref<20000x64xbf16, #tpu.memory_space<hbm>>) target(%arg35 : memref<80x64xbf16, #tpu.memory_space<vmem>>) offsets(%arg23 : memref<80xi32, #tpu.memory_space<vmem>>) semaphore(%arg56 : memref<!tpu.dma_semaphore, #tpu.memory_space<semaphore_mem>>)
          %dma_start3A_885 = arith.constant 0 : i32
          %dma_start3A_886 = arith.constant 0 : i32
          %dma_start3A_887 = tpu.memref_slice %arg2[%dma_start3A_885, %dma_start3A_886] : memref<20000x64xbf16, #tpu.memory_space<hbm>> -> memref<20000x64xbf16, #tpu.memory_space<hbm>>
          tpu.enqueue_indirect_dma source(%dma_start3A_887 : memref<20000x64xbf16, #tpu.memory_space<hbm>>) target(%arg41 : memref<80x64xbf16, #tpu.memory_space<vmem>>) offsets(%arg29 : memref<80xi32, #tpu.memory_space<vmem>>) semaphore(%arg62 : memref<!tpu.dma_semaphore, #tpu.memory_space<semaphore_mem>>)
        } else {
        }
        %mul3A_728 = arith.constant 6 : i32
        %mul3A_729 = arith.muli %mul3A_728, %scan3A_647 : i32
        %add3A_730 = arith.constant 5 : i32
        %add3A_731 = arith.addi %mul3A_729, %add3A_730 : i32
        %lt3A_732 = arith.constant 50 : i32
        %lt3A_733 = arith.cmpi slt, %add3A_731, %lt3A_732 : i32
        %convert_element_type3A_734 = arith.extui %lt3A_733 : i1 to i32
        %cond3A_735 = arith.constant 0 : i32
        %cond3A_736 = arith.cmpi ne, %convert_element_type3A_734, %cond3A_735 : i32
        scf.if %cond3A_736 {
          %dma_wait3A_744 = arith.constant 0 : i32
          %dma_wait3A_745 = arith.constant 0 : i32
          %dma_wait3A_746 = tpu.memref_slice %arg2[%dma_wait3A_744, %dma_wait3A_745] : memref<20000x64xbf16, #tpu.memory_space<hbm>> -> memref<20000x64xbf16, #tpu.memory_space<hbm>>
          tpu.wait_indirect_dma semaphore(%arg59 : memref<!tpu.dma_semaphore, #tpu.memory_space<semaphore_mem>>) src(%dma_wait3A_746 : memref<20000x64xbf16, #tpu.memory_space<hbm>>) dst(%arg38 : memref<80x64xbf16, #tpu.memory_space<vmem>>)
          %dma_wait3A_747 = arith.constant 0 : i32
          %dma_wait3A_748 = arith.constant 0 : i32
          %dma_wait3A_749 = tpu.memref_slice %arg2[%dma_wait3A_747, %dma_wait3A_748] : memref<20000x64xbf16, #tpu.memory_space<hbm>> -> memref<20000x64xbf16, #tpu.memory_space<hbm>>
          tpu.wait_indirect_dma semaphore(%arg65 : memref<!tpu.dma_semaphore, #tpu.memory_space<semaphore_mem>>) src(%dma_wait3A_749 : memref<20000x64xbf16, #tpu.memory_space<hbm>>) dst(%arg44 : memref<80x64xbf16, #tpu.memory_space<vmem>>)
          %scan3A_750 = arith.constant 0 : i32
          %scan3A_751 = arith.constant 0 : i32
          %scan3A_752 = arith.constant 20 : i32
          %scan3A_753 = arith.addi %scan3A_751, %scan3A_752 : i32
          %scan3A_754 = arith.constant 1 : i32
          scf.for %scan3A_762 = %scan3A_751 to %scan3A_753 step %scan3A_754  : i32 {
            %mul3A_763 = arith.constant 4 : i32
            %mul3A_764 = arith.muli %scan3A_762, %mul3A_763 : i32
            %add3A_765 = arith.constant 0 : i32
            %add3A_766 = arith.addi %mul3A_764, %add3A_765 : i32
            %get3A_767 = arith.index_cast %add3A_766 : i32 to index
            %get3A_768 = arith.constant 0 : index
            %get3A_769 = tpu.vector_load %arg38[%get3A_767, %get3A_768] {strides = array<i32>} : memref<80x64xbf16, #tpu.memory_space<vmem>>, vector<32xbf16>,
            %add3A_770 = arith.constant 0 : i32
            %add3A_771 = arith.addi %mul3A_764, %add3A_770 : i32
            %get3A_772 = arith.index_cast %add3A_771 : i32 to index
            %get3A_773 = arith.constant 0 : index
            %get3A_774 = tpu.vector_load %arg44[%get3A_772, %get3A_773] {strides = array<i32>} : memref<80x64xbf16, #tpu.memory_space<vmem>>, vector<32xbf16>,
            %add3A_775 = arith.addf %get3A_769, %get3A_774 : vector<32xbf16>
            %bitcast3A = vector.bitcast %add3A_775 : vector<32xbf16> to vector<16xi32>
            %shift_left3A = arith.constant 16 : i32
            %shift_left3A_776 = vector.broadcast %shift_left3A : i32 to vector<16xi32>
            %shift_left3A_777 = arith.shli %bitcast3A, %shift_left3A_776 : vector<16xi32>
            %bitcast3A_778 = vector.bitcast %shift_left3A_777 : vector<16xi32> to vector<16xf32>
            %and3A = arith.constant -65536 : i32
            %and3A_779 = vector.broadcast %and3A : i32 to vector<16xi32>
            %and3A_780 = arith.andi %bitcast3A, %and3A_779 : vector<16xi32>
            %bitcast3A_781 = vector.bitcast %and3A_780 : vector<16xi32> to vector<16xf32>
            %add3A_782 = arith.constant 0 : i32
            %add3A_783 = arith.addi %mul3A_764, %add3A_782 : i32
            %swap3A_784 = arith.index_cast %add3A_783 : i32 to index
            %swap3A_785 = arith.constant 0 : index
            %swap3A_786 = tpu.vector_load %arg50[%swap3A_784, %swap3A_785] {strides = array<i32>} : memref<80x64xf32, #tpu.memory_space<vmem>>, vector<16xf32>,
            tpu.vector_store %arg50[%swap3A_784, %swap3A_785], %bitcast3A_778 {strides = array<i32>} : memref<80x64xf32, #tpu.memory_space<vmem>>, vector<16xf32>,
            %add3A_787 = arith.constant 0 : i32
            %add3A_788 = arith.addi %mul3A_764, %add3A_787 : i32
            %swap3A_789 = arith.index_cast %add3A_788 : i32 to index
            %swap3A_790 = arith.constant 16 : index
            %swap3A_791 = tpu.vector_load %arg50[%swap3A_789, %swap3A_790] {strides = array<i32>} : memref<80x64xf32, #tpu.memory_space<vmem>>, vector<16xf32>,
            tpu.vector_store %arg50[%swap3A_789, %swap3A_790], %bitcast3A_781 {strides = array<i32>} : memref<80x64xf32, #tpu.memory_space<vmem>>, vector<16xf32>,
            %add3A_792 = arith.constant 0 : i32
            %add3A_793 = arith.addi %mul3A_764, %add3A_792 : i32
            %get3A_794 = arith.index_cast %add3A_793 : i32 to index
            %get3A_795 = arith.constant 32 : index
            %get3A_796 = tpu.vector_load %arg38[%get3A_794, %get3A_795] {strides = array<i32>} : memref<80x64xbf16, #tpu.memory_space<vmem>>, vector<32xbf16>,
            %add3A_797 = arith.constant 0 : i32
            %add3A_798 = arith.addi %mul3A_764, %add3A_797 : i32
            %get3A_799 = arith.index_cast %add3A_798 : i32 to index
            %get3A_800 = arith.constant 32 : index
            %get3A_801 = tpu.vector_load %arg44[%get3A_799, %get3A_800] {strides = array<i32>} : memref<80x64xbf16, #tpu.memory_space<vmem>>, vector<32xbf16>,
            %add3A_802 = arith.addf %get3A_796, %get3A_801 : vector<32xbf16>
            %bitcast3A_803 = vector.bitcast %add3A_802 : vector<32xbf16> to vector<16xi32>
            %shift_left3A_804 = arith.constant 16 : i32
            %shift_left3A_805 = vector.broadcast %shift_left3A_804 : i32 to vector<16xi32>
            %shift_left3A_806 = arith.shli %bitcast3A_803, %shift_left3A_805 : vector<16xi32>
            %bitcast3A_807 = vector.bitcast %shift_left3A_806 : vector<16xi32> to vector<16xf32>
            %and3A_808 = arith.constant -65536 : i32
            %and3A_809 = vector.broadcast %and3A_808 : i32 to vector<16xi32>
            %and3A_810 = arith.andi %bitcast3A_803, %and3A_809 : vector<16xi32>
            %bitcast3A_811 = vector.bitcast %and3A_810 : vector<16xi32> to vector<16xf32>
            %add3A_812 = arith.constant 0 : i32
            %add3A_813 = arith.addi %mul3A_764, %add3A_812 : i32
            %swap3A_814 = arith.index_cast %add3A_813 : i32 to index
            %swap3A_815 = arith.constant 32 : index
            %swap3A_816 = tpu.vector_load %arg50[%swap3A_814, %swap3A_815] {strides = array<i32>} : memref<80x64xf32, #tpu.memory_space<vmem>>, vector<16xf32>,
            tpu.vector_store %arg50[%swap3A_814, %swap3A_815], %bitcast3A_807 {strides = array<i32>} : memref<80x64xf32, #tpu.memory_space<vmem>>, vector<16xf32>,
            %add3A_817 = arith.constant 0 : i32
            %add3A_818 = arith.addi %mul3A_764, %add3A_817 : i32
            %swap3A_819 = arith.index_cast %add3A_818 : i32 to index
            %swap3A_820 = arith.constant 48 : index
            %swap3A_821 = tpu.vector_load %arg50[%swap3A_819, %swap3A_820] {strides = array<i32>} : memref<80x64xf32, #tpu.memory_space<vmem>>, vector<16xf32>,
            tpu.vector_store %arg50[%swap3A_819, %swap3A_820], %bitcast3A_811 {strides = array<i32>} : memref<80x64xf32, #tpu.memory_space<vmem>>, vector<16xf32>,
            %add3A_822 = arith.constant 1 : i32
            %add3A_823 = arith.addi %mul3A_764, %add3A_822 : i32
            %get3A_824 = arith.index_cast %add3A_823 : i32 to index
            %get3A_825 = arith.constant 0 : index
            %get3A_826 = tpu.vector_load %arg38[%get3A_824, %get3A_825] {strides = array<i32>} : memref<80x64xbf16, #tpu.memory_space<vmem>>, vector<32xbf16>,
            %add3A_827 = arith.constant 1 : i32
            %add3A_828 = arith.addi %mul3A_764, %add3A_827 : i32
            %get3A_829 = arith.index_cast %add3A_828 : i32 to index
            %get3A_830 = arith.constant 0 : index
            %get3A_831 = tpu.vector_load %arg44[%get3A_829, %get3A_830] {strides = array<i32>} : memref<80x64xbf16, #tpu.memory_space<vmem>>, vector<32xbf16>,
            %add3A_832 = arith.addf %get3A_826, %get3A_831 : vector<32xbf16>
            %bitcast3A_833 = vector.bitcast %add3A_832 : vector<32xbf16> to vector<16xi32>
            %shift_left3A_834 = arith.constant 16 : i32
            %shift_left3A_835 = vector.broadcast %shift_left3A_834 : i32 to vector<16xi32>
            %shift_left3A_836 = arith.shli %bitcast3A_833, %shift_left3A_835 : vector<16xi32>
            %bitcast3A_837 = vector.bitcast %shift_left3A_836 : vector<16xi32> to vector<16xf32>
            %and3A_838 = arith.constant -65536 : i32
            %and3A_839 = vector.broadcast %and3A_838 : i32 to vector<16xi32>
            %and3A_840 = arith.andi %bitcast3A_833, %and3A_839 : vector<16xi32>
            %bitcast3A_841 = vector.bitcast %and3A_840 : vector<16xi32> to vector<16xf32>
            %add3A_842 = arith.constant 1 : i32
            %add3A_843 = arith.addi %mul3A_764, %add3A_842 : i32
            %swap3A_844 = arith.index_cast %add3A_843 : i32 to index
            %swap3A_845 = arith.constant 0 : index
            %swap3A_846 = tpu.vector_load %arg50[%swap3A_844, %swap3A_845] {strides = array<i32>} : memref<80x64xf32, #tpu.memory_space<vmem>>, vector<16xf32>,
            tpu.vector_store %arg50[%swap3A_844, %swap3A_845], %bitcast3A_837 {strides = array<i32>} : memref<80x64xf32, #tpu.memory_space<vmem>>, vector<16xf32>,
            %add3A_847 = arith.constant 1 : i32
            %add3A_848 = arith.addi %mul3A_764, %add3A_847 : i32
            %swap3A_849 = arith.index_cast %add3A_848 : i32 to index
            %swap3A_850 = arith.constant 16 : index
            %swap3A_851 = tpu.vector_load %arg50[%swap3A_849, %swap3A_850] {strides = array<i32>} : memref<80x64xf32, #tpu.memory_space<vmem>>, vector<16xf32>,
            tpu.vector_store %arg50[%swap3A_849, %swap3A_850], %bitcast3A_841 {strides = array<i32>} : memref<80x64xf32, #tpu.memory_space<vmem>>, vector<16xf32>,
            %add3A_852 = arith.constant 1 : i32
            %add3A_853 = arith.addi %mul3A_764, %add3A_852 : i32
            %get3A_854 = arith.index_cast %add3A_853 : i32 to index
            %get3A_855 = arith.constant 32 : index
            %get3A_856 = tpu.vector_load %arg38[%get3A_854, %get3A_855] {strides = array<i32>} : memref<80x64xbf16, #tpu.memory_space<vmem>>, vector<32xbf16>,
            %add3A_857 = arith.constant 1 : i32
            %add3A_858 = arith.addi %mul3A_764, %add3A_857 : i32
            %get3A_859 = arith.index_cast %add3A_858 : i32 to index
            %get3A_860 = arith.constant 32 : index
            %get3A_861 = tpu.vector_load %arg44[%get3A_859, %get3A_860] {strides = array<i32>} : memref<80x64xbf16, #tpu.memory_space<vmem>>, vector<32xbf16>,
            %add3A_862 = arith.addf %get3A_856, %get3A_861 : vector<32xbf16>
            %bitcast3A_863 = vector.bitcast %add3A_862 : vector<32xbf16> to vector<16xi32>
            %shift_left3A_864 = arith.constant 16 : i32
            %shift_left3A_865 = vector.broadcast %shift_left3A_864 : i32 to vector<16xi32>
            %shift_left3A_866 = arith.shli %bitcast3A_863, %shift_left3A_865 : vector<16xi32>
            %bitcast3A_867 = vector.bitcast %shift_left3A_866 : vector<16xi32> to vector<16xf32>
            %and3A_868 = arith.constant -65536 : i32
            %and3A_869 = vector.broadcast %and3A_868 : i32 to vector<16xi32>
            %and3A_870 = arith.andi %bitcast3A_863, %and3A_869 : vector<16xi32>
            %bitcast3A_871 = vector.bitcast %and3A_870 : vector<16xi32> to vector<16xf32>
            %add3A_872 = arith.constant 1 : i32
            %add3A_873 = arith.addi %mul3A_764, %add3A_872 : i32
            %swap3A_874 = arith.index_cast %add3A_873 : i32 to index
            %swap3A_875 = arith.constant 32 : index
            %swap3A_876 = tpu.vector_load %arg50[%swap3A_874, %swap3A_875] {strides = array<i32>} : memref<80x64xf32, #tpu.memory_space<vmem>>, vector<16xf32>,
            tpu.vector_store %arg50[%swap3A_874, %swap3A_875], %bitcast3A_867 {strides = array<i32>} : memref<80x64xf32, #tpu.memory_space<vmem>>, vector<16xf32>,
            %add3A_877 = arith.constant 1 : i32
            %add3A_878 = arith.addi %mul3A_764, %add3A_877 : i32
            %swap3A_879 = arith.index_cast %add3A_878 : i32 to index
            %swap3A_880 = arith.constant 48 : index
            %swap3A_881 = tpu.vector_load %arg50[%swap3A_879, %swap3A_880] {strides = array<i32>} : memref<80x64xf32, #tpu.memory_space<vmem>>, vector<16xf32>,
            tpu.vector_store %arg50[%swap3A_879, %swap3A_880], %bitcast3A_871 {strides = array<i32>} : memref<80x64xf32, #tpu.memory_space<vmem>>, vector<16xf32>,
            %add3A_882 = arith.constant 2 : i32
            %add3A_883 = arith.addi %mul3A_764, %add3A_882 : i32
            %get3A_884 = arith.index_cast %add3A_883 : i32 to index
            %get3A_885 = arith.constant 0 : index
            %get3A_886 = tpu.vector_load %arg38[%get3A_884, %get3A_885] {strides = array<i32>} : memref<80x64xbf16, #tpu.memory_space<vmem>>, vector<32xbf16>,
            %add3A_887 = arith.constant 2 : i32
            %add3A_888 = arith.addi %mul3A_764, %add3A_887 : i32
            %get3A_889 = arith.index_cast %add3A_888 : i32 to index
            %get3A_890 = arith.constant 0 : index
            %get3A_891 = tpu.vector_load %arg44[%get3A_889, %get3A_890] {strides = array<i32>} : memref<80x64xbf16, #tpu.memory_space<vmem>>, vector<32xbf16>,
            %add3A_892 = arith.addf %get3A_886, %get3A_891 : vector<32xbf16>
            %bitcast3A_893 = vector.bitcast %add3A_892 : vector<32xbf16> to vector<16xi32>
            %shift_left3A_894 = arith.constant 16 : i32
            %shift_left3A_895 = vector.broadcast %shift_left3A_894 : i32 to vector<16xi32>
            %shift_left3A_896 = arith.shli %bitcast3A_893, %shift_left3A_895 : vector<16xi32>
            %bitcast3A_897 = vector.bitcast %shift_left3A_896 : vector<16xi32> to vector<16xf32>
            %and3A_898 = arith.constant -65536 : i32
            %and3A_899 = vector.broadcast %and3A_898 : i32 to vector<16xi32>
            %and3A_900 = arith.andi %bitcast3A_893, %and3A_899 : vector<16xi32>
            %bitcast3A_901 = vector.bitcast %and3A_900 : vector<16xi32> to vector<16xf32>
            %add3A_902 = arith.constant 2 : i32
            %add3A_903 = arith.addi %mul3A_764, %add3A_902 : i32
            %swap3A_904 = arith.index_cast %add3A_903 : i32 to index
            %swap3A_905 = arith.constant 0 : index
            %swap3A_906 = tpu.vector_load %arg50[%swap3A_904, %swap3A_905] {strides = array<i32>} : memref<80x64xf32, #tpu.memory_space<vmem>>, vector<16xf32>,
            tpu.vector_store %arg50[%swap3A_904, %swap3A_905], %bitcast3A_897 {strides = array<i32>} : memref<80x64xf32, #tpu.memory_space<vmem>>, vector<16xf32>,
            %add3A_907 = arith.constant 2 : i32
            %add3A_908 = arith.addi %mul3A_764, %add3A_907 : i32
            %swap3A_909 = arith.index_cast %add3A_908 : i32 to index
            %swap3A_910 = arith.constant 16 : index
            %swap3A_911 = tpu.vector_load %arg50[%swap3A_909, %swap3A_910] {strides = array<i32>} : memref<80x64xf32, #tpu.memory_space<vmem>>, vector<16xf32>,
            tpu.vector_store %arg50[%swap3A_909, %swap3A_910], %bitcast3A_901 {strides = array<i32>} : memref<80x64xf32, #tpu.memory_space<vmem>>, vector<16xf32>,
            %add3A_912 = arith.constant 2 : i32
            %add3A_913 = arith.addi %mul3A_764, %add3A_912 : i32
            %get3A_914 = arith.index_cast %add3A_913 : i32 to index
            %get3A_915 = arith.constant 32 : index
            %get3A_916 = tpu.vector_load %arg38[%get3A_914, %get3A_915] {strides = array<i32>} : memref<80x64xbf16, #tpu.memory_space<vmem>>, vector<32xbf16>,
            %add3A_917 = arith.constant 2 : i32
            %add3A_918 = arith.addi %mul3A_764, %add3A_917 : i32
            %get3A_919 = arith.index_cast %add3A_918 : i32 to index
            %get3A_920 = arith.constant 32 : index
            %get3A_921 = tpu.vector_load %arg44[%get3A_919, %get3A_920] {strides = array<i32>} : memref<80x64xbf16, #tpu.memory_space<vmem>>, vector<32xbf16>,
            %add3A_922 = arith.addf %get3A_916, %get3A_921 : vector<32xbf16>
            %bitcast3A_923 = vector.bitcast %add3A_922 : vector<32xbf16> to vector<16xi32>
            %shift_left3A_924 = arith.constant 16 : i32
            %shift_left3A_925 = vector.broadcast %shift_left3A_924 : i32 to vector<16xi32>
            %shift_left3A_926 = arith.shli %bitcast3A_923, %shift_left3A_925 : vector<16xi32>
            %bitcast3A_927 = vector.bitcast %shift_left3A_926 : vector<16xi32> to vector<16xf32>
            %and3A_928 = arith.constant -65536 : i32
            %and3A_929 = vector.broadcast %and3A_928 : i32 to vector<16xi32>
            %and3A_930 = arith.andi %bitcast3A_923, %and3A_929 : vector<16xi32>
            %bitcast3A_931 = vector.bitcast %and3A_930 : vector<16xi32> to vector<16xf32>
            %add3A_932 = arith.constant 2 : i32
            %add3A_933 = arith.addi %mul3A_764, %add3A_932 : i32
            %swap3A_934 = arith.index_cast %add3A_933 : i32 to index
            %swap3A_935 = arith.constant 32 : index
            %swap3A_936 = tpu.vector_load %arg50[%swap3A_934, %swap3A_935] {strides = array<i32>} : memref<80x64xf32, #tpu.memory_space<vmem>>, vector<16xf32>,
            tpu.vector_store %arg50[%swap3A_934, %swap3A_935], %bitcast3A_927 {strides = array<i32>} : memref<80x64xf32, #tpu.memory_space<vmem>>, vector<16xf32>,
            %add3A_937 = arith.constant 2 : i32
            %add3A_938 = arith.addi %mul3A_764, %add3A_937 : i32
            %swap3A_939 = arith.index_cast %add3A_938 : i32 to index
            %swap3A_940 = arith.constant 48 : index
            %swap3A_941 = tpu.vector_load %arg50[%swap3A_939, %swap3A_940] {strides = array<i32>} : memref<80x64xf32, #tpu.memory_space<vmem>>, vector<16xf32>,
            tpu.vector_store %arg50[%swap3A_939, %swap3A_940], %bitcast3A_931 {strides = array<i32>} : memref<80x64xf32, #tpu.memory_space<vmem>>, vector<16xf32>,
            %add3A_942 = arith.constant 3 : i32
            %add3A_943 = arith.addi %mul3A_764, %add3A_942 : i32
            %get3A_944 = arith.index_cast %add3A_943 : i32 to index
            %get3A_945 = arith.constant 0 : index
            %get3A_946 = tpu.vector_load %arg38[%get3A_944, %get3A_945] {strides = array<i32>} : memref<80x64xbf16, #tpu.memory_space<vmem>>, vector<32xbf16>,
            %add3A_947 = arith.constant 3 : i32
            %add3A_948 = arith.addi %mul3A_764, %add3A_947 : i32
            %get3A_949 = arith.index_cast %add3A_948 : i32 to index
            %get3A_950 = arith.constant 0 : index
            %get3A_951 = tpu.vector_load %arg44[%get3A_949, %get3A_950] {strides = array<i32>} : memref<80x64xbf16, #tpu.memory_space<vmem>>, vector<32xbf16>,
            %add3A_952 = arith.addf %get3A_946, %get3A_951 : vector<32xbf16>
            %bitcast3A_953 = vector.bitcast %add3A_952 : vector<32xbf16> to vector<16xi32>
            %shift_left3A_954 = arith.constant 16 : i32
            %shift_left3A_955 = vector.broadcast %shift_left3A_954 : i32 to vector<16xi32>
            %shift_left3A_956 = arith.shli %bitcast3A_953, %shift_left3A_955 : vector<16xi32>
            %bitcast3A_957 = vector.bitcast %shift_left3A_956 : vector<16xi32> to vector<16xf32>
            %and3A_958 = arith.constant -65536 : i32
            %and3A_959 = vector.broadcast %and3A_958 : i32 to vector<16xi32>
            %and3A_960 = arith.andi %bitcast3A_953, %and3A_959 : vector<16xi32>
            %bitcast3A_961 = vector.bitcast %and3A_960 : vector<16xi32> to vector<16xf32>
            %add3A_962 = arith.constant 3 : i32
            %add3A_963 = arith.addi %mul3A_764, %add3A_962 : i32
            %swap3A_964 = arith.index_cast %add3A_963 : i32 to index
            %swap3A_965 = arith.constant 0 : index
            %swap3A_966 = tpu.vector_load %arg50[%swap3A_964, %swap3A_965] {strides = array<i32>} : memref<80x64xf32, #tpu.memory_space<vmem>>, vector<16xf32>,
            tpu.vector_store %arg50[%swap3A_964, %swap3A_965], %bitcast3A_957 {strides = array<i32>} : memref<80x64xf32, #tpu.memory_space<vmem>>, vector<16xf32>,
            %add3A_967 = arith.constant 3 : i32
            %add3A_968 = arith.addi %mul3A_764, %add3A_967 : i32
            %swap3A_969 = arith.index_cast %add3A_968 : i32 to index
            %swap3A_970 = arith.constant 16 : index
            %swap3A_971 = tpu.vector_load %arg50[%swap3A_969, %swap3A_970] {strides = array<i32>} : memref<80x64xf32, #tpu.memory_space<vmem>>, vector<16xf32>,
            tpu.vector_store %arg50[%swap3A_969, %swap3A_970], %bitcast3A_961 {strides = array<i32>} : memref<80x64xf32, #tpu.memory_space<vmem>>, vector<16xf32>,
            %add3A_972 = arith.constant 3 : i32
            %add3A_973 = arith.addi %mul3A_764, %add3A_972 : i32
            %get3A_974 = arith.index_cast %add3A_973 : i32 to index
            %get3A_975 = arith.constant 32 : index
            %get3A_976 = tpu.vector_load %arg38[%get3A_974, %get3A_975] {strides = array<i32>} : memref<80x64xbf16, #tpu.memory_space<vmem>>, vector<32xbf16>,
            %add3A_977 = arith.constant 3 : i32
            %add3A_978 = arith.addi %mul3A_764, %add3A_977 : i32
            %get3A_979 = arith.index_cast %add3A_978 : i32 to index
            %get3A_980 = arith.constant 32 : index
            %get3A_981 = tpu.vector_load %arg44[%get3A_979, %get3A_980] {strides = array<i32>} : memref<80x64xbf16, #tpu.memory_space<vmem>>, vector<32xbf16>,
            %add3A_982 = arith.addf %get3A_976, %get3A_981 : vector<32xbf16>
            %bitcast3A_983 = vector.bitcast %add3A_982 : vector<32xbf16> to vector<16xi32>
            %shift_left3A_984 = arith.constant 16 : i32
            %shift_left3A_985 = vector.broadcast %shift_left3A_984 : i32 to vector<16xi32>
            %shift_left3A_986 = arith.shli %bitcast3A_983, %shift_left3A_985 : vector<16xi32>
            %bitcast3A_987 = vector.bitcast %shift_left3A_986 : vector<16xi32> to vector<16xf32>
            %and3A_988 = arith.constant -65536 : i32
            %and3A_989 = vector.broadcast %and3A_988 : i32 to vector<16xi32>
            %and3A_990 = arith.andi %bitcast3A_983, %and3A_989 : vector<16xi32>
            %bitcast3A_991 = vector.bitcast %and3A_990 : vector<16xi32> to vector<16xf32>
            %add3A_992 = arith.constant 3 : i32
            %add3A_993 = arith.addi %mul3A_764, %add3A_992 : i32
            %swap3A_994 = arith.index_cast %add3A_993 : i32 to index
            %swap3A_995 = arith.constant 32 : index
            %swap3A_996 = tpu.vector_load %arg50[%swap3A_994, %swap3A_995] {strides = array<i32>} : memref<80x64xf32, #tpu.memory_space<vmem>>, vector<16xf32>,
            tpu.vector_store %arg50[%swap3A_994, %swap3A_995], %bitcast3A_987 {strides = array<i32>} : memref<80x64xf32, #tpu.memory_space<vmem>>, vector<16xf32>,
            %add3A_997 = arith.constant 3 : i32
            %add3A_998 = arith.addi %mul3A_764, %add3A_997 : i32
            %swap3A_999 = arith.index_cast %add3A_998 : i32 to index
            %swap3A_1000 = arith.constant 48 : index
            %swap3A_1001 = tpu.vector_load %arg50[%swap3A_999, %swap3A_1000] {strides = array<i32>} : memref<80x64xf32, #tpu.memory_space<vmem>>, vector<16xf32>,
            tpu.vector_store %arg50[%swap3A_999, %swap3A_1000], %bitcast3A_991 {strides = array<i32>} : memref<80x64xf32, #tpu.memory_space<vmem>>, vector<16xf32>,
          }
          %scan3A_755 = arith.constant 20 : i32
          %dma_start3A_756 = arith.constant 0 : i32
          %dma_start3A_757 = arith.constant 0 : i32
          %dma_start3A_758 = tpu.memref_slice %arg53[%dma_start3A_756, %dma_start3A_757] : memref<10000x64xf32, #tpu.memory_space<vmem_shared>> -> memref<10000x64xf32, #tpu.memory_space<vmem_shared>>
          tpu.enqueue_indirect_dma source(%arg50 : memref<80x64xf32, #tpu.memory_space<vmem>>) target(%dma_start3A_758 : memref<10000x64xf32, #tpu.memory_space<vmem_shared>>) offsets(%arg14 : memref<80xi32, #tpu.memory_space<vmem>>) semaphore(%arg71 : memref<!tpu.dma_semaphore, #tpu.memory_space<semaphore_mem>>) {add = true}
          %dma_start3A_759 = arith.constant 0 : i32
          %dma_start3A_760 = arith.constant 0 : i32
          %dma_start3A_761 = tpu.memref_slice %arg53[%dma_start3A_759, %dma_start3A_760] : memref<10000x64xf32, #tpu.memory_space<vmem_shared>> -> memref<10000x64xf32, #tpu.memory_space<vmem_shared>>
          tpu.enqueue_indirect_dma source(%arg50 : memref<80x64xf32, #tpu.memory_space<vmem>>) target(%dma_start3A_761 : memref<10000x64xf32, #tpu.memory_space<vmem_shared>>) offsets(%arg20 : memref<80xi32, #tpu.memory_space<vmem>>) semaphore(%arg77 : memref<!tpu.dma_semaphore, #tpu.memory_space<semaphore_mem>>) {add = true}
        } else {
        }
        %add3A_737 = arith.constant 4 : i32
        %add3A_738 = arith.addi %add3A_731, %add3A_737 : i32
        %lt3A_739 = arith.constant 50 : i32
        %lt3A_740 = arith.cmpi slt, %add3A_738, %lt3A_739 : i32
        %convert_element_type3A_741 = arith.extui %lt3A_740 : i1 to i32
        %cond3A_742 = arith.constant 0 : i32
        %cond3A_743 = arith.cmpi ne, %convert_element_type3A_741, %cond3A_742 : i32
        scf.if %cond3A_743 {
          %gt3A_744 = arith.constant 0 : i32
          %gt3A_745 = arith.cmpi sgt, %scan3A_156, %gt3A_744 : i32
          %ge3A = arith.constant 6 : i32
          %ge3A_746 = arith.cmpi sge, %add3A_738, %ge3A : i32
          %or3A = arith.ori %gt3A_745, %ge3A_746 : i1
          %convert_element_type3A_747 = arith.extui %or3A : i1 to i32
          %cond3A_748 = arith.constant 0 : i32
          %cond3A_749 = arith.cmpi ne, %convert_element_type3A_747, %cond3A_748 : i32
          scf.if %cond3A_749 {
            %dma_wait3A_888 = arith.constant 0 : i32
            %dma_wait3A_889 = arith.constant 0 : i32
            %dma_wait3A_890 = tpu.memref_slice %arg53[%dma_wait3A_888, %dma_wait3A_889] : memref<10000x64xf32, #tpu.memory_space<vmem_shared>> -> memref<10000x64xf32, #tpu.memory_space<vmem_shared>>
            tpu.wait_indirect_dma semaphore(%arg69 : memref<!tpu.dma_semaphore, #tpu.memory_space<semaphore_mem>>) src(%arg48 : memref<80x64xf32, #tpu.memory_space<vmem>>) dst(%dma_wait3A_890 : memref<10000x64xf32, #tpu.memory_space<vmem_shared>>)
            %dma_wait3A_891 = arith.constant 0 : i32
            %dma_wait3A_892 = arith.constant 0 : i32
            %dma_wait3A_893 = tpu.memref_slice %arg53[%dma_wait3A_891, %dma_wait3A_892] : memref<10000x64xf32, #tpu.memory_space<vmem_shared>> -> memref<10000x64xf32, #tpu.memory_space<vmem_shared>>
            tpu.wait_indirect_dma semaphore(%arg75 : memref<!tpu.dma_semaphore, #tpu.memory_space<semaphore_mem>>) src(%arg48 : memref<80x64xf32, #tpu.memory_space<vmem>>) dst(%dma_wait3A_893 : memref<10000x64xf32, #tpu.memory_space<vmem_shared>>)
          } else {
          }
          %mul3A_750 = arith.constant 80 : i32
          %mul3A_751 = arith.muli %add3A_738, %mul3A_750 : i32
          %add3A_752 = arith.constant 0 : i32
          %add3A_753 = arith.addi %mul3A_751, %add3A_752 : i32
          %get3A_754 = arith.index_cast %add3A_753 : i32 to index
          %get3A_755 = tpu.vector_load %arg7[%get3A_754] {strides = array<i32>} : memref<4000xi32, #tpu.memory_space<vmem>>, vector<16xi32>,
          %add3A_756 = arith.constant 0 : i32
          %add3A_757 = arith.addi %mul3A_751, %add3A_756 : i32
          %get3A_758 = arith.index_cast %add3A_757 : i32 to index
          %get3A_759 = tpu.vector_load %arg8[%get3A_758] {strides = array<i32>} : memref<4000xi32, #tpu.memory_space<vmem>>, vector<16xi32>,
          %swap3A_760 = arith.constant 0 : index
          %swap3A_761 = tpu.vector_load %arg12[%swap3A_760] {strides = array<i32>} : memref<80xi32, #tpu.memory_space<vmem>>, vector<16xi32>,
          tpu.vector_store %arg12[%swap3A_760], %get3A_755 {strides = array<i32>} : memref<80xi32, #tpu.memory_space<vmem>>, vector<16xi32>,
          %swap3A_762 = arith.constant 0 : index
          %swap3A_763 = tpu.vector_load %arg18[%swap3A_762] {strides = array<i32>} : memref<80xi32, #tpu.memory_space<vmem>>, vector<16xi32>,
          tpu.vector_store %arg18[%swap3A_762], %get3A_759 {strides = array<i32>} : memref<80xi32, #tpu.memory_space<vmem>>, vector<16xi32>,
          %mul3A_764 = arith.constant 2 : i32
          %mul3A_765 = vector.broadcast %mul3A_764 : i32 to vector<16xi32>
          %mul3A_766 = arith.muli %mul3A_765, %get3A_755 : vector<16xi32>
          %add3A_767 = vector.broadcast %arg0 : i32 to vector<16xi32>
          %add3A_768 = arith.addi %mul3A_766, %add3A_767 : vector<16xi32>
          %swap3A_769 = arith.constant 0 : index
          %swap3A_770 = tpu.vector_load %arg24[%swap3A_769] {strides = array<i32>} : memref<80xi32, #tpu.memory_space<vmem>>, vector<16xi32>,
          tpu.vector_store %arg24[%swap3A_769], %add3A_768 {strides = array<i32>} : memref<80xi32, #tpu.memory_space<vmem>>, vector<16xi32>,
          %mul3A_771 = arith.constant 2 : i32
          %mul3A_772 = vector.broadcast %mul3A_771 : i32 to vector<16xi32>
          %mul3A_773 = arith.muli %mul3A_772, %get3A_759 : vector<16xi32>
          %add3A_774 = vector.broadcast %arg0 : i32 to vector<16xi32>
          %add3A_775 = arith.addi %mul3A_773, %add3A_774 : vector<16xi32>
          %swap3A_776 = arith.constant 0 : index
          %swap3A_777 = tpu.vector_load %arg30[%swap3A_776] {strides = array<i32>} : memref<80xi32, #tpu.memory_space<vmem>>, vector<16xi32>,
          tpu.vector_store %arg30[%swap3A_776], %add3A_775 {strides = array<i32>} : memref<80xi32, #tpu.memory_space<vmem>>, vector<16xi32>,
          %add3A_778 = arith.constant 16 : i32
          %add3A_779 = arith.addi %mul3A_751, %add3A_778 : i32
          %get3A_780 = arith.index_cast %add3A_779 : i32 to index
          %get3A_781 = tpu.vector_load %arg7[%get3A_780] {strides = array<i32>} : memref<4000xi32, #tpu.memory_space<vmem>>, vector<16xi32>,
          %add3A_782 = arith.constant 16 : i32
          %add3A_783 = arith.addi %mul3A_751, %add3A_782 : i32
          %get3A_784 = arith.index_cast %add3A_783 : i32 to index
          %get3A_785 = tpu.vector_load %arg8[%get3A_784] {strides = array<i32>} : memref<4000xi32, #tpu.memory_space<vmem>>, vector<16xi32>,
          %swap3A_786 = arith.constant 16 : index
          %swap3A_787 = tpu.vector_load %arg12[%swap3A_786] {strides = array<i32>} : memref<80xi32, #tpu.memory_space<vmem>>, vector<16xi32>,
          tpu.vector_store %arg12[%swap3A_786], %get3A_781 {strides = array<i32>} : memref<80xi32, #tpu.memory_space<vmem>>, vector<16xi32>,
          %swap3A_788 = arith.constant 16 : index
          %swap3A_789 = tpu.vector_load %arg18[%swap3A_788] {strides = array<i32>} : memref<80xi32, #tpu.memory_space<vmem>>, vector<16xi32>,
          tpu.vector_store %arg18[%swap3A_788], %get3A_785 {strides = array<i32>} : memref<80xi32, #tpu.memory_space<vmem>>, vector<16xi32>,
          %mul3A_790 = arith.constant 2 : i32
          %mul3A_791 = vector.broadcast %mul3A_790 : i32 to vector<16xi32>
          %mul3A_792 = arith.muli %mul3A_791, %get3A_781 : vector<16xi32>
          %add3A_793 = vector.broadcast %arg0 : i32 to vector<16xi32>
          %add3A_794 = arith.addi %mul3A_792, %add3A_793 : vector<16xi32>
          %swap3A_795 = arith.constant 16 : index
          %swap3A_796 = tpu.vector_load %arg24[%swap3A_795] {strides = array<i32>} : memref<80xi32, #tpu.memory_space<vmem>>, vector<16xi32>,
          tpu.vector_store %arg24[%swap3A_795], %add3A_794 {strides = array<i32>} : memref<80xi32, #tpu.memory_space<vmem>>, vector<16xi32>,
          %mul3A_797 = arith.constant 2 : i32
          %mul3A_798 = vector.broadcast %mul3A_797 : i32 to vector<16xi32>
          %mul3A_799 = arith.muli %mul3A_798, %get3A_785 : vector<16xi32>
          %add3A_800 = vector.broadcast %arg0 : i32 to vector<16xi32>
          %add3A_801 = arith.addi %mul3A_799, %add3A_800 : vector<16xi32>
          %swap3A_802 = arith.constant 16 : index
          %swap3A_803 = tpu.vector_load %arg30[%swap3A_802] {strides = array<i32>} : memref<80xi32, #tpu.memory_space<vmem>>, vector<16xi32>,
          tpu.vector_store %arg30[%swap3A_802], %add3A_801 {strides = array<i32>} : memref<80xi32, #tpu.memory_space<vmem>>, vector<16xi32>,
          %add3A_804 = arith.constant 32 : i32
          %add3A_805 = arith.addi %mul3A_751, %add3A_804 : i32
          %get3A_806 = arith.index_cast %add3A_805 : i32 to index
          %get3A_807 = tpu.vector_load %arg7[%get3A_806] {strides = array<i32>} : memref<4000xi32, #tpu.memory_space<vmem>>, vector<16xi32>,
          %add3A_808 = arith.constant 32 : i32
          %add3A_809 = arith.addi %mul3A_751, %add3A_808 : i32
          %get3A_810 = arith.index_cast %add3A_809 : i32 to index
          %get3A_811 = tpu.vector_load %arg8[%get3A_810] {strides = array<i32>} : memref<4000xi32, #tpu.memory_space<vmem>>, vector<16xi32>,
          %swap3A_812 = arith.constant 32 : index
          %swap3A_813 = tpu.vector_load %arg12[%swap3A_812] {strides = array<i32>} : memref<80xi32, #tpu.memory_space<vmem>>, vector<16xi32>,
          tpu.vector_store %arg12[%swap3A_812], %get3A_807 {strides = array<i32>} : memref<80xi32, #tpu.memory_space<vmem>>, vector<16xi32>,
          %swap3A_814 = arith.constant 32 : index
          %swap3A_815 = tpu.vector_load %arg18[%swap3A_814] {strides = array<i32>} : memref<80xi32, #tpu.memory_space<vmem>>, vector<16xi32>,
          tpu.vector_store %arg18[%swap3A_814], %get3A_811 {strides = array<i32>} : memref<80xi32, #tpu.memory_space<vmem>>, vector<16xi32>,
          %mul3A_816 = arith.constant 2 : i32
          %mul3A_817 = vector.broadcast %mul3A_816 : i32 to vector<16xi32>
          %mul3A_818 = arith.muli %mul3A_817, %get3A_807 : vector<16xi32>
          %add3A_819 = vector.broadcast %arg0 : i32 to vector<16xi32>
          %add3A_820 = arith.addi %mul3A_818, %add3A_819 : vector<16xi32>
          %swap3A_821 = arith.constant 32 : index
          %swap3A_822 = tpu.vector_load %arg24[%swap3A_821] {strides = array<i32>} : memref<80xi32, #tpu.memory_space<vmem>>, vector<16xi32>,
          tpu.vector_store %arg24[%swap3A_821], %add3A_820 {strides = array<i32>} : memref<80xi32, #tpu.memory_space<vmem>>, vector<16xi32>,
          %mul3A_823 = arith.constant 2 : i32
          %mul3A_824 = vector.broadcast %mul3A_823 : i32 to vector<16xi32>
          %mul3A_825 = arith.muli %mul3A_824, %get3A_811 : vector<16xi32>
          %add3A_826 = vector.broadcast %arg0 : i32 to vector<16xi32>
          %add3A_827 = arith.addi %mul3A_825, %add3A_826 : vector<16xi32>
          %swap3A_828 = arith.constant 32 : index
          %swap3A_829 = tpu.vector_load %arg30[%swap3A_828] {strides = array<i32>} : memref<80xi32, #tpu.memory_space<vmem>>, vector<16xi32>,
          tpu.vector_store %arg30[%swap3A_828], %add3A_827 {strides = array<i32>} : memref<80xi32, #tpu.memory_space<vmem>>, vector<16xi32>,
          %add3A_830 = arith.constant 48 : i32
          %add3A_831 = arith.addi %mul3A_751, %add3A_830 : i32
          %get3A_832 = arith.index_cast %add3A_831 : i32 to index
          %get3A_833 = tpu.vector_load %arg7[%get3A_832] {strides = array<i32>} : memref<4000xi32, #tpu.memory_space<vmem>>, vector<16xi32>,
          %add3A_834 = arith.constant 48 : i32
          %add3A_835 = arith.addi %mul3A_751, %add3A_834 : i32
          %get3A_836 = arith.index_cast %add3A_835 : i32 to index
          %get3A_837 = tpu.vector_load %arg8[%get3A_836] {strides = array<i32>} : memref<4000xi32, #tpu.memory_space<vmem>>, vector<16xi32>,
          %swap3A_838 = arith.constant 48 : index
          %swap3A_839 = tpu.vector_load %arg12[%swap3A_838] {strides = array<i32>} : memref<80xi32, #tpu.memory_space<vmem>>, vector<16xi32>,
          tpu.vector_store %arg12[%swap3A_838], %get3A_833 {strides = array<i32>} : memref<80xi32, #tpu.memory_space<vmem>>, vector<16xi32>,
          %swap3A_840 = arith.constant 48 : index
          %swap3A_841 = tpu.vector_load %arg18[%swap3A_840] {strides = array<i32>} : memref<80xi32, #tpu.memory_space<vmem>>, vector<16xi32>,
          tpu.vector_store %arg18[%swap3A_840], %get3A_837 {strides = array<i32>} : memref<80xi32, #tpu.memory_space<vmem>>, vector<16xi32>,
          %mul3A_842 = arith.constant 2 : i32
          %mul3A_843 = vector.broadcast %mul3A_842 : i32 to vector<16xi32>
          %mul3A_844 = arith.muli %mul3A_843, %get3A_833 : vector<16xi32>
          %add3A_845 = vector.broadcast %arg0 : i32 to vector<16xi32>
          %add3A_846 = arith.addi %mul3A_844, %add3A_845 : vector<16xi32>
          %swap3A_847 = arith.constant 48 : index
          %swap3A_848 = tpu.vector_load %arg24[%swap3A_847] {strides = array<i32>} : memref<80xi32, #tpu.memory_space<vmem>>, vector<16xi32>,
          tpu.vector_store %arg24[%swap3A_847], %add3A_846 {strides = array<i32>} : memref<80xi32, #tpu.memory_space<vmem>>, vector<16xi32>,
          %mul3A_849 = arith.constant 2 : i32
          %mul3A_850 = vector.broadcast %mul3A_849 : i32 to vector<16xi32>
          %mul3A_851 = arith.muli %mul3A_850, %get3A_837 : vector<16xi32>
          %add3A_852 = vector.broadcast %arg0 : i32 to vector<16xi32>
          %add3A_853 = arith.addi %mul3A_851, %add3A_852 : vector<16xi32>
          %swap3A_854 = arith.constant 48 : index
          %swap3A_855 = tpu.vector_load %arg30[%swap3A_854] {strides = array<i32>} : memref<80xi32, #tpu.memory_space<vmem>>, vector<16xi32>,
          tpu.vector_store %arg30[%swap3A_854], %add3A_853 {strides = array<i32>} : memref<80xi32, #tpu.memory_space<vmem>>, vector<16xi32>,
          %add3A_856 = arith.constant 64 : i32
          %add3A_857 = arith.addi %mul3A_751, %add3A_856 : i32
          %get3A_858 = arith.index_cast %add3A_857 : i32 to index
          %get3A_859 = tpu.vector_load %arg7[%get3A_858] {strides = array<i32>} : memref<4000xi32, #tpu.memory_space<vmem>>, vector<16xi32>,
          %add3A_860 = arith.constant 64 : i32
          %add3A_861 = arith.addi %mul3A_751, %add3A_860 : i32
          %get3A_862 = arith.index_cast %add3A_861 : i32 to index
          %get3A_863 = tpu.vector_load %arg8[%get3A_862] {strides = array<i32>} : memref<4000xi32, #tpu.memory_space<vmem>>, vector<16xi32>,
          %swap3A_864 = arith.constant 64 : index
          %swap3A_865 = tpu.vector_load %arg12[%swap3A_864] {strides = array<i32>} : memref<80xi32, #tpu.memory_space<vmem>>, vector<16xi32>,
          tpu.vector_store %arg12[%swap3A_864], %get3A_859 {strides = array<i32>} : memref<80xi32, #tpu.memory_space<vmem>>, vector<16xi32>,
          %swap3A_866 = arith.constant 64 : index
          %swap3A_867 = tpu.vector_load %arg18[%swap3A_866] {strides = array<i32>} : memref<80xi32, #tpu.memory_space<vmem>>, vector<16xi32>,
          tpu.vector_store %arg18[%swap3A_866], %get3A_863 {strides = array<i32>} : memref<80xi32, #tpu.memory_space<vmem>>, vector<16xi32>,
          %mul3A_868 = arith.constant 2 : i32
          %mul3A_869 = vector.broadcast %mul3A_868 : i32 to vector<16xi32>
          %mul3A_870 = arith.muli %mul3A_869, %get3A_859 : vector<16xi32>
          %add3A_871 = vector.broadcast %arg0 : i32 to vector<16xi32>
          %add3A_872 = arith.addi %mul3A_870, %add3A_871 : vector<16xi32>
          %swap3A_873 = arith.constant 64 : index
          %swap3A_874 = tpu.vector_load %arg24[%swap3A_873] {strides = array<i32>} : memref<80xi32, #tpu.memory_space<vmem>>, vector<16xi32>,
          tpu.vector_store %arg24[%swap3A_873], %add3A_872 {strides = array<i32>} : memref<80xi32, #tpu.memory_space<vmem>>, vector<16xi32>,
          %mul3A_875 = arith.constant 2 : i32
          %mul3A_876 = vector.broadcast %mul3A_875 : i32 to vector<16xi32>
          %mul3A_877 = arith.muli %mul3A_876, %get3A_863 : vector<16xi32>
          %add3A_878 = vector.broadcast %arg0 : i32 to vector<16xi32>
          %add3A_879 = arith.addi %mul3A_877, %add3A_878 : vector<16xi32>
          %swap3A_880 = arith.constant 64 : index
          %swap3A_881 = tpu.vector_load %arg30[%swap3A_880] {strides = array<i32>} : memref<80xi32, #tpu.memory_space<vmem>>, vector<16xi32>,
          tpu.vector_store %arg30[%swap3A_880], %add3A_879 {strides = array<i32>} : memref<80xi32, #tpu.memory_space<vmem>>, vector<16xi32>,
          %dma_start3A_882 = arith.constant 0 : i32
          %dma_start3A_883 = arith.constant 0 : i32
          %dma_start3A_884 = tpu.memref_slice %arg2[%dma_start3A_882, %dma_start3A_883] : memref<20000x64xbf16, #tpu.memory_space<hbm>> -> memref<20000x64xbf16, #tpu.memory_space<hbm>>
          tpu.enqueue_indirect_dma source(%dma_start3A_884 : memref<20000x64xbf16, #tpu.memory_space<hbm>>) target(%arg36 : memref<80x64xbf16, #tpu.memory_space<vmem>>) offsets(%arg24 : memref<80xi32, #tpu.memory_space<vmem>>) semaphore(%arg57 : memref<!tpu.dma_semaphore, #tpu.memory_space<semaphore_mem>>)
          %dma_start3A_885 = arith.constant 0 : i32
          %dma_start3A_886 = arith.constant 0 : i32
          %dma_start3A_887 = tpu.memref_slice %arg2[%dma_start3A_885, %dma_start3A_886] : memref<20000x64xbf16, #tpu.memory_space<hbm>> -> memref<20000x64xbf16, #tpu.memory_space<hbm>>
          tpu.enqueue_indirect_dma source(%dma_start3A_887 : memref<20000x64xbf16, #tpu.memory_space<hbm>>) target(%arg42 : memref<80x64xbf16, #tpu.memory_space<vmem>>) offsets(%arg30 : memref<80xi32, #tpu.memory_space<vmem>>) semaphore(%arg63 : memref<!tpu.dma_semaphore, #tpu.memory_space<semaphore_mem>>)
        } else {
        }
      }
      %scan3A_646 = arith.constant 9 : i32
    }
    %scan3A_63 = arith.constant 5 : i32
    %dma_wait3A = arith.constant 0 : i32
    %dma_wait3A_64 = arith.constant 0 : i32
    %dma_wait3A_65 = tpu.memref_slice %arg53[%dma_wait3A, %dma_wait3A_64] : memref<10000x64xf32, #tpu.memory_space<vmem_shared>> -> memref<10000x64xf32, #tpu.memory_space<vmem_shared>>
    tpu.wait_indirect_dma semaphore(%arg66 : memref<!tpu.dma_semaphore, #tpu.memory_space<semaphore_mem>>) src(%arg45 : memref<80x64xf32, #tpu.memory_space<vmem>>) dst(%dma_wait3A_65 : memref<10000x64xf32, #tpu.memory_space<vmem_shared>>)
    %dma_wait3A_66 = arith.constant 0 : i32
    %dma_wait3A_67 = arith.constant 0 : i32
    %dma_wait3A_68 = tpu.memref_slice %arg53[%dma_wait3A_66, %dma_wait3A_67] : memref<10000x64xf32, #tpu.memory_space<vmem_shared>> -> memref<10000x64xf32, #tpu.memory_space<vmem_shared>>
    tpu.wait_indirect_dma semaphore(%arg72 : memref<!tpu.dma_semaphore, #tpu.memory_space<semaphore_mem>>) src(%arg45 : memref<80x64xf32, #tpu.memory_space<vmem>>) dst(%dma_wait3A_68 : memref<10000x64xf32, #tpu.memory_space<vmem_shared>>)
    %dma_wait3A_69 = arith.constant 0 : i32
    %dma_wait3A_70 = arith.constant 0 : i32
    %dma_wait3A_71 = tpu.memref_slice %arg53[%dma_wait3A_69, %dma_wait3A_70] : memref<10000x64xf32, #tpu.memory_space<vmem_shared>> -> memref<10000x64xf32, #tpu.memory_space<vmem_shared>>
    tpu.wait_indirect_dma semaphore(%arg67 : memref<!tpu.dma_semaphore, #tpu.memory_space<semaphore_mem>>) src(%arg46 : memref<80x64xf32, #tpu.memory_space<vmem>>) dst(%dma_wait3A_71 : memref<10000x64xf32, #tpu.memory_space<vmem_shared>>)
    %dma_wait3A_72 = arith.constant 0 : i32
    %dma_wait3A_73 = arith.constant 0 : i32
    %dma_wait3A_74 = tpu.memref_slice %arg53[%dma_wait3A_72, %dma_wait3A_73] : memref<10000x64xf32, #tpu.memory_space<vmem_shared>> -> memref<10000x64xf32, #tpu.memory_space<vmem_shared>>
    tpu.wait_indirect_dma semaphore(%arg73 : memref<!tpu.dma_semaphore, #tpu.memory_space<semaphore_mem>>) src(%arg46 : memref<80x64xf32, #tpu.memory_space<vmem>>) dst(%dma_wait3A_74 : memref<10000x64xf32, #tpu.memory_space<vmem_shared>>)
    %dma_wait3A_75 = arith.constant 0 : i32
    %dma_wait3A_76 = arith.constant 0 : i32
    %dma_wait3A_77 = tpu.memref_slice %arg53[%dma_wait3A_75, %dma_wait3A_76] : memref<10000x64xf32, #tpu.memory_space<vmem_shared>> -> memref<10000x64xf32, #tpu.memory_space<vmem_shared>>
    tpu.wait_indirect_dma semaphore(%arg68 : memref<!tpu.dma_semaphore, #tpu.memory_space<semaphore_mem>>) src(%arg47 : memref<80x64xf32, #tpu.memory_space<vmem>>) dst(%dma_wait3A_77 : memref<10000x64xf32, #tpu.memory_space<vmem_shared>>)
    %dma_wait3A_78 = arith.constant 0 : i32
    %dma_wait3A_79 = arith.constant 0 : i32
    %dma_wait3A_80 = tpu.memref_slice %arg53[%dma_wait3A_78, %dma_wait3A_79] : memref<10000x64xf32, #tpu.memory_space<vmem_shared>> -> memref<10000x64xf32, #tpu.memory_space<vmem_shared>>
    tpu.wait_indirect_dma semaphore(%arg74 : memref<!tpu.dma_semaphore, #tpu.memory_space<semaphore_mem>>) src(%arg47 : memref<80x64xf32, #tpu.memory_space<vmem>>) dst(%dma_wait3A_80 : memref<10000x64xf32, #tpu.memory_space<vmem_shared>>)
    %dma_wait3A_81 = arith.constant 0 : i32
    %dma_wait3A_82 = arith.constant 0 : i32
    %dma_wait3A_83 = tpu.memref_slice %arg53[%dma_wait3A_81, %dma_wait3A_82] : memref<10000x64xf32, #tpu.memory_space<vmem_shared>> -> memref<10000x64xf32, #tpu.memory_space<vmem_shared>>
    tpu.wait_indirect_dma semaphore(%arg69 : memref<!tpu.dma_semaphore, #tpu.memory_space<semaphore_mem>>) src(%arg48 : memref<80x64xf32, #tpu.memory_space<vmem>>) dst(%dma_wait3A_83 : memref<10000x64xf32, #tpu.memory_space<vmem_shared>>)
    %dma_wait3A_84 = arith.constant 0 : i32
    %dma_wait3A_85 = arith.constant 0 : i32
    %dma_wait3A_86 = tpu.memref_slice %arg53[%dma_wait3A_84, %dma_wait3A_85] : memref<10000x64xf32, #tpu.memory_space<vmem_shared>> -> memref<10000x64xf32, #tpu.memory_space<vmem_shared>>
    tpu.wait_indirect_dma semaphore(%arg75 : memref<!tpu.dma_semaphore, #tpu.memory_space<semaphore_mem>>) src(%arg48 : memref<80x64xf32, #tpu.memory_space<vmem>>) dst(%dma_wait3A_86 : memref<10000x64xf32, #tpu.memory_space<vmem_shared>>)
    %dma_wait3A_87 = arith.constant 0 : i32
    %dma_wait3A_88 = arith.constant 0 : i32
    %dma_wait3A_89 = tpu.memref_slice %arg53[%dma_wait3A_87, %dma_wait3A_88] : memref<10000x64xf32, #tpu.memory_space<vmem_shared>> -> memref<10000x64xf32, #tpu.memory_space<vmem_shared>>
    tpu.wait_indirect_dma semaphore(%arg70 : memref<!tpu.dma_semaphore, #tpu.memory_space<semaphore_mem>>) src(%arg49 : memref<80x64xf32, #tpu.memory_space<vmem>>) dst(%dma_wait3A_89 : memref<10000x64xf32, #tpu.memory_space<vmem_shared>>)
    %dma_wait3A_90 = arith.constant 0 : i32
    %dma_wait3A_91 = arith.constant 0 : i32
    %dma_wait3A_92 = tpu.memref_slice %arg53[%dma_wait3A_90, %dma_wait3A_91] : memref<10000x64xf32, #tpu.memory_space<vmem_shared>> -> memref<10000x64xf32, #tpu.memory_space<vmem_shared>>
    tpu.wait_indirect_dma semaphore(%arg76 : memref<!tpu.dma_semaphore, #tpu.memory_space<semaphore_mem>>) src(%arg49 : memref<80x64xf32, #tpu.memory_space<vmem>>) dst(%dma_wait3A_92 : memref<10000x64xf32, #tpu.memory_space<vmem_shared>>)
    %dma_wait3A_93 = arith.constant 0 : i32
    %dma_wait3A_94 = arith.constant 0 : i32
    %dma_wait3A_95 = tpu.memref_slice %arg53[%dma_wait3A_93, %dma_wait3A_94] : memref<10000x64xf32, #tpu.memory_space<vmem_shared>> -> memref<10000x64xf32, #tpu.memory_space<vmem_shared>>
    tpu.wait_indirect_dma semaphore(%arg71 : memref<!tpu.dma_semaphore, #tpu.memory_space<semaphore_mem>>) src(%arg50 : memref<80x64xf32, #tpu.memory_space<vmem>>) dst(%dma_wait3A_95 : memref<10000x64xf32, #tpu.memory_space<vmem_shared>>)
    %dma_wait3A_96 = arith.constant 0 : i32
    %dma_wait3A_97 = arith.constant 0 : i32
    %dma_wait3A_98 = tpu.memref_slice %arg53[%dma_wait3A_96, %dma_wait3A_97] : memref<10000x64xf32, #tpu.memory_space<vmem_shared>> -> memref<10000x64xf32, #tpu.memory_space<vmem_shared>>
    tpu.wait_indirect_dma semaphore(%arg77 : memref<!tpu.dma_semaphore, #tpu.memory_space<semaphore_mem>>) src(%arg50 : memref<80x64xf32, #tpu.memory_space<vmem>>) dst(%dma_wait3A_98 : memref<10000x64xf32, #tpu.memory_space<vmem_shared>>)
    %barrier3A_99 = arith.constant 0 : index
    tpu.barrier barrier_id(%barrier3A_99)
    %add3A_100 = arith.constant 0 : i32
    %add3A_101 = arith.addi %arg1, %add3A_100 : i32
    %lt3A_102 = arith.constant 125 : i32
    %lt3A_103 = arith.cmpi slt, %add3A_101, %lt3A_102 : i32
    %convert_element_type3A_104 = arith.extui %lt3A_103 : i1 to i32
    %cond3A_105 = arith.constant 0 : i32
    %cond3A_106 = arith.cmpi ne, %convert_element_type3A_104, %cond3A_105 : i32
    scf.if %cond3A_106 {
      %mul3A = arith.constant 80 : i32
      %mul3A_156 = arith.muli %add3A_101, %mul3A : i32
      "tpu.region"() ({
        %run_scoped3A = tpu.sem_alloc : memref<!tpu.dma_semaphore, #tpu.memory_space<semaphore_mem>>
        %dma_start3A = arith.constant 0 : i32
        %dma_start3A_166 = tpu.memref_slice %arg53[%mul3A_156, %dma_start3A] : memref<10000x64xf32, #tpu.memory_space<vmem_shared>> -> memref<80x64xf32, #tpu.memory_space<vmem_shared>>
        %dma_start3A_167 = arith.constant 0 : i32
        %dma_start3A_168 = tpu.memref_slice %arg53[%mul3A_156, %dma_start3A_167] : memref<10000x64xf32, #tpu.memory_space<vmem_shared>> -> memref<80x64xf32, #tpu.memory_space<vmem_shared>>
        tpu.enqueue_dma source(%dma_start3A_168 : memref<80x64xf32, #tpu.memory_space<vmem_shared>>) target(%arg51 : memref<80x64xf32, #tpu.memory_space<vmem>>) target_semaphore(%run_scoped3A : memref<!tpu.dma_semaphore, #tpu.memory_space<semaphore_mem>>)
        %dma_wait3A_169 = arith.constant 0 : i32
        %dma_wait3A_170 = tpu.memref_slice %arg53[%mul3A_156, %dma_wait3A_169] : memref<10000x64xf32, #tpu.memory_space<vmem_shared>> -> memref<80x64xf32, #tpu.memory_space<vmem_shared>>
        %dma_wait3A_171 = arith.constant 0 : i32
        %dma_wait3A_172 = tpu.memref_slice %arg53[%mul3A_156, %dma_wait3A_171] : memref<10000x64xf32, #tpu.memory_space<vmem_shared>> -> memref<80x64xf32, #tpu.memory_space<vmem_shared>>
        tpu.wait_dma2 semaphore(%run_scoped3A : memref<!tpu.dma_semaphore, #tpu.memory_space<semaphore_mem>>) src(%dma_wait3A_172 : memref<80x64xf32, #tpu.memory_space<vmem_shared>>) dst(%arg51 : memref<80x64xf32, #tpu.memory_space<vmem>>)
        tpu.yield
      }) : () -> ()
      "tpu.region"() ({
        %run_scoped3A = tpu.sem_alloc : memref<!tpu.dma_semaphore, #tpu.memory_space<semaphore_mem>>
        %dma_start3A = arith.constant 0 : i32
        %dma_start3A_166 = tpu.memref_slice %arg52[%dma_start3A] : memref<96xf32, #tpu.memory_space<vmem>> -> memref<80xf32, #tpu.memory_space<vmem>>
        %dma_start3A_167 = tpu.memref_slice %arg5[%mul3A_156] : memref<10000xf32, #tpu.memory_space<hbm>> -> memref<80xf32, #tpu.memory_space<hbm>>
        %dma_start3A_168 = arith.constant 0 : i32
        %dma_start3A_169 = tpu.memref_slice %arg52[%dma_start3A_168] : memref<96xf32, #tpu.memory_space<vmem>> -> memref<80xf32, #tpu.memory_space<vmem>>
        %dma_start3A_170 = tpu.memref_slice %arg5[%mul3A_156] : memref<10000xf32, #tpu.memory_space<hbm>> -> memref<80xf32, #tpu.memory_space<hbm>>
        tpu.enqueue_dma source(%dma_start3A_170 : memref<80xf32, #tpu.memory_space<hbm>>) target(%dma_start3A_169 : memref<80xf32, #tpu.memory_space<vmem>>) target_semaphore(%run_scoped3A : memref<!tpu.dma_semaphore, #tpu.memory_space<semaphore_mem>>)
        %dma_wait3A_171 = arith.constant 0 : i32
        %dma_wait3A_172 = tpu.memref_slice %arg52[%dma_wait3A_171] : memref<96xf32, #tpu.memory_space<vmem>> -> memref<80xf32, #tpu.memory_space<vmem>>
        %dma_wait3A_173 = tpu.memref_slice %arg5[%mul3A_156] : memref<10000xf32, #tpu.memory_space<hbm>> -> memref<80xf32, #tpu.memory_space<hbm>>
        %dma_wait3A_174 = arith.constant 0 : i32
        %dma_wait3A_175 = tpu.memref_slice %arg52[%dma_wait3A_174] : memref<96xf32, #tpu.memory_space<vmem>> -> memref<80xf32, #tpu.memory_space<vmem>>
        %dma_wait3A_176 = tpu.memref_slice %arg5[%mul3A_156] : memref<10000xf32, #tpu.memory_space<hbm>> -> memref<80xf32, #tpu.memory_space<hbm>>
        tpu.wait_dma2 semaphore(%run_scoped3A : memref<!tpu.dma_semaphore, #tpu.memory_space<semaphore_mem>>) src(%dma_wait3A_176 : memref<80xf32, #tpu.memory_space<hbm>>) dst(%dma_wait3A_175 : memref<80xf32, #tpu.memory_space<vmem>>)
        tpu.yield
      }) : () -> ()
      %scan3A_157 = arith.constant 0 : i32
      %scan3A_158 = arith.constant 0 : i32
      %scan3A_159 = arith.constant 80 : i32
      %scan3A_160 = arith.addi %scan3A_158, %scan3A_159 : i32
      %scan3A_161 = arith.constant 1 : i32
      scf.for %scan3A_166 = %scan3A_158 to %scan3A_160 step %scan3A_161  : i32 {
        %get3A = arith.index_cast %scan3A_166 : i32 to index
        %get3A_167 = tpu.vector_load %arg52[%get3A] {strides = array<i32>} : memref<96xf32, #tpu.memory_space<vmem>>, vector<16xf32>,
        %div3A = arith.constant 5.000000e-01 : f32
        %div3A_168 = vector.broadcast %div3A : f32 to vector<16xf32>
        %div3A_169 = arith.divf %div3A_168, %get3A_167 : vector<16xf32>
        %slice3A = vector.extract_strided_slice %div3A_169 {offsets = [0], sizes = [1], strides = [1]} : vector<16xf32> to vector<1xf32>
        %squeeze3A = vector.extract %slice3A[0] : f32 from vector<1xf32>
        %get3A_170 = arith.index_cast %scan3A_166 : i32 to index
        %get3A_171 = arith.constant 0 : index
        %get3A_172 = tpu.vector_load %arg51[%get3A_170, %get3A_171] {strides = array<i32>} : memref<80x64xf32, #tpu.memory_space<vmem>>, vector<16xf32>,
        %mul3A_173 = vector.broadcast %squeeze3A : f32 to vector<16xf32>
        %mul3A_174 = arith.mulf %get3A_172, %mul3A_173 : vector<16xf32>
        %swap3A = arith.index_cast %scan3A_166 : i32 to index
        %swap3A_175 = arith.constant 0 : index
        %swap3A_176 = tpu.vector_load %arg51[%swap3A, %swap3A_175] {strides = array<i32>} : memref<80x64xf32, #tpu.memory_space<vmem>>, vector<16xf32>,
        tpu.vector_store %arg51[%swap3A, %swap3A_175], %mul3A_174 {strides = array<i32>} : memref<80x64xf32, #tpu.memory_space<vmem>>, vector<16xf32>,
        %get3A_177 = arith.index_cast %scan3A_166 : i32 to index
        %get3A_178 = arith.constant 16 : index
        %get3A_179 = tpu.vector_load %arg51[%get3A_177, %get3A_178] {strides = array<i32>} : memref<80x64xf32, #tpu.memory_space<vmem>>, vector<16xf32>,
        %mul3A_180 = vector.broadcast %squeeze3A : f32 to vector<16xf32>
        %mul3A_181 = arith.mulf %get3A_179, %mul3A_180 : vector<16xf32>
        %swap3A_182 = arith.index_cast %scan3A_166 : i32 to index
        %swap3A_183 = arith.constant 16 : index
        %swap3A_184 = tpu.vector_load %arg51[%swap3A_182, %swap3A_183] {strides = array<i32>} : memref<80x64xf32, #tpu.memory_space<vmem>>, vector<16xf32>,
        tpu.vector_store %arg51[%swap3A_182, %swap3A_183], %mul3A_181 {strides = array<i32>} : memref<80x64xf32, #tpu.memory_space<vmem>>, vector<16xf32>,
        %get3A_185 = arith.index_cast %scan3A_166 : i32 to index
        %get3A_186 = arith.constant 32 : index
        %get3A_187 = tpu.vector_load %arg51[%get3A_185, %get3A_186] {strides = array<i32>} : memref<80x64xf32, #tpu.memory_space<vmem>>, vector<16xf32>,
        %mul3A_188 = vector.broadcast %squeeze3A : f32 to vector<16xf32>
        %mul3A_189 = arith.mulf %get3A_187, %mul3A_188 : vector<16xf32>
        %swap3A_190 = arith.index_cast %scan3A_166 : i32 to index
        %swap3A_191 = arith.constant 32 : index
        %swap3A_192 = tpu.vector_load %arg51[%swap3A_190, %swap3A_191] {strides = array<i32>} : memref<80x64xf32, #tpu.memory_space<vmem>>, vector<16xf32>,
        tpu.vector_store %arg51[%swap3A_190, %swap3A_191], %mul3A_189 {strides = array<i32>} : memref<80x64xf32, #tpu.memory_space<vmem>>, vector<16xf32>,
        %get3A_193 = arith.index_cast %scan3A_166 : i32 to index
        %get3A_194 = arith.constant 48 : index
        %get3A_195 = tpu.vector_load %arg51[%get3A_193, %get3A_194] {strides = array<i32>} : memref<80x64xf32, #tpu.memory_space<vmem>>, vector<16xf32>,
        %mul3A_196 = vector.broadcast %squeeze3A : f32 to vector<16xf32>
        %mul3A_197 = arith.mulf %get3A_195, %mul3A_196 : vector<16xf32>
        %swap3A_198 = arith.index_cast %scan3A_166 : i32 to index
        %swap3A_199 = arith.constant 48 : index
        %swap3A_200 = tpu.vector_load %arg51[%swap3A_198, %swap3A_199] {strides = array<i32>} : memref<80x64xf32, #tpu.memory_space<vmem>>, vector<16xf32>,
        tpu.vector_store %arg51[%swap3A_198, %swap3A_199], %mul3A_197 {strides = array<i32>} : memref<80x64xf32, #tpu.memory_space<vmem>>, vector<16xf32>,
      }
      %scan3A_162 = arith.constant 80 : i32
      %mul3A_163 = arith.constant 10000 : i32
      %mul3A_164 = arith.muli %arg0, %mul3A_163 : i32
      %add3A_165 = arith.addi %mul3A_164, %mul3A_156 : i32
      "tpu.region"() ({
        %run_scoped3A = tpu.sem_alloc : memref<!tpu.dma_semaphore, #tpu.memory_space<semaphore_mem>>
        %dma_start3A = arith.constant 0 : i32
        %dma_start3A_166 = tpu.memref_slice %arg6[%add3A_165, %dma_start3A] : memref<20000x64xf32, #tpu.memory_space<hbm>> -> memref<80x64xf32, #tpu.memory_space<hbm>>
        %dma_start3A_167 = arith.constant 0 : i32
        %dma_start3A_168 = tpu.memref_slice %arg6[%add3A_165, %dma_start3A_167] : memref<20000x64xf32, #tpu.memory_space<hbm>> -> memref<80x64xf32, #tpu.memory_space<hbm>>
        tpu.enqueue_dma source(%arg51 : memref<80x64xf32, #tpu.memory_space<vmem>>) target(%dma_start3A_168 : memref<80x64xf32, #tpu.memory_space<hbm>>) target_semaphore(%run_scoped3A : memref<!tpu.dma_semaphore, #tpu.memory_space<semaphore_mem>>)
        %dma_wait3A_169 = arith.constant 0 : i32
        %dma_wait3A_170 = tpu.memref_slice %arg6[%add3A_165, %dma_wait3A_169] : memref<20000x64xf32, #tpu.memory_space<hbm>> -> memref<80x64xf32, #tpu.memory_space<hbm>>
        %dma_wait3A_171 = arith.constant 0 : i32
        %dma_wait3A_172 = tpu.memref_slice %arg6[%add3A_165, %dma_wait3A_171] : memref<20000x64xf32, #tpu.memory_space<hbm>> -> memref<80x64xf32, #tpu.memory_space<hbm>>
        tpu.wait_dma2 semaphore(%run_scoped3A : memref<!tpu.dma_semaphore, #tpu.memory_space<semaphore_mem>>) src(%arg51 : memref<80x64xf32, #tpu.memory_space<vmem>>) dst(%dma_wait3A_172 : memref<80x64xf32, #tpu.memory_space<hbm>>)
        tpu.yield
      }) : () -> ()
    } else {
    }
    %add3A_107 = arith.constant 16 : i32
    %add3A_108 = arith.addi %arg1, %add3A_107 : i32
    %lt3A_109 = arith.constant 125 : i32
    %lt3A_110 = arith.cmpi slt, %add3A_108, %lt3A_109 : i32
    %convert_element_type3A_111 = arith.extui %lt3A_110 : i1 to i32
    %cond3A_112 = arith.constant 0 : i32
    %cond3A_113 = arith.cmpi ne, %convert_element_type3A_111, %cond3A_112 : i32
    scf.if %cond3A_113 {
      %mul3A = arith.constant 80 : i32
      %mul3A_156 = arith.muli %add3A_108, %mul3A : i32
      "tpu.region"() ({
        %run_scoped3A = tpu.sem_alloc : memref<!tpu.dma_semaphore, #tpu.memory_space<semaphore_mem>>
        %dma_start3A = arith.constant 0 : i32
        %dma_start3A_166 = tpu.memref_slice %arg53[%mul3A_156, %dma_start3A] : memref<10000x64xf32, #tpu.memory_space<vmem_shared>> -> memref<80x64xf32, #tpu.memory_space<vmem_shared>>
        %dma_start3A_167 = arith.constant 0 : i32
        %dma_start3A_168 = tpu.memref_slice %arg53[%mul3A_156, %dma_start3A_167] : memref<10000x64xf32, #tpu.memory_space<vmem_shared>> -> memref<80x64xf32, #tpu.memory_space<vmem_shared>>
        tpu.enqueue_dma source(%dma_start3A_168 : memref<80x64xf32, #tpu.memory_space<vmem_shared>>) target(%arg51 : memref<80x64xf32, #tpu.memory_space<vmem>>) target_semaphore(%run_scoped3A : memref<!tpu.dma_semaphore, #tpu.memory_space<semaphore_mem>>)
        %dma_wait3A_169 = arith.constant 0 : i32
        %dma_wait3A_170 = tpu.memref_slice %arg53[%mul3A_156, %dma_wait3A_169] : memref<10000x64xf32, #tpu.memory_space<vmem_shared>> -> memref<80x64xf32, #tpu.memory_space<vmem_shared>>
        %dma_wait3A_171 = arith.constant 0 : i32
        %dma_wait3A_172 = tpu.memref_slice %arg53[%mul3A_156, %dma_wait3A_171] : memref<10000x64xf32, #tpu.memory_space<vmem_shared>> -> memref<80x64xf32, #tpu.memory_space<vmem_shared>>
        tpu.wait_dma2 semaphore(%run_scoped3A : memref<!tpu.dma_semaphore, #tpu.memory_space<semaphore_mem>>) src(%dma_wait3A_172 : memref<80x64xf32, #tpu.memory_space<vmem_shared>>) dst(%arg51 : memref<80x64xf32, #tpu.memory_space<vmem>>)
        tpu.yield
      }) : () -> ()
      "tpu.region"() ({
        %run_scoped3A = tpu.sem_alloc : memref<!tpu.dma_semaphore, #tpu.memory_space<semaphore_mem>>
        %dma_start3A = arith.constant 0 : i32
        %dma_start3A_166 = tpu.memref_slice %arg52[%dma_start3A] : memref<96xf32, #tpu.memory_space<vmem>> -> memref<80xf32, #tpu.memory_space<vmem>>
        %dma_start3A_167 = tpu.memref_slice %arg5[%mul3A_156] : memref<10000xf32, #tpu.memory_space<hbm>> -> memref<80xf32, #tpu.memory_space<hbm>>
        %dma_start3A_168 = arith.constant 0 : i32
        %dma_start3A_169 = tpu.memref_slice %arg52[%dma_start3A_168] : memref<96xf32, #tpu.memory_space<vmem>> -> memref<80xf32, #tpu.memory_space<vmem>>
        %dma_start3A_170 = tpu.memref_slice %arg5[%mul3A_156] : memref<10000xf32, #tpu.memory_space<hbm>> -> memref<80xf32, #tpu.memory_space<hbm>>
        tpu.enqueue_dma source(%dma_start3A_170 : memref<80xf32, #tpu.memory_space<hbm>>) target(%dma_start3A_169 : memref<80xf32, #tpu.memory_space<vmem>>) target_semaphore(%run_scoped3A : memref<!tpu.dma_semaphore, #tpu.memory_space<semaphore_mem>>)
        %dma_wait3A_171 = arith.constant 0 : i32
        %dma_wait3A_172 = tpu.memref_slice %arg52[%dma_wait3A_171] : memref<96xf32, #tpu.memory_space<vmem>> -> memref<80xf32, #tpu.memory_space<vmem>>
        %dma_wait3A_173 = tpu.memref_slice %arg5[%mul3A_156] : memref<10000xf32, #tpu.memory_space<hbm>> -> memref<80xf32, #tpu.memory_space<hbm>>
        %dma_wait3A_174 = arith.constant 0 : i32
        %dma_wait3A_175 = tpu.memref_slice %arg52[%dma_wait3A_174] : memref<96xf32, #tpu.memory_space<vmem>> -> memref<80xf32, #tpu.memory_space<vmem>>
        %dma_wait3A_176 = tpu.memref_slice %arg5[%mul3A_156] : memref<10000xf32, #tpu.memory_space<hbm>> -> memref<80xf32, #tpu.memory_space<hbm>>
        tpu.wait_dma2 semaphore(%run_scoped3A : memref<!tpu.dma_semaphore, #tpu.memory_space<semaphore_mem>>) src(%dma_wait3A_176 : memref<80xf32, #tpu.memory_space<hbm>>) dst(%dma_wait3A_175 : memref<80xf32, #tpu.memory_space<vmem>>)
        tpu.yield
      }) : () -> ()
      %scan3A_157 = arith.constant 0 : i32
      %scan3A_158 = arith.constant 0 : i32
      %scan3A_159 = arith.constant 80 : i32
      %scan3A_160 = arith.addi %scan3A_158, %scan3A_159 : i32
      %scan3A_161 = arith.constant 1 : i32
      scf.for %scan3A_166 = %scan3A_158 to %scan3A_160 step %scan3A_161  : i32 {
        %get3A = arith.index_cast %scan3A_166 : i32 to index
        %get3A_167 = tpu.vector_load %arg52[%get3A] {strides = array<i32>} : memref<96xf32, #tpu.memory_space<vmem>>, vector<16xf32>,
        %div3A = arith.constant 5.000000e-01 : f32
        %div3A_168 = vector.broadcast %div3A : f32 to vector<16xf32>
        %div3A_169 = arith.divf %div3A_168, %get3A_167 : vector<16xf32>
        %slice3A = vector.extract_strided_slice %div3A_169 {offsets = [0], sizes = [1], strides = [1]} : vector<16xf32> to vector<1xf32>
        %squeeze3A = vector.extract %slice3A[0] : f32 from vector<1xf32>
        %get3A_170 = arith.index_cast %scan3A_166 : i32 to index
        %get3A_171 = arith.constant 0 : index
        %get3A_172 = tpu.vector_load %arg51[%get3A_170, %get3A_171] {strides = array<i32>} : memref<80x64xf32, #tpu.memory_space<vmem>>, vector<16xf32>,
        %mul3A_173 = vector.broadcast %squeeze3A : f32 to vector<16xf32>
        %mul3A_174 = arith.mulf %get3A_172, %mul3A_173 : vector<16xf32>
        %swap3A = arith.index_cast %scan3A_166 : i32 to index
        %swap3A_175 = arith.constant 0 : index
        %swap3A_176 = tpu.vector_load %arg51[%swap3A, %swap3A_175] {strides = array<i32>} : memref<80x64xf32, #tpu.memory_space<vmem>>, vector<16xf32>,
        tpu.vector_store %arg51[%swap3A, %swap3A_175], %mul3A_174 {strides = array<i32>} : memref<80x64xf32, #tpu.memory_space<vmem>>, vector<16xf32>,
        %get3A_177 = arith.index_cast %scan3A_166 : i32 to index
        %get3A_178 = arith.constant 16 : index
        %get3A_179 = tpu.vector_load %arg51[%get3A_177, %get3A_178] {strides = array<i32>} : memref<80x64xf32, #tpu.memory_space<vmem>>, vector<16xf32>,
        %mul3A_180 = vector.broadcast %squeeze3A : f32 to vector<16xf32>
        %mul3A_181 = arith.mulf %get3A_179, %mul3A_180 : vector<16xf32>
        %swap3A_182 = arith.index_cast %scan3A_166 : i32 to index
        %swap3A_183 = arith.constant 16 : index
        %swap3A_184 = tpu.vector_load %arg51[%swap3A_182, %swap3A_183] {strides = array<i32>} : memref<80x64xf32, #tpu.memory_space<vmem>>, vector<16xf32>,
        tpu.vector_store %arg51[%swap3A_182, %swap3A_183], %mul3A_181 {strides = array<i32>} : memref<80x64xf32, #tpu.memory_space<vmem>>, vector<16xf32>,
        %get3A_185 = arith.index_cast %scan3A_166 : i32 to index
        %get3A_186 = arith.constant 32 : index
        %get3A_187 = tpu.vector_load %arg51[%get3A_185, %get3A_186] {strides = array<i32>} : memref<80x64xf32, #tpu.memory_space<vmem>>, vector<16xf32>,
        %mul3A_188 = vector.broadcast %squeeze3A : f32 to vector<16xf32>
        %mul3A_189 = arith.mulf %get3A_187, %mul3A_188 : vector<16xf32>
        %swap3A_190 = arith.index_cast %scan3A_166 : i32 to index
        %swap3A_191 = arith.constant 32 : index
        %swap3A_192 = tpu.vector_load %arg51[%swap3A_190, %swap3A_191] {strides = array<i32>} : memref<80x64xf32, #tpu.memory_space<vmem>>, vector<16xf32>,
        tpu.vector_store %arg51[%swap3A_190, %swap3A_191], %mul3A_189 {strides = array<i32>} : memref<80x64xf32, #tpu.memory_space<vmem>>, vector<16xf32>,
        %get3A_193 = arith.index_cast %scan3A_166 : i32 to index
        %get3A_194 = arith.constant 48 : index
        %get3A_195 = tpu.vector_load %arg51[%get3A_193, %get3A_194] {strides = array<i32>} : memref<80x64xf32, #tpu.memory_space<vmem>>, vector<16xf32>,
        %mul3A_196 = vector.broadcast %squeeze3A : f32 to vector<16xf32>
        %mul3A_197 = arith.mulf %get3A_195, %mul3A_196 : vector<16xf32>
        %swap3A_198 = arith.index_cast %scan3A_166 : i32 to index
        %swap3A_199 = arith.constant 48 : index
        %swap3A_200 = tpu.vector_load %arg51[%swap3A_198, %swap3A_199] {strides = array<i32>} : memref<80x64xf32, #tpu.memory_space<vmem>>, vector<16xf32>,
        tpu.vector_store %arg51[%swap3A_198, %swap3A_199], %mul3A_197 {strides = array<i32>} : memref<80x64xf32, #tpu.memory_space<vmem>>, vector<16xf32>,
      }
      %scan3A_162 = arith.constant 80 : i32
      %mul3A_163 = arith.constant 10000 : i32
      %mul3A_164 = arith.muli %arg0, %mul3A_163 : i32
      %add3A_165 = arith.addi %mul3A_164, %mul3A_156 : i32
      "tpu.region"() ({
        %run_scoped3A = tpu.sem_alloc : memref<!tpu.dma_semaphore, #tpu.memory_space<semaphore_mem>>
        %dma_start3A = arith.constant 0 : i32
        %dma_start3A_166 = tpu.memref_slice %arg6[%add3A_165, %dma_start3A] : memref<20000x64xf32, #tpu.memory_space<hbm>> -> memref<80x64xf32, #tpu.memory_space<hbm>>
        %dma_start3A_167 = arith.constant 0 : i32
        %dma_start3A_168 = tpu.memref_slice %arg6[%add3A_165, %dma_start3A_167] : memref<20000x64xf32, #tpu.memory_space<hbm>> -> memref<80x64xf32, #tpu.memory_space<hbm>>
        tpu.enqueue_dma source(%arg51 : memref<80x64xf32, #tpu.memory_space<vmem>>) target(%dma_start3A_168 : memref<80x64xf32, #tpu.memory_space<hbm>>) target_semaphore(%run_scoped3A : memref<!tpu.dma_semaphore, #tpu.memory_space<semaphore_mem>>)
        %dma_wait3A_169 = arith.constant 0 : i32
        %dma_wait3A_170 = tpu.memref_slice %arg6[%add3A_165, %dma_wait3A_169] : memref<20000x64xf32, #tpu.memory_space<hbm>> -> memref<80x64xf32, #tpu.memory_space<hbm>>
        %dma_wait3A_171 = arith.constant 0 : i32
        %dma_wait3A_172 = tpu.memref_slice %arg6[%add3A_165, %dma_wait3A_171] : memref<20000x64xf32, #tpu.memory_space<hbm>> -> memref<80x64xf32, #tpu.memory_space<hbm>>
        tpu.wait_dma2 semaphore(%run_scoped3A : memref<!tpu.dma_semaphore, #tpu.memory_space<semaphore_mem>>) src(%arg51 : memref<80x64xf32, #tpu.memory_space<vmem>>) dst(%dma_wait3A_172 : memref<80x64xf32, #tpu.memory_space<hbm>>)
        tpu.yield
      }) : () -> ()
    } else {
    }
    %add3A_114 = arith.constant 32 : i32
    %add3A_115 = arith.addi %arg1, %add3A_114 : i32
    %lt3A_116 = arith.constant 125 : i32
    %lt3A_117 = arith.cmpi slt, %add3A_115, %lt3A_116 : i32
    %convert_element_type3A_118 = arith.extui %lt3A_117 : i1 to i32
    %cond3A_119 = arith.constant 0 : i32
    %cond3A_120 = arith.cmpi ne, %convert_element_type3A_118, %cond3A_119 : i32
    scf.if %cond3A_120 {
      %mul3A = arith.constant 80 : i32
      %mul3A_156 = arith.muli %add3A_115, %mul3A : i32
      "tpu.region"() ({
        %run_scoped3A = tpu.sem_alloc : memref<!tpu.dma_semaphore, #tpu.memory_space<semaphore_mem>>
        %dma_start3A = arith.constant 0 : i32
        %dma_start3A_166 = tpu.memref_slice %arg53[%mul3A_156, %dma_start3A] : memref<10000x64xf32, #tpu.memory_space<vmem_shared>> -> memref<80x64xf32, #tpu.memory_space<vmem_shared>>
        %dma_start3A_167 = arith.constant 0 : i32
        %dma_start3A_168 = tpu.memref_slice %arg53[%mul3A_156, %dma_start3A_167] : memref<10000x64xf32, #tpu.memory_space<vmem_shared>> -> memref<80x64xf32, #tpu.memory_space<vmem_shared>>
        tpu.enqueue_dma source(%dma_start3A_168 : memref<80x64xf32, #tpu.memory_space<vmem_shared>>) target(%arg51 : memref<80x64xf32, #tpu.memory_space<vmem>>) target_semaphore(%run_scoped3A : memref<!tpu.dma_semaphore, #tpu.memory_space<semaphore_mem>>)
        %dma_wait3A_169 = arith.constant 0 : i32
        %dma_wait3A_170 = tpu.memref_slice %arg53[%mul3A_156, %dma_wait3A_169] : memref<10000x64xf32, #tpu.memory_space<vmem_shared>> -> memref<80x64xf32, #tpu.memory_space<vmem_shared>>
        %dma_wait3A_171 = arith.constant 0 : i32
        %dma_wait3A_172 = tpu.memref_slice %arg53[%mul3A_156, %dma_wait3A_171] : memref<10000x64xf32, #tpu.memory_space<vmem_shared>> -> memref<80x64xf32, #tpu.memory_space<vmem_shared>>
        tpu.wait_dma2 semaphore(%run_scoped3A : memref<!tpu.dma_semaphore, #tpu.memory_space<semaphore_mem>>) src(%dma_wait3A_172 : memref<80x64xf32, #tpu.memory_space<vmem_shared>>) dst(%arg51 : memref<80x64xf32, #tpu.memory_space<vmem>>)
        tpu.yield
      }) : () -> ()
      "tpu.region"() ({
        %run_scoped3A = tpu.sem_alloc : memref<!tpu.dma_semaphore, #tpu.memory_space<semaphore_mem>>
        %dma_start3A = arith.constant 0 : i32
        %dma_start3A_166 = tpu.memref_slice %arg52[%dma_start3A] : memref<96xf32, #tpu.memory_space<vmem>> -> memref<80xf32, #tpu.memory_space<vmem>>
        %dma_start3A_167 = tpu.memref_slice %arg5[%mul3A_156] : memref<10000xf32, #tpu.memory_space<hbm>> -> memref<80xf32, #tpu.memory_space<hbm>>
        %dma_start3A_168 = arith.constant 0 : i32
        %dma_start3A_169 = tpu.memref_slice %arg52[%dma_start3A_168] : memref<96xf32, #tpu.memory_space<vmem>> -> memref<80xf32, #tpu.memory_space<vmem>>
        %dma_start3A_170 = tpu.memref_slice %arg5[%mul3A_156] : memref<10000xf32, #tpu.memory_space<hbm>> -> memref<80xf32, #tpu.memory_space<hbm>>
        tpu.enqueue_dma source(%dma_start3A_170 : memref<80xf32, #tpu.memory_space<hbm>>) target(%dma_start3A_169 : memref<80xf32, #tpu.memory_space<vmem>>) target_semaphore(%run_scoped3A : memref<!tpu.dma_semaphore, #tpu.memory_space<semaphore_mem>>)
        %dma_wait3A_171 = arith.constant 0 : i32
        %dma_wait3A_172 = tpu.memref_slice %arg52[%dma_wait3A_171] : memref<96xf32, #tpu.memory_space<vmem>> -> memref<80xf32, #tpu.memory_space<vmem>>
        %dma_wait3A_173 = tpu.memref_slice %arg5[%mul3A_156] : memref<10000xf32, #tpu.memory_space<hbm>> -> memref<80xf32, #tpu.memory_space<hbm>>
        %dma_wait3A_174 = arith.constant 0 : i32
        %dma_wait3A_175 = tpu.memref_slice %arg52[%dma_wait3A_174] : memref<96xf32, #tpu.memory_space<vmem>> -> memref<80xf32, #tpu.memory_space<vmem>>
        %dma_wait3A_176 = tpu.memref_slice %arg5[%mul3A_156] : memref<10000xf32, #tpu.memory_space<hbm>> -> memref<80xf32, #tpu.memory_space<hbm>>
        tpu.wait_dma2 semaphore(%run_scoped3A : memref<!tpu.dma_semaphore, #tpu.memory_space<semaphore_mem>>) src(%dma_wait3A_176 : memref<80xf32, #tpu.memory_space<hbm>>) dst(%dma_wait3A_175 : memref<80xf32, #tpu.memory_space<vmem>>)
        tpu.yield
      }) : () -> ()
      %scan3A_157 = arith.constant 0 : i32
      %scan3A_158 = arith.constant 0 : i32
      %scan3A_159 = arith.constant 80 : i32
      %scan3A_160 = arith.addi %scan3A_158, %scan3A_159 : i32
      %scan3A_161 = arith.constant 1 : i32
      scf.for %scan3A_166 = %scan3A_158 to %scan3A_160 step %scan3A_161  : i32 {
        %get3A = arith.index_cast %scan3A_166 : i32 to index
        %get3A_167 = tpu.vector_load %arg52[%get3A] {strides = array<i32>} : memref<96xf32, #tpu.memory_space<vmem>>, vector<16xf32>,
        %div3A = arith.constant 5.000000e-01 : f32
        %div3A_168 = vector.broadcast %div3A : f32 to vector<16xf32>
        %div3A_169 = arith.divf %div3A_168, %get3A_167 : vector<16xf32>
        %slice3A = vector.extract_strided_slice %div3A_169 {offsets = [0], sizes = [1], strides = [1]} : vector<16xf32> to vector<1xf32>
        %squeeze3A = vector.extract %slice3A[0] : f32 from vector<1xf32>
        %get3A_170 = arith.index_cast %scan3A_166 : i32 to index
        %get3A_171 = arith.constant 0 : index
        %get3A_172 = tpu.vector_load %arg51[%get3A_170, %get3A_171] {strides = array<i32>} : memref<80x64xf32, #tpu.memory_space<vmem>>, vector<16xf32>,
        %mul3A_173 = vector.broadcast %squeeze3A : f32 to vector<16xf32>
        %mul3A_174 = arith.mulf %get3A_172, %mul3A_173 : vector<16xf32>
        %swap3A = arith.index_cast %scan3A_166 : i32 to index
        %swap3A_175 = arith.constant 0 : index
        %swap3A_176 = tpu.vector_load %arg51[%swap3A, %swap3A_175] {strides = array<i32>} : memref<80x64xf32, #tpu.memory_space<vmem>>, vector<16xf32>,
        tpu.vector_store %arg51[%swap3A, %swap3A_175], %mul3A_174 {strides = array<i32>} : memref<80x64xf32, #tpu.memory_space<vmem>>, vector<16xf32>,
        %get3A_177 = arith.index_cast %scan3A_166 : i32 to index
        %get3A_178 = arith.constant 16 : index
        %get3A_179 = tpu.vector_load %arg51[%get3A_177, %get3A_178] {strides = array<i32>} : memref<80x64xf32, #tpu.memory_space<vmem>>, vector<16xf32>,
        %mul3A_180 = vector.broadcast %squeeze3A : f32 to vector<16xf32>
        %mul3A_181 = arith.mulf %get3A_179, %mul3A_180 : vector<16xf32>
        %swap3A_182 = arith.index_cast %scan3A_166 : i32 to index
        %swap3A_183 = arith.constant 16 : index
        %swap3A_184 = tpu.vector_load %arg51[%swap3A_182, %swap3A_183] {strides = array<i32>} : memref<80x64xf32, #tpu.memory_space<vmem>>, vector<16xf32>,
        tpu.vector_store %arg51[%swap3A_182, %swap3A_183], %mul3A_181 {strides = array<i32>} : memref<80x64xf32, #tpu.memory_space<vmem>>, vector<16xf32>,
        %get3A_185 = arith.index_cast %scan3A_166 : i32 to index
        %get3A_186 = arith.constant 32 : index
        %get3A_187 = tpu.vector_load %arg51[%get3A_185, %get3A_186] {strides = array<i32>} : memref<80x64xf32, #tpu.memory_space<vmem>>, vector<16xf32>,
        %mul3A_188 = vector.broadcast %squeeze3A : f32 to vector<16xf32>
        %mul3A_189 = arith.mulf %get3A_187, %mul3A_188 : vector<16xf32>
        %swap3A_190 = arith.index_cast %scan3A_166 : i32 to index
        %swap3A_191 = arith.constant 32 : index
        %swap3A_192 = tpu.vector_load %arg51[%swap3A_190, %swap3A_191] {strides = array<i32>} : memref<80x64xf32, #tpu.memory_space<vmem>>, vector<16xf32>,
        tpu.vector_store %arg51[%swap3A_190, %swap3A_191], %mul3A_189 {strides = array<i32>} : memref<80x64xf32, #tpu.memory_space<vmem>>, vector<16xf32>,
        %get3A_193 = arith.index_cast %scan3A_166 : i32 to index
        %get3A_194 = arith.constant 48 : index
        %get3A_195 = tpu.vector_load %arg51[%get3A_193, %get3A_194] {strides = array<i32>} : memref<80x64xf32, #tpu.memory_space<vmem>>, vector<16xf32>,
        %mul3A_196 = vector.broadcast %squeeze3A : f32 to vector<16xf32>
        %mul3A_197 = arith.mulf %get3A_195, %mul3A_196 : vector<16xf32>
        %swap3A_198 = arith.index_cast %scan3A_166 : i32 to index
        %swap3A_199 = arith.constant 48 : index
        %swap3A_200 = tpu.vector_load %arg51[%swap3A_198, %swap3A_199] {strides = array<i32>} : memref<80x64xf32, #tpu.memory_space<vmem>>, vector<16xf32>,
        tpu.vector_store %arg51[%swap3A_198, %swap3A_199], %mul3A_197 {strides = array<i32>} : memref<80x64xf32, #tpu.memory_space<vmem>>, vector<16xf32>,
      }
      %scan3A_162 = arith.constant 80 : i32
      %mul3A_163 = arith.constant 10000 : i32
      %mul3A_164 = arith.muli %arg0, %mul3A_163 : i32
      %add3A_165 = arith.addi %mul3A_164, %mul3A_156 : i32
      "tpu.region"() ({
        %run_scoped3A = tpu.sem_alloc : memref<!tpu.dma_semaphore, #tpu.memory_space<semaphore_mem>>
        %dma_start3A = arith.constant 0 : i32
        %dma_start3A_166 = tpu.memref_slice %arg6[%add3A_165, %dma_start3A] : memref<20000x64xf32, #tpu.memory_space<hbm>> -> memref<80x64xf32, #tpu.memory_space<hbm>>
        %dma_start3A_167 = arith.constant 0 : i32
        %dma_start3A_168 = tpu.memref_slice %arg6[%add3A_165, %dma_start3A_167] : memref<20000x64xf32, #tpu.memory_space<hbm>> -> memref<80x64xf32, #tpu.memory_space<hbm>>
        tpu.enqueue_dma source(%arg51 : memref<80x64xf32, #tpu.memory_space<vmem>>) target(%dma_start3A_168 : memref<80x64xf32, #tpu.memory_space<hbm>>) target_semaphore(%run_scoped3A : memref<!tpu.dma_semaphore, #tpu.memory_space<semaphore_mem>>)
        %dma_wait3A_169 = arith.constant 0 : i32
        %dma_wait3A_170 = tpu.memref_slice %arg6[%add3A_165, %dma_wait3A_169] : memref<20000x64xf32, #tpu.memory_space<hbm>> -> memref<80x64xf32, #tpu.memory_space<hbm>>
        %dma_wait3A_171 = arith.constant 0 : i32
        %dma_wait3A_172 = tpu.memref_slice %arg6[%add3A_165, %dma_wait3A_171] : memref<20000x64xf32, #tpu.memory_space<hbm>> -> memref<80x64xf32, #tpu.memory_space<hbm>>
        tpu.wait_dma2 semaphore(%run_scoped3A : memref<!tpu.dma_semaphore, #tpu.memory_space<semaphore_mem>>) src(%arg51 : memref<80x64xf32, #tpu.memory_space<vmem>>) dst(%dma_wait3A_172 : memref<80x64xf32, #tpu.memory_space<hbm>>)
        tpu.yield
      }) : () -> ()
    } else {
    }
    %add3A_121 = arith.constant 48 : i32
    %add3A_122 = arith.addi %arg1, %add3A_121 : i32
    %lt3A_123 = arith.constant 125 : i32
    %lt3A_124 = arith.cmpi slt, %add3A_122, %lt3A_123 : i32
    %convert_element_type3A_125 = arith.extui %lt3A_124 : i1 to i32
    %cond3A_126 = arith.constant 0 : i32
    %cond3A_127 = arith.cmpi ne, %convert_element_type3A_125, %cond3A_126 : i32
    scf.if %cond3A_127 {
      %mul3A = arith.constant 80 : i32
      %mul3A_156 = arith.muli %add3A_122, %mul3A : i32
      "tpu.region"() ({
        %run_scoped3A = tpu.sem_alloc : memref<!tpu.dma_semaphore, #tpu.memory_space<semaphore_mem>>
        %dma_start3A = arith.constant 0 : i32
        %dma_start3A_166 = tpu.memref_slice %arg53[%mul3A_156, %dma_start3A] : memref<10000x64xf32, #tpu.memory_space<vmem_shared>> -> memref<80x64xf32, #tpu.memory_space<vmem_shared>>
        %dma_start3A_167 = arith.constant 0 : i32
        %dma_start3A_168 = tpu.memref_slice %arg53[%mul3A_156, %dma_start3A_167] : memref<10000x64xf32, #tpu.memory_space<vmem_shared>> -> memref<80x64xf32, #tpu.memory_space<vmem_shared>>
        tpu.enqueue_dma source(%dma_start3A_168 : memref<80x64xf32, #tpu.memory_space<vmem_shared>>) target(%arg51 : memref<80x64xf32, #tpu.memory_space<vmem>>) target_semaphore(%run_scoped3A : memref<!tpu.dma_semaphore, #tpu.memory_space<semaphore_mem>>)
        %dma_wait3A_169 = arith.constant 0 : i32
        %dma_wait3A_170 = tpu.memref_slice %arg53[%mul3A_156, %dma_wait3A_169] : memref<10000x64xf32, #tpu.memory_space<vmem_shared>> -> memref<80x64xf32, #tpu.memory_space<vmem_shared>>
        %dma_wait3A_171 = arith.constant 0 : i32
        %dma_wait3A_172 = tpu.memref_slice %arg53[%mul3A_156, %dma_wait3A_171] : memref<10000x64xf32, #tpu.memory_space<vmem_shared>> -> memref<80x64xf32, #tpu.memory_space<vmem_shared>>
        tpu.wait_dma2 semaphore(%run_scoped3A : memref<!tpu.dma_semaphore, #tpu.memory_space<semaphore_mem>>) src(%dma_wait3A_172 : memref<80x64xf32, #tpu.memory_space<vmem_shared>>) dst(%arg51 : memref<80x64xf32, #tpu.memory_space<vmem>>)
        tpu.yield
      }) : () -> ()
      "tpu.region"() ({
        %run_scoped3A = tpu.sem_alloc : memref<!tpu.dma_semaphore, #tpu.memory_space<semaphore_mem>>
        %dma_start3A = arith.constant 0 : i32
        %dma_start3A_166 = tpu.memref_slice %arg52[%dma_start3A] : memref<96xf32, #tpu.memory_space<vmem>> -> memref<80xf32, #tpu.memory_space<vmem>>
        %dma_start3A_167 = tpu.memref_slice %arg5[%mul3A_156] : memref<10000xf32, #tpu.memory_space<hbm>> -> memref<80xf32, #tpu.memory_space<hbm>>
        %dma_start3A_168 = arith.constant 0 : i32
        %dma_start3A_169 = tpu.memref_slice %arg52[%dma_start3A_168] : memref<96xf32, #tpu.memory_space<vmem>> -> memref<80xf32, #tpu.memory_space<vmem>>
        %dma_start3A_170 = tpu.memref_slice %arg5[%mul3A_156] : memref<10000xf32, #tpu.memory_space<hbm>> -> memref<80xf32, #tpu.memory_space<hbm>>
        tpu.enqueue_dma source(%dma_start3A_170 : memref<80xf32, #tpu.memory_space<hbm>>) target(%dma_start3A_169 : memref<80xf32, #tpu.memory_space<vmem>>) target_semaphore(%run_scoped3A : memref<!tpu.dma_semaphore, #tpu.memory_space<semaphore_mem>>)
        %dma_wait3A_171 = arith.constant 0 : i32
        %dma_wait3A_172 = tpu.memref_slice %arg52[%dma_wait3A_171] : memref<96xf32, #tpu.memory_space<vmem>> -> memref<80xf32, #tpu.memory_space<vmem>>
        %dma_wait3A_173 = tpu.memref_slice %arg5[%mul3A_156] : memref<10000xf32, #tpu.memory_space<hbm>> -> memref<80xf32, #tpu.memory_space<hbm>>
        %dma_wait3A_174 = arith.constant 0 : i32
        %dma_wait3A_175 = tpu.memref_slice %arg52[%dma_wait3A_174] : memref<96xf32, #tpu.memory_space<vmem>> -> memref<80xf32, #tpu.memory_space<vmem>>
        %dma_wait3A_176 = tpu.memref_slice %arg5[%mul3A_156] : memref<10000xf32, #tpu.memory_space<hbm>> -> memref<80xf32, #tpu.memory_space<hbm>>
        tpu.wait_dma2 semaphore(%run_scoped3A : memref<!tpu.dma_semaphore, #tpu.memory_space<semaphore_mem>>) src(%dma_wait3A_176 : memref<80xf32, #tpu.memory_space<hbm>>) dst(%dma_wait3A_175 : memref<80xf32, #tpu.memory_space<vmem>>)
        tpu.yield
      }) : () -> ()
      %scan3A_157 = arith.constant 0 : i32
      %scan3A_158 = arith.constant 0 : i32
      %scan3A_159 = arith.constant 80 : i32
      %scan3A_160 = arith.addi %scan3A_158, %scan3A_159 : i32
      %scan3A_161 = arith.constant 1 : i32
      scf.for %scan3A_166 = %scan3A_158 to %scan3A_160 step %scan3A_161  : i32 {
        %get3A = arith.index_cast %scan3A_166 : i32 to index
        %get3A_167 = tpu.vector_load %arg52[%get3A] {strides = array<i32>} : memref<96xf32, #tpu.memory_space<vmem>>, vector<16xf32>,
        %div3A = arith.constant 5.000000e-01 : f32
        %div3A_168 = vector.broadcast %div3A : f32 to vector<16xf32>
        %div3A_169 = arith.divf %div3A_168, %get3A_167 : vector<16xf32>
        %slice3A = vector.extract_strided_slice %div3A_169 {offsets = [0], sizes = [1], strides = [1]} : vector<16xf32> to vector<1xf32>
        %squeeze3A = vector.extract %slice3A[0] : f32 from vector<1xf32>
        %get3A_170 = arith.index_cast %scan3A_166 : i32 to index
        %get3A_171 = arith.constant 0 : index
        %get3A_172 = tpu.vector_load %arg51[%get3A_170, %get3A_171] {strides = array<i32>} : memref<80x64xf32, #tpu.memory_space<vmem>>, vector<16xf32>,
        %mul3A_173 = vector.broadcast %squeeze3A : f32 to vector<16xf32>
        %mul3A_174 = arith.mulf %get3A_172, %mul3A_173 : vector<16xf32>
        %swap3A = arith.index_cast %scan3A_166 : i32 to index
        %swap3A_175 = arith.constant 0 : index
        %swap3A_176 = tpu.vector_load %arg51[%swap3A, %swap3A_175] {strides = array<i32>} : memref<80x64xf32, #tpu.memory_space<vmem>>, vector<16xf32>,
        tpu.vector_store %arg51[%swap3A, %swap3A_175], %mul3A_174 {strides = array<i32>} : memref<80x64xf32, #tpu.memory_space<vmem>>, vector<16xf32>,
        %get3A_177 = arith.index_cast %scan3A_166 : i32 to index
        %get3A_178 = arith.constant 16 : index
        %get3A_179 = tpu.vector_load %arg51[%get3A_177, %get3A_178] {strides = array<i32>} : memref<80x64xf32, #tpu.memory_space<vmem>>, vector<16xf32>,
        %mul3A_180 = vector.broadcast %squeeze3A : f32 to vector<16xf32>
        %mul3A_181 = arith.mulf %get3A_179, %mul3A_180 : vector<16xf32>
        %swap3A_182 = arith.index_cast %scan3A_166 : i32 to index
        %swap3A_183 = arith.constant 16 : index
        %swap3A_184 = tpu.vector_load %arg51[%swap3A_182, %swap3A_183] {strides = array<i32>} : memref<80x64xf32, #tpu.memory_space<vmem>>, vector<16xf32>,
        tpu.vector_store %arg51[%swap3A_182, %swap3A_183], %mul3A_181 {strides = array<i32>} : memref<80x64xf32, #tpu.memory_space<vmem>>, vector<16xf32>,
        %get3A_185 = arith.index_cast %scan3A_166 : i32 to index
        %get3A_186 = arith.constant 32 : index
        %get3A_187 = tpu.vector_load %arg51[%get3A_185, %get3A_186] {strides = array<i32>} : memref<80x64xf32, #tpu.memory_space<vmem>>, vector<16xf32>,
        %mul3A_188 = vector.broadcast %squeeze3A : f32 to vector<16xf32>
        %mul3A_189 = arith.mulf %get3A_187, %mul3A_188 : vector<16xf32>
        %swap3A_190 = arith.index_cast %scan3A_166 : i32 to index
        %swap3A_191 = arith.constant 32 : index
        %swap3A_192 = tpu.vector_load %arg51[%swap3A_190, %swap3A_191] {strides = array<i32>} : memref<80x64xf32, #tpu.memory_space<vmem>>, vector<16xf32>,
        tpu.vector_store %arg51[%swap3A_190, %swap3A_191], %mul3A_189 {strides = array<i32>} : memref<80x64xf32, #tpu.memory_space<vmem>>, vector<16xf32>,
        %get3A_193 = arith.index_cast %scan3A_166 : i32 to index
        %get3A_194 = arith.constant 48 : index
        %get3A_195 = tpu.vector_load %arg51[%get3A_193, %get3A_194] {strides = array<i32>} : memref<80x64xf32, #tpu.memory_space<vmem>>, vector<16xf32>,
        %mul3A_196 = vector.broadcast %squeeze3A : f32 to vector<16xf32>
        %mul3A_197 = arith.mulf %get3A_195, %mul3A_196 : vector<16xf32>
        %swap3A_198 = arith.index_cast %scan3A_166 : i32 to index
        %swap3A_199 = arith.constant 48 : index
        %swap3A_200 = tpu.vector_load %arg51[%swap3A_198, %swap3A_199] {strides = array<i32>} : memref<80x64xf32, #tpu.memory_space<vmem>>, vector<16xf32>,
        tpu.vector_store %arg51[%swap3A_198, %swap3A_199], %mul3A_197 {strides = array<i32>} : memref<80x64xf32, #tpu.memory_space<vmem>>, vector<16xf32>,
      }
      %scan3A_162 = arith.constant 80 : i32
      %mul3A_163 = arith.constant 10000 : i32
      %mul3A_164 = arith.muli %arg0, %mul3A_163 : i32
      %add3A_165 = arith.addi %mul3A_164, %mul3A_156 : i32
      "tpu.region"() ({
        %run_scoped3A = tpu.sem_alloc : memref<!tpu.dma_semaphore, #tpu.memory_space<semaphore_mem>>
        %dma_start3A = arith.constant 0 : i32
        %dma_start3A_166 = tpu.memref_slice %arg6[%add3A_165, %dma_start3A] : memref<20000x64xf32, #tpu.memory_space<hbm>> -> memref<80x64xf32, #tpu.memory_space<hbm>>
        %dma_start3A_167 = arith.constant 0 : i32
        %dma_start3A_168 = tpu.memref_slice %arg6[%add3A_165, %dma_start3A_167] : memref<20000x64xf32, #tpu.memory_space<hbm>> -> memref<80x64xf32, #tpu.memory_space<hbm>>
        tpu.enqueue_dma source(%arg51 : memref<80x64xf32, #tpu.memory_space<vmem>>) target(%dma_start3A_168 : memref<80x64xf32, #tpu.memory_space<hbm>>) target_semaphore(%run_scoped3A : memref<!tpu.dma_semaphore, #tpu.memory_space<semaphore_mem>>)
        %dma_wait3A_169 = arith.constant 0 : i32
        %dma_wait3A_170 = tpu.memref_slice %arg6[%add3A_165, %dma_wait3A_169] : memref<20000x64xf32, #tpu.memory_space<hbm>> -> memref<80x64xf32, #tpu.memory_space<hbm>>
        %dma_wait3A_171 = arith.constant 0 : i32
        %dma_wait3A_172 = tpu.memref_slice %arg6[%add3A_165, %dma_wait3A_171] : memref<20000x64xf32, #tpu.memory_space<hbm>> -> memref<80x64xf32, #tpu.memory_space<hbm>>
        tpu.wait_dma2 semaphore(%run_scoped3A : memref<!tpu.dma_semaphore, #tpu.memory_space<semaphore_mem>>) src(%arg51 : memref<80x64xf32, #tpu.memory_space<vmem>>) dst(%dma_wait3A_172 : memref<80x64xf32, #tpu.memory_space<hbm>>)
        tpu.yield
      }) : () -> ()
    } else {
    }
    %add3A_128 = arith.constant 64 : i32
    %add3A_129 = arith.addi %arg1, %add3A_128 : i32
    %lt3A_130 = arith.constant 125 : i32
    %lt3A_131 = arith.cmpi slt, %add3A_129, %lt3A_130 : i32
    %convert_element_type3A_132 = arith.extui %lt3A_131 : i1 to i32
    %cond3A_133 = arith.constant 0 : i32
    %cond3A_134 = arith.cmpi ne, %convert_element_type3A_132, %cond3A_133 : i32
    scf.if %cond3A_134 {
      %mul3A = arith.constant 80 : i32
      %mul3A_156 = arith.muli %add3A_129, %mul3A : i32
      "tpu.region"() ({
        %run_scoped3A = tpu.sem_alloc : memref<!tpu.dma_semaphore, #tpu.memory_space<semaphore_mem>>
        %dma_start3A = arith.constant 0 : i32
        %dma_start3A_166 = tpu.memref_slice %arg53[%mul3A_156, %dma_start3A] : memref<10000x64xf32, #tpu.memory_space<vmem_shared>> -> memref<80x64xf32, #tpu.memory_space<vmem_shared>>
        %dma_start3A_167 = arith.constant 0 : i32
        %dma_start3A_168 = tpu.memref_slice %arg53[%mul3A_156, %dma_start3A_167] : memref<10000x64xf32, #tpu.memory_space<vmem_shared>> -> memref<80x64xf32, #tpu.memory_space<vmem_shared>>
        tpu.enqueue_dma source(%dma_start3A_168 : memref<80x64xf32, #tpu.memory_space<vmem_shared>>) target(%arg51 : memref<80x64xf32, #tpu.memory_space<vmem>>) target_semaphore(%run_scoped3A : memref<!tpu.dma_semaphore, #tpu.memory_space<semaphore_mem>>)
        %dma_wait3A_169 = arith.constant 0 : i32
        %dma_wait3A_170 = tpu.memref_slice %arg53[%mul3A_156, %dma_wait3A_169] : memref<10000x64xf32, #tpu.memory_space<vmem_shared>> -> memref<80x64xf32, #tpu.memory_space<vmem_shared>>
        %dma_wait3A_171 = arith.constant 0 : i32
        %dma_wait3A_172 = tpu.memref_slice %arg53[%mul3A_156, %dma_wait3A_171] : memref<10000x64xf32, #tpu.memory_space<vmem_shared>> -> memref<80x64xf32, #tpu.memory_space<vmem_shared>>
        tpu.wait_dma2 semaphore(%run_scoped3A : memref<!tpu.dma_semaphore, #tpu.memory_space<semaphore_mem>>) src(%dma_wait3A_172 : memref<80x64xf32, #tpu.memory_space<vmem_shared>>) dst(%arg51 : memref<80x64xf32, #tpu.memory_space<vmem>>)
        tpu.yield
      }) : () -> ()
      "tpu.region"() ({
        %run_scoped3A = tpu.sem_alloc : memref<!tpu.dma_semaphore, #tpu.memory_space<semaphore_mem>>
        %dma_start3A = arith.constant 0 : i32
        %dma_start3A_166 = tpu.memref_slice %arg52[%dma_start3A] : memref<96xf32, #tpu.memory_space<vmem>> -> memref<80xf32, #tpu.memory_space<vmem>>
        %dma_start3A_167 = tpu.memref_slice %arg5[%mul3A_156] : memref<10000xf32, #tpu.memory_space<hbm>> -> memref<80xf32, #tpu.memory_space<hbm>>
        %dma_start3A_168 = arith.constant 0 : i32
        %dma_start3A_169 = tpu.memref_slice %arg52[%dma_start3A_168] : memref<96xf32, #tpu.memory_space<vmem>> -> memref<80xf32, #tpu.memory_space<vmem>>
        %dma_start3A_170 = tpu.memref_slice %arg5[%mul3A_156] : memref<10000xf32, #tpu.memory_space<hbm>> -> memref<80xf32, #tpu.memory_space<hbm>>
        tpu.enqueue_dma source(%dma_start3A_170 : memref<80xf32, #tpu.memory_space<hbm>>) target(%dma_start3A_169 : memref<80xf32, #tpu.memory_space<vmem>>) target_semaphore(%run_scoped3A : memref<!tpu.dma_semaphore, #tpu.memory_space<semaphore_mem>>)
        %dma_wait3A_171 = arith.constant 0 : i32
        %dma_wait3A_172 = tpu.memref_slice %arg52[%dma_wait3A_171] : memref<96xf32, #tpu.memory_space<vmem>> -> memref<80xf32, #tpu.memory_space<vmem>>
        %dma_wait3A_173 = tpu.memref_slice %arg5[%mul3A_156] : memref<10000xf32, #tpu.memory_space<hbm>> -> memref<80xf32, #tpu.memory_space<hbm>>
        %dma_wait3A_174 = arith.constant 0 : i32
        %dma_wait3A_175 = tpu.memref_slice %arg52[%dma_wait3A_174] : memref<96xf32, #tpu.memory_space<vmem>> -> memref<80xf32, #tpu.memory_space<vmem>>
        %dma_wait3A_176 = tpu.memref_slice %arg5[%mul3A_156] : memref<10000xf32, #tpu.memory_space<hbm>> -> memref<80xf32, #tpu.memory_space<hbm>>
        tpu.wait_dma2 semaphore(%run_scoped3A : memref<!tpu.dma_semaphore, #tpu.memory_space<semaphore_mem>>) src(%dma_wait3A_176 : memref<80xf32, #tpu.memory_space<hbm>>) dst(%dma_wait3A_175 : memref<80xf32, #tpu.memory_space<vmem>>)
        tpu.yield
      }) : () -> ()
      %scan3A_157 = arith.constant 0 : i32
      %scan3A_158 = arith.constant 0 : i32
      %scan3A_159 = arith.constant 80 : i32
      %scan3A_160 = arith.addi %scan3A_158, %scan3A_159 : i32
      %scan3A_161 = arith.constant 1 : i32
      scf.for %scan3A_166 = %scan3A_158 to %scan3A_160 step %scan3A_161  : i32 {
        %get3A = arith.index_cast %scan3A_166 : i32 to index
        %get3A_167 = tpu.vector_load %arg52[%get3A] {strides = array<i32>} : memref<96xf32, #tpu.memory_space<vmem>>, vector<16xf32>,
        %div3A = arith.constant 5.000000e-01 : f32
        %div3A_168 = vector.broadcast %div3A : f32 to vector<16xf32>
        %div3A_169 = arith.divf %div3A_168, %get3A_167 : vector<16xf32>
        %slice3A = vector.extract_strided_slice %div3A_169 {offsets = [0], sizes = [1], strides = [1]} : vector<16xf32> to vector<1xf32>
        %squeeze3A = vector.extract %slice3A[0] : f32 from vector<1xf32>
        %get3A_170 = arith.index_cast %scan3A_166 : i32 to index
        %get3A_171 = arith.constant 0 : index
        %get3A_172 = tpu.vector_load %arg51[%get3A_170, %get3A_171] {strides = array<i32>} : memref<80x64xf32, #tpu.memory_space<vmem>>, vector<16xf32>,
        %mul3A_173 = vector.broadcast %squeeze3A : f32 to vector<16xf32>
        %mul3A_174 = arith.mulf %get3A_172, %mul3A_173 : vector<16xf32>
        %swap3A = arith.index_cast %scan3A_166 : i32 to index
        %swap3A_175 = arith.constant 0 : index
        %swap3A_176 = tpu.vector_load %arg51[%swap3A, %swap3A_175] {strides = array<i32>} : memref<80x64xf32, #tpu.memory_space<vmem>>, vector<16xf32>,
        tpu.vector_store %arg51[%swap3A, %swap3A_175], %mul3A_174 {strides = array<i32>} : memref<80x64xf32, #tpu.memory_space<vmem>>, vector<16xf32>,
        %get3A_177 = arith.index_cast %scan3A_166 : i32 to index
        %get3A_178 = arith.constant 16 : index
        %get3A_179 = tpu.vector_load %arg51[%get3A_177, %get3A_178] {strides = array<i32>} : memref<80x64xf32, #tpu.memory_space<vmem>>, vector<16xf32>,
        %mul3A_180 = vector.broadcast %squeeze3A : f32 to vector<16xf32>
        %mul3A_181 = arith.mulf %get3A_179, %mul3A_180 : vector<16xf32>
        %swap3A_182 = arith.index_cast %scan3A_166 : i32 to index
        %swap3A_183 = arith.constant 16 : index
        %swap3A_184 = tpu.vector_load %arg51[%swap3A_182, %swap3A_183] {strides = array<i32>} : memref<80x64xf32, #tpu.memory_space<vmem>>, vector<16xf32>,
        tpu.vector_store %arg51[%swap3A_182, %swap3A_183], %mul3A_181 {strides = array<i32>} : memref<80x64xf32, #tpu.memory_space<vmem>>, vector<16xf32>,
        %get3A_185 = arith.index_cast %scan3A_166 : i32 to index
        %get3A_186 = arith.constant 32 : index
        %get3A_187 = tpu.vector_load %arg51[%get3A_185, %get3A_186] {strides = array<i32>} : memref<80x64xf32, #tpu.memory_space<vmem>>, vector<16xf32>,
        %mul3A_188 = vector.broadcast %squeeze3A : f32 to vector<16xf32>
        %mul3A_189 = arith.mulf %get3A_187, %mul3A_188 : vector<16xf32>
        %swap3A_190 = arith.index_cast %scan3A_166 : i32 to index
        %swap3A_191 = arith.constant 32 : index
        %swap3A_192 = tpu.vector_load %arg51[%swap3A_190, %swap3A_191] {strides = array<i32>} : memref<80x64xf32, #tpu.memory_space<vmem>>, vector<16xf32>,
        tpu.vector_store %arg51[%swap3A_190, %swap3A_191], %mul3A_189 {strides = array<i32>} : memref<80x64xf32, #tpu.memory_space<vmem>>, vector<16xf32>,
        %get3A_193 = arith.index_cast %scan3A_166 : i32 to index
        %get3A_194 = arith.constant 48 : index
        %get3A_195 = tpu.vector_load %arg51[%get3A_193, %get3A_194] {strides = array<i32>} : memref<80x64xf32, #tpu.memory_space<vmem>>, vector<16xf32>,
        %mul3A_196 = vector.broadcast %squeeze3A : f32 to vector<16xf32>
        %mul3A_197 = arith.mulf %get3A_195, %mul3A_196 : vector<16xf32>
        %swap3A_198 = arith.index_cast %scan3A_166 : i32 to index
        %swap3A_199 = arith.constant 48 : index
        %swap3A_200 = tpu.vector_load %arg51[%swap3A_198, %swap3A_199] {strides = array<i32>} : memref<80x64xf32, #tpu.memory_space<vmem>>, vector<16xf32>,
        tpu.vector_store %arg51[%swap3A_198, %swap3A_199], %mul3A_197 {strides = array<i32>} : memref<80x64xf32, #tpu.memory_space<vmem>>, vector<16xf32>,
      }
      %scan3A_162 = arith.constant 80 : i32
      %mul3A_163 = arith.constant 10000 : i32
      %mul3A_164 = arith.muli %arg0, %mul3A_163 : i32
      %add3A_165 = arith.addi %mul3A_164, %mul3A_156 : i32
      "tpu.region"() ({
        %run_scoped3A = tpu.sem_alloc : memref<!tpu.dma_semaphore, #tpu.memory_space<semaphore_mem>>
        %dma_start3A = arith.constant 0 : i32
        %dma_start3A_166 = tpu.memref_slice %arg6[%add3A_165, %dma_start3A] : memref<20000x64xf32, #tpu.memory_space<hbm>> -> memref<80x64xf32, #tpu.memory_space<hbm>>
        %dma_start3A_167 = arith.constant 0 : i32
        %dma_start3A_168 = tpu.memref_slice %arg6[%add3A_165, %dma_start3A_167] : memref<20000x64xf32, #tpu.memory_space<hbm>> -> memref<80x64xf32, #tpu.memory_space<hbm>>
        tpu.enqueue_dma source(%arg51 : memref<80x64xf32, #tpu.memory_space<vmem>>) target(%dma_start3A_168 : memref<80x64xf32, #tpu.memory_space<hbm>>) target_semaphore(%run_scoped3A : memref<!tpu.dma_semaphore, #tpu.memory_space<semaphore_mem>>)
        %dma_wait3A_169 = arith.constant 0 : i32
        %dma_wait3A_170 = tpu.memref_slice %arg6[%add3A_165, %dma_wait3A_169] : memref<20000x64xf32, #tpu.memory_space<hbm>> -> memref<80x64xf32, #tpu.memory_space<hbm>>
        %dma_wait3A_171 = arith.constant 0 : i32
        %dma_wait3A_172 = tpu.memref_slice %arg6[%add3A_165, %dma_wait3A_171] : memref<20000x64xf32, #tpu.memory_space<hbm>> -> memref<80x64xf32, #tpu.memory_space<hbm>>
        tpu.wait_dma2 semaphore(%run_scoped3A : memref<!tpu.dma_semaphore, #tpu.memory_space<semaphore_mem>>) src(%arg51 : memref<80x64xf32, #tpu.memory_space<vmem>>) dst(%dma_wait3A_172 : memref<80x64xf32, #tpu.memory_space<hbm>>)
        tpu.yield
      }) : () -> ()
    } else {
    }
    %add3A_135 = arith.constant 80 : i32
    %add3A_136 = arith.addi %arg1, %add3A_135 : i32
    %lt3A_137 = arith.constant 125 : i32
    %lt3A_138 = arith.cmpi slt, %add3A_136, %lt3A_137 : i32
    %convert_element_type3A_139 = arith.extui %lt3A_138 : i1 to i32
    %cond3A_140 = arith.constant 0 : i32
    %cond3A_141 = arith.cmpi ne, %convert_element_type3A_139, %cond3A_140 : i32
    scf.if %cond3A_141 {
      %mul3A = arith.constant 80 : i32
      %mul3A_156 = arith.muli %add3A_136, %mul3A : i32
      "tpu.region"() ({
        %run_scoped3A = tpu.sem_alloc : memref<!tpu.dma_semaphore, #tpu.memory_space<semaphore_mem>>
        %dma_start3A = arith.constant 0 : i32
        %dma_start3A_166 = tpu.memref_slice %arg53[%mul3A_156, %dma_start3A] : memref<10000x64xf32, #tpu.memory_space<vmem_shared>> -> memref<80x64xf32, #tpu.memory_space<vmem_shared>>
        %dma_start3A_167 = arith.constant 0 : i32
        %dma_start3A_168 = tpu.memref_slice %arg53[%mul3A_156, %dma_start3A_167] : memref<10000x64xf32, #tpu.memory_space<vmem_shared>> -> memref<80x64xf32, #tpu.memory_space<vmem_shared>>
        tpu.enqueue_dma source(%dma_start3A_168 : memref<80x64xf32, #tpu.memory_space<vmem_shared>>) target(%arg51 : memref<80x64xf32, #tpu.memory_space<vmem>>) target_semaphore(%run_scoped3A : memref<!tpu.dma_semaphore, #tpu.memory_space<semaphore_mem>>)
        %dma_wait3A_169 = arith.constant 0 : i32
        %dma_wait3A_170 = tpu.memref_slice %arg53[%mul3A_156, %dma_wait3A_169] : memref<10000x64xf32, #tpu.memory_space<vmem_shared>> -> memref<80x64xf32, #tpu.memory_space<vmem_shared>>
        %dma_wait3A_171 = arith.constant 0 : i32
        %dma_wait3A_172 = tpu.memref_slice %arg53[%mul3A_156, %dma_wait3A_171] : memref<10000x64xf32, #tpu.memory_space<vmem_shared>> -> memref<80x64xf32, #tpu.memory_space<vmem_shared>>
        tpu.wait_dma2 semaphore(%run_scoped3A : memref<!tpu.dma_semaphore, #tpu.memory_space<semaphore_mem>>) src(%dma_wait3A_172 : memref<80x64xf32, #tpu.memory_space<vmem_shared>>) dst(%arg51 : memref<80x64xf32, #tpu.memory_space<vmem>>)
        tpu.yield
      }) : () -> ()
      "tpu.region"() ({
        %run_scoped3A = tpu.sem_alloc : memref<!tpu.dma_semaphore, #tpu.memory_space<semaphore_mem>>
        %dma_start3A = arith.constant 0 : i32
        %dma_start3A_166 = tpu.memref_slice %arg52[%dma_start3A] : memref<96xf32, #tpu.memory_space<vmem>> -> memref<80xf32, #tpu.memory_space<vmem>>
        %dma_start3A_167 = tpu.memref_slice %arg5[%mul3A_156] : memref<10000xf32, #tpu.memory_space<hbm>> -> memref<80xf32, #tpu.memory_space<hbm>>
        %dma_start3A_168 = arith.constant 0 : i32
        %dma_start3A_169 = tpu.memref_slice %arg52[%dma_start3A_168] : memref<96xf32, #tpu.memory_space<vmem>> -> memref<80xf32, #tpu.memory_space<vmem>>
        %dma_start3A_170 = tpu.memref_slice %arg5[%mul3A_156] : memref<10000xf32, #tpu.memory_space<hbm>> -> memref<80xf32, #tpu.memory_space<hbm>>
        tpu.enqueue_dma source(%dma_start3A_170 : memref<80xf32, #tpu.memory_space<hbm>>) target(%dma_start3A_169 : memref<80xf32, #tpu.memory_space<vmem>>) target_semaphore(%run_scoped3A : memref<!tpu.dma_semaphore, #tpu.memory_space<semaphore_mem>>)
        %dma_wait3A_171 = arith.constant 0 : i32
        %dma_wait3A_172 = tpu.memref_slice %arg52[%dma_wait3A_171] : memref<96xf32, #tpu.memory_space<vmem>> -> memref<80xf32, #tpu.memory_space<vmem>>
        %dma_wait3A_173 = tpu.memref_slice %arg5[%mul3A_156] : memref<10000xf32, #tpu.memory_space<hbm>> -> memref<80xf32, #tpu.memory_space<hbm>>
        %dma_wait3A_174 = arith.constant 0 : i32
        %dma_wait3A_175 = tpu.memref_slice %arg52[%dma_wait3A_174] : memref<96xf32, #tpu.memory_space<vmem>> -> memref<80xf32, #tpu.memory_space<vmem>>
        %dma_wait3A_176 = tpu.memref_slice %arg5[%mul3A_156] : memref<10000xf32, #tpu.memory_space<hbm>> -> memref<80xf32, #tpu.memory_space<hbm>>
        tpu.wait_dma2 semaphore(%run_scoped3A : memref<!tpu.dma_semaphore, #tpu.memory_space<semaphore_mem>>) src(%dma_wait3A_176 : memref<80xf32, #tpu.memory_space<hbm>>) dst(%dma_wait3A_175 : memref<80xf32, #tpu.memory_space<vmem>>)
        tpu.yield
      }) : () -> ()
      %scan3A_157 = arith.constant 0 : i32
      %scan3A_158 = arith.constant 0 : i32
      %scan3A_159 = arith.constant 80 : i32
      %scan3A_160 = arith.addi %scan3A_158, %scan3A_159 : i32
      %scan3A_161 = arith.constant 1 : i32
      scf.for %scan3A_166 = %scan3A_158 to %scan3A_160 step %scan3A_161  : i32 {
        %get3A = arith.index_cast %scan3A_166 : i32 to index
        %get3A_167 = tpu.vector_load %arg52[%get3A] {strides = array<i32>} : memref<96xf32, #tpu.memory_space<vmem>>, vector<16xf32>,
        %div3A = arith.constant 5.000000e-01 : f32
        %div3A_168 = vector.broadcast %div3A : f32 to vector<16xf32>
        %div3A_169 = arith.divf %div3A_168, %get3A_167 : vector<16xf32>
        %slice3A = vector.extract_strided_slice %div3A_169 {offsets = [0], sizes = [1], strides = [1]} : vector<16xf32> to vector<1xf32>
        %squeeze3A = vector.extract %slice3A[0] : f32 from vector<1xf32>
        %get3A_170 = arith.index_cast %scan3A_166 : i32 to index
        %get3A_171 = arith.constant 0 : index
        %get3A_172 = tpu.vector_load %arg51[%get3A_170, %get3A_171] {strides = array<i32>} : memref<80x64xf32, #tpu.memory_space<vmem>>, vector<16xf32>,
        %mul3A_173 = vector.broadcast %squeeze3A : f32 to vector<16xf32>
        %mul3A_174 = arith.mulf %get3A_172, %mul3A_173 : vector<16xf32>
        %swap3A = arith.index_cast %scan3A_166 : i32 to index
        %swap3A_175 = arith.constant 0 : index
        %swap3A_176 = tpu.vector_load %arg51[%swap3A, %swap3A_175] {strides = array<i32>} : memref<80x64xf32, #tpu.memory_space<vmem>>, vector<16xf32>,
        tpu.vector_store %arg51[%swap3A, %swap3A_175], %mul3A_174 {strides = array<i32>} : memref<80x64xf32, #tpu.memory_space<vmem>>, vector<16xf32>,
        %get3A_177 = arith.index_cast %scan3A_166 : i32 to index
        %get3A_178 = arith.constant 16 : index
        %get3A_179 = tpu.vector_load %arg51[%get3A_177, %get3A_178] {strides = array<i32>} : memref<80x64xf32, #tpu.memory_space<vmem>>, vector<16xf32>,
        %mul3A_180 = vector.broadcast %squeeze3A : f32 to vector<16xf32>
        %mul3A_181 = arith.mulf %get3A_179, %mul3A_180 : vector<16xf32>
        %swap3A_182 = arith.index_cast %scan3A_166 : i32 to index
        %swap3A_183 = arith.constant 16 : index
        %swap3A_184 = tpu.vector_load %arg51[%swap3A_182, %swap3A_183] {strides = array<i32>} : memref<80x64xf32, #tpu.memory_space<vmem>>, vector<16xf32>,
        tpu.vector_store %arg51[%swap3A_182, %swap3A_183], %mul3A_181 {strides = array<i32>} : memref<80x64xf32, #tpu.memory_space<vmem>>, vector<16xf32>,
        %get3A_185 = arith.index_cast %scan3A_166 : i32 to index
        %get3A_186 = arith.constant 32 : index
        %get3A_187 = tpu.vector_load %arg51[%get3A_185, %get3A_186] {strides = array<i32>} : memref<80x64xf32, #tpu.memory_space<vmem>>, vector<16xf32>,
        %mul3A_188 = vector.broadcast %squeeze3A : f32 to vector<16xf32>
        %mul3A_189 = arith.mulf %get3A_187, %mul3A_188 : vector<16xf32>
        %swap3A_190 = arith.index_cast %scan3A_166 : i32 to index
        %swap3A_191 = arith.constant 32 : index
        %swap3A_192 = tpu.vector_load %arg51[%swap3A_190, %swap3A_191] {strides = array<i32>} : memref<80x64xf32, #tpu.memory_space<vmem>>, vector<16xf32>,
        tpu.vector_store %arg51[%swap3A_190, %swap3A_191], %mul3A_189 {strides = array<i32>} : memref<80x64xf32, #tpu.memory_space<vmem>>, vector<16xf32>,
        %get3A_193 = arith.index_cast %scan3A_166 : i32 to index
        %get3A_194 = arith.constant 48 : index
        %get3A_195 = tpu.vector_load %arg51[%get3A_193, %get3A_194] {strides = array<i32>} : memref<80x64xf32, #tpu.memory_space<vmem>>, vector<16xf32>,
        %mul3A_196 = vector.broadcast %squeeze3A : f32 to vector<16xf32>
        %mul3A_197 = arith.mulf %get3A_195, %mul3A_196 : vector<16xf32>
        %swap3A_198 = arith.index_cast %scan3A_166 : i32 to index
        %swap3A_199 = arith.constant 48 : index
        %swap3A_200 = tpu.vector_load %arg51[%swap3A_198, %swap3A_199] {strides = array<i32>} : memref<80x64xf32, #tpu.memory_space<vmem>>, vector<16xf32>,
        tpu.vector_store %arg51[%swap3A_198, %swap3A_199], %mul3A_197 {strides = array<i32>} : memref<80x64xf32, #tpu.memory_space<vmem>>, vector<16xf32>,
      }
      %scan3A_162 = arith.constant 80 : i32
      %mul3A_163 = arith.constant 10000 : i32
      %mul3A_164 = arith.muli %arg0, %mul3A_163 : i32
      %add3A_165 = arith.addi %mul3A_164, %mul3A_156 : i32
      "tpu.region"() ({
        %run_scoped3A = tpu.sem_alloc : memref<!tpu.dma_semaphore, #tpu.memory_space<semaphore_mem>>
        %dma_start3A = arith.constant 0 : i32
        %dma_start3A_166 = tpu.memref_slice %arg6[%add3A_165, %dma_start3A] : memref<20000x64xf32, #tpu.memory_space<hbm>> -> memref<80x64xf32, #tpu.memory_space<hbm>>
        %dma_start3A_167 = arith.constant 0 : i32
        %dma_start3A_168 = tpu.memref_slice %arg6[%add3A_165, %dma_start3A_167] : memref<20000x64xf32, #tpu.memory_space<hbm>> -> memref<80x64xf32, #tpu.memory_space<hbm>>
        tpu.enqueue_dma source(%arg51 : memref<80x64xf32, #tpu.memory_space<vmem>>) target(%dma_start3A_168 : memref<80x64xf32, #tpu.memory_space<hbm>>) target_semaphore(%run_scoped3A : memref<!tpu.dma_semaphore, #tpu.memory_space<semaphore_mem>>)
        %dma_wait3A_169 = arith.constant 0 : i32
        %dma_wait3A_170 = tpu.memref_slice %arg6[%add3A_165, %dma_wait3A_169] : memref<20000x64xf32, #tpu.memory_space<hbm>> -> memref<80x64xf32, #tpu.memory_space<hbm>>
        %dma_wait3A_171 = arith.constant 0 : i32
        %dma_wait3A_172 = tpu.memref_slice %arg6[%add3A_165, %dma_wait3A_171] : memref<20000x64xf32, #tpu.memory_space<hbm>> -> memref<80x64xf32, #tpu.memory_space<hbm>>
        tpu.wait_dma2 semaphore(%run_scoped3A : memref<!tpu.dma_semaphore, #tpu.memory_space<semaphore_mem>>) src(%arg51 : memref<80x64xf32, #tpu.memory_space<vmem>>) dst(%dma_wait3A_172 : memref<80x64xf32, #tpu.memory_space<hbm>>)
        tpu.yield
      }) : () -> ()
    } else {
    }
    %add3A_142 = arith.constant 96 : i32
    %add3A_143 = arith.addi %arg1, %add3A_142 : i32
    %lt3A_144 = arith.constant 125 : i32
    %lt3A_145 = arith.cmpi slt, %add3A_143, %lt3A_144 : i32
    %convert_element_type3A_146 = arith.extui %lt3A_145 : i1 to i32
    %cond3A_147 = arith.constant 0 : i32
    %cond3A_148 = arith.cmpi ne, %convert_element_type3A_146, %cond3A_147 : i32
    scf.if %cond3A_148 {
      %mul3A = arith.constant 80 : i32
      %mul3A_156 = arith.muli %add3A_143, %mul3A : i32
      "tpu.region"() ({
        %run_scoped3A = tpu.sem_alloc : memref<!tpu.dma_semaphore, #tpu.memory_space<semaphore_mem>>
        %dma_start3A = arith.constant 0 : i32
        %dma_start3A_166 = tpu.memref_slice %arg53[%mul3A_156, %dma_start3A] : memref<10000x64xf32, #tpu.memory_space<vmem_shared>> -> memref<80x64xf32, #tpu.memory_space<vmem_shared>>
        %dma_start3A_167 = arith.constant 0 : i32
        %dma_start3A_168 = tpu.memref_slice %arg53[%mul3A_156, %dma_start3A_167] : memref<10000x64xf32, #tpu.memory_space<vmem_shared>> -> memref<80x64xf32, #tpu.memory_space<vmem_shared>>
        tpu.enqueue_dma source(%dma_start3A_168 : memref<80x64xf32, #tpu.memory_space<vmem_shared>>) target(%arg51 : memref<80x64xf32, #tpu.memory_space<vmem>>) target_semaphore(%run_scoped3A : memref<!tpu.dma_semaphore, #tpu.memory_space<semaphore_mem>>)
        %dma_wait3A_169 = arith.constant 0 : i32
        %dma_wait3A_170 = tpu.memref_slice %arg53[%mul3A_156, %dma_wait3A_169] : memref<10000x64xf32, #tpu.memory_space<vmem_shared>> -> memref<80x64xf32, #tpu.memory_space<vmem_shared>>
        %dma_wait3A_171 = arith.constant 0 : i32
        %dma_wait3A_172 = tpu.memref_slice %arg53[%mul3A_156, %dma_wait3A_171] : memref<10000x64xf32, #tpu.memory_space<vmem_shared>> -> memref<80x64xf32, #tpu.memory_space<vmem_shared>>
        tpu.wait_dma2 semaphore(%run_scoped3A : memref<!tpu.dma_semaphore, #tpu.memory_space<semaphore_mem>>) src(%dma_wait3A_172 : memref<80x64xf32, #tpu.memory_space<vmem_shared>>) dst(%arg51 : memref<80x64xf32, #tpu.memory_space<vmem>>)
        tpu.yield
      }) : () -> ()
      "tpu.region"() ({
        %run_scoped3A = tpu.sem_alloc : memref<!tpu.dma_semaphore, #tpu.memory_space<semaphore_mem>>
        %dma_start3A = arith.constant 0 : i32
        %dma_start3A_166 = tpu.memref_slice %arg52[%dma_start3A] : memref<96xf32, #tpu.memory_space<vmem>> -> memref<80xf32, #tpu.memory_space<vmem>>
        %dma_start3A_167 = tpu.memref_slice %arg5[%mul3A_156] : memref<10000xf32, #tpu.memory_space<hbm>> -> memref<80xf32, #tpu.memory_space<hbm>>
        %dma_start3A_168 = arith.constant 0 : i32
        %dma_start3A_169 = tpu.memref_slice %arg52[%dma_start3A_168] : memref<96xf32, #tpu.memory_space<vmem>> -> memref<80xf32, #tpu.memory_space<vmem>>
        %dma_start3A_170 = tpu.memref_slice %arg5[%mul3A_156] : memref<10000xf32, #tpu.memory_space<hbm>> -> memref<80xf32, #tpu.memory_space<hbm>>
        tpu.enqueue_dma source(%dma_start3A_170 : memref<80xf32, #tpu.memory_space<hbm>>) target(%dma_start3A_169 : memref<80xf32, #tpu.memory_space<vmem>>) target_semaphore(%run_scoped3A : memref<!tpu.dma_semaphore, #tpu.memory_space<semaphore_mem>>)
        %dma_wait3A_171 = arith.constant 0 : i32
        %dma_wait3A_172 = tpu.memref_slice %arg52[%dma_wait3A_171] : memref<96xf32, #tpu.memory_space<vmem>> -> memref<80xf32, #tpu.memory_space<vmem>>
        %dma_wait3A_173 = tpu.memref_slice %arg5[%mul3A_156] : memref<10000xf32, #tpu.memory_space<hbm>> -> memref<80xf32, #tpu.memory_space<hbm>>
        %dma_wait3A_174 = arith.constant 0 : i32
        %dma_wait3A_175 = tpu.memref_slice %arg52[%dma_wait3A_174] : memref<96xf32, #tpu.memory_space<vmem>> -> memref<80xf32, #tpu.memory_space<vmem>>
        %dma_wait3A_176 = tpu.memref_slice %arg5[%mul3A_156] : memref<10000xf32, #tpu.memory_space<hbm>> -> memref<80xf32, #tpu.memory_space<hbm>>
        tpu.wait_dma2 semaphore(%run_scoped3A : memref<!tpu.dma_semaphore, #tpu.memory_space<semaphore_mem>>) src(%dma_wait3A_176 : memref<80xf32, #tpu.memory_space<hbm>>) dst(%dma_wait3A_175 : memref<80xf32, #tpu.memory_space<vmem>>)
        tpu.yield
      }) : () -> ()
      %scan3A_157 = arith.constant 0 : i32
      %scan3A_158 = arith.constant 0 : i32
      %scan3A_159 = arith.constant 80 : i32
      %scan3A_160 = arith.addi %scan3A_158, %scan3A_159 : i32
      %scan3A_161 = arith.constant 1 : i32
      scf.for %scan3A_166 = %scan3A_158 to %scan3A_160 step %scan3A_161  : i32 {
        %get3A = arith.index_cast %scan3A_166 : i32 to index
        %get3A_167 = tpu.vector_load %arg52[%get3A] {strides = array<i32>} : memref<96xf32, #tpu.memory_space<vmem>>, vector<16xf32>,
        %div3A = arith.constant 5.000000e-01 : f32
        %div3A_168 = vector.broadcast %div3A : f32 to vector<16xf32>
        %div3A_169 = arith.divf %div3A_168, %get3A_167 : vector<16xf32>
        %slice3A = vector.extract_strided_slice %div3A_169 {offsets = [0], sizes = [1], strides = [1]} : vector<16xf32> to vector<1xf32>
        %squeeze3A = vector.extract %slice3A[0] : f32 from vector<1xf32>
        %get3A_170 = arith.index_cast %scan3A_166 : i32 to index
        %get3A_171 = arith.constant 0 : index
        %get3A_172 = tpu.vector_load %arg51[%get3A_170, %get3A_171] {strides = array<i32>} : memref<80x64xf32, #tpu.memory_space<vmem>>, vector<16xf32>,
        %mul3A_173 = vector.broadcast %squeeze3A : f32 to vector<16xf32>
        %mul3A_174 = arith.mulf %get3A_172, %mul3A_173 : vector<16xf32>
        %swap3A = arith.index_cast %scan3A_166 : i32 to index
        %swap3A_175 = arith.constant 0 : index
        %swap3A_176 = tpu.vector_load %arg51[%swap3A, %swap3A_175] {strides = array<i32>} : memref<80x64xf32, #tpu.memory_space<vmem>>, vector<16xf32>,
        tpu.vector_store %arg51[%swap3A, %swap3A_175], %mul3A_174 {strides = array<i32>} : memref<80x64xf32, #tpu.memory_space<vmem>>, vector<16xf32>,
        %get3A_177 = arith.index_cast %scan3A_166 : i32 to index
        %get3A_178 = arith.constant 16 : index
        %get3A_179 = tpu.vector_load %arg51[%get3A_177, %get3A_178] {strides = array<i32>} : memref<80x64xf32, #tpu.memory_space<vmem>>, vector<16xf32>,
        %mul3A_180 = vector.broadcast %squeeze3A : f32 to vector<16xf32>
        %mul3A_181 = arith.mulf %get3A_179, %mul3A_180 : vector<16xf32>
        %swap3A_182 = arith.index_cast %scan3A_166 : i32 to index
        %swap3A_183 = arith.constant 16 : index
        %swap3A_184 = tpu.vector_load %arg51[%swap3A_182, %swap3A_183] {strides = array<i32>} : memref<80x64xf32, #tpu.memory_space<vmem>>, vector<16xf32>,
        tpu.vector_store %arg51[%swap3A_182, %swap3A_183], %mul3A_181 {strides = array<i32>} : memref<80x64xf32, #tpu.memory_space<vmem>>, vector<16xf32>,
        %get3A_185 = arith.index_cast %scan3A_166 : i32 to index
        %get3A_186 = arith.constant 32 : index
        %get3A_187 = tpu.vector_load %arg51[%get3A_185, %get3A_186] {strides = array<i32>} : memref<80x64xf32, #tpu.memory_space<vmem>>, vector<16xf32>,
        %mul3A_188 = vector.broadcast %squeeze3A : f32 to vector<16xf32>
        %mul3A_189 = arith.mulf %get3A_187, %mul3A_188 : vector<16xf32>
        %swap3A_190 = arith.index_cast %scan3A_166 : i32 to index
        %swap3A_191 = arith.constant 32 : index
        %swap3A_192 = tpu.vector_load %arg51[%swap3A_190, %swap3A_191] {strides = array<i32>} : memref<80x64xf32, #tpu.memory_space<vmem>>, vector<16xf32>,
        tpu.vector_store %arg51[%swap3A_190, %swap3A_191], %mul3A_189 {strides = array<i32>} : memref<80x64xf32, #tpu.memory_space<vmem>>, vector<16xf32>,
        %get3A_193 = arith.index_cast %scan3A_166 : i32 to index
        %get3A_194 = arith.constant 48 : index
        %get3A_195 = tpu.vector_load %arg51[%get3A_193, %get3A_194] {strides = array<i32>} : memref<80x64xf32, #tpu.memory_space<vmem>>, vector<16xf32>,
        %mul3A_196 = vector.broadcast %squeeze3A : f32 to vector<16xf32>
        %mul3A_197 = arith.mulf %get3A_195, %mul3A_196 : vector<16xf32>
        %swap3A_198 = arith.index_cast %scan3A_166 : i32 to index
        %swap3A_199 = arith.constant 48 : index
        %swap3A_200 = tpu.vector_load %arg51[%swap3A_198, %swap3A_199] {strides = array<i32>} : memref<80x64xf32, #tpu.memory_space<vmem>>, vector<16xf32>,
        tpu.vector_store %arg51[%swap3A_198, %swap3A_199], %mul3A_197 {strides = array<i32>} : memref<80x64xf32, #tpu.memory_space<vmem>>, vector<16xf32>,
      }
      %scan3A_162 = arith.constant 80 : i32
      %mul3A_163 = arith.constant 10000 : i32
      %mul3A_164 = arith.muli %arg0, %mul3A_163 : i32
      %add3A_165 = arith.addi %mul3A_164, %mul3A_156 : i32
      "tpu.region"() ({
        %run_scoped3A = tpu.sem_alloc : memref<!tpu.dma_semaphore, #tpu.memory_space<semaphore_mem>>
        %dma_start3A = arith.constant 0 : i32
        %dma_start3A_166 = tpu.memref_slice %arg6[%add3A_165, %dma_start3A] : memref<20000x64xf32, #tpu.memory_space<hbm>> -> memref<80x64xf32, #tpu.memory_space<hbm>>
        %dma_start3A_167 = arith.constant 0 : i32
        %dma_start3A_168 = tpu.memref_slice %arg6[%add3A_165, %dma_start3A_167] : memref<20000x64xf32, #tpu.memory_space<hbm>> -> memref<80x64xf32, #tpu.memory_space<hbm>>
        tpu.enqueue_dma source(%arg51 : memref<80x64xf32, #tpu.memory_space<vmem>>) target(%dma_start3A_168 : memref<80x64xf32, #tpu.memory_space<hbm>>) target_semaphore(%run_scoped3A : memref<!tpu.dma_semaphore, #tpu.memory_space<semaphore_mem>>)
        %dma_wait3A_169 = arith.constant 0 : i32
        %dma_wait3A_170 = tpu.memref_slice %arg6[%add3A_165, %dma_wait3A_169] : memref<20000x64xf32, #tpu.memory_space<hbm>> -> memref<80x64xf32, #tpu.memory_space<hbm>>
        %dma_wait3A_171 = arith.constant 0 : i32
        %dma_wait3A_172 = tpu.memref_slice %arg6[%add3A_165, %dma_wait3A_171] : memref<20000x64xf32, #tpu.memory_space<hbm>> -> memref<80x64xf32, #tpu.memory_space<hbm>>
        tpu.wait_dma2 semaphore(%run_scoped3A : memref<!tpu.dma_semaphore, #tpu.memory_space<semaphore_mem>>) src(%arg51 : memref<80x64xf32, #tpu.memory_space<vmem>>) dst(%dma_wait3A_172 : memref<80x64xf32, #tpu.memory_space<hbm>>)
        tpu.yield
      }) : () -> ()
    } else {
    }
    %add3A_149 = arith.constant 112 : i32
    %add3A_150 = arith.addi %arg1, %add3A_149 : i32
    %lt3A_151 = arith.constant 125 : i32
    %lt3A_152 = arith.cmpi slt, %add3A_150, %lt3A_151 : i32
    %convert_element_type3A_153 = arith.extui %lt3A_152 : i1 to i32
    %cond3A_154 = arith.constant 0 : i32
    %cond3A_155 = arith.cmpi ne, %convert_element_type3A_153, %cond3A_154 : i32
    scf.if %cond3A_155 {
      %mul3A = arith.constant 80 : i32
      %mul3A_156 = arith.muli %add3A_150, %mul3A : i32
      "tpu.region"() ({
        %run_scoped3A = tpu.sem_alloc : memref<!tpu.dma_semaphore, #tpu.memory_space<semaphore_mem>>
        %dma_start3A = arith.constant 0 : i32
        %dma_start3A_166 = tpu.memref_slice %arg53[%mul3A_156, %dma_start3A] : memref<10000x64xf32, #tpu.memory_space<vmem_shared>> -> memref<80x64xf32, #tpu.memory_space<vmem_shared>>
        %dma_start3A_167 = arith.constant 0 : i32
        %dma_start3A_168 = tpu.memref_slice %arg53[%mul3A_156, %dma_start3A_167] : memref<10000x64xf32, #tpu.memory_space<vmem_shared>> -> memref<80x64xf32, #tpu.memory_space<vmem_shared>>
        tpu.enqueue_dma source(%dma_start3A_168 : memref<80x64xf32, #tpu.memory_space<vmem_shared>>) target(%arg51 : memref<80x64xf32, #tpu.memory_space<vmem>>) target_semaphore(%run_scoped3A : memref<!tpu.dma_semaphore, #tpu.memory_space<semaphore_mem>>)
        %dma_wait3A_169 = arith.constant 0 : i32
        %dma_wait3A_170 = tpu.memref_slice %arg53[%mul3A_156, %dma_wait3A_169] : memref<10000x64xf32, #tpu.memory_space<vmem_shared>> -> memref<80x64xf32, #tpu.memory_space<vmem_shared>>
        %dma_wait3A_171 = arith.constant 0 : i32
        %dma_wait3A_172 = tpu.memref_slice %arg53[%mul3A_156, %dma_wait3A_171] : memref<10000x64xf32, #tpu.memory_space<vmem_shared>> -> memref<80x64xf32, #tpu.memory_space<vmem_shared>>
        tpu.wait_dma2 semaphore(%run_scoped3A : memref<!tpu.dma_semaphore, #tpu.memory_space<semaphore_mem>>) src(%dma_wait3A_172 : memref<80x64xf32, #tpu.memory_space<vmem_shared>>) dst(%arg51 : memref<80x64xf32, #tpu.memory_space<vmem>>)
        tpu.yield
      }) : () -> ()
      "tpu.region"() ({
        %run_scoped3A = tpu.sem_alloc : memref<!tpu.dma_semaphore, #tpu.memory_space<semaphore_mem>>
        %dma_start3A = arith.constant 0 : i32
        %dma_start3A_166 = tpu.memref_slice %arg52[%dma_start3A] : memref<96xf32, #tpu.memory_space<vmem>> -> memref<80xf32, #tpu.memory_space<vmem>>
        %dma_start3A_167 = tpu.memref_slice %arg5[%mul3A_156] : memref<10000xf32, #tpu.memory_space<hbm>> -> memref<80xf32, #tpu.memory_space<hbm>>
        %dma_start3A_168 = arith.constant 0 : i32
        %dma_start3A_169 = tpu.memref_slice %arg52[%dma_start3A_168] : memref<96xf32, #tpu.memory_space<vmem>> -> memref<80xf32, #tpu.memory_space<vmem>>
        %dma_start3A_170 = tpu.memref_slice %arg5[%mul3A_156] : memref<10000xf32, #tpu.memory_space<hbm>> -> memref<80xf32, #tpu.memory_space<hbm>>
        tpu.enqueue_dma source(%dma_start3A_170 : memref<80xf32, #tpu.memory_space<hbm>>) target(%dma_start3A_169 : memref<80xf32, #tpu.memory_space<vmem>>) target_semaphore(%run_scoped3A : memref<!tpu.dma_semaphore, #tpu.memory_space<semaphore_mem>>)
        %dma_wait3A_171 = arith.constant 0 : i32
        %dma_wait3A_172 = tpu.memref_slice %arg52[%dma_wait3A_171] : memref<96xf32, #tpu.memory_space<vmem>> -> memref<80xf32, #tpu.memory_space<vmem>>
        %dma_wait3A_173 = tpu.memref_slice %arg5[%mul3A_156] : memref<10000xf32, #tpu.memory_space<hbm>> -> memref<80xf32, #tpu.memory_space<hbm>>
        %dma_wait3A_174 = arith.constant 0 : i32
        %dma_wait3A_175 = tpu.memref_slice %arg52[%dma_wait3A_174] : memref<96xf32, #tpu.memory_space<vmem>> -> memref<80xf32, #tpu.memory_space<vmem>>
        %dma_wait3A_176 = tpu.memref_slice %arg5[%mul3A_156] : memref<10000xf32, #tpu.memory_space<hbm>> -> memref<80xf32, #tpu.memory_space<hbm>>
        tpu.wait_dma2 semaphore(%run_scoped3A : memref<!tpu.dma_semaphore, #tpu.memory_space<semaphore_mem>>) src(%dma_wait3A_176 : memref<80xf32, #tpu.memory_space<hbm>>) dst(%dma_wait3A_175 : memref<80xf32, #tpu.memory_space<vmem>>)
        tpu.yield
      }) : () -> ()
      %scan3A_157 = arith.constant 0 : i32
      %scan3A_158 = arith.constant 0 : i32
      %scan3A_159 = arith.constant 80 : i32
      %scan3A_160 = arith.addi %scan3A_158, %scan3A_159 : i32
      %scan3A_161 = arith.constant 1 : i32
      scf.for %scan3A_166 = %scan3A_158 to %scan3A_160 step %scan3A_161  : i32 {
        %get3A = arith.index_cast %scan3A_166 : i32 to index
        %get3A_167 = tpu.vector_load %arg52[%get3A] {strides = array<i32>} : memref<96xf32, #tpu.memory_space<vmem>>, vector<16xf32>,
        %div3A = arith.constant 5.000000e-01 : f32
        %div3A_168 = vector.broadcast %div3A : f32 to vector<16xf32>
        %div3A_169 = arith.divf %div3A_168, %get3A_167 : vector<16xf32>
        %slice3A = vector.extract_strided_slice %div3A_169 {offsets = [0], sizes = [1], strides = [1]} : vector<16xf32> to vector<1xf32>
        %squeeze3A = vector.extract %slice3A[0] : f32 from vector<1xf32>
        %get3A_170 = arith.index_cast %scan3A_166 : i32 to index
        %get3A_171 = arith.constant 0 : index
        %get3A_172 = tpu.vector_load %arg51[%get3A_170, %get3A_171] {strides = array<i32>} : memref<80x64xf32, #tpu.memory_space<vmem>>, vector<16xf32>,
        %mul3A_173 = vector.broadcast %squeeze3A : f32 to vector<16xf32>
        %mul3A_174 = arith.mulf %get3A_172, %mul3A_173 : vector<16xf32>
        %swap3A = arith.index_cast %scan3A_166 : i32 to index
        %swap3A_175 = arith.constant 0 : index
        %swap3A_176 = tpu.vector_load %arg51[%swap3A, %swap3A_175] {strides = array<i32>} : memref<80x64xf32, #tpu.memory_space<vmem>>, vector<16xf32>,
        tpu.vector_store %arg51[%swap3A, %swap3A_175], %mul3A_174 {strides = array<i32>} : memref<80x64xf32, #tpu.memory_space<vmem>>, vector<16xf32>,
        %get3A_177 = arith.index_cast %scan3A_166 : i32 to index
        %get3A_178 = arith.constant 16 : index
        %get3A_179 = tpu.vector_load %arg51[%get3A_177, %get3A_178] {strides = array<i32>} : memref<80x64xf32, #tpu.memory_space<vmem>>, vector<16xf32>,
        %mul3A_180 = vector.broadcast %squeeze3A : f32 to vector<16xf32>
        %mul3A_181 = arith.mulf %get3A_179, %mul3A_180 : vector<16xf32>
        %swap3A_182 = arith.index_cast %scan3A_166 : i32 to index
        %swap3A_183 = arith.constant 16 : index
        %swap3A_184 = tpu.vector_load %arg51[%swap3A_182, %swap3A_183] {strides = array<i32>} : memref<80x64xf32, #tpu.memory_space<vmem>>, vector<16xf32>,
        tpu.vector_store %arg51[%swap3A_182, %swap3A_183], %mul3A_181 {strides = array<i32>} : memref<80x64xf32, #tpu.memory_space<vmem>>, vector<16xf32>,
        %get3A_185 = arith.index_cast %scan3A_166 : i32 to index
        %get3A_186 = arith.constant 32 : index
        %get3A_187 = tpu.vector_load %arg51[%get3A_185, %get3A_186] {strides = array<i32>} : memref<80x64xf32, #tpu.memory_space<vmem>>, vector<16xf32>,
        %mul3A_188 = vector.broadcast %squeeze3A : f32 to vector<16xf32>
        %mul3A_189 = arith.mulf %get3A_187, %mul3A_188 : vector<16xf32>
        %swap3A_190 = arith.index_cast %scan3A_166 : i32 to index
        %swap3A_191 = arith.constant 32 : index
        %swap3A_192 = tpu.vector_load %arg51[%swap3A_190, %swap3A_191] {strides = array<i32>} : memref<80x64xf32, #tpu.memory_space<vmem>>, vector<16xf32>,
        tpu.vector_store %arg51[%swap3A_190, %swap3A_191], %mul3A_189 {strides = array<i32>} : memref<80x64xf32, #tpu.memory_space<vmem>>, vector<16xf32>,
        %get3A_193 = arith.index_cast %scan3A_166 : i32 to index
        %get3A_194 = arith.constant 48 : index
        %get3A_195 = tpu.vector_load %arg51[%get3A_193, %get3A_194] {strides = array<i32>} : memref<80x64xf32, #tpu.memory_space<vmem>>, vector<16xf32>,
        %mul3A_196 = vector.broadcast %squeeze3A : f32 to vector<16xf32>
        %mul3A_197 = arith.mulf %get3A_195, %mul3A_196 : vector<16xf32>
        %swap3A_198 = arith.index_cast %scan3A_166 : i32 to index
        %swap3A_199 = arith.constant 48 : index
        %swap3A_200 = tpu.vector_load %arg51[%swap3A_198, %swap3A_199] {strides = array<i32>} : memref<80x64xf32, #tpu.memory_space<vmem>>, vector<16xf32>,
        tpu.vector_store %arg51[%swap3A_198, %swap3A_199], %mul3A_197 {strides = array<i32>} : memref<80x64xf32, #tpu.memory_space<vmem>>, vector<16xf32>,
      }
      %scan3A_162 = arith.constant 80 : i32
      %mul3A_163 = arith.constant 10000 : i32
      %mul3A_164 = arith.muli %arg0, %mul3A_163 : i32
      %add3A_165 = arith.addi %mul3A_164, %mul3A_156 : i32
      "tpu.region"() ({
        %run_scoped3A = tpu.sem_alloc : memref<!tpu.dma_semaphore, #tpu.memory_space<semaphore_mem>>
        %dma_start3A = arith.constant 0 : i32
        %dma_start3A_166 = tpu.memref_slice %arg6[%add3A_165, %dma_start3A] : memref<20000x64xf32, #tpu.memory_space<hbm>> -> memref<80x64xf32, #tpu.memory_space<hbm>>
        %dma_start3A_167 = arith.constant 0 : i32
        %dma_start3A_168 = tpu.memref_slice %arg6[%add3A_165, %dma_start3A_167] : memref<20000x64xf32, #tpu.memory_space<hbm>> -> memref<80x64xf32, #tpu.memory_space<hbm>>
        tpu.enqueue_dma source(%arg51 : memref<80x64xf32, #tpu.memory_space<vmem>>) target(%dma_start3A_168 : memref<80x64xf32, #tpu.memory_space<hbm>>) target_semaphore(%run_scoped3A : memref<!tpu.dma_semaphore, #tpu.memory_space<semaphore_mem>>)
        %dma_wait3A_169 = arith.constant 0 : i32
        %dma_wait3A_170 = tpu.memref_slice %arg6[%add3A_165, %dma_wait3A_169] : memref<20000x64xf32, #tpu.memory_space<hbm>> -> memref<80x64xf32, #tpu.memory_space<hbm>>
        %dma_wait3A_171 = arith.constant 0 : i32
        %dma_wait3A_172 = tpu.memref_slice %arg6[%add3A_165, %dma_wait3A_171] : memref<20000x64xf32, #tpu.memory_space<hbm>> -> memref<80x64xf32, #tpu.memory_space<hbm>>
        tpu.wait_dma2 semaphore(%run_scoped3A : memref<!tpu.dma_semaphore, #tpu.memory_space<semaphore_mem>>) src(%arg51 : memref<80x64xf32, #tpu.memory_space<vmem>>) dst(%dma_wait3A_172 : memref<80x64xf32, #tpu.memory_space<hbm>>)
        tpu.yield
      }) : () -> ()
    } else {
    }
    return
  }
}

</mosaic_0001>

<sc_bundles>
// kernel: kernel.3.cloned.1.call-start
scs
__scs_entry_jumppad:
0x0: {  	(pc) =	sbr.rel $0x88, $3  }
0x1: {  	(tag) =	ssettag $0x0;
	lr =	simm.s32 $0x1  }
0x2: {  	[smem:$0x3F9D] =	sst lr;
	_ =	strace $0xD0000000  }
0x3: {  	_ = 	snop  }
0x4: {  	_ = 	snop  }
0x5: {  	_ = 	snop  }
0x6: {  	_ = 	snop  }
0x7: {  	_ = 	snop  }
__scs_overlays_trampoline_lowered:
0x8: {  	[smem:$0x3FAC] =	sst s0  }
0x9: {  	[smem:$0x3FAD] =	sst s1  }
0xa: {  	[smem:$0x3FAE] =	sst s2  }
0xb: {  	[smem:$0x3FAF] =	sst s3  }
0xc: {  	[smem:$0x3FB0] =	sst s4  }
0xd: {  	[smem:$0x3FB1] =	sst s5  }
0xe: {  	[smem:$0x3FB2] =	sst s6  }
0xf: {  	[smem:$0x3FB3] =	sst s7  }
0x10: {  	[smem:$0x3FB4] =	sst s8  }
0x11: {  	[smem:$0x3FB5] =	sst s9;
	s0 =	simm.s32 @!p0 $0x0  }
0x12: {  	s1 =	sld [smem:$0x3F9B];
	s0 =	simm.s32 @p0 $0x1  }
0x13: {  	[smem:$0x3FB6] =	sst s0;
	s0 =	simm.s32 @!p1 $0x0  }
0x14: {  	s2 =	sld [smem:$0x3F9A];
	s0 =	simm.s32 @p1 $0x1  }
0x15: {  	[smem:$0x3FB7] =	sst s0;
	s0 =	simm.s32 @!p2 $0x0  }
0x16: {  	s3 =	sld [smem:$0x3FDB];
	s0 =	simm.s32 @p2 $0x1  }
0x17: {  	s4 =	simm.s32 $0x1BF5;
	[smem:$0x3FB9] =	sst s0  }
0x18: {  	s0 =	sld [smem:$0x3F9C];
	_ =	swait.ge [sflag:s4], $0x0  }
0x19: {  	s7 =	sld [smem:$0x3F9D]  }
0x1a: {  	s8 =	sadd.s32 $0xFFFFE003, lr  }
0x1b: {  	s9 =	sadd.s32 $0xFFFFFEF7, lr;
	s5 =	simm.s32 $0xFFFFFFFF;
	p2 =	slt.u32 s8, $0xFFFFF086  }
0x1c: {  	p1 =	slt.u32 s9, $0xF7A;
	s5 =	simm.s32 @!p2 $0x0  }
0x1d: {  	s5 =	simm.s32 @p1 $0x1;
	p0 =	seq.s32 s7, s2  }
0x1e: {  	s7 =	smul.u32 @!p0 $0xF7A, s2;
	p2 =	seq.s32 @!p0 s5, $0x0  }
0x1f: {  	s9 =	smul.u32 $0xF7A, s1;
	s8 =	simm.s32 @!p0 $0x1BF5;
	p2 =	por !p2, p0  }
0x20: {  	[sflag:s8] =	ssyncset.s32 @!p0 $0xFFFFF086;
	s6 =	sadd.s32 @!p0 s3, s7;
	s7 =	simm.s32 @!p0 $0x108  }
0x21: {  	s3 =	sadd.s32 s3, s9;
	s6 =	sadd.s32 @!p0 $0x88, s6;
	s7 =	simm.s32 @p2 $0x1082  }
0x22: {  	[simem:s7], [sflag:s8] =	dma.local @!p0 [hbm:s6], $0xF7A  }
0x23: {  	s9 =	sor.u32 $0xD0000000, s2;
	s6 =	simm.s32 $0x108;
	_ =	swait.ge @!p0 [sflag:s8], $0x0  }
0x24: {  	s3 =	sadd.s32 $0x88, s3;
	s6 =	simm.s32 @!p1 $0x1082;
	[sflag:s4] =	ssyncset.s32 $0xFFFFF086  }
0x25: {  	[simem:s6], [sflag:s4] =	dma.local [hbm:s3], $0xF7A  }
0x26: {  	[smem:$0x3F9D] =	sst s1;
	(tag) =	ssettag s2;
	_ =	strace s9  }
0x27: {  	s1 =	sld [smem:$0x3FAD]  }
0x28: {  	s2 =	sld [smem:$0x3FAE]  }
0x29: {  	s4 =	sld [smem:$0x3FB0]  }
0x2a: {  	p0 =	seq.s32 s5, $0x0;
	s5 =	sld [smem:$0x3FB1]  }
0x2b: {  	s6 =	sld [smem:$0x3FB2]  }
0x2c: {  	s7 =	sld [smem:$0x3FB3]  }
0x2d: {  	s3 =	simm.s32 $0x108;
	s8 =	sld [smem:$0x3FB4]  }
0x2e: {  	s3 =	simm.s32 @!p0 $0x1082;
	s9 =	sld [smem:$0x3FB5]  }
0x2f: {  	lr =	sadd.s32 s0, s3;
	s0 =	sld [smem:$0x3FAC]  }
0x30: {  	s3 =	sld [smem:$0x3FAF]  }
0x31: {  	[smem:$0x3FB8] =	sst s10  }
0x32: {  	s10 =	sld [smem:$0x3FB6];
	_ =	sdelay $0x3  }
0x33: {  	p0 =	seq.s32 s10, $0x1;
	s10 =	sld [smem:$0x3FB8];
	_ =	sdelay $0x3  }
0x34: {  	[smem:$0x3FB8] =	sst s10  }
0x35: {  	s10 =	sld [smem:$0x3FB7];
	_ =	sdelay $0x3  }
0x36: {  	p1 =	seq.s32 s10, $0x1;
	s10 =	sld [smem:$0x3FB8];
	_ =	sdelay $0x3  }
0x37: {  	[smem:$0x3FB8] =	sst s10  }
0x38: {  	s10 =	sld [smem:$0x3FB9]  }
0x39: {  	_ = 	snop;
	(pc) =	sbr.ind lr, $3  }
0x3a: {  	_ = 	snop  }
0x3b: {  	_ = 	snop  }
0x3c: {  	p2 =	seq.s32 s10, $0x1;
	s10 =	sld [smem:$0x3FB8]  }
0x3d: {  	_ =	shalt  }
0x3e: {  	_ =	shalt  }
0x3f: {  	_ =	shalt  }
0x40: {  	_ =	shalt  }
0x41: {  	_ =	shalt  }
0x42: {  	_ =	shalt  }
0x43: {  	_ =	shalt  }
0x44: {  	_ =	shalt  }
0x45: {  	_ =	shalt  }
0x46: {  	_ =	shalt  }
0x47: {  	_ =	shalt  }
0x48: {  	_ =	shalt  }
0x49: {  	_ =	shalt  }
0x4a: {  	_ =	shalt  }
0x4b: {  	_ =	shalt  }
0x4c: {  	_ =	shalt  }
0x4d: {  	_ =	shalt  }
0x4e: {  	_ =	shalt  }
0x4f: {  	_ =	shalt  }
0x50: {  	_ =	shalt  }
0x51: {  	_ =	shalt  }
0x52: {  	_ =	shalt  }
0x53: {  	_ =	shalt  }
0x54: {  	_ =	shalt  }
0x55: {  	_ =	shalt  }
0x56: {  	_ =	shalt  }
0x57: {  	_ =	shalt  }
0x58: {  	_ =	shalt  }
0x59: {  	_ =	shalt  }
0x5a: {  	_ =	shalt  }
0x5b: {  	_ =	shalt  }
0x5c: {  	_ =	shalt  }
0x5d: {  	_ =	shalt  }
0x5e: {  	_ =	shalt  }
0x5f: {  	_ =	shalt  }
0x60: {  	_ =	shalt  }
0x61: {  	_ =	shalt  }
0x62: {  	_ =	shalt  }
0x63: {  	_ =	shalt  }
0x64: {  	_ =	shalt  }
0x65: {  	_ =	shalt  }
0x66: {  	_ =	shalt  }
0x67: {  	_ =	shalt  }
0x68: {  	_ =	shalt  }
0x69: {  	_ =	shalt  }
0x6a: {  	_ =	shalt  }
0x6b: {  	_ =	shalt  }
0x6c: {  	_ =	shalt  }
0x6d: {  	_ =	shalt  }
0x6e: {  	_ =	shalt  }
0x6f: {  	_ =	shalt  }
0x70: {  	_ =	shalt  }
0x71: {  	_ =	shalt  }
0x72: {  	_ =	shalt  }
0x73: {  	_ =	shalt  }
0x74: {  	_ =	shalt  }
0x75: {  	_ =	shalt  }
0x76: {  	_ =	shalt  }
0x77: {  	_ =	shalt  }
0x78: {  	_ =	shalt  }
0x79: {  	_ =	shalt  }
0x7a: {  	_ =	shalt  }
0x7b: {  	_ =	shalt  }
0x7c: {  	_ =	shalt  }
0x7d: {  	_ =	shalt  }
0x7e: {  	_ =	shalt  }
0x7f: {  	_ =	shalt  }
0x80: {  	_ =	shalt  }
0x81: {  	_ =	shalt  }
0x82: {  	_ =	shalt  }
0x83: {  	_ =	shalt  }
0x84: {  	_ =	shalt  }
0x85: {  	_ =	shalt  }
0x86: {  	_ =	shalt  }
0x87: {  	_ =	shalt  }
.Lfunc_end0:
.L_simem_size_0:
called_computation_lowered:
.L_overlay_start_0:
0x88: {  	s2 =	sld [smem:$0x3FD9]  }
0x89: {  	s3 =	sld [smem:$0x3FFE];
	_ =	sdelay $0x1  }
0x8a: {  	s1 =	srdreg.scid  }
0x8b: {  	s0 =	sand.u32 $0x1, s1  }
0x8c: {  	s17 =	sshll.u32 s0, $0xA;
	s2 =	sadd.s32 s3, s2  }
0x8d: {  	s2 =	sadd.s32 s2, s17  }
0x8e: {  	[smem:$0x3FC4] =	sst s2  }
0x8f: {  	_ = 	snop  }
0x90: {  	s2 =	sld [smem:$0x3FD0];
	(tm) =	ssettm $0x1  }
0x91: {  	s18 =	sld [smem:$0x3FFB];
	_ =	sdelay $0x3  }
0x92: {  	_ =	strace s18  }
0x93: {  	s3 =	sld [smem:$0x3FFC];
	_ =	sdelay $0x3  }
0x94: {  	_ =	strace s3  }
0x95: {  	s3 =	sld [smem:$0x3FFD];
	_ =	sdelay $0x3  }
0x96: {  	_ =	strace s3  }
0x97: {  	_ =	strace $0x8FFFFFFF  }
0x98: {  	s19 =	sld [smem:$0x3FDB];
	_ =	sdelay $0x1  }
0x99: {  	s4 =	simm.s32 $_scs_section_size  }
0x9a: {  	s5 =	simm.s32 $_size__tile_overlayer_lowered;
	s6 =	simm.s32 $_tile_overlayer_lowered  }
0x9b: {  	s22 =	simm.s32 $0x1BFF;
	s21 =	sshll.u32 s6, $0x1;
	s3 =	sadd.s32 s4, s19  }
0x9c: {  	s7 =	simm.s32 $0x0;
	s20 =	sshll.u32 s5, $0x1;
	s5 =	sadd.s32 s21, s3  }
0x9d: {  	[timem:s7], [sflag:s22] =	dma.local [hbm:s5], s20  }
0x9e: {  	_ =	swait.ge [sflag:s22], s20  }
0x9f: {  	s4 =	ssub.s32 $0x0, s20;
	[sflag:s22] =	ssyncset.done $0x0  }
0xa0: {  	[sflag:s22] =	ssyncadd.s32 s4;
	_ =	sdelay $0x1  }
0xa1: {  	s23 =	simm.s32 $0x1B8B  }
0xa2: {  	_ =	swait.ge [sflag:s23], $0x1  }
0xa3: {  	[sflag:s23] =	ssyncset.done $0x0  }
0xa4: {  	s25 =	simm.s32 $0x1B8E;
	s24 =	sld [smem:$0x3FFE];
	[sflag:s23] =	ssyncadd.s32 $0xFFFFFFFF  }
0xa5: {  	s26 =	simm.s32 $execute0_lowered;
	[smem:$0x3FD2] =	sst s25  }
0xa6: {  	s5 =	sshll.u32 s26, $0x1;
	_ =	strace $0x80000046;
	[dreg:$0x1] =	wrdreg $0xFFFFFFFF  }
0xa7: {  	s28 =	simm.s32 $_size_execute0_lowered;
	s3 =	sadd.s32 s3, s5;
	[dreg:$0x0] =	wrdreg $0x0  }
0xa8: {  	s5 =	sshll.u32 s28, $0x1;
	[dreg:$0x2] =	wrdreg s3  }
0xa9: {  	[dreg:$0x3] =	wrdreg s5  }
0xaa: {  	[dreg:$0x4] =	wrdreg $0xC0  }
0xab: {  	_ =	task [dreg:s7], $0x5FFFF  }
0xac: {  	[dreg:$0x1] =	wrdreg $0xFFFFFFFF  }
0xad: {  	[dreg:$0x0] =	wrdreg $0x60  }
0xae: {  	[dreg:$0x2] =	wrdreg s24  }
0xaf: {  	[dreg:$0x3] =	wrdreg s2  }
0xb0: {  	[dreg:$0x4] =	wrdreg $0x12B200  }
0xb1: {  	[dreg:$0x5] =	wrdreg $0x9  }
0xb2: {  	_ =	task.clear_ibuf [dreg:s7], $0x6FFFF;
	_ =	strace $0x90000046  }
0xb3: {  	s29 =	simm.s32 $0x9;
	_ =	strace $0x80000048  }
0xb4: {  	_ =	swait.ge [sflag:s29], $0x1  }
0xb5: {  	[sflag:s29] =	ssyncadd.s32 $0xFFFFFFFF  }
0xb6: {  	_ =	strace $0x90000048  }
0xb7: {  	_ =	sfence  }
0xb8: {  	s30 =	sld [smem:$0x0];
	_ =	sdelay $0x2  }
0xb9: {  	s31 =	sshll.u32 s1, $0xD;
	s1 =	sshrl.u32 s1, $0x2  }
0xba: {  	s3 =	sand.u32 $0x4000, s31;
	s1 =	sadd.s32 s1, s30  }
0xbb: {  	s0 =	sor.u32 s3, s0;
	s1 =	sshll.u32 s1, $0x11  }
0xbc: {  	s0 =	sor.u32 s1, s0  }
0xbd: {  	s0 =	sadd.s32 $0x8F2B, s0  }
0xbe: {  	[sflag:s0] =	ssyncadd.remote.s32 $0x1  }
0xbf: {  	_ =	sfence.sel $0xFFFF  }
0xc0: {  	[dreg:$0x0] =	wrdreg $0xFFFFFFFF;
	(pc) =	sbr.abs _section_cstart, $3  }
0xc1: {  	[dreg:$0x1] =	wrdreg $0xFFFFFFFF  }
0xc2: {  	_ =	task.clear_ibuf [dreg:s7], $0x2FFFF;
	_ =	strace $0x9FFFFFFF  }
0xc3: {  	(tm) =	ssettm $0x7FFFFFFF  }
tec
execute0_lowered:
.L_overlay_start_1:
0x0: {  	(tag) =	ssettag $0x1  }
0x1: {  	s0 =	srdreg.scid;
	s23 =	stileid.u32  }
0x2: {  	s11 =	sand.u32 $0x1, s0;
	s7 =	smul.u32 $0x50, s23  }
0x3: {  	s8 =	sor.u32 $0x10, s23;
	s9 =	smul.u32 $0x2710, s11  }
0x4: {  	s10 =	sor.u32 $0x20, s23;
	s12 =	smul.u32 $0x50, s8  }
0x5: {  	s13 =	sor.u32 $0x30, s23;
	s14 =	smul.u32 $0x50, s10  }
0x6: {  	s5 =	sor.u32 $0x40, s23;
	s15 =	smul.u32 $0x50, s13  }
0x7: {  	s4 =	sor.u32 $0x50, s23;
	s17 =	smul.u32 $0x50, s5  }
0x8: {  	s3 =	sor.u32 $0x60, s23;
	s18 =	smul.u32 $0x50, s4  }
0x9: {  	s19 =	smul.u32 $0x50, s3  }
0xa: {  	s10 =	smul.u32 $0x5000, s10  }
0xb: {  	s1 =	rddreg [dreg:$0x0];
	s29 =	simm.s32 $0x9EC0;
	s5 =	smul.u32 $0x5000, s5  }
0xc: {  	s30 =	simm.s32 $0x4;
	s6 =	sadd.s32 $0x27800, s1;
	s4 =	smul.u32 $0x5000, s4  }
0xd: {  	p0 =	sgt.u32 s23, $0xC;
	s0 =	ssub.s32 $0x2, s11;
	s3 =	smul.u32 $0x5000, s3  }
0xe: {  	v0 =	vmov s11;
	s11 =	simm.s32 $0x0;
	s2 =	sshrl.u32 s0, $0x1;
	s16 =	sshrl.u32 s7, $0x3  }
0xf: {  	s0 =	ssub.s32 s0, s2;
	s2 =	sor.u32 $0x70, s23;
	s16 =	sadd.s32 s6, s16  }
0x10: {  	s24 =	sshrl.u32 s12, $0x3;
	s25 =	sshrl.u32 s14, $0x3;
	s20 =	sshrl.u32 s15, $0x3  }
0x11: {  	s21 =	sshrl.u32 s17, $0x3;
	s7 =	sadd.s32 s7, s9;
	s12 =	sadd.s32 s9, s12  }
0x12: {  	s14 =	sadd.s32 s9, s14;
	s5 =	sshrl.u32 s5, $0x2;
	s3 =	sshrl.u32 s3, $0x2  }
0x13: {  	[dreg:$0x4] =	wrdreg s16;
	s16 =	sadd.s32 s6, s24;
	s22 =	smul.u32 $0x50, s2  }
0x14: {  	s26 =	sadd.s32 s6, s20;
	s20 =	sadd.s32 s6, s21;
	[dreg:$0x5] =	wrdreg s16  }
0x15: {  	s21 =	sshrl.u32 s18, $0x3;
	s24 =	sshrl.u32 s19, $0x3;
	[dreg:$0x7] =	wrdreg s26  }
0x16: {  	s7 =	sshll.u32 s7, $0x3;
	s2 =	smul.u32 $0x5000, s2;
	[dreg:$0x8] =	wrdreg s20  }
0x17: {  	s16 =	sadd.s32 s6, s25;
	s20 =	sadd.s32 s9, s17;
	s17 =	rddreg [dreg:$0x2]  }
0x18: {  	s0 =	smax.u32 s0, $0x1;
	s26 =	sadd.s32 s6, s24;
	[dreg:$0x6] =	wrdreg s16  }
0x19: {  	s24 =	sadd.s32 s9, s19;
	s25 =	sshrl.u32 s22, $0x3;
	[dreg:$0xa] =	wrdreg s26  }
0x1a: {  	s16 =	sadd.s32 s6, s21;
	s21 =	sadd.s32 s9, s18;
	s26 =	rddreg [dreg:$0x1]  }
0x1b: {  	s19 =	sshll.u32 s20, $0x3;
	s2 =	sshrl.u32 s2, $0x2;
	[dreg:$0x9] =	wrdreg s16  }
0x1c: {  	s6 =	sadd.s32 s6, s25;
	s16 =	sadd.s32 s9, s15;
	s25 =	simm.s32 $0x0  }
0x1d: {  	s9 =	sadd.s32 s9, s22;
	s7 =	sadd.s32 s26, s7;
	s20 =	sadd.s32 s26, s19  }
0x1e: {  	s21 =	sshll.u32 s21, $0x3;
	s22 =	sshll.u32 s24, $0x3;
	[dreg:$0xb] =	wrdreg s6  }
0x1f: {  	s15 =	sshrl.u32 s10, $0x2;
	s10 =	simm.s32 $0x102C0;
	[smem:$0x7FF] =	sst s25  }
0x20: {  	s6 =	smul.u32 $0x5000, s8;
	s8 =	sshll.u32 s12, $0x3;
	[dreg:$0xc] =	wrdreg s7  }
0x21: {  	s12 =	sshll.u32 s14, $0x3;
	s14 =	sshll.u32 s16, $0x3;
	[dreg:$0x10] =	wrdreg s20  }
0x22: {  	s24 =	sshll.u32 s9, $0x3;
	s25 =	smul.u32 $0x5000, s23;
	s20 =	sadd.s32 $0x200, s1  }
0x23: {  	s28 =	sadd.s32 s15, s17;
	s9 =	simm.s32 $0xD;
	s8 =	sadd.s32 s26, s8  }
0x24: {  	s7 =	sadd.s32 s26, s12;
	s12 =	sadd.s32 $0x1DA00, s1;
	[dreg:$0xd] =	wrdreg s8  }
0x25: {  	s1 =	sadd.s32 $0x13C00, s1;
	[dreg:$0xe] =	wrdreg s7;
	s7 =	sadd.s32 s26, s14  }
0x26: {  	s14 =	sshrl.u32 s6, $0x2;
	s8 =	simm.s32 $0x2;
	s6 =	simm.s32 $0x6  }
0x27: {  	[dreg:$0xf] =	wrdreg s7;
	s7 =	sadd.s32 s26, s21;
	s18 =	sadd.s32 s14, s17  }
0x28: {  	s21 =	sadd.s32 s5, s17;
	[dreg:$0x11] =	wrdreg s7;
	s7 =	sadd.s32 s26, s22  }
0x29: {  	s14 =	simm.s32 $0x14;
	[dreg:$0x12] =	wrdreg s7;
	s7 =	sadd.s32 s26, s24  }
0x2a: {  	s5 =	simm.s32 $0xEEC0;
	s22 =	sshrl.u32 s4, $0x2;
	[dreg:$0x13] =	wrdreg s7  }
0x2b: {  	s4 =	simm.s32 $0xB;
	_ =	strace $0x80000047;
	[dreg:$0x14] =	wrdreg s12  }
0x2c: {  	s26 =	smul.u32 $0x5000, s13;
	s13 =	sshrl.u32 s25, $0x2;
	[dreg:$0x15] =	wrdreg s1  }
0x2d: {  	s24 =	sadd.s32 s3, s17;
	s25 =	sadd.s32 s2, s17;
	[dreg:$0x1a] =	wrdreg s21  }
0x2e: {  	s2 =	simm.s32 $0x50;
	s3 =	simm.s32 $0x5;
	[dreg:$0x1c] =	wrdreg s24  }
0x2f: {  	s16 =	sadd.s32 s13, s17;
	s13 =	simm.s32 $0xE;
	[dreg:$0x1d] =	wrdreg s25  }
0x30: {  	s7 =	simm.s32 $0xC;
	s19 =	sshrl.u32 s26, $0x2;
	[dreg:$0x1e] =	wrdreg s0  }
0x31: {  	s1 =	sadd.s32 s22, s17;
	s26 =	smul.u32 $0x4E20, s23;
	[dreg:$0x16] =	wrdreg s16  }
.Ltmp0:
0x32: {  	s25 =	simm.s32 $0x1;
	[dreg:$0x17] =	wrdreg s18;
	(pc) =	sbr.rel .LBB2_1-.Ltmp0, $4  }
0x33: {  	s22 =	simm.s32 $0xB2C0;
	s23 =	simm.s32 $0x3;
	[dreg:$0x18] =	wrdreg s28  }
0x34: {  	s24 =	simm.s32 $0x9;
	s21 =	simm.s32 $0xA;
	[dreg:$0x1b] =	wrdreg s1  }
0x35: {  	s31 =	sadd.s32 s19, s17;
	s1 =	simm.s32 $0x8;
	[dreg:$0x1f] =	wrdreg s26  }
0x36: {  	v1 =	vimm.f32 $0.0e+00;
	s19 =	simm.s32 $0x13;
	s26 =	simm.s32 $0x7;
	[dreg:$0x19] =	wrdreg s31  }
.LBB2_44:
0x37: {  	s11 =	sadd.s32 $0x1, s11;
	s0 =	rddreg [dreg:$0x1e]  }
0x38: {  	p1 =	sne.s32 s11, s0  }
.Ltmp1:
0x39: {  	_ = 	snop;
	(pc) =	sbr.rel @!p1 .LBB2_45-.Ltmp1, $3  }
0x3a: {  	_ =	sdelay $0x1  }
0x3b: {  	s16 =	rddreg [dreg:$0x16]  }
0x3c: {  	s18 =	rddreg [dreg:$0x17]  }
.LBB2_1:
0x3d: {  	[smem:$0x7FD] =	sst s11;
	s12 =	simm.s32 $0x100;
	s11 =	simm.s32 $0x0  }
.LBB2_2:
0x3e: {  	p1 =	sne.s32 s12, $0x4F00;
	[tilespmem:s11+$0x116F0] =	vst v1;
	s15 =	smov.u32 s12;
	s12 =	sadd.s32 $0x100, s12  }
.Ltmp2:
0x3f: {  	[tilespmem:s11+$0x116E0] =	vst v1;
	(pc) =	sbr.rel @p1 .LBB2_2-.Ltmp2, $3  }
0x40: {  	[tilespmem:s11+$0x116C0] =	vst v1  }
0x41: {  	[tilespmem:s11+$0x116D0] =	vst v1;
	_ =	sdelay $0x1  }
0x42: {  	s11 =	sshra.s32 s15, $0x2  }
0x43: {  	[tilespmem:s11+$0x116F0] =	vst v1  }
0x44: {  	[tilespmem:s11+$0x116E0] =	vst v1  }
0x45: {  	[tilespmem:s11+$0x116C0] =	vst v1  }
0x46: {  	[tilespmem:s11+$0x116D0] =	vst v1;
	s15 =	simm.s32 $0x116C0;
	s12 =	simm.s32 $0x19  }
0x47: {  	[spmem:s16] =	stream.linear.scatter [tilespmem:s15], [sflag:$0x19], $0x1400, $0x38;
	[tilespmem:$0x1C760] =	vst v63  }
0x48: {  	_ =	swait.ge [sflag:s12], $0x1400  }
0x49: {  	[sflag:s12] =	ssyncset.done $0x0  }
0x4a: {  	[sflag:s12] =	ssyncadd.s32 $0xFFFFEC00  }
0x4b: {  	[spmem:s18] =	stream.linear.scatter [tilespmem:s15], [sflag:$0x19], $0x1400, $0x38;
	[tilespmem:$0x1C760] =	vst v63  }
0x4c: {  	_ =	swait.ge [sflag:s12], $0x1400  }
0x4d: {  	[sflag:s12] =	ssyncset.done $0x0  }
0x4e: {  	[sflag:s12] =	ssyncadd.s32 $0xFFFFEC00  }
0x4f: {  	[spmem:s28] =	stream.linear.scatter [tilespmem:s15], [sflag:$0x19], $0x1400, $0x38;
	[tilespmem:$0x1C760] =	vst v63  }
0x50: {  	_ =	swait.ge [sflag:s12], $0x1400  }
0x51: {  	[sflag:s12] =	ssyncset.done $0x0  }
0x52: {  	[sflag:s12] =	ssyncadd.s32 $0xFFFFEC00  }
0x53: {  	[spmem:s31] =	stream.linear.scatter [tilespmem:s15], [sflag:$0x19], $0x1400, $0x38;
	[tilespmem:$0x1C760] =	vst v63  }
0x54: {  	_ =	swait.ge [sflag:s12], $0x1400  }
0x55: {  	[sflag:s12] =	ssyncset.done $0x0  }
0x56: {  	s0 =	rddreg [dreg:$0x1a];
	[sflag:s12] =	ssyncadd.s32 $0xFFFFEC00  }
0x57: {  	[spmem:s0] =	stream.linear.scatter [tilespmem:s15], [sflag:$0x19], $0x1400, $0x38;
	[tilespmem:$0x1C760] =	vst v63  }
0x58: {  	_ =	swait.ge [sflag:s12], $0x1400  }
0x59: {  	[sflag:s12] =	ssyncset.done $0x0  }
0x5a: {  	s28 =	rddreg [dreg:$0x1b];
	[sflag:s12] =	ssyncadd.s32 $0xFFFFEC00  }
0x5b: {  	[spmem:s28] =	stream.linear.scatter [tilespmem:s15], [sflag:$0x19], $0x1400, $0x38;
	[tilespmem:$0x1C760] =	vst v63  }
0x5c: {  	_ =	swait.ge [sflag:s12], $0x1400  }
0x5d: {  	[sflag:s12] =	ssyncset.done $0x0  }
0x5e: {  	s31 =	rddreg [dreg:$0x1c];
	[sflag:s12] =	ssyncadd.s32 $0xFFFFEC00  }
0x5f: {  	[spmem:s31] =	stream.linear.scatter [tilespmem:s15], [sflag:$0x19], $0x1400, $0x38;
	[tilespmem:$0x1C760] =	vst v63  }
0x60: {  	_ =	swait.ge [sflag:s12], $0x1400  }
0x61: {  	[sflag:s12] =	ssyncset.done $0x0  }
0x62: {  	s11 =	simm.s32 @!p0 $0x116C0;
	s0 =	rddreg [dreg:$0x1d];
	[sflag:s12] =	ssyncadd.s32 $0xFFFFEC00  }
0x63: {  	[spmem:s0] =	stream.linear.scatter @!p0 [tilespmem:s11], [sflag:$0x19], $0x1400, $0x38;
	[tilespmem:$0x1C760] =	vst v63  }
0x64: {  	s11 =	simm.s32 @!p0 $0x19  }
.Ltmp3:
0x65: {  	_ =	swait.ge @!p0 [sflag:s11], $0x1400;
	(pc) =	sbr.rel .LBB2_4-.Ltmp3, $4  }
0x66: {  	[sflag:s11] =	ssyncset.done @!p0 $0x0  }
0x67: {  	[sflag:s11] =	ssyncadd.s32 @!p0 $0xFFFFEC00  }
0x68: {  	[bflag:$0x0] =	sbarrier.arrive $0xFFFF  }
0x69: {  	s11 =	simm.s32 $0x0  }
.LBB2_25:
0x6a: {  	s11 =	sadd.s32 $0x1, s11  }
0x6b: {  	p1 =	sne.s32 s11, $0x5  }
.Ltmp4:
0x6c: {  	_ = 	snop;
	(pc) =	sbr.rel @!p1 .LBB2_26-.Ltmp4, $1  }
0x6d: {  	_ =	sdelay $0x3  }
.LBB2_4:
0x6e: {  	s12 =	smul.u32 $0xFA0, s11  }
0x6f: {  	s0 =	rddreg [dreg:$0x1f]  }
0x70: {  	s12 =	sadd.s32 s0, s12  }
0x71: {  	s16 =	rddreg [dreg:$0x14];
	s12 =	sshrl.u32 s12, $0x3  }
0x72: {  	s18 =	simm.s32 $0x0;
	s15 =	sadd.s32 s16, s12;
	s16 =	simm.s32 $0x19  }
0x73: {  	[tilespmem:s18], [sflag:$0x19] =	stream.linear.gather [hbm4b:s15+s18], $0xFA0, $0x38;
	[tilespmem:$0x1C760] =	vst v63  }
0x74: {  	_ =	swait.ge [sflag:s16], $0xFA0  }
0x75: {  	[sflag:s16] =	ssyncset.done $0x0;
	s28 =	rddreg [dreg:$0x15]  }
0x76: {  	s31 =	simm.s32 $0xFA0;
	[sflag:s16] =	ssyncadd.s32 $0xFFFFF060;
	s12 =	sadd.s32 s28, s12  }
0x77: {  	[tilespmem:s31], [sflag:$0x19] =	stream.linear.gather [hbm4b:s12+s18], $0xFA0, $0x38;
	[tilespmem:$0x1C760] =	vst v63  }
0x78: {  	_ =	swait.ge [sflag:s16], $0xFA0  }
0x79: {  	p1 =	seq.s32 s11, $0x0;
	[sflag:s16] =	ssyncset.done $0x0  }
0x7a: {  	s12 =	simm.s32 @!p1 $0xD;
	[sflag:s16] =	ssyncadd.s32 $0xFFFFF060  }
0x7b: {  	_ =	swait.ge @!p1 [sflag:s12], $0x1400  }
0x7c: {  	[sflag:s12] =	ssyncset.done @!p1 $0x0  }
0x7d: {  	[sflag:s12] =	ssyncadd.s32 @!p1 $0xFFFFEC00;
	s12 =	simm.s32 @!p1 $0x13  }
0x7e: {  	_ =	swait.ge @!p1 [sflag:s12], $0x1400  }
0x7f: {  	[sflag:s12] =	ssyncset.done @!p1 $0x0  }
0x80: {  	[sflag:s12] =	ssyncadd.s32 @!p1 $0xFFFFEC00  }
0x81: {  	v2 =	vld [tilespmem:$0x0]  }
0x82: {  	v3 =	vld [tilespmem:$0xFA0];
	_ =	sdelay $0x2  }
0x83: {  	v4 =	vld [tilespmem:$0x10]  }
0x84: {  	v5 =	vld [tilespmem:$0xFB0];
	[tilespmem:$0x1F40] =	vst v2;
	v2 =	vshll.u32 v2, $0x1  }
0x85: {  	[tilespmem:$0x2120] =	vst v3;
	v3 =	vshll.u32 v3, $0x1;
	v2 =	vor.u32 v0, v2  }
0x86: {  	[tilespmem:$0x2300] =	vst v2;
	v2 =	vor.u32 v0, v3  }
0x87: {  	[tilespmem:$0x24E0] =	vst v2;
	v2 =	vld [tilespmem:$0x20]  }
0x88: {  	v46 =	vld [tilespmem:$0xFC0];
	[tilespmem:$0x1F50] =	vst v4;
	v3 =	vshll.u32 v4, $0x1  }
0x89: {  	[tilespmem:$0x2130] =	vst v5;
	v5 =	vshll.u32 v5, $0x1;
	v3 =	vor.u32 v0, v3  }
0x8a: {  	[tilespmem:$0x2310] =	vst v3;
	v3 =	vor.u32 v0, v5  }
0x8b: {  	v47 =	vld [tilespmem:$0xFD0];
	[tilespmem:$0x24F0] =	vst v3  }
0x8c: {  	v3 =	vld [tilespmem:$0x30];
	[tilespmem:$0x1F60] =	vst v2;
	v2 =	vshll.u32 v2, $0x1  }
0x8d: {  	v48 =	vld [tilespmem:$0xFE0];
	[tilespmem:$0x2140] =	vst v46;
	v4 =	vshll.u32 v46, $0x1;
	v2 =	vor.u32 v0, v2  }
0x8e: {  	[tilespmem:$0x2320] =	vst v2;
	v2 =	vor.u32 v0, v4  }
0x8f: {  	[tilespmem:$0x2500] =	vst v2;
	v2 =	vld [tilespmem:$0x40]  }
0x90: {  	[tilespmem:$0x2150] =	vst v47  }
0x91: {  	[tilespmem:$0x1F70] =	vst v3;
	v3 =	vshll.u32 v3, $0x1  }
0x92: {  	[tilespmem:$0x2160] =	vst v48;
	v3 =	vor.u32 v0, v3  }
0x93: {  	v5 =	vshll.u32 v47, $0x1;
	[tilespmem:$0x2330] =	vst v3  }
0x94: {  	v3 =	vor.u32 v0, v5;
	[tilespmem:$0x1F80] =	vst v2;
	v2 =	vshll.u32 v2, $0x1  }
0x95: {  	[tilespmem:$0x2510] =	vst v3;
	v3 =	vshll.u32 v48, $0x1;
	v2 =	vor.u32 v0, v2  }
0x96: {  	[tilespmem:$0x2340] =	vst v2;
	v2 =	vor.u32 v0, v3  }
0x97: {  	s18 =	simm.s32 $0x26C0;
	s16 =	simm.s32 $0x2300;
	[tilespmem:$0x2520] =	vst v2  }
0x98: {  	[tilespmem:s18], [sflag:$0x1] =	stream.indirect.gather [hbm4b:s20+s2], $0x20, s16, s2, $0xb8;
	[tilespmem:$0x1C760] =	vst v63  }
0x99: {  	s28 =	simm.s32 $0x24E0;
	s31 =	simm.s32 $0x62C0;
	s12 =	simm.s32 @!p1 $0xE  }
0x9a: {  	[tilespmem:s31], [sflag:$0x7] =	stream.indirect.gather [hbm4b:s20+s2], $0x20, s28, s2, $0xb8;
	[tilespmem:$0x1C760] =	vst v63  }
0x9b: {  	_ =	swait.ge @!p1 [sflag:s12], $0x1400  }
0x9c: {  	[sflag:s12] =	ssyncset.done @!p1 $0x0  }
0x9d: {  	[sflag:s12] =	ssyncadd.s32 @!p1 $0xFFFFEC00;
	s12 =	simm.s32 @!p1 $0x14  }
0x9e: {  	_ =	swait.ge @!p1 [sflag:s12], $0x1400  }
0x9f: {  	[sflag:s12] =	ssyncset.done @!p1 $0x0  }
0xa0: {  	[sflag:s12] =	ssyncadd.s32 @!p1 $0xFFFFEC00  }
0xa1: {  	v2 =	vld [tilespmem:$0x50]  }
0xa2: {  	v3 =	vld [tilespmem:$0xFF0];
	_ =	sdelay $0x2  }
0xa3: {  	v49 =	vld [tilespmem:$0x60]  }
0xa4: {  	v50 =	vld [tilespmem:$0x1000];
	[tilespmem:$0x1F90] =	vst v2;
	v2 =	vshll.u32 v2, $0x1  }
0xa5: {  	[tilespmem:$0x2170] =	vst v3;
	v3 =	vshll.u32 v3, $0x1;
	v2 =	vor.u32 v0, v2  }
0xa6: {  	[tilespmem:$0x2350] =	vst v2;
	v2 =	vor.u32 v0, v3  }
0xa7: {  	[tilespmem:$0x2530] =	vst v2;
	v2 =	vld [tilespmem:$0x70]  }
0xa8: {  	v51 =	vld [tilespmem:$0x1010];
	[tilespmem:$0x1FA0] =	vst v49;
	v3 =	vshll.u32 v49, $0x1  }
0xa9: {  	[tilespmem:$0x2180] =	vst v50;
	v5 =	vshll.u32 v50, $0x1;
	v3 =	vor.u32 v0, v3  }
0xaa: {  	[tilespmem:$0x2360] =	vst v3;
	v3 =	vor.u32 v0, v5  }
0xab: {  	v52 =	vld [tilespmem:$0x1020];
	[tilespmem:$0x2540] =	vst v3  }
0xac: {  	v3 =	vld [tilespmem:$0x80];
	[tilespmem:$0x1FB0] =	vst v2;
	v2 =	vshll.u32 v2, $0x1  }
0xad: {  	v53 =	vld [tilespmem:$0x1030];
	[tilespmem:$0x2190] =	vst v51;
	v4 =	vshll.u32 v51, $0x1;
	v2 =	vor.u32 v0, v2  }
0xae: {  	[tilespmem:$0x2370] =	vst v2;
	v2 =	vor.u32 v0, v4  }
0xaf: {  	[tilespmem:$0x2550] =	vst v2;
	v2 =	vld [tilespmem:$0x90]  }
0xb0: {  	[tilespmem:$0x21A0] =	vst v52  }
0xb1: {  	[tilespmem:$0x1FC0] =	vst v3;
	v3 =	vshll.u32 v3, $0x1  }
0xb2: {  	[tilespmem:$0x21B0] =	vst v53;
	v3 =	vor.u32 v0, v3  }
0xb3: {  	v5 =	vshll.u32 v52, $0x1;
	[tilespmem:$0x2380] =	vst v3  }
0xb4: {  	v3 =	vor.u32 v0, v5;
	[tilespmem:$0x1FD0] =	vst v2;
	v2 =	vshll.u32 v2, $0x1  }
0xb5: {  	[tilespmem:$0x2560] =	vst v3;
	v3 =	vshll.u32 v53, $0x1;
	v2 =	vor.u32 v0, v2  }
0xb6: {  	[tilespmem:$0x2390] =	vst v2;
	v2 =	vor.u32 v0, v3  }
0xb7: {  	s15 =	simm.s32 $0x30C0;
	s12 =	simm.s32 $0x2350;
	[tilespmem:$0x2570] =	vst v2  }
0xb8: {  	[tilespmem:s15], [sflag:$0x2] =	stream.indirect.gather [hbm4b:s20+s2], $0x20, s12, s2, $0xb8;
	[tilespmem:$0x1C760] =	vst v63  }
0xb9: {  	s16 =	simm.s32 $0x2530;
	s18 =	simm.s32 $0x6CC0;
	s12 =	simm.s32 @!p1 $0xF  }
0xba: {  	[tilespmem:s18], [sflag:$0x8] =	stream.indirect.gather [hbm4b:s20+s2], $0x20, s16, s2, $0xb8;
	[tilespmem:$0x1C760] =	vst v63  }
0xbb: {  	_ =	swait.ge @!p1 [sflag:s12], $0x1400  }
0xbc: {  	[sflag:s12] =	ssyncset.done @!p1 $0x0  }
0xbd: {  	[sflag:s12] =	ssyncadd.s32 @!p1 $0xFFFFEC00;
	s12 =	simm.s32 @!p1 $0x15  }
0xbe: {  	_ =	swait.ge @!p1 [sflag:s12], $0x1400  }
0xbf: {  	[sflag:s12] =	ssyncset.done @!p1 $0x0  }
0xc0: {  	[sflag:s12] =	ssyncadd.s32 @!p1 $0xFFFFEC00  }
0xc1: {  	v2 =	vld [tilespmem:$0xA0]  }
0xc2: {  	v3 =	vld [tilespmem:$0x1040];
	_ =	sdelay $0x2  }
0xc3: {  	v54 =	vld [tilespmem:$0xB0]  }
0xc4: {  	v55 =	vld [tilespmem:$0x1050];
	[tilespmem:$0x1FE0] =	vst v2;
	v2 =	vshll.u32 v2, $0x1  }
0xc5: {  	[tilespmem:$0x21C0] =	vst v3;
	v3 =	vshll.u32 v3, $0x1;
	v2 =	vor.u32 v0, v2  }
0xc6: {  	[tilespmem:$0x23A0] =	vst v2;
	v2 =	vor.u32 v0, v3  }
0xc7: {  	[tilespmem:$0x2580] =	vst v2;
	v2 =	vld [tilespmem:$0xC0]  }
0xc8: {  	v56 =	vld [tilespmem:$0x1060];
	[tilespmem:$0x1FF0] =	vst v54;
	v3 =	vshll.u32 v54, $0x1  }
0xc9: {  	[tilespmem:$0x21D0] =	vst v55;
	v5 =	vshll.u32 v55, $0x1;
	v3 =	vor.u32 v0, v3  }
0xca: {  	[tilespmem:$0x23B0] =	vst v3;
	v3 =	vor.u32 v0, v5  }
0xcb: {  	v57 =	vld [tilespmem:$0x1070];
	[tilespmem:$0x2590] =	vst v3  }
0xcc: {  	v3 =	vld [tilespmem:$0xD0];
	[tilespmem:$0x2000] =	vst v2;
	v2 =	vshll.u32 v2, $0x1  }
0xcd: {  	v58 =	vld [tilespmem:$0x1080];
	[tilespmem:$0x21E0] =	vst v56;
	v4 =	vshll.u32 v56, $0x1;
	v2 =	vor.u32 v0, v2  }
0xce: {  	[tilespmem:$0x23C0] =	vst v2;
	v2 =	vor.u32 v0, v4  }
0xcf: {  	[tilespmem:$0x25A0] =	vst v2;
	v2 =	vld [tilespmem:$0xE0]  }
0xd0: {  	[tilespmem:$0x21F0] =	vst v57  }
0xd1: {  	[tilespmem:$0x2010] =	vst v3;
	v3 =	vshll.u32 v3, $0x1  }
0xd2: {  	[tilespmem:$0x2200] =	vst v58;
	v3 =	vor.u32 v0, v3  }
0xd3: {  	v5 =	vshll.u32 v57, $0x1;
	[tilespmem:$0x23D0] =	vst v3  }
0xd4: {  	v3 =	vor.u32 v0, v5;
	[tilespmem:$0x2020] =	vst v2;
	v2 =	vshll.u32 v2, $0x1  }
0xd5: {  	[tilespmem:$0x25B0] =	vst v3;
	v3 =	vshll.u32 v58, $0x1;
	v2 =	vor.u32 v0, v2  }
0xd6: {  	[tilespmem:$0x23E0] =	vst v2;
	v2 =	vor.u32 v0, v3  }
0xd7: {  	s28 =	simm.s32 $0x23A0;
	s31 =	simm.s32 $0x3AC0;
	[tilespmem:$0x25C0] =	vst v2  }
0xd8: {  	[tilespmem:s31], [sflag:$0x3] =	stream.indirect.gather [hbm4b:s20+s2], $0x20, s28, s2, $0xb8;
	[tilespmem:$0x1C760] =	vst v63  }
0xd9: {  	s15 =	simm.s32 $0x76C0;
	s12 =	simm.s32 $0x2580  }
0xda: {  	[tilespmem:s15], [sflag:$0x9] =	stream.indirect.gather [hbm4b:s20+s2], $0x20, s12, s2, $0xb8;
	[tilespmem:$0x1C760] =	vst v63  }
0xdb: {  	s12 =	simm.s32 @!p1 $0x10  }
0xdc: {  	_ =	swait.ge @!p1 [sflag:s12], $0x1400  }
0xdd: {  	[sflag:s12] =	ssyncset.done @!p1 $0x0  }
0xde: {  	[sflag:s12] =	ssyncadd.s32 @!p1 $0xFFFFEC00;
	s12 =	simm.s32 @!p1 $0x16  }
0xdf: {  	_ =	swait.ge @!p1 [sflag:s12], $0x1400  }
0xe0: {  	[sflag:s12] =	ssyncset.done @!p1 $0x0  }
0xe1: {  	[sflag:s12] =	ssyncadd.s32 @!p1 $0xFFFFEC00  }
0xe2: {  	v2 =	vld [tilespmem:$0xF0]  }
0xe3: {  	v3 =	vld [tilespmem:$0x1090];
	_ =	sdelay $0x2  }
0xe4: {  	v59 =	vld [tilespmem:$0x100]  }
0xe5: {  	v60 =	vld [tilespmem:$0x10A0];
	[tilespmem:$0x2030] =	vst v2;
	v2 =	vshll.u32 v2, $0x1  }
0xe6: {  	[tilespmem:$0x2210] =	vst v3;
	v3 =	vshll.u32 v3, $0x1;
	v2 =	vor.u32 v0, v2  }
0xe7: {  	[tilespmem:$0x23F0] =	vst v2;
	v2 =	vor.u32 v0, v3  }
0xe8: {  	[tilespmem:$0x25D0] =	vst v2;
	v2 =	vld [tilespmem:$0x110]  }
0xe9: {  	v61 =	vld [tilespmem:$0x10B0];
	[tilespmem:$0x2040] =	vst v59;
	v3 =	vshll.u32 v59, $0x1  }
0xea: {  	[tilespmem:$0x2220] =	vst v60;
	v5 =	vshll.u32 v60, $0x1;
	v3 =	vor.u32 v0, v3  }
0xeb: {  	[tilespmem:$0x2400] =	vst v3;
	v3 =	vor.u32 v0, v5  }
0xec: {  	v62 =	vld [tilespmem:$0x10C0];
	[tilespmem:$0x25E0] =	vst v3  }
0xed: {  	v3 =	vld [tilespmem:$0x120];
	[tilespmem:$0x2050] =	vst v2;
	v2 =	vshll.u32 v2, $0x1  }
0xee: {  	v63 =	vld [tilespmem:$0x10D0];
	[tilespmem:$0x2230] =	vst v61;
	v4 =	vshll.u32 v61, $0x1;
	v2 =	vor.u32 v0, v2  }
0xef: {  	[tilespmem:$0x2410] =	vst v2;
	v2 =	vor.u32 v0, v4  }
0xf0: {  	[tilespmem:$0x25F0] =	vst v2;
	v2 =	vld [tilespmem:$0x130]  }
0xf1: {  	[tilespmem:$0x2240] =	vst v62  }
0xf2: {  	[tilespmem:$0x2060] =	vst v3;
	v3 =	vshll.u32 v3, $0x1  }
0xf3: {  	[tilespmem:$0x2250] =	vst v63;
	v3 =	vor.u32 v0, v3  }
0xf4: {  	v5 =	vshll.u32 v62, $0x1;
	[tilespmem:$0x2420] =	vst v3  }
0xf5: {  	v3 =	vor.u32 v0, v5;
	[tilespmem:$0x2070] =	vst v2;
	v2 =	vshll.u32 v2, $0x1  }
0xf6: {  	[tilespmem:$0x2600] =	vst v3;
	v3 =	vshll.u32 v63, $0x1;
	v2 =	vor.u32 v0, v2  }
.Ltmp5:
0xf7: {  	[tilespmem:$0x2430] =	vst v2;
	v2 =	vor.u32 v0, v3;
	(pc) =	sbr.rel .LBB2_5-.Ltmp5, $4  }
0xf8: {  	s16 =	simm.s32 $0x23F0;
	s18 =	simm.s32 $0x44C0;
	[tilespmem:$0x2610] =	vst v2  }
0xf9: {  	[tilespmem:s18], [sflag:$0x4] =	stream.indirect.gather [hbm4b:s20+s2], $0x20, s16, s2, $0xb8;
	[tilespmem:$0x1C760] =	vst v63  }
0xfa: {  	s28 =	simm.s32 $0x25D0;
	s31 =	simm.s32 $0x80C0;
	s12 =	simm.s32 $0x0  }
0xfb: {  	[tilespmem:s31], [sflag:$0xA] =	stream.indirect.gather [hbm4b:s20+s2], $0x20, s28, s2, $0xb8;
	[tilespmem:$0x1C760] =	vst v63  }
.LBB2_24:
0xfc: {  	s12 =	sadd.s32 $0x1, s12  }
0xfd: {  	p1 =	sne.s32 s12, $0x9  }
.Ltmp6:
0xfe: {  	_ = 	snop;
	(pc) =	sbr.rel @!p1 .LBB2_25-.Ltmp6, $1  }
0xff: {  	_ =	sdelay $0x3  }
.LBB2_5:
0x100: {  	_ =	swait.ge [sflag:s25], $0xA00  }
0x101: {  	[sflag:s25] =	ssyncset.done $0x0  }
0x102: {  	[sflag:s25] =	ssyncadd.s32 $0xFFFFF600  }
0x103: {  	_ =	swait.ge [sflag:s26], $0xA00  }
0x104: {  	[sflag:s26] =	ssyncset.done $0x0  }
0x105: {  	s18 =	simm.s32 $0x0;
	[sflag:s26] =	ssyncadd.s32 $0xFFFFF600  }
0x106: {  	v2 =	vld [tilespmem:s18+$0x26C0]  }
0x107: {  	v3 =	vld [tilespmem:s18+$0x62C0];
	_ =	sdelay $0x4  }
0x108: {  	v2 =	vadd.bf16 v3, v2;
	_ =	sdelay $0x1  }
0x109: {  	s16 =	simm.s32 $0x9F40;
	v3 =	vshll.u32 v2, $0x10  }
0x10a: {  	v2 =	vand.u32 $0xFFFF0000, v2;
	[tilespmem:s16+$0xFFFFFF80] =	vst v3  }
0x10b: {  	[tilespmem:s16+$0xFFFFFF90] =	vst v2  }
0x10c: {  	v2 =	vld [tilespmem:s18+$0x26D0]  }
0x10d: {  	v3 =	vld [tilespmem:s18+$0x62D0];
	_ =	sdelay $0x4  }
0x10e: {  	v2 =	vadd.bf16 v3, v2;
	_ =	sdelay $0x1  }
0x10f: {  	v3 =	vshll.u32 v2, $0x10  }
0x110: {  	v2 =	vand.u32 $0xFFFF0000, v2;
	[tilespmem:s16+$0xFFFFFFA0] =	vst v3  }
0x111: {  	[tilespmem:s16+$0xFFFFFFB0] =	vst v2  }
0x112: {  	v2 =	vld [tilespmem:s18+$0x26E0]  }
0x113: {  	v3 =	vld [tilespmem:s18+$0x62E0];
	_ =	sdelay $0x4  }
0x114: {  	v2 =	vadd.bf16 v3, v2;
	_ =	sdelay $0x1  }
0x115: {  	v3 =	vshll.u32 v2, $0x10  }
0x116: {  	v2 =	vand.u32 $0xFFFF0000, v2;
	[tilespmem:s16+$0xFFFFFFC0] =	vst v3  }
0x117: {  	[tilespmem:s16+$0xFFFFFFD0] =	vst v2  }
0x118: {  	v2 =	vld [tilespmem:s18+$0x26F0]  }
0x119: {  	v3 =	vld [tilespmem:s18+$0x62F0];
	_ =	sdelay $0x4  }
0x11a: {  	v2 =	vadd.bf16 v3, v2;
	_ =	sdelay $0x1  }
0x11b: {  	v3 =	vshll.u32 v2, $0x10  }
0x11c: {  	v2 =	vand.u32 $0xFFFF0000, v2;
	[tilespmem:s16+$0xFFFFFFE0] =	vst v3  }
0x11d: {  	[tilespmem:s16+$0xFFFFFFF0] =	vst v2  }
0x11e: {  	v2 =	vld [tilespmem:s18+$0x2700]  }
0x11f: {  	v3 =	vld [tilespmem:s18+$0x6300];
	_ =	sdelay $0x4  }
0x120: {  	v2 =	vadd.bf16 v3, v2;
	_ =	sdelay $0x1  }
0x121: {  	v3 =	vshll.u32 v2, $0x10  }
0x122: {  	v2 =	vand.u32 $0xFFFF0000, v2;
	[tilespmem:s16+$0x0] =	vst v3  }
0x123: {  	[tilespmem:s16+$0x10] =	vst v2  }
0x124: {  	v2 =	vld [tilespmem:s18+$0x2710]  }
0x125: {  	v3 =	vld [tilespmem:s18+$0x6310];
	_ =	sdelay $0x4  }
0x126: {  	v2 =	vadd.bf16 v3, v2;
	_ =	sdelay $0x1  }
0x127: {  	v3 =	vshll.u32 v2, $0x10  }
0x128: {  	v2 =	vand.u32 $0xFFFF0000, v2;
	[tilespmem:s16+$0x20] =	vst v3  }
0x129: {  	[tilespmem:s16+$0x30] =	vst v2  }
0x12a: {  	v2 =	vld [tilespmem:s18+$0x2720]  }
0x12b: {  	s31 =	simm.s32 $0x200;
	s15 =	simm.s32 $0x9F40;
	v3 =	vld [tilespmem:s18+$0x6320]  }
.LBB2_6:
0x12c: {  	_ =	sdelay $0x1  }
0x12d: {  	p1 =	sne.s32 s31, $0x2600  }
0x12e: {  	s16 =	sadd.s32 $0x100, s16;
	s28 =	smov.u32 s31;
	s31 =	sadd.s32 $0x200, s31  }
0x12f: {  	v2 =	vadd.bf16 v3, v2;
	_ =	sdelay $0x1  }
0x130: {  	v3 =	vshll.u32 v2, $0x10;
	v2 =	vand.u32 $0xFFFF0000, v2  }
0x131: {  	[tilespmem:s15+$0x40] =	vst v3  }
0x132: {  	[tilespmem:s15+$0x50] =	vst v2  }
0x133: {  	v2 =	vld [tilespmem:s18+$0x2730]  }
0x134: {  	v3 =	vld [tilespmem:s18+$0x6330];
	_ =	sdelay $0x4  }
0x135: {  	v2 =	vadd.bf16 v3, v2;
	_ =	sdelay $0x1  }
0x136: {  	v3 =	vshll.u32 v2, $0x10;
	v2 =	vand.u32 $0xFFFF0000, v2  }
0x137: {  	[tilespmem:s15+$0x60] =	vst v3  }
0x138: {  	s18 =	sshra.s32 s28, $0x2;
	[tilespmem:s15+$0x70] =	vst v2;
	s15 =	smov.u32 s16  }
0x139: {  	v2 =	vld [tilespmem:s18+$0x26C0]  }
0x13a: {  	v3 =	vld [tilespmem:s18+$0x62C0];
	_ =	sdelay $0x4  }
0x13b: {  	v2 =	vadd.bf16 v3, v2;
	_ =	sdelay $0x1  }
0x13c: {  	v3 =	vshll.u32 v2, $0x10;
	v2 =	vand.u32 $0xFFFF0000, v2  }
0x13d: {  	[tilespmem:s16+$0xFFFFFF80] =	vst v3  }
0x13e: {  	[tilespmem:s16+$0xFFFFFF90] =	vst v2  }
0x13f: {  	v2 =	vld [tilespmem:s18+$0x26D0]  }
0x140: {  	v3 =	vld [tilespmem:s18+$0x62D0];
	_ =	sdelay $0x4  }
0x141: {  	v2 =	vadd.bf16 v3, v2;
	_ =	sdelay $0x1  }
0x142: {  	v3 =	vshll.u32 v2, $0x10;
	v2 =	vand.u32 $0xFFFF0000, v2  }
0x143: {  	[tilespmem:s16+$0xFFFFFFA0] =	vst v3  }
0x144: {  	[tilespmem:s16+$0xFFFFFFB0] =	vst v2  }
0x145: {  	v2 =	vld [tilespmem:s18+$0x26E0]  }
0x146: {  	v3 =	vld [tilespmem:s18+$0x62E0];
	_ =	sdelay $0x4  }
0x147: {  	v2 =	vadd.bf16 v3, v2;
	_ =	sdelay $0x1  }
0x148: {  	v3 =	vshll.u32 v2, $0x10;
	v2 =	vand.u32 $0xFFFF0000, v2  }
0x149: {  	[tilespmem:s16+$0xFFFFFFC0] =	vst v3  }
0x14a: {  	[tilespmem:s16+$0xFFFFFFD0] =	vst v2  }
0x14b: {  	v2 =	vld [tilespmem:s18+$0x26F0]  }
0x14c: {  	v3 =	vld [tilespmem:s18+$0x62F0];
	_ =	sdelay $0x4  }
0x14d: {  	v2 =	vadd.bf16 v3, v2;
	_ =	sdelay $0x1  }
0x14e: {  	v3 =	vshll.u32 v2, $0x10;
	v2 =	vand.u32 $0xFFFF0000, v2  }
0x14f: {  	[tilespmem:s16+$0xFFFFFFE0] =	vst v3  }
0x150: {  	[tilespmem:s16+$0xFFFFFFF0] =	vst v2  }
0x151: {  	v2 =	vld [tilespmem:s18+$0x2700]  }
0x152: {  	v3 =	vld [tilespmem:s18+$0x6300];
	_ =	sdelay $0x4  }
0x153: {  	v2 =	vadd.bf16 v3, v2;
	_ =	sdelay $0x1  }
0x154: {  	v3 =	vshll.u32 v2, $0x10;
	v2 =	vand.u32 $0xFFFF0000, v2  }
0x155: {  	[tilespmem:s16+$0x0] =	vst v3  }
0x156: {  	[tilespmem:s16+$0x10] =	vst v2  }
0x157: {  	v2 =	vld [tilespmem:s18+$0x2710]  }
0x158: {  	v3 =	vld [tilespmem:s18+$0x6310];
	_ =	sdelay $0x4  }
0x159: {  	v2 =	vadd.bf16 v3, v2;
	_ =	sdelay $0x1  }
.Ltmp7:
0x15a: {  	v3 =	vshll.u32 v2, $0x10;
	v2 =	vand.u32 $0xFFFF0000, v2;
	(pc) =	sbr.rel @p1 .LBB2_6-.Ltmp7, $4  }
0x15b: {  	[tilespmem:s16+$0x20] =	vst v3  }
0x15c: {  	[tilespmem:s16+$0x30] =	vst v2  }
0x15d: {  	v2 =	vld [tilespmem:s18+$0x2720]  }
0x15e: {  	v3 =	vld [tilespmem:s18+$0x6320]  }
0x15f: {  	_ =	sdelay $0x3  }
0x160: {  	v2 =	vadd.bf16 v3, v2;
	_ =	sdelay $0x1  }
0x161: {  	v3 =	vshll.u32 v2, $0x10  }
0x162: {  	v2 =	vand.u32 $0xFFFF0000, v2;
	[tilespmem:s15+$0x40] =	vst v3  }
0x163: {  	[tilespmem:s15+$0x50] =	vst v2  }
0x164: {  	v2 =	vld [tilespmem:s18+$0x2730]  }
0x165: {  	v3 =	vld [tilespmem:s18+$0x6330];
	_ =	sdelay $0x4  }
0x166: {  	v2 =	vadd.bf16 v3, v2;
	_ =	sdelay $0x1  }
0x167: {  	p1 =	seq.s32 s12, $0x8;
	v3 =	vshll.u32 v2, $0x10  }
.Ltmp8:
0x168: {  	v2 =	vand.u32 $0xFFFF0000, v2;
	[tilespmem:s15+$0x60] =	vst v3;
	(pc) =	sbr.rel @p1 .LBB2_9-.Ltmp8, $4  }
0x169: {  	s0 =	simm.s32 $0x1F40;
	[tilespmem:s15+$0x70] =	vst v2  }
0x16a: {  	[spmem:s17] =	stream.indirect.scatter.add.f32 [tilespmem:s29], [sflag:$0xD], $0x40, s0, s2, $0xb8;
	[tilespmem:$0x1C760] =	vst v63  }
0x16b: {  	s31 =	simm.s32 $0x2120  }
0x16c: {  	[spmem:s17] =	stream.indirect.scatter.add.f32 [tilespmem:s29], [sflag:$0x13], $0x40, s31, s2, $0xb8;
	[tilespmem:$0x1C760] =	vst v63  }
0x16d: {  	s15 =	sor.u32 s11, s12  }
0x16e: {  	p2 =	seq.s32 s15, $0x0  }
0x16f: {  	s15 =	simm.s32 @!p2 $0x11  }
0x170: {  	_ =	swait.ge @!p2 [sflag:s15], $0x1400  }
0x171: {  	[sflag:s15] =	ssyncset.done @!p2 $0x0  }
0x172: {  	[sflag:s15] =	ssyncadd.s32 @!p2 $0xFFFFEC00;
	s15 =	simm.s32 @!p2 $0x17  }
0x173: {  	_ =	swait.ge @!p2 [sflag:s15], $0x1400  }
0x174: {  	s16 =	smul.u32 $0x1E0, s12;
	[sflag:s15] =	ssyncset.done @!p2 $0x0  }
0x175: {  	[sflag:s15] =	ssyncadd.s32 @!p2 $0xFFFFEC00  }
0x176: {  	v2 =	vld [tilespmem:s16+$0x140]  }
0x177: {  	v3 =	vld [tilespmem:s16+$0x10E0];
	_ =	sdelay $0x3  }
0x178: {  	[tilespmem:$0x2080] =	vst v2;
	v2 =	vshll.u32 v2, $0x1  }
0x179: {  	[tilespmem:$0x2260] =	vst v3;
	v3 =	vshll.u32 v3, $0x1;
	v2 =	vor.u32 v0, v2  }
0x17a: {  	[tilespmem:$0x2440] =	vst v2;
	v2 =	vor.u32 v0, v3  }
0x17b: {  	[tilespmem:$0x2620] =	vst v2  }
0x17c: {  	v2 =	vld [tilespmem:s16+$0x150]  }
0x17d: {  	v3 =	vld [tilespmem:s16+$0x10F0];
	_ =	sdelay $0x3  }
0x17e: {  	[tilespmem:$0x2090] =	vst v2;
	v2 =	vshll.u32 v2, $0x1  }
0x17f: {  	[tilespmem:$0x2270] =	vst v3;
	v3 =	vshll.u32 v3, $0x1;
	v2 =	vor.u32 v0, v2  }
0x180: {  	[tilespmem:$0x2450] =	vst v2;
	v2 =	vor.u32 v0, v3  }
0x181: {  	[tilespmem:$0x2630] =	vst v2  }
0x182: {  	v2 =	vld [tilespmem:s16+$0x160]  }
0x183: {  	v3 =	vld [tilespmem:s16+$0x1100];
	_ =	sdelay $0x3  }
0x184: {  	[tilespmem:$0x20A0] =	vst v2;
	v2 =	vshll.u32 v2, $0x1  }
0x185: {  	[tilespmem:$0x2280] =	vst v3;
	v3 =	vshll.u32 v3, $0x1;
	v2 =	vor.u32 v0, v2  }
0x186: {  	[tilespmem:$0x2460] =	vst v2;
	v2 =	vor.u32 v0, v3  }
0x187: {  	[tilespmem:$0x2640] =	vst v2  }
0x188: {  	v2 =	vld [tilespmem:s16+$0x170]  }
0x189: {  	v3 =	vld [tilespmem:s16+$0x1110];
	_ =	sdelay $0x3  }
0x18a: {  	[tilespmem:$0x20B0] =	vst v2;
	v2 =	vshll.u32 v2, $0x1  }
0x18b: {  	[tilespmem:$0x2290] =	vst v3;
	v3 =	vshll.u32 v3, $0x1;
	v2 =	vor.u32 v0, v2  }
0x18c: {  	[tilespmem:$0x2470] =	vst v2;
	v2 =	vor.u32 v0, v3  }
0x18d: {  	[tilespmem:$0x2650] =	vst v2  }
0x18e: {  	v2 =	vld [tilespmem:s16+$0x180]  }
0x18f: {  	v3 =	vld [tilespmem:s16+$0x1120];
	_ =	sdelay $0x3  }
0x190: {  	[tilespmem:$0x20C0] =	vst v2;
	v2 =	vshll.u32 v2, $0x1  }
0x191: {  	[tilespmem:$0x22A0] =	vst v3;
	v3 =	vshll.u32 v3, $0x1;
	v2 =	vor.u32 v0, v2  }
0x192: {  	[tilespmem:$0x2480] =	vst v2;
	v2 =	vor.u32 v0, v3  }
0x193: {  	s0 =	simm.s32 $0x2440;
	s18 =	simm.s32 $0x4EC0;
	[tilespmem:$0x2660] =	vst v2  }
0x194: {  	[tilespmem:s18], [sflag:$0x5] =	stream.indirect.gather [hbm4b:s20+s2], $0x20, s0, s2, $0xb8;
	[tilespmem:$0x1C760] =	vst v63  }
0x195: {  	s28 =	simm.s32 $0x2620;
	s31 =	simm.s32 $0x8AC0  }
0x196: {  	[tilespmem:s31], [sflag:$0xB] =	stream.indirect.gather [hbm4b:s20+s2], $0x20, s28, s2, $0xb8;
	[tilespmem:$0x1C760] =	vst v63  }
.LBB2_9:
0x197: {  	_ =	swait.ge [sflag:s8], $0xA00  }
0x198: {  	[sflag:s8] =	ssyncset.done $0x0  }
0x199: {  	[sflag:s8] =	ssyncadd.s32 $0xFFFFF600  }
0x19a: {  	_ =	swait.ge [sflag:s1], $0xA00  }
0x19b: {  	[sflag:s1] =	ssyncset.done $0x0  }
0x19c: {  	s18 =	simm.s32 $0x0;
	[sflag:s1] =	ssyncadd.s32 $0xFFFFF600  }
0x19d: {  	v2 =	vld [tilespmem:s18+$0x30C0]  }
0x19e: {  	v3 =	vld [tilespmem:s18+$0x6CC0];
	_ =	sdelay $0x4  }
0x19f: {  	v2 =	vadd.bf16 v3, v2;
	_ =	sdelay $0x1  }
0x1a0: {  	s16 =	simm.s32 $0xB340;
	v3 =	vshll.u32 v2, $0x10  }
0x1a1: {  	v2 =	vand.u32 $0xFFFF0000, v2;
	[tilespmem:s16+$0xFFFFFF80] =	vst v3  }
0x1a2: {  	[tilespmem:s16+$0xFFFFFF90] =	vst v2  }
0x1a3: {  	v2 =	vld [tilespmem:s18+$0x30D0]  }
0x1a4: {  	v3 =	vld [tilespmem:s18+$0x6CD0];
	_ =	sdelay $0x4  }
0x1a5: {  	v2 =	vadd.bf16 v3, v2;
	_ =	sdelay $0x1  }
0x1a6: {  	v3 =	vshll.u32 v2, $0x10  }
0x1a7: {  	v2 =	vand.u32 $0xFFFF0000, v2;
	[tilespmem:s16+$0xFFFFFFA0] =	vst v3  }
0x1a8: {  	[tilespmem:s16+$0xFFFFFFB0] =	vst v2  }
0x1a9: {  	v2 =	vld [tilespmem:s18+$0x30E0]  }
0x1aa: {  	v3 =	vld [tilespmem:s18+$0x6CE0];
	_ =	sdelay $0x4  }
0x1ab: {  	v2 =	vadd.bf16 v3, v2;
	_ =	sdelay $0x1  }
0x1ac: {  	v3 =	vshll.u32 v2, $0x10  }
0x1ad: {  	v2 =	vand.u32 $0xFFFF0000, v2;
	[tilespmem:s16+$0xFFFFFFC0] =	vst v3  }
0x1ae: {  	[tilespmem:s16+$0xFFFFFFD0] =	vst v2  }
0x1af: {  	v2 =	vld [tilespmem:s18+$0x30F0]  }
0x1b0: {  	v3 =	vld [tilespmem:s18+$0x6CF0];
	_ =	sdelay $0x4  }
0x1b1: {  	v2 =	vadd.bf16 v3, v2;
	_ =	sdelay $0x1  }
0x1b2: {  	v3 =	vshll.u32 v2, $0x10  }
0x1b3: {  	v2 =	vand.u32 $0xFFFF0000, v2;
	[tilespmem:s16+$0xFFFFFFE0] =	vst v3  }
0x1b4: {  	[tilespmem:s16+$0xFFFFFFF0] =	vst v2  }
0x1b5: {  	v2 =	vld [tilespmem:s18+$0x3100]  }
0x1b6: {  	v3 =	vld [tilespmem:s18+$0x6D00];
	_ =	sdelay $0x4  }
0x1b7: {  	v2 =	vadd.bf16 v3, v2;
	_ =	sdelay $0x1  }
0x1b8: {  	v3 =	vshll.u32 v2, $0x10  }
0x1b9: {  	v2 =	vand.u32 $0xFFFF0000, v2;
	[tilespmem:s16+$0x0] =	vst v3  }
0x1ba: {  	[tilespmem:s16+$0x10] =	vst v2  }
0x1bb: {  	v2 =	vld [tilespmem:s18+$0x3110]  }
0x1bc: {  	v3 =	vld [tilespmem:s18+$0x6D10];
	_ =	sdelay $0x4  }
0x1bd: {  	v2 =	vadd.bf16 v3, v2;
	_ =	sdelay $0x1  }
0x1be: {  	v3 =	vshll.u32 v2, $0x10  }
0x1bf: {  	v2 =	vand.u32 $0xFFFF0000, v2;
	[tilespmem:s16+$0x20] =	vst v3  }
0x1c0: {  	[tilespmem:s16+$0x30] =	vst v2  }
0x1c1: {  	v2 =	vld [tilespmem:s18+$0x3120]  }
0x1c2: {  	s31 =	simm.s32 $0x200;
	s15 =	simm.s32 $0xB340;
	v3 =	vld [tilespmem:s18+$0x6D20]  }
.LBB2_10:
0x1c3: {  	_ =	sdelay $0x1  }
0x1c4: {  	p2 =	sne.s32 s31, $0x2600  }
0x1c5: {  	s16 =	sadd.s32 $0x100, s16;
	s28 =	smov.u32 s31;
	s31 =	sadd.s32 $0x200, s31  }
0x1c6: {  	v2 =	vadd.bf16 v3, v2;
	_ =	sdelay $0x1  }
0x1c7: {  	v3 =	vshll.u32 v2, $0x10;
	v2 =	vand.u32 $0xFFFF0000, v2  }
0x1c8: {  	[tilespmem:s15+$0x40] =	vst v3  }
0x1c9: {  	[tilespmem:s15+$0x50] =	vst v2  }
0x1ca: {  	v2 =	vld [tilespmem:s18+$0x3130]  }
0x1cb: {  	v3 =	vld [tilespmem:s18+$0x6D30];
	_ =	sdelay $0x4  }
0x1cc: {  	v2 =	vadd.bf16 v3, v2;
	_ =	sdelay $0x1  }
0x1cd: {  	v3 =	vshll.u32 v2, $0x10;
	v2 =	vand.u32 $0xFFFF0000, v2  }
0x1ce: {  	[tilespmem:s15+$0x60] =	vst v3  }
0x1cf: {  	s18 =	sshra.s32 s28, $0x2;
	[tilespmem:s15+$0x70] =	vst v2;
	s15 =	smov.u32 s16  }
0x1d0: {  	v2 =	vld [tilespmem:s18+$0x30C0]  }
0x1d1: {  	v3 =	vld [tilespmem:s18+$0x6CC0];
	_ =	sdelay $0x4  }
0x1d2: {  	v2 =	vadd.bf16 v3, v2;
	_ =	sdelay $0x1  }
0x1d3: {  	v3 =	vshll.u32 v2, $0x10;
	v2 =	vand.u32 $0xFFFF0000, v2  }
0x1d4: {  	[tilespmem:s16+$0xFFFFFF80] =	vst v3  }
0x1d5: {  	[tilespmem:s16+$0xFFFFFF90] =	vst v2  }
0x1d6: {  	v2 =	vld [tilespmem:s18+$0x30D0]  }
0x1d7: {  	v3 =	vld [tilespmem:s18+$0x6CD0];
	_ =	sdelay $0x4  }
0x1d8: {  	v2 =	vadd.bf16 v3, v2;
	_ =	sdelay $0x1  }
0x1d9: {  	v3 =	vshll.u32 v2, $0x10;
	v2 =	vand.u32 $0xFFFF0000, v2  }
0x1da: {  	[tilespmem:s16+$0xFFFFFFA0] =	vst v3  }
0x1db: {  	[tilespmem:s16+$0xFFFFFFB0] =	vst v2  }
0x1dc: {  	v2 =	vld [tilespmem:s18+$0x30E0]  }
0x1dd: {  	v3 =	vld [tilespmem:s18+$0x6CE0];
	_ =	sdelay $0x4  }
0x1de: {  	v2 =	vadd.bf16 v3, v2;
	_ =	sdelay $0x1  }
0x1df: {  	v3 =	vshll.u32 v2, $0x10;
	v2 =	vand.u32 $0xFFFF0000, v2  }
0x1e0: {  	[tilespmem:s16+$0xFFFFFFC0] =	vst v3  }
0x1e1: {  	[tilespmem:s16+$0xFFFFFFD0] =	vst v2  }
0x1e2: {  	v2 =	vld [tilespmem:s18+$0x30F0]  }
0x1e3: {  	v3 =	vld [tilespmem:s18+$0x6CF0];
	_ =	sdelay $0x4  }
0x1e4: {  	v2 =	vadd.bf16 v3, v2;
	_ =	sdelay $0x1  }
0x1e5: {  	v3 =	vshll.u32 v2, $0x10;
	v2 =	vand.u32 $0xFFFF0000, v2  }
0x1e6: {  	[tilespmem:s16+$0xFFFFFFE0] =	vst v3  }
0x1e7: {  	[tilespmem:s16+$0xFFFFFFF0] =	vst v2  }
0x1e8: {  	v2 =	vld [tilespmem:s18+$0x3100]  }
0x1e9: {  	v3 =	vld [tilespmem:s18+$0x6D00];
	_ =	sdelay $0x4  }
0x1ea: {  	v2 =	vadd.bf16 v3, v2;
	_ =	sdelay $0x1  }
0x1eb: {  	v3 =	vshll.u32 v2, $0x10;
	v2 =	vand.u32 $0xFFFF0000, v2  }
0x1ec: {  	[tilespmem:s16+$0x0] =	vst v3  }
0x1ed: {  	[tilespmem:s16+$0x10] =	vst v2  }
0x1ee: {  	v2 =	vld [tilespmem:s18+$0x3110]  }
0x1ef: {  	v3 =	vld [tilespmem:s18+$0x6D10];
	_ =	sdelay $0x4  }
0x1f0: {  	v2 =	vadd.bf16 v3, v2;
	_ =	sdelay $0x1  }
.Ltmp9:
0x1f1: {  	v3 =	vshll.u32 v2, $0x10;
	v2 =	vand.u32 $0xFFFF0000, v2;
	(pc) =	sbr.rel @p2 .LBB2_10-.Ltmp9, $4  }
0x1f2: {  	[tilespmem:s16+$0x20] =	vst v3  }
0x1f3: {  	[tilespmem:s16+$0x30] =	vst v2  }
0x1f4: {  	v2 =	vld [tilespmem:s18+$0x3120]  }
0x1f5: {  	v3 =	vld [tilespmem:s18+$0x6D20]  }
0x1f6: {  	_ =	sdelay $0x3  }
0x1f7: {  	v2 =	vadd.bf16 v3, v2;
	_ =	sdelay $0x1  }
0x1f8: {  	v3 =	vshll.u32 v2, $0x10  }
0x1f9: {  	v2 =	vand.u32 $0xFFFF0000, v2;
	[tilespmem:s15+$0x40] =	vst v3  }
0x1fa: {  	[tilespmem:s15+$0x50] =	vst v2  }
0x1fb: {  	v2 =	vld [tilespmem:s18+$0x3130]  }
0x1fc: {  	v3 =	vld [tilespmem:s18+$0x6D30];
	_ =	sdelay $0x4  }
0x1fd: {  	v2 =	vadd.bf16 v3, v2;
	_ =	sdelay $0x1  }
0x1fe: {  	v3 =	vshll.u32 v2, $0x10  }
.Ltmp10:
0x1ff: {  	v2 =	vand.u32 $0xFFFF0000, v2;
	[tilespmem:s15+$0x60] =	vst v3;
	(pc) =	sbr.rel @p1 .LBB2_25-.Ltmp10, $4  }
0x200: {  	s0 =	simm.s32 $0x1F90;
	[tilespmem:s15+$0x70] =	vst v2  }
0x201: {  	[spmem:s17] =	stream.indirect.scatter.add.f32 [tilespmem:s22], [sflag:$0xE], $0x40, s0, s2, $0xb8;
	[tilespmem:$0x1C760] =	vst v63  }
0x202: {  	s31 =	simm.s32 $0x2170  }
0x203: {  	[spmem:s17] =	stream.indirect.scatter.add.f32 [tilespmem:s22], [sflag:$0x14], $0x40, s31, s2, $0xb8;
	[tilespmem:$0x1C760] =	vst v63  }
0x204: {  	s15 =	sor.u32 s11, s12  }
0x205: {  	p1 =	seq.s32 s15, $0x0  }
0x206: {  	s15 =	simm.s32 @!p1 $0x12  }
0x207: {  	_ =	swait.ge @!p1 [sflag:s15], $0x1400  }
0x208: {  	[sflag:s15] =	ssyncset.done @!p1 $0x0  }
0x209: {  	[sflag:s15] =	ssyncadd.s32 @!p1 $0xFFFFEC00;
	s15 =	simm.s32 @!p1 $0x18  }
0x20a: {  	_ =	swait.ge @!p1 [sflag:s15], $0x1400  }
0x20b: {  	s16 =	smul.u32 $0x1E0, s12;
	[sflag:s15] =	ssyncset.done @!p1 $0x0  }
0x20c: {  	[sflag:s15] =	ssyncadd.s32 @!p1 $0xFFFFEC00  }
0x20d: {  	v2 =	vld [tilespmem:s16+$0x190]  }
0x20e: {  	v3 =	vld [tilespmem:s16+$0x1130];
	_ =	sdelay $0x3  }
0x20f: {  	[tilespmem:$0x20D0] =	vst v2;
	v2 =	vshll.u32 v2, $0x1  }
0x210: {  	[tilespmem:$0x22B0] =	vst v3;
	v3 =	vshll.u32 v3, $0x1;
	v2 =	vor.u32 v0, v2  }
0x211: {  	[tilespmem:$0x2490] =	vst v2;
	v2 =	vor.u32 v0, v3  }
0x212: {  	[tilespmem:$0x2670] =	vst v2  }
0x213: {  	v2 =	vld [tilespmem:s16+$0x1A0]  }
0x214: {  	v3 =	vld [tilespmem:s16+$0x1140];
	_ =	sdelay $0x3  }
0x215: {  	[tilespmem:$0x20E0] =	vst v2;
	v2 =	vshll.u32 v2, $0x1  }
0x216: {  	[tilespmem:$0x22C0] =	vst v3;
	v3 =	vshll.u32 v3, $0x1;
	v2 =	vor.u32 v0, v2  }
0x217: {  	[tilespmem:$0x24A0] =	vst v2;
	v2 =	vor.u32 v0, v3  }
0x218: {  	[tilespmem:$0x2680] =	vst v2  }
0x219: {  	v2 =	vld [tilespmem:s16+$0x1B0]  }
0x21a: {  	v3 =	vld [tilespmem:s16+$0x1150];
	_ =	sdelay $0x3  }
0x21b: {  	[tilespmem:$0x20F0] =	vst v2;
	v2 =	vshll.u32 v2, $0x1  }
0x21c: {  	[tilespmem:$0x22D0] =	vst v3;
	v3 =	vshll.u32 v3, $0x1;
	v2 =	vor.u32 v0, v2  }
0x21d: {  	[tilespmem:$0x24B0] =	vst v2;
	v2 =	vor.u32 v0, v3  }
0x21e: {  	[tilespmem:$0x2690] =	vst v2  }
0x21f: {  	v2 =	vld [tilespmem:s16+$0x1C0]  }
0x220: {  	v3 =	vld [tilespmem:s16+$0x1160];
	_ =	sdelay $0x3  }
0x221: {  	[tilespmem:$0x2100] =	vst v2;
	v2 =	vshll.u32 v2, $0x1  }
0x222: {  	[tilespmem:$0x22E0] =	vst v3;
	v3 =	vshll.u32 v3, $0x1;
	v2 =	vor.u32 v0, v2  }
0x223: {  	[tilespmem:$0x24C0] =	vst v2;
	v2 =	vor.u32 v0, v3  }
0x224: {  	[tilespmem:$0x26A0] =	vst v2  }
0x225: {  	v2 =	vld [tilespmem:s16+$0x1D0]  }
0x226: {  	v3 =	vld [tilespmem:s16+$0x1170];
	_ =	sdelay $0x3  }
0x227: {  	[tilespmem:$0x2110] =	vst v2;
	v2 =	vshll.u32 v2, $0x1  }
0x228: {  	[tilespmem:$0x22F0] =	vst v3;
	v3 =	vshll.u32 v3, $0x1;
	v2 =	vor.u32 v0, v2  }
0x229: {  	[tilespmem:$0x24D0] =	vst v2;
	v2 =	vor.u32 v0, v3  }
0x22a: {  	s0 =	simm.s32 $0x2490;
	s18 =	simm.s32 $0x58C0;
	[tilespmem:$0x26B0] =	vst v2  }
0x22b: {  	[tilespmem:s18], [sflag:$0x6] =	stream.indirect.gather [hbm4b:s20+s2], $0x20, s0, s2, $0xb8;
	[tilespmem:$0x1C760] =	vst v63  }
0x22c: {  	s15 =	simm.s32 $0x2670;
	s18 =	simm.s32 $0x94C0  }
0x22d: {  	[tilespmem:s18], [sflag:$0xC] =	stream.indirect.gather [hbm4b:s20+s2], $0x20, s15, s2, $0xb8;
	[tilespmem:$0x1C760] =	vst v63  }
0x22e: {  	_ =	swait.ge [sflag:s23], $0xA00  }
0x22f: {  	[sflag:s23] =	ssyncset.done $0x0  }
0x230: {  	[sflag:s23] =	ssyncadd.s32 $0xFFFFF600  }
0x231: {  	_ =	swait.ge [sflag:s24], $0xA00  }
0x232: {  	[sflag:s24] =	ssyncset.done $0x0  }
0x233: {  	s15 =	simm.s32 $0x0;
	[sflag:s24] =	ssyncadd.s32 $0xFFFFF600  }
0x234: {  	v2 =	vld [tilespmem:s15+$0x3AC0]  }
0x235: {  	v3 =	vld [tilespmem:s15+$0x76C0];
	_ =	sdelay $0x4  }
0x236: {  	v2 =	vadd.bf16 v3, v2;
	_ =	sdelay $0x1  }
0x237: {  	s18 =	simm.s32 $0xC740;
	v3 =	vshll.u32 v2, $0x10  }
0x238: {  	v2 =	vand.u32 $0xFFFF0000, v2;
	[tilespmem:s18+$0xFFFFFF80] =	vst v3  }
0x239: {  	[tilespmem:s18+$0xFFFFFF90] =	vst v2  }
0x23a: {  	v2 =	vld [tilespmem:s15+$0x3AD0]  }
0x23b: {  	v3 =	vld [tilespmem:s15+$0x76D0];
	_ =	sdelay $0x4  }
0x23c: {  	v2 =	vadd.bf16 v3, v2;
	_ =	sdelay $0x1  }
0x23d: {  	v3 =	vshll.u32 v2, $0x10  }
0x23e: {  	v2 =	vand.u32 $0xFFFF0000, v2;
	[tilespmem:s18+$0xFFFFFFA0] =	vst v3  }
0x23f: {  	[tilespmem:s18+$0xFFFFFFB0] =	vst v2  }
0x240: {  	v2 =	vld [tilespmem:s15+$0x3AE0]  }
0x241: {  	v3 =	vld [tilespmem:s15+$0x76E0];
	_ =	sdelay $0x4  }
0x242: {  	v2 =	vadd.bf16 v3, v2;
	_ =	sdelay $0x1  }
0x243: {  	v3 =	vshll.u32 v2, $0x10  }
0x244: {  	v2 =	vand.u32 $0xFFFF0000, v2;
	[tilespmem:s18+$0xFFFFFFC0] =	vst v3  }
0x245: {  	[tilespmem:s18+$0xFFFFFFD0] =	vst v2  }
0x246: {  	v2 =	vld [tilespmem:s15+$0x3AF0]  }
0x247: {  	v3 =	vld [tilespmem:s15+$0x76F0];
	_ =	sdelay $0x4  }
0x248: {  	v2 =	vadd.bf16 v3, v2;
	_ =	sdelay $0x1  }
0x249: {  	v3 =	vshll.u32 v2, $0x10  }
0x24a: {  	v2 =	vand.u32 $0xFFFF0000, v2;
	[tilespmem:s18+$0xFFFFFFE0] =	vst v3  }
0x24b: {  	[tilespmem:s18+$0xFFFFFFF0] =	vst v2  }
0x24c: {  	v2 =	vld [tilespmem:s15+$0x3B00]  }
0x24d: {  	v3 =	vld [tilespmem:s15+$0x7700];
	_ =	sdelay $0x4  }
0x24e: {  	v2 =	vadd.bf16 v3, v2;
	_ =	sdelay $0x1  }
0x24f: {  	v3 =	vshll.u32 v2, $0x10  }
0x250: {  	v2 =	vand.u32 $0xFFFF0000, v2;
	[tilespmem:s18+$0x0] =	vst v3  }
0x251: {  	[tilespmem:s18+$0x10] =	vst v2  }
0x252: {  	v2 =	vld [tilespmem:s15+$0x3B10]  }
0x253: {  	v3 =	vld [tilespmem:s15+$0x7710];
	_ =	sdelay $0x4  }
0x254: {  	v2 =	vadd.bf16 v3, v2;
	_ =	sdelay $0x1  }
0x255: {  	v3 =	vshll.u32 v2, $0x10  }
0x256: {  	v2 =	vand.u32 $0xFFFF0000, v2;
	[tilespmem:s18+$0x20] =	vst v3  }
0x257: {  	[tilespmem:s18+$0x30] =	vst v2  }
0x258: {  	v2 =	vld [tilespmem:s15+$0x3B20]  }
0x259: {  	s28 =	simm.s32 $0x200;
	s31 =	simm.s32 $0xC740;
	v3 =	vld [tilespmem:s15+$0x7720]  }
.LBB2_13:
0x25a: {  	_ =	sdelay $0x1  }
0x25b: {  	p1 =	sne.s32 s28, $0x2600  }
0x25c: {  	s18 =	sadd.s32 $0x100, s18;
	s0 =	smov.u32 s28;
	s28 =	sadd.s32 $0x200, s28  }
0x25d: {  	v2 =	vadd.bf16 v3, v2;
	_ =	sdelay $0x1  }
0x25e: {  	v3 =	vshll.u32 v2, $0x10;
	v2 =	vand.u32 $0xFFFF0000, v2  }
0x25f: {  	[tilespmem:s31+$0x40] =	vst v3  }
0x260: {  	[tilespmem:s31+$0x50] =	vst v2  }
0x261: {  	v2 =	vld [tilespmem:s15+$0x3B30]  }
0x262: {  	v3 =	vld [tilespmem:s15+$0x7730];
	_ =	sdelay $0x4  }
0x263: {  	v2 =	vadd.bf16 v3, v2;
	_ =	sdelay $0x1  }
0x264: {  	v3 =	vshll.u32 v2, $0x10;
	v2 =	vand.u32 $0xFFFF0000, v2  }
0x265: {  	[tilespmem:s31+$0x60] =	vst v3  }
0x266: {  	s15 =	sshra.s32 s0, $0x2;
	[tilespmem:s31+$0x70] =	vst v2;
	s31 =	smov.u32 s18  }
0x267: {  	v2 =	vld [tilespmem:s15+$0x3AC0]  }
0x268: {  	v3 =	vld [tilespmem:s15+$0x76C0];
	_ =	sdelay $0x4  }
0x269: {  	v2 =	vadd.bf16 v3, v2;
	_ =	sdelay $0x1  }
0x26a: {  	v3 =	vshll.u32 v2, $0x10;
	v2 =	vand.u32 $0xFFFF0000, v2  }
0x26b: {  	[tilespmem:s18+$0xFFFFFF80] =	vst v3  }
0x26c: {  	[tilespmem:s18+$0xFFFFFF90] =	vst v2  }
0x26d: {  	v2 =	vld [tilespmem:s15+$0x3AD0]  }
0x26e: {  	v3 =	vld [tilespmem:s15+$0x76D0];
	_ =	sdelay $0x4  }
0x26f: {  	v2 =	vadd.bf16 v3, v2;
	_ =	sdelay $0x1  }
0x270: {  	v3 =	vshll.u32 v2, $0x10;
	v2 =	vand.u32 $0xFFFF0000, v2  }
0x271: {  	[tilespmem:s18+$0xFFFFFFA0] =	vst v3  }
0x272: {  	[tilespmem:s18+$0xFFFFFFB0] =	vst v2  }
0x273: {  	v2 =	vld [tilespmem:s15+$0x3AE0]  }
0x274: {  	v3 =	vld [tilespmem:s15+$0x76E0];
	_ =	sdelay $0x4  }
0x275: {  	v2 =	vadd.bf16 v3, v2;
	_ =	sdelay $0x1  }
0x276: {  	v3 =	vshll.u32 v2, $0x10;
	v2 =	vand.u32 $0xFFFF0000, v2  }
0x277: {  	[tilespmem:s18+$0xFFFFFFC0] =	vst v3  }
0x278: {  	[tilespmem:s18+$0xFFFFFFD0] =	vst v2  }
0x279: {  	v2 =	vld [tilespmem:s15+$0x3AF0]  }
0x27a: {  	v3 =	vld [tilespmem:s15+$0x76F0];
	_ =	sdelay $0x4  }
0x27b: {  	v2 =	vadd.bf16 v3, v2;
	_ =	sdelay $0x1  }
0x27c: {  	v3 =	vshll.u32 v2, $0x10;
	v2 =	vand.u32 $0xFFFF0000, v2  }
0x27d: {  	[tilespmem:s18+$0xFFFFFFE0] =	vst v3  }
0x27e: {  	[tilespmem:s18+$0xFFFFFFF0] =	vst v2  }
0x27f: {  	v2 =	vld [tilespmem:s15+$0x3B00]  }
0x280: {  	v3 =	vld [tilespmem:s15+$0x7700];
	_ =	sdelay $0x4  }
0x281: {  	v2 =	vadd.bf16 v3, v2;
	_ =	sdelay $0x1  }
0x282: {  	v3 =	vshll.u32 v2, $0x10;
	v2 =	vand.u32 $0xFFFF0000, v2  }
0x283: {  	[tilespmem:s18+$0x0] =	vst v3  }
0x284: {  	[tilespmem:s18+$0x10] =	vst v2  }
0x285: {  	v2 =	vld [tilespmem:s15+$0x3B10]  }
0x286: {  	v3 =	vld [tilespmem:s15+$0x7710];
	_ =	sdelay $0x4  }
0x287: {  	v2 =	vadd.bf16 v3, v2;
	_ =	sdelay $0x1  }
.Ltmp11:
0x288: {  	v3 =	vshll.u32 v2, $0x10;
	v2 =	vand.u32 $0xFFFF0000, v2;
	(pc) =	sbr.rel @p1 .LBB2_13-.Ltmp11, $4  }
0x289: {  	[tilespmem:s18+$0x20] =	vst v3  }
0x28a: {  	[tilespmem:s18+$0x30] =	vst v2  }
0x28b: {  	v2 =	vld [tilespmem:s15+$0x3B20]  }
0x28c: {  	v3 =	vld [tilespmem:s15+$0x7720]  }
0x28d: {  	_ =	sdelay $0x3  }
0x28e: {  	v2 =	vadd.bf16 v3, v2;
	_ =	sdelay $0x1  }
0x28f: {  	v3 =	vshll.u32 v2, $0x10  }
0x290: {  	v2 =	vand.u32 $0xFFFF0000, v2;
	[tilespmem:s31+$0x40] =	vst v3  }
0x291: {  	[tilespmem:s31+$0x50] =	vst v2  }
0x292: {  	v2 =	vld [tilespmem:s15+$0x3B30]  }
0x293: {  	v3 =	vld [tilespmem:s15+$0x7730];
	_ =	sdelay $0x4  }
0x294: {  	v2 =	vadd.bf16 v3, v2;
	_ =	sdelay $0x1  }
0x295: {  	v3 =	vshll.u32 v2, $0x10  }
0x296: {  	v2 =	vand.u32 $0xFFFF0000, v2;
	[tilespmem:s31+$0x60] =	vst v3  }
0x297: {  	s0 =	simm.s32 $0x1FE0;
	s15 =	simm.s32 $0xC6C0;
	[tilespmem:s31+$0x70] =	vst v2  }
0x298: {  	[spmem:s17] =	stream.indirect.scatter.add.f32 [tilespmem:s15], [sflag:$0xF], $0x40, s0, s2, $0xb8;
	[tilespmem:$0x1C760] =	vst v63  }
0x299: {  	s18 =	simm.s32 $0x21C0  }
0x29a: {  	[spmem:s17] =	stream.indirect.scatter.add.f32 [tilespmem:s15], [sflag:$0x15], $0x40, s18, s2, $0xb8;
	[tilespmem:$0x1C760] =	vst v63  }
0x29b: {  	_ =	swait.ge [sflag:s9], $0x1400  }
0x29c: {  	[sflag:s9] =	ssyncset.done $0x0  }
0x29d: {  	[sflag:s9] =	ssyncadd.s32 $0xFFFFEC00  }
0x29e: {  	_ =	swait.ge [sflag:s19], $0x1400  }
0x29f: {  	[sflag:s19] =	ssyncset.done $0x0  }
0x2a0: {  	[sflag:s19] =	ssyncadd.s32 $0xFFFFEC00  }
0x2a1: {  	v2 =	vld [tilespmem:s16+$0x1E0]  }
0x2a2: {  	v3 =	vld [tilespmem:s16+$0x1180];
	_ =	sdelay $0x3  }
0x2a3: {  	[tilespmem:$0x1F40] =	vst v2;
	v2 =	vshll.u32 v2, $0x1  }
0x2a4: {  	[tilespmem:$0x2120] =	vst v3;
	v3 =	vshll.u32 v3, $0x1;
	v2 =	vor.u32 v0, v2  }
0x2a5: {  	[tilespmem:$0x2300] =	vst v2;
	v2 =	vor.u32 v0, v3  }
0x2a6: {  	[tilespmem:$0x24E0] =	vst v2  }
0x2a7: {  	v2 =	vld [tilespmem:s16+$0x1F0]  }
0x2a8: {  	v3 =	vld [tilespmem:s16+$0x1190];
	_ =	sdelay $0x3  }
0x2a9: {  	[tilespmem:$0x1F50] =	vst v2;
	v2 =	vshll.u32 v2, $0x1  }
0x2aa: {  	[tilespmem:$0x2130] =	vst v3;
	v3 =	vshll.u32 v3, $0x1;
	v2 =	vor.u32 v0, v2  }
0x2ab: {  	[tilespmem:$0x2310] =	vst v2;
	v2 =	vor.u32 v0, v3  }
0x2ac: {  	[tilespmem:$0x24F0] =	vst v2  }
0x2ad: {  	v2 =	vld [tilespmem:s16+$0x200]  }
0x2ae: {  	v3 =	vld [tilespmem:s16+$0x11A0];
	_ =	sdelay $0x3  }
0x2af: {  	[tilespmem:$0x1F60] =	vst v2;
	v2 =	vshll.u32 v2, $0x1  }
0x2b0: {  	[tilespmem:$0x2140] =	vst v3;
	v3 =	vshll.u32 v3, $0x1;
	v2 =	vor.u32 v0, v2  }
0x2b1: {  	[tilespmem:$0x2320] =	vst v2;
	v2 =	vor.u32 v0, v3  }
0x2b2: {  	[tilespmem:$0x2500] =	vst v2  }
0x2b3: {  	v2 =	vld [tilespmem:s16+$0x210]  }
0x2b4: {  	v3 =	vld [tilespmem:s16+$0x11B0];
	_ =	sdelay $0x3  }
0x2b5: {  	[tilespmem:$0x1F70] =	vst v2;
	v2 =	vshll.u32 v2, $0x1  }
0x2b6: {  	[tilespmem:$0x2150] =	vst v3;
	v3 =	vshll.u32 v3, $0x1;
	v2 =	vor.u32 v0, v2  }
0x2b7: {  	[tilespmem:$0x2330] =	vst v2;
	v2 =	vor.u32 v0, v3  }
0x2b8: {  	[tilespmem:$0x2510] =	vst v2  }
0x2b9: {  	v2 =	vld [tilespmem:s16+$0x220]  }
0x2ba: {  	v3 =	vld [tilespmem:s16+$0x11C0];
	_ =	sdelay $0x3  }
0x2bb: {  	[tilespmem:$0x1F80] =	vst v2;
	v2 =	vshll.u32 v2, $0x1  }
0x2bc: {  	[tilespmem:$0x2160] =	vst v3;
	v3 =	vshll.u32 v3, $0x1;
	v2 =	vor.u32 v0, v2  }
0x2bd: {  	[tilespmem:$0x2340] =	vst v2;
	v2 =	vor.u32 v0, v3  }
0x2be: {  	s15 =	simm.s32 $0x2300;
	s18 =	simm.s32 $0x26C0;
	[tilespmem:$0x2520] =	vst v2  }
0x2bf: {  	[tilespmem:s18], [sflag:$0x1] =	stream.indirect.gather [hbm4b:s20+s2], $0x20, s15, s2, $0xb8;
	[tilespmem:$0x1C760] =	vst v63  }
0x2c0: {  	s15 =	simm.s32 $0x24E0;
	s18 =	simm.s32 $0x62C0  }
0x2c1: {  	[tilespmem:s18], [sflag:$0x7] =	stream.indirect.gather [hbm4b:s20+s2], $0x20, s15, s2, $0xb8;
	[tilespmem:$0x1C760] =	vst v63  }
0x2c2: {  	_ =	swait.ge [sflag:s30], $0xA00  }
0x2c3: {  	[sflag:s30] =	ssyncset.done $0x0  }
0x2c4: {  	[sflag:s30] =	ssyncadd.s32 $0xFFFFF600  }
0x2c5: {  	_ =	swait.ge [sflag:s21], $0xA00  }
0x2c6: {  	[sflag:s21] =	ssyncset.done $0x0  }
0x2c7: {  	s15 =	simm.s32 $0x0;
	[sflag:s21] =	ssyncadd.s32 $0xFFFFF600  }
0x2c8: {  	v2 =	vld [tilespmem:s15+$0x44C0]  }
0x2c9: {  	v3 =	vld [tilespmem:s15+$0x80C0];
	_ =	sdelay $0x4  }
0x2ca: {  	v2 =	vadd.bf16 v3, v2;
	_ =	sdelay $0x1  }
0x2cb: {  	s18 =	simm.s32 $0xDB40;
	v3 =	vshll.u32 v2, $0x10  }
0x2cc: {  	v2 =	vand.u32 $0xFFFF0000, v2;
	[tilespmem:s18+$0xFFFFFF80] =	vst v3  }
0x2cd: {  	[tilespmem:s18+$0xFFFFFF90] =	vst v2  }
0x2ce: {  	v2 =	vld [tilespmem:s15+$0x44D0]  }
0x2cf: {  	v3 =	vld [tilespmem:s15+$0x80D0];
	_ =	sdelay $0x4  }
0x2d0: {  	v2 =	vadd.bf16 v3, v2;
	_ =	sdelay $0x1  }
0x2d1: {  	v3 =	vshll.u32 v2, $0x10  }
0x2d2: {  	v2 =	vand.u32 $0xFFFF0000, v2;
	[tilespmem:s18+$0xFFFFFFA0] =	vst v3  }
0x2d3: {  	[tilespmem:s18+$0xFFFFFFB0] =	vst v2  }
0x2d4: {  	v2 =	vld [tilespmem:s15+$0x44E0]  }
0x2d5: {  	v3 =	vld [tilespmem:s15+$0x80E0];
	_ =	sdelay $0x4  }
0x2d6: {  	v2 =	vadd.bf16 v3, v2;
	_ =	sdelay $0x1  }
0x2d7: {  	v3 =	vshll.u32 v2, $0x10  }
0x2d8: {  	v2 =	vand.u32 $0xFFFF0000, v2;
	[tilespmem:s18+$0xFFFFFFC0] =	vst v3  }
0x2d9: {  	[tilespmem:s18+$0xFFFFFFD0] =	vst v2  }
0x2da: {  	v2 =	vld [tilespmem:s15+$0x44F0]  }
0x2db: {  	v3 =	vld [tilespmem:s15+$0x80F0];
	_ =	sdelay $0x4  }
0x2dc: {  	v2 =	vadd.bf16 v3, v2;
	_ =	sdelay $0x1  }
0x2dd: {  	v3 =	vshll.u32 v2, $0x10  }
0x2de: {  	v2 =	vand.u32 $0xFFFF0000, v2;
	[tilespmem:s18+$0xFFFFFFE0] =	vst v3  }
0x2df: {  	[tilespmem:s18+$0xFFFFFFF0] =	vst v2  }
0x2e0: {  	v2 =	vld [tilespmem:s15+$0x4500]  }
0x2e1: {  	v3 =	vld [tilespmem:s15+$0x8100];
	_ =	sdelay $0x4  }
0x2e2: {  	v2 =	vadd.bf16 v3, v2;
	_ =	sdelay $0x1  }
0x2e3: {  	v3 =	vshll.u32 v2, $0x10  }
0x2e4: {  	v2 =	vand.u32 $0xFFFF0000, v2;
	[tilespmem:s18+$0x0] =	vst v3  }
0x2e5: {  	[tilespmem:s18+$0x10] =	vst v2  }
0x2e6: {  	v2 =	vld [tilespmem:s15+$0x4510]  }
0x2e7: {  	v3 =	vld [tilespmem:s15+$0x8110];
	_ =	sdelay $0x4  }
0x2e8: {  	v2 =	vadd.bf16 v3, v2;
	_ =	sdelay $0x1  }
0x2e9: {  	v3 =	vshll.u32 v2, $0x10  }
0x2ea: {  	v2 =	vand.u32 $0xFFFF0000, v2;
	[tilespmem:s18+$0x20] =	vst v3  }
0x2eb: {  	[tilespmem:s18+$0x30] =	vst v2  }
0x2ec: {  	v2 =	vld [tilespmem:s15+$0x4520]  }
0x2ed: {  	s28 =	simm.s32 $0x200;
	s31 =	simm.s32 $0xDB40;
	v3 =	vld [tilespmem:s15+$0x8120]  }
.LBB2_15:
0x2ee: {  	_ =	sdelay $0x1  }
0x2ef: {  	p1 =	sne.s32 s28, $0x2600  }
0x2f0: {  	s18 =	sadd.s32 $0x100, s18;
	s0 =	smov.u32 s28;
	s28 =	sadd.s32 $0x200, s28  }
0x2f1: {  	v2 =	vadd.bf16 v3, v2;
	_ =	sdelay $0x1  }
0x2f2: {  	v3 =	vshll.u32 v2, $0x10;
	v2 =	vand.u32 $0xFFFF0000, v2  }
0x2f3: {  	[tilespmem:s31+$0x40] =	vst v3  }
0x2f4: {  	[tilespmem:s31+$0x50] =	vst v2  }
0x2f5: {  	v2 =	vld [tilespmem:s15+$0x4530]  }
0x2f6: {  	v3 =	vld [tilespmem:s15+$0x8130];
	_ =	sdelay $0x4  }
0x2f7: {  	v2 =	vadd.bf16 v3, v2;
	_ =	sdelay $0x1  }
0x2f8: {  	v3 =	vshll.u32 v2, $0x10;
	v2 =	vand.u32 $0xFFFF0000, v2  }
0x2f9: {  	[tilespmem:s31+$0x60] =	vst v3  }
0x2fa: {  	s15 =	sshra.s32 s0, $0x2;
	[tilespmem:s31+$0x70] =	vst v2;
	s31 =	smov.u32 s18  }
0x2fb: {  	v2 =	vld [tilespmem:s15+$0x44C0]  }
0x2fc: {  	v3 =	vld [tilespmem:s15+$0x80C0];
	_ =	sdelay $0x4  }
0x2fd: {  	v2 =	vadd.bf16 v3, v2;
	_ =	sdelay $0x1  }
0x2fe: {  	v3 =	vshll.u32 v2, $0x10;
	v2 =	vand.u32 $0xFFFF0000, v2  }
0x2ff: {  	[tilespmem:s18+$0xFFFFFF80] =	vst v3  }
0x300: {  	[tilespmem:s18+$0xFFFFFF90] =	vst v2  }
0x301: {  	v2 =	vld [tilespmem:s15+$0x44D0]  }
0x302: {  	v3 =	vld [tilespmem:s15+$0x80D0];
	_ =	sdelay $0x4  }
0x303: {  	v2 =	vadd.bf16 v3, v2;
	_ =	sdelay $0x1  }
0x304: {  	v3 =	vshll.u32 v2, $0x10;
	v2 =	vand.u32 $0xFFFF0000, v2  }
0x305: {  	[tilespmem:s18+$0xFFFFFFA0] =	vst v3  }
0x306: {  	[tilespmem:s18+$0xFFFFFFB0] =	vst v2  }
0x307: {  	v2 =	vld [tilespmem:s15+$0x44E0]  }
0x308: {  	v3 =	vld [tilespmem:s15+$0x80E0];
	_ =	sdelay $0x4  }
0x309: {  	v2 =	vadd.bf16 v3, v2;
	_ =	sdelay $0x1  }
0x30a: {  	v3 =	vshll.u32 v2, $0x10;
	v2 =	vand.u32 $0xFFFF0000, v2  }
0x30b: {  	[tilespmem:s18+$0xFFFFFFC0] =	vst v3  }
0x30c: {  	[tilespmem:s18+$0xFFFFFFD0] =	vst v2  }
0x30d: {  	v2 =	vld [tilespmem:s15+$0x44F0]  }
0x30e: {  	v3 =	vld [tilespmem:s15+$0x80F0];
	_ =	sdelay $0x4  }
0x30f: {  	v2 =	vadd.bf16 v3, v2;
	_ =	sdelay $0x1  }
0x310: {  	v3 =	vshll.u32 v2, $0x10;
	v2 =	vand.u32 $0xFFFF0000, v2  }
0x311: {  	[tilespmem:s18+$0xFFFFFFE0] =	vst v3  }
0x312: {  	[tilespmem:s18+$0xFFFFFFF0] =	vst v2  }
0x313: {  	v2 =	vld [tilespmem:s15+$0x4500]  }
0x314: {  	v3 =	vld [tilespmem:s15+$0x8100];
	_ =	sdelay $0x4  }
0x315: {  	v2 =	vadd.bf16 v3, v2;
	_ =	sdelay $0x1  }
0x316: {  	v3 =	vshll.u32 v2, $0x10;
	v2 =	vand.u32 $0xFFFF0000, v2  }
0x317: {  	[tilespmem:s18+$0x0] =	vst v3  }
0x318: {  	[tilespmem:s18+$0x10] =	vst v2  }
0x319: {  	v2 =	vld [tilespmem:s15+$0x4510]  }
0x31a: {  	v3 =	vld [tilespmem:s15+$0x8110];
	_ =	sdelay $0x4  }
0x31b: {  	v2 =	vadd.bf16 v3, v2;
	_ =	sdelay $0x1  }
.Ltmp12:
0x31c: {  	v3 =	vshll.u32 v2, $0x10;
	v2 =	vand.u32 $0xFFFF0000, v2;
	(pc) =	sbr.rel @p1 .LBB2_15-.Ltmp12, $4  }
0x31d: {  	[tilespmem:s18+$0x20] =	vst v3  }
0x31e: {  	[tilespmem:s18+$0x30] =	vst v2  }
0x31f: {  	v2 =	vld [tilespmem:s15+$0x4520]  }
0x320: {  	v3 =	vld [tilespmem:s15+$0x8120]  }
0x321: {  	_ =	sdelay $0x3  }
0x322: {  	v2 =	vadd.bf16 v3, v2;
	_ =	sdelay $0x1  }
0x323: {  	v3 =	vshll.u32 v2, $0x10  }
0x324: {  	v2 =	vand.u32 $0xFFFF0000, v2;
	[tilespmem:s31+$0x40] =	vst v3  }
0x325: {  	[tilespmem:s31+$0x50] =	vst v2  }
0x326: {  	v2 =	vld [tilespmem:s15+$0x4530]  }
0x327: {  	v3 =	vld [tilespmem:s15+$0x8130];
	_ =	sdelay $0x4  }
0x328: {  	v2 =	vadd.bf16 v3, v2;
	_ =	sdelay $0x1  }
0x329: {  	v3 =	vshll.u32 v2, $0x10  }
0x32a: {  	v2 =	vand.u32 $0xFFFF0000, v2;
	[tilespmem:s31+$0x60] =	vst v3  }
0x32b: {  	s0 =	simm.s32 $0x2030;
	s15 =	simm.s32 $0xDAC0;
	[tilespmem:s31+$0x70] =	vst v2  }
0x32c: {  	[spmem:s17] =	stream.indirect.scatter.add.f32 [tilespmem:s15], [sflag:$0x10], $0x40, s0, s2, $0xb8;
	[tilespmem:$0x1C760] =	vst v63  }
0x32d: {  	s18 =	simm.s32 $0x2210  }
0x32e: {  	[spmem:s17] =	stream.indirect.scatter.add.f32 [tilespmem:s15], [sflag:$0x16], $0x40, s18, s2, $0xb8;
	[tilespmem:$0x1C760] =	vst v63  }
0x32f: {  	_ =	swait.ge [sflag:s13], $0x1400  }
0x330: {  	[sflag:s13] =	ssyncset.done $0x0  }
0x331: {  	[sflag:s13] =	ssyncadd.s32 $0xFFFFEC00  }
0x332: {  	_ =	swait.ge [sflag:s14], $0x1400  }
0x333: {  	[sflag:s14] =	ssyncset.done $0x0  }
0x334: {  	[sflag:s14] =	ssyncadd.s32 $0xFFFFEC00  }
0x335: {  	v2 =	vld [tilespmem:s16+$0x230]  }
0x336: {  	v3 =	vld [tilespmem:s16+$0x11D0];
	_ =	sdelay $0x3  }
0x337: {  	[tilespmem:$0x1F90] =	vst v2;
	v2 =	vshll.u32 v2, $0x1  }
0x338: {  	[tilespmem:$0x2170] =	vst v3;
	v3 =	vshll.u32 v3, $0x1;
	v2 =	vor.u32 v0, v2  }
0x339: {  	[tilespmem:$0x2350] =	vst v2;
	v2 =	vor.u32 v0, v3  }
0x33a: {  	[tilespmem:$0x2530] =	vst v2  }
0x33b: {  	v2 =	vld [tilespmem:s16+$0x240]  }
0x33c: {  	v3 =	vld [tilespmem:s16+$0x11E0];
	_ =	sdelay $0x3  }
0x33d: {  	[tilespmem:$0x1FA0] =	vst v2;
	v2 =	vshll.u32 v2, $0x1  }
0x33e: {  	[tilespmem:$0x2180] =	vst v3;
	v3 =	vshll.u32 v3, $0x1;
	v2 =	vor.u32 v0, v2  }
0x33f: {  	[tilespmem:$0x2360] =	vst v2;
	v2 =	vor.u32 v0, v3  }
0x340: {  	[tilespmem:$0x2540] =	vst v2  }
0x341: {  	v2 =	vld [tilespmem:s16+$0x250]  }
0x342: {  	v3 =	vld [tilespmem:s16+$0x11F0];
	_ =	sdelay $0x3  }
0x343: {  	[tilespmem:$0x1FB0] =	vst v2;
	v2 =	vshll.u32 v2, $0x1  }
0x344: {  	[tilespmem:$0x2190] =	vst v3;
	v3 =	vshll.u32 v3, $0x1;
	v2 =	vor.u32 v0, v2  }
0x345: {  	[tilespmem:$0x2370] =	vst v2;
	v2 =	vor.u32 v0, v3  }
0x346: {  	[tilespmem:$0x2550] =	vst v2  }
0x347: {  	v2 =	vld [tilespmem:s16+$0x260]  }
0x348: {  	v3 =	vld [tilespmem:s16+$0x1200];
	_ =	sdelay $0x3  }
0x349: {  	[tilespmem:$0x1FC0] =	vst v2;
	v2 =	vshll.u32 v2, $0x1  }
0x34a: {  	[tilespmem:$0x21A0] =	vst v3;
	v3 =	vshll.u32 v3, $0x1;
	v2 =	vor.u32 v0, v2  }
0x34b: {  	[tilespmem:$0x2380] =	vst v2;
	v2 =	vor.u32 v0, v3  }
0x34c: {  	[tilespmem:$0x2560] =	vst v2  }
0x34d: {  	v2 =	vld [tilespmem:s16+$0x270]  }
0x34e: {  	v3 =	vld [tilespmem:s16+$0x1210];
	_ =	sdelay $0x3  }
0x34f: {  	[tilespmem:$0x1FD0] =	vst v2;
	v2 =	vshll.u32 v2, $0x1  }
0x350: {  	[tilespmem:$0x21B0] =	vst v3;
	v3 =	vshll.u32 v3, $0x1;
	v2 =	vor.u32 v0, v2  }
0x351: {  	[tilespmem:$0x2390] =	vst v2;
	v2 =	vor.u32 v0, v3  }
0x352: {  	s15 =	simm.s32 $0x2350;
	s18 =	simm.s32 $0x30C0;
	[tilespmem:$0x2570] =	vst v2  }
0x353: {  	[tilespmem:s18], [sflag:$0x2] =	stream.indirect.gather [hbm4b:s20+s2], $0x20, s15, s2, $0xb8;
	[tilespmem:$0x1C760] =	vst v63  }
0x354: {  	s15 =	simm.s32 $0x2530;
	s18 =	simm.s32 $0x6CC0  }
0x355: {  	[tilespmem:s18], [sflag:$0x8] =	stream.indirect.gather [hbm4b:s20+s2], $0x20, s15, s2, $0xb8;
	[tilespmem:$0x1C760] =	vst v63  }
0x356: {  	_ =	swait.ge [sflag:s3], $0xA00  }
0x357: {  	[sflag:s3] =	ssyncset.done $0x0  }
0x358: {  	[sflag:s3] =	ssyncadd.s32 $0xFFFFF600  }
0x359: {  	_ =	swait.ge [sflag:s4], $0xA00  }
0x35a: {  	[sflag:s4] =	ssyncset.done $0x0  }
0x35b: {  	s15 =	simm.s32 $0x0;
	[sflag:s4] =	ssyncadd.s32 $0xFFFFF600  }
0x35c: {  	v2 =	vld [tilespmem:s15+$0x4EC0]  }
0x35d: {  	v3 =	vld [tilespmem:s15+$0x8AC0];
	_ =	sdelay $0x4  }
0x35e: {  	v2 =	vadd.bf16 v3, v2;
	_ =	sdelay $0x1  }
0x35f: {  	s18 =	simm.s32 $0xEF40;
	v3 =	vshll.u32 v2, $0x10  }
0x360: {  	v2 =	vand.u32 $0xFFFF0000, v2;
	[tilespmem:s18+$0xFFFFFF80] =	vst v3  }
0x361: {  	[tilespmem:s18+$0xFFFFFF90] =	vst v2  }
0x362: {  	v2 =	vld [tilespmem:s15+$0x4ED0]  }
0x363: {  	v3 =	vld [tilespmem:s15+$0x8AD0];
	_ =	sdelay $0x4  }
0x364: {  	v2 =	vadd.bf16 v3, v2;
	_ =	sdelay $0x1  }
0x365: {  	v3 =	vshll.u32 v2, $0x10  }
0x366: {  	v2 =	vand.u32 $0xFFFF0000, v2;
	[tilespmem:s18+$0xFFFFFFA0] =	vst v3  }
0x367: {  	[tilespmem:s18+$0xFFFFFFB0] =	vst v2  }
0x368: {  	v2 =	vld [tilespmem:s15+$0x4EE0]  }
0x369: {  	v3 =	vld [tilespmem:s15+$0x8AE0];
	_ =	sdelay $0x4  }
0x36a: {  	v2 =	vadd.bf16 v3, v2;
	_ =	sdelay $0x1  }
0x36b: {  	v3 =	vshll.u32 v2, $0x10  }
0x36c: {  	v2 =	vand.u32 $0xFFFF0000, v2;
	[tilespmem:s18+$0xFFFFFFC0] =	vst v3  }
0x36d: {  	[tilespmem:s18+$0xFFFFFFD0] =	vst v2  }
0x36e: {  	v2 =	vld [tilespmem:s15+$0x4EF0]  }
0x36f: {  	v3 =	vld [tilespmem:s15+$0x8AF0];
	_ =	sdelay $0x4  }
0x370: {  	v2 =	vadd.bf16 v3, v2;
	_ =	sdelay $0x1  }
0x371: {  	v3 =	vshll.u32 v2, $0x10  }
0x372: {  	v2 =	vand.u32 $0xFFFF0000, v2;
	[tilespmem:s18+$0xFFFFFFE0] =	vst v3  }
0x373: {  	[tilespmem:s18+$0xFFFFFFF0] =	vst v2  }
0x374: {  	v2 =	vld [tilespmem:s15+$0x4F00]  }
0x375: {  	v3 =	vld [tilespmem:s15+$0x8B00];
	_ =	sdelay $0x4  }
0x376: {  	v2 =	vadd.bf16 v3, v2;
	_ =	sdelay $0x1  }
0x377: {  	v3 =	vshll.u32 v2, $0x10  }
0x378: {  	v2 =	vand.u32 $0xFFFF0000, v2;
	[tilespmem:s18+$0x0] =	vst v3  }
0x379: {  	[tilespmem:s18+$0x10] =	vst v2  }
0x37a: {  	v2 =	vld [tilespmem:s15+$0x4F10]  }
0x37b: {  	v3 =	vld [tilespmem:s15+$0x8B10];
	_ =	sdelay $0x4  }
0x37c: {  	v2 =	vadd.bf16 v3, v2;
	_ =	sdelay $0x1  }
0x37d: {  	v3 =	vshll.u32 v2, $0x10  }
0x37e: {  	v2 =	vand.u32 $0xFFFF0000, v2;
	[tilespmem:s18+$0x20] =	vst v3  }
0x37f: {  	[tilespmem:s18+$0x30] =	vst v2  }
0x380: {  	v2 =	vld [tilespmem:s15+$0x4F20]  }
0x381: {  	s28 =	simm.s32 $0x200;
	s31 =	simm.s32 $0xEF40;
	v3 =	vld [tilespmem:s15+$0x8B20]  }
.LBB2_17:
0x382: {  	_ =	sdelay $0x1  }
0x383: {  	p1 =	sne.s32 s28, $0x2600  }
0x384: {  	s18 =	sadd.s32 $0x100, s18;
	s0 =	smov.u32 s28;
	s28 =	sadd.s32 $0x200, s28  }
0x385: {  	v2 =	vadd.bf16 v3, v2;
	_ =	sdelay $0x1  }
0x386: {  	v3 =	vshll.u32 v2, $0x10;
	v2 =	vand.u32 $0xFFFF0000, v2  }
0x387: {  	[tilespmem:s31+$0x40] =	vst v3  }
0x388: {  	[tilespmem:s31+$0x50] =	vst v2  }
0x389: {  	v2 =	vld [tilespmem:s15+$0x4F30]  }
0x38a: {  	v3 =	vld [tilespmem:s15+$0x8B30];
	_ =	sdelay $0x4  }
0x38b: {  	v2 =	vadd.bf16 v3, v2;
	_ =	sdelay $0x1  }
0x38c: {  	v3 =	vshll.u32 v2, $0x10;
	v2 =	vand.u32 $0xFFFF0000, v2  }
0x38d: {  	[tilespmem:s31+$0x60] =	vst v3  }
0x38e: {  	s15 =	sshra.s32 s0, $0x2;
	[tilespmem:s31+$0x70] =	vst v2;
	s31 =	smov.u32 s18  }
0x38f: {  	v2 =	vld [tilespmem:s15+$0x4EC0]  }
0x390: {  	v3 =	vld [tilespmem:s15+$0x8AC0];
	_ =	sdelay $0x4  }
0x391: {  	v2 =	vadd.bf16 v3, v2;
	_ =	sdelay $0x1  }
0x392: {  	v3 =	vshll.u32 v2, $0x10;
	v2 =	vand.u32 $0xFFFF0000, v2  }
0x393: {  	[tilespmem:s18+$0xFFFFFF80] =	vst v3  }
0x394: {  	[tilespmem:s18+$0xFFFFFF90] =	vst v2  }
0x395: {  	v2 =	vld [tilespmem:s15+$0x4ED0]  }
0x396: {  	v3 =	vld [tilespmem:s15+$0x8AD0];
	_ =	sdelay $0x4  }
0x397: {  	v2 =	vadd.bf16 v3, v2;
	_ =	sdelay $0x1  }
0x398: {  	v3 =	vshll.u32 v2, $0x10;
	v2 =	vand.u32 $0xFFFF0000, v2  }
0x399: {  	[tilespmem:s18+$0xFFFFFFA0] =	vst v3  }
0x39a: {  	[tilespmem:s18+$0xFFFFFFB0] =	vst v2  }
0x39b: {  	v2 =	vld [tilespmem:s15+$0x4EE0]  }
0x39c: {  	v3 =	vld [tilespmem:s15+$0x8AE0];
	_ =	sdelay $0x4  }
0x39d: {  	v2 =	vadd.bf16 v3, v2;
	_ =	sdelay $0x1  }
0x39e: {  	v3 =	vshll.u32 v2, $0x10;
	v2 =	vand.u32 $0xFFFF0000, v2  }
0x39f: {  	[tilespmem:s18+$0xFFFFFFC0] =	vst v3  }
0x3a0: {  	[tilespmem:s18+$0xFFFFFFD0] =	vst v2  }
0x3a1: {  	v2 =	vld [tilespmem:s15+$0x4EF0]  }
0x3a2: {  	v3 =	vld [tilespmem:s15+$0x8AF0];
	_ =	sdelay $0x4  }
0x3a3: {  	v2 =	vadd.bf16 v3, v2;
	_ =	sdelay $0x1  }
0x3a4: {  	v3 =	vshll.u32 v2, $0x10;
	v2 =	vand.u32 $0xFFFF0000, v2  }
0x3a5: {  	[tilespmem:s18+$0xFFFFFFE0] =	vst v3  }
0x3a6: {  	[tilespmem:s18+$0xFFFFFFF0] =	vst v2  }
0x3a7: {  	v2 =	vld [tilespmem:s15+$0x4F00]  }
0x3a8: {  	v3 =	vld [tilespmem:s15+$0x8B00];
	_ =	sdelay $0x4  }
0x3a9: {  	v2 =	vadd.bf16 v3, v2;
	_ =	sdelay $0x1  }
0x3aa: {  	v3 =	vshll.u32 v2, $0x10;
	v2 =	vand.u32 $0xFFFF0000, v2  }
0x3ab: {  	[tilespmem:s18+$0x0] =	vst v3  }
0x3ac: {  	[tilespmem:s18+$0x10] =	vst v2  }
0x3ad: {  	v2 =	vld [tilespmem:s15+$0x4F10]  }
0x3ae: {  	v3 =	vld [tilespmem:s15+$0x8B10];
	_ =	sdelay $0x4  }
0x3af: {  	v2 =	vadd.bf16 v3, v2;
	_ =	sdelay $0x1  }
.Ltmp13:
0x3b0: {  	v3 =	vshll.u32 v2, $0x10;
	v2 =	vand.u32 $0xFFFF0000, v2;
	(pc) =	sbr.rel @p1 .LBB2_17-.Ltmp13, $4  }
0x3b1: {  	[tilespmem:s18+$0x20] =	vst v3  }
0x3b2: {  	[tilespmem:s18+$0x30] =	vst v2  }
0x3b3: {  	v2 =	vld [tilespmem:s15+$0x4F20]  }
0x3b4: {  	v3 =	vld [tilespmem:s15+$0x8B20]  }
0x3b5: {  	_ =	sdelay $0x3  }
0x3b6: {  	v2 =	vadd.bf16 v3, v2;
	_ =	sdelay $0x1  }
0x3b7: {  	v3 =	vshll.u32 v2, $0x10  }
0x3b8: {  	v2 =	vand.u32 $0xFFFF0000, v2;
	[tilespmem:s31+$0x40] =	vst v3  }
0x3b9: {  	[tilespmem:s31+$0x50] =	vst v2  }
0x3ba: {  	v2 =	vld [tilespmem:s15+$0x4F30]  }
0x3bb: {  	v3 =	vld [tilespmem:s15+$0x8B30];
	_ =	sdelay $0x4  }
0x3bc: {  	v2 =	vadd.bf16 v3, v2;
	_ =	sdelay $0x1  }
0x3bd: {  	p1 =	sgt.u32 s12, $0x6;
	v3 =	vshll.u32 v2, $0x10  }
.Ltmp14:
0x3be: {  	v2 =	vand.u32 $0xFFFF0000, v2;
	[tilespmem:s31+$0x60] =	vst v3;
	(pc) =	sbr.rel @p1 .LBB2_20-.Ltmp14, $4  }
0x3bf: {  	s0 =	simm.s32 $0x2080;
	[tilespmem:s31+$0x70] =	vst v2  }
0x3c0: {  	[spmem:s17] =	stream.indirect.scatter.add.f32 [tilespmem:s5], [sflag:$0x11], $0x40, s0, s2, $0xb8;
	[tilespmem:$0x1C760] =	vst v63  }
0x3c1: {  	s31 =	simm.s32 $0x2260  }
0x3c2: {  	[spmem:s17] =	stream.indirect.scatter.add.f32 [tilespmem:s5], [sflag:$0x17], $0x40, s31, s2, $0xb8;
	[tilespmem:$0x1C760] =	vst v63  }
0x3c3: {  	s0 =	simm.s32 $0xF  }
0x3c4: {  	_ =	swait.ge [sflag:s0], $0x1400  }
0x3c5: {  	[sflag:s0] =	ssyncset.done $0x0  }
0x3c6: {  	s15 =	simm.s32 $0x15;
	[sflag:s0] =	ssyncadd.s32 $0xFFFFEC00  }
0x3c7: {  	_ =	swait.ge [sflag:s15], $0x1400  }
0x3c8: {  	[sflag:s15] =	ssyncset.done $0x0  }
0x3c9: {  	[sflag:s15] =	ssyncadd.s32 $0xFFFFEC00  }
0x3ca: {  	v2 =	vld [tilespmem:s16+$0x280]  }
0x3cb: {  	v3 =	vld [tilespmem:s16+$0x1220];
	_ =	sdelay $0x3  }
0x3cc: {  	[tilespmem:$0x1FE0] =	vst v2;
	v2 =	vshll.u32 v2, $0x1  }
0x3cd: {  	[tilespmem:$0x21C0] =	vst v3;
	v3 =	vshll.u32 v3, $0x1;
	v2 =	vor.u32 v0, v2  }
0x3ce: {  	[tilespmem:$0x23A0] =	vst v2;
	v2 =	vor.u32 v0, v3  }
0x3cf: {  	[tilespmem:$0x2580] =	vst v2  }
0x3d0: {  	v2 =	vld [tilespmem:s16+$0x290]  }
0x3d1: {  	v3 =	vld [tilespmem:s16+$0x1230];
	_ =	sdelay $0x3  }
0x3d2: {  	[tilespmem:$0x1FF0] =	vst v2;
	v2 =	vshll.u32 v2, $0x1  }
0x3d3: {  	[tilespmem:$0x21D0] =	vst v3;
	v3 =	vshll.u32 v3, $0x1;
	v2 =	vor.u32 v0, v2  }
0x3d4: {  	[tilespmem:$0x23B0] =	vst v2;
	v2 =	vor.u32 v0, v3  }
0x3d5: {  	[tilespmem:$0x2590] =	vst v2  }
0x3d6: {  	v2 =	vld [tilespmem:s16+$0x2A0]  }
0x3d7: {  	v3 =	vld [tilespmem:s16+$0x1240];
	_ =	sdelay $0x3  }
0x3d8: {  	[tilespmem:$0x2000] =	vst v2;
	v2 =	vshll.u32 v2, $0x1  }
0x3d9: {  	[tilespmem:$0x21E0] =	vst v3;
	v3 =	vshll.u32 v3, $0x1;
	v2 =	vor.u32 v0, v2  }
0x3da: {  	[tilespmem:$0x23C0] =	vst v2;
	v2 =	vor.u32 v0, v3  }
0x3db: {  	[tilespmem:$0x25A0] =	vst v2  }
0x3dc: {  	v2 =	vld [tilespmem:s16+$0x2B0]  }
0x3dd: {  	v3 =	vld [tilespmem:s16+$0x1250];
	_ =	sdelay $0x3  }
0x3de: {  	[tilespmem:$0x2010] =	vst v2;
	v2 =	vshll.u32 v2, $0x1  }
0x3df: {  	[tilespmem:$0x21F0] =	vst v3;
	v3 =	vshll.u32 v3, $0x1;
	v2 =	vor.u32 v0, v2  }
0x3e0: {  	[tilespmem:$0x23D0] =	vst v2;
	v2 =	vor.u32 v0, v3  }
0x3e1: {  	[tilespmem:$0x25B0] =	vst v2  }
0x3e2: {  	v2 =	vld [tilespmem:s16+$0x2C0]  }
0x3e3: {  	v3 =	vld [tilespmem:s16+$0x1260];
	_ =	sdelay $0x3  }
0x3e4: {  	[tilespmem:$0x2020] =	vst v2;
	v2 =	vshll.u32 v2, $0x1  }
0x3e5: {  	[tilespmem:$0x2200] =	vst v3;
	v3 =	vshll.u32 v3, $0x1;
	v2 =	vor.u32 v0, v2  }
0x3e6: {  	[tilespmem:$0x23E0] =	vst v2;
	v2 =	vor.u32 v0, v3  }
0x3e7: {  	s18 =	simm.s32 $0x23A0;
	s15 =	simm.s32 $0x3AC0;
	[tilespmem:$0x25C0] =	vst v2  }
0x3e8: {  	[tilespmem:s15], [sflag:$0x3] =	stream.indirect.gather [hbm4b:s20+s2], $0x20, s18, s2, $0xb8;
	[tilespmem:$0x1C760] =	vst v63  }
0x3e9: {  	s28 =	simm.s32 $0x2580;
	s31 =	simm.s32 $0x76C0  }
0x3ea: {  	[tilespmem:s31], [sflag:$0x9] =	stream.indirect.gather [hbm4b:s20+s2], $0x20, s28, s2, $0xb8;
	[tilespmem:$0x1C760] =	vst v63  }
.LBB2_20:
0x3eb: {  	_ =	swait.ge [sflag:s6], $0xA00  }
0x3ec: {  	[sflag:s6] =	ssyncset.done $0x0  }
0x3ed: {  	[sflag:s6] =	ssyncadd.s32 $0xFFFFF600  }
0x3ee: {  	_ =	swait.ge [sflag:s7], $0xA00  }
0x3ef: {  	[sflag:s7] =	ssyncset.done $0x0  }
0x3f0: {  	s15 =	simm.s32 $0x0;
	[sflag:s7] =	ssyncadd.s32 $0xFFFFF600  }
0x3f1: {  	v2 =	vld [tilespmem:s15+$0x58C0]  }
0x3f2: {  	v3 =	vld [tilespmem:s15+$0x94C0];
	_ =	sdelay $0x4  }
0x3f3: {  	v2 =	vadd.bf16 v3, v2;
	_ =	sdelay $0x1  }
0x3f4: {  	s18 =	simm.s32 $0x10340;
	v3 =	vshll.u32 v2, $0x10  }
0x3f5: {  	v2 =	vand.u32 $0xFFFF0000, v2;
	[tilespmem:s18+$0xFFFFFF80] =	vst v3  }
0x3f6: {  	[tilespmem:s18+$0xFFFFFF90] =	vst v2  }
0x3f7: {  	v2 =	vld [tilespmem:s15+$0x58D0]  }
0x3f8: {  	v3 =	vld [tilespmem:s15+$0x94D0];
	_ =	sdelay $0x4  }
0x3f9: {  	v2 =	vadd.bf16 v3, v2;
	_ =	sdelay $0x1  }
0x3fa: {  	v3 =	vshll.u32 v2, $0x10  }
0x3fb: {  	v2 =	vand.u32 $0xFFFF0000, v2;
	[tilespmem:s18+$0xFFFFFFA0] =	vst v3  }
0x3fc: {  	[tilespmem:s18+$0xFFFFFFB0] =	vst v2  }
0x3fd: {  	v2 =	vld [tilespmem:s15+$0x58E0]  }
0x3fe: {  	v3 =	vld [tilespmem:s15+$0x94E0];
	_ =	sdelay $0x4  }
0x3ff: {  	v2 =	vadd.bf16 v3, v2;
	_ =	sdelay $0x1  }
0x400: {  	v3 =	vshll.u32 v2, $0x10  }
0x401: {  	v2 =	vand.u32 $0xFFFF0000, v2;
	[tilespmem:s18+$0xFFFFFFC0] =	vst v3  }
0x402: {  	[tilespmem:s18+$0xFFFFFFD0] =	vst v2  }
0x403: {  	v2 =	vld [tilespmem:s15+$0x58F0]  }
0x404: {  	v3 =	vld [tilespmem:s15+$0x94F0];
	_ =	sdelay $0x4  }
0x405: {  	v2 =	vadd.bf16 v3, v2;
	_ =	sdelay $0x1  }
0x406: {  	v3 =	vshll.u32 v2, $0x10  }
0x407: {  	v2 =	vand.u32 $0xFFFF0000, v2;
	[tilespmem:s18+$0xFFFFFFE0] =	vst v3  }
0x408: {  	[tilespmem:s18+$0xFFFFFFF0] =	vst v2  }
0x409: {  	v2 =	vld [tilespmem:s15+$0x5900]  }
0x40a: {  	v3 =	vld [tilespmem:s15+$0x9500];
	_ =	sdelay $0x4  }
0x40b: {  	v2 =	vadd.bf16 v3, v2;
	_ =	sdelay $0x1  }
0x40c: {  	v3 =	vshll.u32 v2, $0x10  }
0x40d: {  	v2 =	vand.u32 $0xFFFF0000, v2;
	[tilespmem:s18+$0x0] =	vst v3  }
0x40e: {  	[tilespmem:s18+$0x10] =	vst v2  }
0x40f: {  	v2 =	vld [tilespmem:s15+$0x5910]  }
0x410: {  	v3 =	vld [tilespmem:s15+$0x9510];
	_ =	sdelay $0x4  }
0x411: {  	v2 =	vadd.bf16 v3, v2;
	_ =	sdelay $0x1  }
0x412: {  	v3 =	vshll.u32 v2, $0x10  }
0x413: {  	v2 =	vand.u32 $0xFFFF0000, v2;
	[tilespmem:s18+$0x20] =	vst v3  }
0x414: {  	[tilespmem:s18+$0x30] =	vst v2  }
0x415: {  	v2 =	vld [tilespmem:s15+$0x5920]  }
0x416: {  	s28 =	simm.s32 $0x200;
	s31 =	simm.s32 $0x10340;
	v3 =	vld [tilespmem:s15+$0x9520]  }
.LBB2_21:
0x417: {  	_ =	sdelay $0x1  }
0x418: {  	p2 =	sne.s32 s28, $0x2600  }
0x419: {  	s18 =	sadd.s32 $0x100, s18;
	s0 =	smov.u32 s28;
	s28 =	sadd.s32 $0x200, s28  }
0x41a: {  	v2 =	vadd.bf16 v3, v2;
	_ =	sdelay $0x1  }
0x41b: {  	v3 =	vshll.u32 v2, $0x10;
	v2 =	vand.u32 $0xFFFF0000, v2  }
0x41c: {  	[tilespmem:s31+$0x40] =	vst v3  }
0x41d: {  	[tilespmem:s31+$0x50] =	vst v2  }
0x41e: {  	v2 =	vld [tilespmem:s15+$0x5930]  }
0x41f: {  	v3 =	vld [tilespmem:s15+$0x9530];
	_ =	sdelay $0x4  }
0x420: {  	v2 =	vadd.bf16 v3, v2;
	_ =	sdelay $0x1  }
0x421: {  	v3 =	vshll.u32 v2, $0x10;
	v2 =	vand.u32 $0xFFFF0000, v2  }
0x422: {  	[tilespmem:s31+$0x60] =	vst v3  }
0x423: {  	s15 =	sshra.s32 s0, $0x2;
	[tilespmem:s31+$0x70] =	vst v2;
	s31 =	smov.u32 s18  }
0x424: {  	v2 =	vld [tilespmem:s15+$0x58C0]  }
0x425: {  	v3 =	vld [tilespmem:s15+$0x94C0];
	_ =	sdelay $0x4  }
0x426: {  	v2 =	vadd.bf16 v3, v2;
	_ =	sdelay $0x1  }
0x427: {  	v3 =	vshll.u32 v2, $0x10;
	v2 =	vand.u32 $0xFFFF0000, v2  }
0x428: {  	[tilespmem:s18+$0xFFFFFF80] =	vst v3  }
0x429: {  	[tilespmem:s18+$0xFFFFFF90] =	vst v2  }
0x42a: {  	v2 =	vld [tilespmem:s15+$0x58D0]  }
0x42b: {  	v3 =	vld [tilespmem:s15+$0x94D0];
	_ =	sdelay $0x4  }
0x42c: {  	v2 =	vadd.bf16 v3, v2;
	_ =	sdelay $0x1  }
0x42d: {  	v3 =	vshll.u32 v2, $0x10;
	v2 =	vand.u32 $0xFFFF0000, v2  }
0x42e: {  	[tilespmem:s18+$0xFFFFFFA0] =	vst v3  }
0x42f: {  	[tilespmem:s18+$0xFFFFFFB0] =	vst v2  }
0x430: {  	v2 =	vld [tilespmem:s15+$0x58E0]  }
0x431: {  	v3 =	vld [tilespmem:s15+$0x94E0];
	_ =	sdelay $0x4  }
0x432: {  	v2 =	vadd.bf16 v3, v2;
	_ =	sdelay $0x1  }
0x433: {  	v3 =	vshll.u32 v2, $0x10;
	v2 =	vand.u32 $0xFFFF0000, v2  }
0x434: {  	[tilespmem:s18+$0xFFFFFFC0] =	vst v3  }
0x435: {  	[tilespmem:s18+$0xFFFFFFD0] =	vst v2  }
0x436: {  	v2 =	vld [tilespmem:s15+$0x58F0]  }
0x437: {  	v3 =	vld [tilespmem:s15+$0x94F0];
	_ =	sdelay $0x4  }
0x438: {  	v2 =	vadd.bf16 v3, v2;
	_ =	sdelay $0x1  }
0x439: {  	v3 =	vshll.u32 v2, $0x10;
	v2 =	vand.u32 $0xFFFF0000, v2  }
0x43a: {  	[tilespmem:s18+$0xFFFFFFE0] =	vst v3  }
0x43b: {  	[tilespmem:s18+$0xFFFFFFF0] =	vst v2  }
0x43c: {  	v2 =	vld [tilespmem:s15+$0x5900]  }
0x43d: {  	v3 =	vld [tilespmem:s15+$0x9500];
	_ =	sdelay $0x4  }
0x43e: {  	v2 =	vadd.bf16 v3, v2;
	_ =	sdelay $0x1  }
0x43f: {  	v3 =	vshll.u32 v2, $0x10;
	v2 =	vand.u32 $0xFFFF0000, v2  }
0x440: {  	[tilespmem:s18+$0x0] =	vst v3  }
0x441: {  	[tilespmem:s18+$0x10] =	vst v2  }
0x442: {  	v2 =	vld [tilespmem:s15+$0x5910]  }
0x443: {  	v3 =	vld [tilespmem:s15+$0x9510];
	_ =	sdelay $0x4  }
0x444: {  	v2 =	vadd.bf16 v3, v2;
	_ =	sdelay $0x1  }
.Ltmp15:
0x445: {  	v3 =	vshll.u32 v2, $0x10;
	v2 =	vand.u32 $0xFFFF0000, v2;
	(pc) =	sbr.rel @p2 .LBB2_21-.Ltmp15, $4  }
0x446: {  	[tilespmem:s18+$0x20] =	vst v3  }
0x447: {  	[tilespmem:s18+$0x30] =	vst v2  }
0x448: {  	v2 =	vld [tilespmem:s15+$0x5920]  }
0x449: {  	v3 =	vld [tilespmem:s15+$0x9520]  }
0x44a: {  	_ =	sdelay $0x3  }
0x44b: {  	v2 =	vadd.bf16 v3, v2;
	_ =	sdelay $0x1  }
0x44c: {  	v3 =	vshll.u32 v2, $0x10  }
0x44d: {  	v2 =	vand.u32 $0xFFFF0000, v2;
	[tilespmem:s31+$0x40] =	vst v3  }
0x44e: {  	[tilespmem:s31+$0x50] =	vst v2  }
0x44f: {  	v2 =	vld [tilespmem:s15+$0x5930]  }
0x450: {  	v3 =	vld [tilespmem:s15+$0x9530];
	_ =	sdelay $0x4  }
0x451: {  	v2 =	vadd.bf16 v3, v2;
	_ =	sdelay $0x1  }
0x452: {  	v3 =	vshll.u32 v2, $0x10  }
.Ltmp16:
0x453: {  	v2 =	vand.u32 $0xFFFF0000, v2;
	[tilespmem:s31+$0x60] =	vst v3;
	(pc) =	sbr.rel @p1 .LBB2_24-.Ltmp16, $4  }
0x454: {  	s0 =	simm.s32 $0x20D0;
	[tilespmem:s31+$0x70] =	vst v2  }
0x455: {  	[spmem:s17] =	stream.indirect.scatter.add.f32 [tilespmem:s10], [sflag:$0x12], $0x40, s0, s2, $0xb8;
	[tilespmem:$0x1C760] =	vst v63  }
0x456: {  	s31 =	simm.s32 $0x22B0  }
0x457: {  	[spmem:s17] =	stream.indirect.scatter.add.f32 [tilespmem:s10], [sflag:$0x18], $0x40, s31, s2, $0xb8;
	[tilespmem:$0x1C760] =	vst v63  }
0x458: {  	s0 =	simm.s32 $0x10  }
0x459: {  	_ =	swait.ge [sflag:s0], $0x1400  }
0x45a: {  	[sflag:s0] =	ssyncset.done $0x0  }
0x45b: {  	s15 =	simm.s32 $0x16;
	[sflag:s0] =	ssyncadd.s32 $0xFFFFEC00  }
0x45c: {  	_ =	swait.ge [sflag:s15], $0x1400  }
0x45d: {  	[sflag:s15] =	ssyncset.done $0x0  }
0x45e: {  	[sflag:s15] =	ssyncadd.s32 $0xFFFFEC00  }
0x45f: {  	v2 =	vld [tilespmem:s16+$0x2D0]  }
0x460: {  	v3 =	vld [tilespmem:s16+$0x1270];
	_ =	sdelay $0x3  }
0x461: {  	[tilespmem:$0x2030] =	vst v2;
	v2 =	vshll.u32 v2, $0x1  }
0x462: {  	[tilespmem:$0x2210] =	vst v3;
	v3 =	vshll.u32 v3, $0x1;
	v2 =	vor.u32 v0, v2  }
0x463: {  	[tilespmem:$0x23F0] =	vst v2;
	v2 =	vor.u32 v0, v3  }
0x464: {  	[tilespmem:$0x25D0] =	vst v2  }
0x465: {  	v2 =	vld [tilespmem:s16+$0x2E0]  }
0x466: {  	v3 =	vld [tilespmem:s16+$0x1280];
	_ =	sdelay $0x3  }
0x467: {  	[tilespmem:$0x2040] =	vst v2;
	v2 =	vshll.u32 v2, $0x1  }
0x468: {  	[tilespmem:$0x2220] =	vst v3;
	v3 =	vshll.u32 v3, $0x1;
	v2 =	vor.u32 v0, v2  }
0x469: {  	[tilespmem:$0x2400] =	vst v2;
	v2 =	vor.u32 v0, v3  }
0x46a: {  	[tilespmem:$0x25E0] =	vst v2  }
0x46b: {  	v2 =	vld [tilespmem:s16+$0x2F0]  }
0x46c: {  	v3 =	vld [tilespmem:s16+$0x1290];
	_ =	sdelay $0x3  }
0x46d: {  	[tilespmem:$0x2050] =	vst v2;
	v2 =	vshll.u32 v2, $0x1  }
0x46e: {  	[tilespmem:$0x2230] =	vst v3;
	v3 =	vshll.u32 v3, $0x1;
	v2 =	vor.u32 v0, v2  }
0x46f: {  	[tilespmem:$0x2410] =	vst v2;
	v2 =	vor.u32 v0, v3  }
0x470: {  	[tilespmem:$0x25F0] =	vst v2  }
0x471: {  	v2 =	vld [tilespmem:s16+$0x300]  }
0x472: {  	v3 =	vld [tilespmem:s16+$0x12A0];
	_ =	sdelay $0x3  }
0x473: {  	[tilespmem:$0x2060] =	vst v2;
	v2 =	vshll.u32 v2, $0x1  }
0x474: {  	[tilespmem:$0x2240] =	vst v3;
	v3 =	vshll.u32 v3, $0x1;
	v2 =	vor.u32 v0, v2  }
0x475: {  	[tilespmem:$0x2420] =	vst v2;
	v2 =	vor.u32 v0, v3  }
0x476: {  	[tilespmem:$0x2600] =	vst v2  }
0x477: {  	v2 =	vld [tilespmem:s16+$0x310]  }
0x478: {  	v3 =	vld [tilespmem:s16+$0x12B0];
	_ =	sdelay $0x3  }
0x479: {  	[tilespmem:$0x2070] =	vst v2;
	v2 =	vshll.u32 v2, $0x1  }
0x47a: {  	[tilespmem:$0x2250] =	vst v3;
	v3 =	vshll.u32 v3, $0x1;
	v2 =	vor.u32 v0, v2  }
.Ltmp17:
0x47b: {  	[tilespmem:$0x2430] =	vst v2;
	v2 =	vor.u32 v0, v3;
	(pc) =	sbr.rel .LBB2_24-.Ltmp17, $4  }
0x47c: {  	s18 =	simm.s32 $0x23F0;
	s15 =	simm.s32 $0x44C0;
	[tilespmem:$0x2610] =	vst v2  }
0x47d: {  	[tilespmem:s15], [sflag:$0x4] =	stream.indirect.gather [hbm4b:s20+s2], $0x20, s18, s2, $0xb8;
	[tilespmem:$0x1C760] =	vst v63  }
0x47e: {  	s28 =	simm.s32 $0x25D0;
	s31 =	simm.s32 $0x80C0  }
0x47f: {  	[tilespmem:s31], [sflag:$0xA] =	stream.indirect.gather [hbm4b:s20+s2], $0x20, s28, s2, $0xb8;
	[tilespmem:$0x1C760] =	vst v63  }
.LBB2_26:
0x480: {  	_ =	swait.ge [sflag:s9], $0x1400  }
0x481: {  	[sflag:s9] =	ssyncset.done $0x0  }
0x482: {  	[sflag:s9] =	ssyncadd.s32 $0xFFFFEC00  }
0x483: {  	_ =	swait.ge [sflag:s19], $0x1400  }
0x484: {  	[sflag:s19] =	ssyncset.done $0x0  }
0x485: {  	[sflag:s19] =	ssyncadd.s32 $0xFFFFEC00  }
0x486: {  	_ =	swait.ge [sflag:s13], $0x1400  }
0x487: {  	[sflag:s13] =	ssyncset.done $0x0  }
0x488: {  	[sflag:s13] =	ssyncadd.s32 $0xFFFFEC00  }
0x489: {  	_ =	swait.ge [sflag:s14], $0x1400  }
0x48a: {  	[sflag:s14] =	ssyncset.done $0x0  }
0x48b: {  	s0 =	simm.s32 $0xF;
	[sflag:s14] =	ssyncadd.s32 $0xFFFFEC00  }
0x48c: {  	_ =	swait.ge [sflag:s0], $0x1400  }
0x48d: {  	[sflag:s0] =	ssyncset.done $0x0  }
0x48e: {  	s12 =	simm.s32 $0x15;
	[sflag:s0] =	ssyncadd.s32 $0xFFFFEC00  }
0x48f: {  	_ =	swait.ge [sflag:s12], $0x1400  }
0x490: {  	[sflag:s12] =	ssyncset.done $0x0  }
0x491: {  	s15 =	simm.s32 $0x10;
	[sflag:s12] =	ssyncadd.s32 $0xFFFFEC00  }
0x492: {  	_ =	swait.ge [sflag:s15], $0x1400  }
0x493: {  	[sflag:s15] =	ssyncset.done $0x0  }
0x494: {  	s16 =	simm.s32 $0x16;
	[sflag:s15] =	ssyncadd.s32 $0xFFFFEC00  }
0x495: {  	_ =	swait.ge [sflag:s16], $0x1400  }
0x496: {  	[sflag:s16] =	ssyncset.done $0x0  }
0x497: {  	s18 =	simm.s32 $0x11;
	[sflag:s16] =	ssyncadd.s32 $0xFFFFEC00  }
0x498: {  	_ =	swait.ge [sflag:s18], $0x1400  }
0x499: {  	[sflag:s18] =	ssyncset.done $0x0  }
0x49a: {  	s28 =	simm.s32 $0x17;
	[sflag:s18] =	ssyncadd.s32 $0xFFFFEC00  }
0x49b: {  	_ =	swait.ge [sflag:s28], $0x1400  }
0x49c: {  	[sflag:s28] =	ssyncset.done $0x0  }
0x49d: {  	s31 =	simm.s32 $0x12;
	[sflag:s28] =	ssyncadd.s32 $0xFFFFEC00  }
0x49e: {  	_ =	swait.ge [sflag:s31], $0x1400  }
0x49f: {  	[sflag:s31] =	ssyncset.done $0x0  }
0x4a0: {  	s11 =	simm.s32 $0x18;
	[sflag:s31] =	ssyncadd.s32 $0xFFFFEC00  }
0x4a1: {  	_ =	swait.ge [sflag:s11], $0x1400  }
0x4a2: {  	[sflag:s11] =	ssyncset.done $0x0  }
0x4a3: {  	[sflag:s11] =	ssyncadd.s32 $0xFFFFEC00  }
0x4a4: {  	[bflag:$0x0] =	sbarrier.arrive $0xFFFF  }
0x4a5: {  	s12 =	simm.s32 $0x116C0;
	s11 =	rddreg [dreg:$0x16]  }
0x4a6: {  	[tilespmem:s12], [sflag:$0x19] =	stream.linear.gather [spmem:s11], $0x1400, $0x38;
	[tilespmem:$0x1C760] =	vst v63  }
0x4a7: {  	s12 =	simm.s32 $0x19  }
0x4a8: {  	_ =	swait.ge [sflag:s12], $0x1400  }
0x4a9: {  	s15 =	simm.s32 $0x0;
	[sflag:s12] =	ssyncset.done $0x0  }
0x4aa: {  	s16 =	simm.s32 $0x12AC0;
	s18 =	rddreg [dreg:$0x4];
	[sflag:s12] =	ssyncadd.s32 $0xFFFFEC00  }
0x4ab: {  	[tilespmem:s16], [sflag:$0x19] =	stream.linear.gather [hbm4b:s18+s15], $0x50, $0x38;
	[tilespmem:$0x1C760] =	vst v63  }
0x4ac: {  	_ =	swait.ge [sflag:s12], $0x50  }
0x4ad: {  	[sflag:s12] =	ssyncset.done $0x0  }
0x4ae: {  	s28 =	simm.s32 $0x0;
	[sflag:s12] =	ssyncadd.s32 $0xFFFFFFB0  }
0x4af: {  	v2 =	vld [tilespmem:s28+$0x12AC0];
	_ =	sdelay $0x4  }
0x4b0: {  	(erf) = vrcp.f32 v2;
	_ =	sdelay $0x8  }
0x4b1: {  	v2 =	vpop (erf)  }
0x4b2: {  	(v2sf) =	vpush v2, $0x0;
	_ =	sdelay $0xb  }
0x4b3: {  	s11 =	simm.s32 $0x116E0  }
0x4b4: {  	v2 =	vld [tilespmem:s11+$0xFFFFFFE0]  }
0x4b5: {  	v3 =	vld [tilespmem:s11+$0xFFFFFFF0]  }
0x4b6: {  	v4 =	vld [tilespmem:s11+$0x0];
	s31 =	spop (v2sf)  }
0x4b7: {  	v5 =	vld [tilespmem:s11+$0x10];
	s0 =	smul.f32 $5.000000000e-01, s31;
	_ =	sdelay $0x1  }
0x4b8: {  	v2 =	vmul.f32 s0, v2  }
0x4b9: {  	v3 =	vmul.f32 s0, v3  }
0x4ba: {  	v4 =	vmul.f32 s0, v4;
	[tilespmem:s11+$0xFFFFFFE0] =	vst v2  }
0x4bb: {  	v2 =	vmul.f32 s0, v5;
	[tilespmem:s11+$0xFFFFFFF0] =	vst v3  }
0x4bc: {  	[tilespmem:s11+$0x0] =	vst v4  }
0x4bd: {  	s15 =	simm.s32 $0x1;
	s12 =	simm.s32 $0x8;
	[tilespmem:s11+$0x10] =	vst v2  }
.LBB2_27:
0x4be: {  	p1 =	sne.s32 s12, $0x13C;
	v2 =	vld [tilespmem:s15+$0x12AC0];
	_ =	sdelay $0x4  }
0x4bf: {  	(erf) = vrcp.f32 v2;
	_ =	sdelay $0x8  }
0x4c0: {  	v2 =	vpop (erf)  }
0x4c1: {  	(v2sf) =	vpush v2, $0x0;
	_ =	sdelay $0x9  }
0x4c2: {  	s11 =	sadd.s32 $0x40, s11  }
0x4c3: {  	v2 =	vld [tilespmem:s11+$0xFFFFFFF0]  }
0x4c4: {  	v3 =	vld [tilespmem:s11+$0x10]  }
0x4c5: {  	v4 =	vld [tilespmem:s11+$0xFFFFFFE0]  }
0x4c6: {  	v5 =	vld [tilespmem:s11+$0x0]  }
0x4c7: {  	s0 =	spop (v2sf)  }
0x4c8: {  	s0 =	smul.f32 $5.000000000e-01, s0;
	_ =	sdelay $0x1  }
0x4c9: {  	v4 =	vmul.f32 s0, v4;
	v2 =	vmul.f32 s0, v2  }
.Ltmp18:
0x4ca: {  	v3 =	vmul.f32 s0, v3;
	v5 =	vmul.f32 s0, v5;
	(pc) =	sbr.rel @p1 .LBB2_27-.Ltmp18, $4  }
0x4cb: {  	[tilespmem:s11+$0xFFFFFFE0] =	vst v4  }
0x4cc: {  	[tilespmem:s11+$0xFFFFFFF0] =	vst v2  }
0x4cd: {  	[tilespmem:s11+$0x0] =	vst v5  }
0x4ce: {  	s15 =	sshra.s32 s12, $0x2;
	s12 =	sadd.s32 $0x4, s12;
	[tilespmem:s11+$0x10] =	vst v3  }
0x4cf: {  	v2 =	vld [tilespmem:s15+$0x12AC0];
	_ =	sdelay $0x4  }
0x4d0: {  	(erf) = vrcp.f32 v2;
	_ =	sdelay $0x8  }
0x4d1: {  	v2 =	vpop (erf)  }
0x4d2: {  	(v2sf) =	vpush v2, $0x0;
	_ =	sdelay $0xb  }
0x4d3: {  	s0 =	sadd.s32 $0x40, s11  }
0x4d4: {  	v2 =	vld [tilespmem:s0+$0xFFFFFFE0]  }
0x4d5: {  	v3 =	vld [tilespmem:s0+$0xFFFFFFF0]  }
0x4d6: {  	v4 =	vld [tilespmem:s0+$0x0];
	s15 =	spop (v2sf)  }
0x4d7: {  	v5 =	vld [tilespmem:s0+$0x10];
	s11 =	smul.f32 $5.000000000e-01, s15;
	_ =	sdelay $0x1  }
0x4d8: {  	v2 =	vmul.f32 s11, v2  }
0x4d9: {  	v3 =	vmul.f32 s11, v3  }
0x4da: {  	v4 =	vmul.f32 s11, v4;
	[tilespmem:s0+$0xFFFFFFE0] =	vst v2  }
0x4db: {  	v2 =	vmul.f32 s11, v5;
	[tilespmem:s0+$0xFFFFFFF0] =	vst v3  }
0x4dc: {  	s18 =	rddreg [dreg:$0xc];
	[tilespmem:s0+$0x0] =	vst v4  }
0x4dd: {  	s12 =	simm.s32 $0x116C0;
	s15 =	simm.s32 $0x19;
	[tilespmem:s0+$0x10] =	vst v2;
	s0 =	simm.s32 $0x0  }
0x4de: {  	[hbm4b:s18+s0] =	stream.linear.scatter [tilespmem:s12], [sflag:$0x19], $0x1400, $0x38;
	[tilespmem:$0x1C760] =	vst v63  }
0x4df: {  	_ =	swait.ge [sflag:s15], $0x1400  }
0x4e0: {  	[sflag:s15] =	ssyncset.done $0x0  }
0x4e1: {  	s18 =	rddreg [dreg:$0x17];
	[sflag:s15] =	ssyncadd.s32 $0xFFFFEC00  }
0x4e2: {  	[tilespmem:s12], [sflag:$0x19] =	stream.linear.gather [spmem:s18], $0x1400, $0x38;
	[tilespmem:$0x1C760] =	vst v63  }
0x4e3: {  	_ =	swait.ge [sflag:s15], $0x1400  }
0x4e4: {  	[sflag:s15] =	ssyncset.done $0x0  }
0x4e5: {  	s12 =	rddreg [dreg:$0x5];
	[sflag:s15] =	ssyncadd.s32 $0xFFFFEC00  }
0x4e6: {  	[tilespmem:s16], [sflag:$0x19] =	stream.linear.gather [hbm4b:s12+s0], $0x50, $0x38;
	[tilespmem:$0x1C760] =	vst v63  }
0x4e7: {  	_ =	swait.ge [sflag:s15], $0x50  }
0x4e8: {  	[sflag:s15] =	ssyncset.done $0x0  }
0x4e9: {  	[sflag:s15] =	ssyncadd.s32 $0xFFFFFFB0;
	s15 =	simm.s32 $0x0  }
0x4ea: {  	v2 =	vld [tilespmem:s15+$0x12AC0];
	_ =	sdelay $0x4  }
0x4eb: {  	(erf) = vrcp.f32 v2;
	_ =	sdelay $0x8  }
0x4ec: {  	v2 =	vpop (erf)  }
0x4ed: {  	(v2sf) =	vpush v2, $0x0;
	_ =	sdelay $0xb  }
0x4ee: {  	s11 =	simm.s32 $0x116E0  }
0x4ef: {  	v2 =	vld [tilespmem:s11+$0xFFFFFFE0]  }
0x4f0: {  	v3 =	vld [tilespmem:s11+$0xFFFFFFF0]  }
0x4f1: {  	v62 =	vld [tilespmem:s11+$0x0];
	s18 =	spop (v2sf)  }
0x4f2: {  	v63 =	vld [tilespmem:s11+$0x10];
	s0 =	smul.f32 $5.000000000e-01, s18;
	_ =	sdelay $0x1  }
0x4f3: {  	v2 =	vmul.f32 s0, v2  }
0x4f4: {  	v3 =	vmul.f32 s0, v3  }
0x4f5: {  	v4 =	vmul.f32 s0, v62;
	[tilespmem:s11+$0xFFFFFFE0] =	vst v2  }
0x4f6: {  	v2 =	vmul.f32 s0, v63;
	[tilespmem:s11+$0xFFFFFFF0] =	vst v3  }
0x4f7: {  	s28 =	rddreg [dreg:$0x18];
	[tilespmem:s11+$0x0] =	vst v4  }
0x4f8: {  	s12 =	simm.s32 $0x8;
	s31 =	rddreg [dreg:$0x19];
	s15 =	simm.s32 $0x1;
	[tilespmem:s11+$0x10] =	vst v2  }
.LBB2_29:
0x4f9: {  	p1 =	sne.s32 s12, $0x13C;
	v2 =	vld [tilespmem:s15+$0x12AC0];
	_ =	sdelay $0x4  }
0x4fa: {  	(erf) = vrcp.f32 v2;
	_ =	sdelay $0x8  }
0x4fb: {  	v2 =	vpop (erf)  }
0x4fc: {  	(v2sf) =	vpush v2, $0x0;
	_ =	sdelay $0x9  }
0x4fd: {  	s11 =	sadd.s32 $0x40, s11  }
0x4fe: {  	v2 =	vld [tilespmem:s11+$0xFFFFFFF0]  }
0x4ff: {  	v3 =	vld [tilespmem:s11+$0x10]  }
0x500: {  	v4 =	vld [tilespmem:s11+$0xFFFFFFE0]  }
0x501: {  	v5 =	vld [tilespmem:s11+$0x0]  }
0x502: {  	s0 =	spop (v2sf)  }
0x503: {  	s0 =	smul.f32 $5.000000000e-01, s0;
	_ =	sdelay $0x1  }
0x504: {  	v4 =	vmul.f32 s0, v4;
	v2 =	vmul.f32 s0, v2  }
.Ltmp19:
0x505: {  	v3 =	vmul.f32 s0, v3;
	v5 =	vmul.f32 s0, v5;
	(pc) =	sbr.rel @p1 .LBB2_29-.Ltmp19, $4  }
0x506: {  	[tilespmem:s11+$0xFFFFFFE0] =	vst v4  }
0x507: {  	[tilespmem:s11+$0xFFFFFFF0] =	vst v2  }
0x508: {  	[tilespmem:s11+$0x0] =	vst v5  }
0x509: {  	s15 =	sshra.s32 s12, $0x2;
	s12 =	sadd.s32 $0x4, s12;
	[tilespmem:s11+$0x10] =	vst v3  }
0x50a: {  	v2 =	vld [tilespmem:s15+$0x12AC0];
	_ =	sdelay $0x4  }
0x50b: {  	(erf) = vrcp.f32 v2;
	_ =	sdelay $0x8  }
0x50c: {  	v2 =	vpop (erf)  }
0x50d: {  	(v2sf) =	vpush v2, $0x0;
	_ =	sdelay $0xb  }
0x50e: {  	s0 =	sadd.s32 $0x40, s11  }
0x50f: {  	v2 =	vld [tilespmem:s0+$0xFFFFFFE0]  }
0x510: {  	v3 =	vld [tilespmem:s0+$0xFFFFFFF0]  }
0x511: {  	v4 =	vld [tilespmem:s0+$0x0];
	s12 =	spop (v2sf)  }
0x512: {  	v5 =	vld [tilespmem:s0+$0x10];
	s11 =	smul.f32 $5.000000000e-01, s12;
	_ =	sdelay $0x1  }
0x513: {  	v2 =	vmul.f32 s11, v2  }
0x514: {  	v3 =	vmul.f32 s11, v3  }
0x515: {  	v4 =	vmul.f32 s11, v4;
	[tilespmem:s0+$0xFFFFFFE0] =	vst v2  }
0x516: {  	v2 =	vmul.f32 s11, v5;
	[tilespmem:s0+$0xFFFFFFF0] =	vst v3  }
0x517: {  	s15 =	rddreg [dreg:$0xd];
	[tilespmem:s0+$0x0] =	vst v4  }
0x518: {  	s18 =	simm.s32 $0x19;
	s12 =	simm.s32 $0x116C0;
	[tilespmem:s0+$0x10] =	vst v2;
	s0 =	simm.s32 $0x0  }
0x519: {  	[hbm4b:s15+s0] =	stream.linear.scatter [tilespmem:s12], [sflag:$0x19], $0x1400, $0x38;
	[tilespmem:$0x1C760] =	vst v63  }
0x51a: {  	_ =	swait.ge [sflag:s18], $0x1400  }
0x51b: {  	[sflag:s18] =	ssyncset.done $0x0  }
0x51c: {  	[sflag:s18] =	ssyncadd.s32 $0xFFFFEC00  }
0x51d: {  	[tilespmem:s12], [sflag:$0x19] =	stream.linear.gather [spmem:s28], $0x1400, $0x38;
	[tilespmem:$0x1C760] =	vst v63  }
0x51e: {  	_ =	swait.ge [sflag:s18], $0x1400  }
0x51f: {  	[sflag:s18] =	ssyncset.done $0x0  }
0x520: {  	s12 =	rddreg [dreg:$0x6];
	[sflag:s18] =	ssyncadd.s32 $0xFFFFEC00  }
0x521: {  	[tilespmem:s16], [sflag:$0x19] =	stream.linear.gather [hbm4b:s12+s0], $0x50, $0x38;
	[tilespmem:$0x1C760] =	vst v63  }
0x522: {  	_ =	swait.ge [sflag:s18], $0x50  }
0x523: {  	[sflag:s18] =	ssyncset.done $0x0  }
0x524: {  	s15 =	simm.s32 $0x0;
	[sflag:s18] =	ssyncadd.s32 $0xFFFFFFB0  }
0x525: {  	v2 =	vld [tilespmem:s15+$0x12AC0];
	_ =	sdelay $0x4  }
0x526: {  	(erf) = vrcp.f32 v2;
	_ =	sdelay $0x8  }
0x527: {  	v2 =	vpop (erf)  }
0x528: {  	(v2sf) =	vpush v2, $0x0;
	_ =	sdelay $0xb  }
0x529: {  	s11 =	simm.s32 $0x116E0  }
0x52a: {  	v2 =	vld [tilespmem:s11+$0xFFFFFFE0]  }
0x52b: {  	v3 =	vld [tilespmem:s11+$0xFFFFFFF0]  }
0x52c: {  	v62 =	vld [tilespmem:s11+$0x0];
	s18 =	spop (v2sf)  }
0x52d: {  	v63 =	vld [tilespmem:s11+$0x10];
	s0 =	smul.f32 $5.000000000e-01, s18;
	_ =	sdelay $0x1  }
0x52e: {  	v2 =	vmul.f32 s0, v2  }
0x52f: {  	v3 =	vmul.f32 s0, v3  }
0x530: {  	v4 =	vmul.f32 s0, v62;
	[tilespmem:s11+$0xFFFFFFE0] =	vst v2  }
0x531: {  	v2 =	vmul.f32 s0, v63;
	[tilespmem:s11+$0xFFFFFFF0] =	vst v3  }
0x532: {  	[tilespmem:s11+$0x0] =	vst v4  }
0x533: {  	s12 =	simm.s32 $0x8;
	s15 =	simm.s32 $0x1;
	[tilespmem:s11+$0x10] =	vst v2  }
.LBB2_31:
0x534: {  	p1 =	sne.s32 s12, $0x13C;
	v2 =	vld [tilespmem:s15+$0x12AC0];
	_ =	sdelay $0x4  }
0x535: {  	(erf) = vrcp.f32 v2;
	_ =	sdelay $0x8  }
0x536: {  	v2 =	vpop (erf)  }
0x537: {  	(v2sf) =	vpush v2, $0x0;
	_ =	sdelay $0x9  }
0x538: {  	s11 =	sadd.s32 $0x40, s11  }
0x539: {  	v2 =	vld [tilespmem:s11+$0xFFFFFFF0]  }
0x53a: {  	v3 =	vld [tilespmem:s11+$0x10]  }
0x53b: {  	v4 =	vld [tilespmem:s11+$0xFFFFFFE0]  }
0x53c: {  	v5 =	vld [tilespmem:s11+$0x0]  }
0x53d: {  	s0 =	spop (v2sf)  }
0x53e: {  	s0 =	smul.f32 $5.000000000e-01, s0;
	_ =	sdelay $0x1  }
0x53f: {  	v4 =	vmul.f32 s0, v4;
	v2 =	vmul.f32 s0, v2  }
.Ltmp20:
0x540: {  	v3 =	vmul.f32 s0, v3;
	v5 =	vmul.f32 s0, v5;
	(pc) =	sbr.rel @p1 .LBB2_31-.Ltmp20, $4  }
0x541: {  	[tilespmem:s11+$0xFFFFFFE0] =	vst v4  }
0x542: {  	[tilespmem:s11+$0xFFFFFFF0] =	vst v2  }
0x543: {  	[tilespmem:s11+$0x0] =	vst v5  }
0x544: {  	s15 =	sshra.s32 s12, $0x2;
	s12 =	sadd.s32 $0x4, s12;
	[tilespmem:s11+$0x10] =	vst v3  }
0x545: {  	v2 =	vld [tilespmem:s15+$0x12AC0];
	_ =	sdelay $0x4  }
0x546: {  	(erf) = vrcp.f32 v2;
	_ =	sdelay $0x8  }
0x547: {  	v2 =	vpop (erf)  }
0x548: {  	(v2sf) =	vpush v2, $0x0;
	_ =	sdelay $0xb  }
0x549: {  	s0 =	sadd.s32 $0x40, s11  }
0x54a: {  	v2 =	vld [tilespmem:s0+$0xFFFFFFE0]  }
0x54b: {  	v3 =	vld [tilespmem:s0+$0xFFFFFFF0]  }
0x54c: {  	v4 =	vld [tilespmem:s0+$0x0];
	s12 =	spop (v2sf)  }
0x54d: {  	v5 =	vld [tilespmem:s0+$0x10];
	s11 =	smul.f32 $5.000000000e-01, s12;
	_ =	sdelay $0x1  }
0x54e: {  	v2 =	vmul.f32 s11, v2  }
0x54f: {  	v3 =	vmul.f32 s11, v3  }
0x550: {  	v4 =	vmul.f32 s11, v4;
	[tilespmem:s0+$0xFFFFFFE0] =	vst v2  }
0x551: {  	v2 =	vmul.f32 s11, v5;
	[tilespmem:s0+$0xFFFFFFF0] =	vst v3  }
0x552: {  	s15 =	rddreg [dreg:$0xe];
	[tilespmem:s0+$0x0] =	vst v4  }
0x553: {  	s18 =	simm.s32 $0x19;
	s12 =	simm.s32 $0x116C0;
	[tilespmem:s0+$0x10] =	vst v2;
	s0 =	simm.s32 $0x0  }
0x554: {  	[hbm4b:s15+s0] =	stream.linear.scatter [tilespmem:s12], [sflag:$0x19], $0x1400, $0x38;
	[tilespmem:$0x1C760] =	vst v63  }
0x555: {  	_ =	swait.ge [sflag:s18], $0x1400  }
0x556: {  	[sflag:s18] =	ssyncset.done $0x0  }
0x557: {  	[sflag:s18] =	ssyncadd.s32 $0xFFFFEC00  }
0x558: {  	[tilespmem:s12], [sflag:$0x19] =	stream.linear.gather [spmem:s31], $0x1400, $0x38;
	[tilespmem:$0x1C760] =	vst v63  }
0x559: {  	_ =	swait.ge [sflag:s18], $0x1400  }
0x55a: {  	[sflag:s18] =	ssyncset.done $0x0  }
0x55b: {  	s12 =	rddreg [dreg:$0x7];
	[sflag:s18] =	ssyncadd.s32 $0xFFFFEC00  }
0x55c: {  	[tilespmem:s16], [sflag:$0x19] =	stream.linear.gather [hbm4b:s12+s0], $0x50, $0x38;
	[tilespmem:$0x1C760] =	vst v63  }
0x55d: {  	_ =	swait.ge [sflag:s18], $0x50  }
0x55e: {  	[sflag:s18] =	ssyncset.done $0x0  }
0x55f: {  	s15 =	simm.s32 $0x0;
	[sflag:s18] =	ssyncadd.s32 $0xFFFFFFB0  }
0x560: {  	v2 =	vld [tilespmem:s15+$0x12AC0];
	_ =	sdelay $0x4  }
0x561: {  	(erf) = vrcp.f32 v2;
	_ =	sdelay $0x8  }
0x562: {  	v2 =	vpop (erf)  }
0x563: {  	(v2sf) =	vpush v2, $0x0;
	_ =	sdelay $0xb  }
0x564: {  	s11 =	simm.s32 $0x116E0  }
0x565: {  	v2 =	vld [tilespmem:s11+$0xFFFFFFE0]  }
0x566: {  	v3 =	vld [tilespmem:s11+$0xFFFFFFF0]  }
0x567: {  	v62 =	vld [tilespmem:s11+$0x0];
	s18 =	spop (v2sf)  }
0x568: {  	v63 =	vld [tilespmem:s11+$0x10];
	s0 =	smul.f32 $5.000000000e-01, s18;
	_ =	sdelay $0x1  }
0x569: {  	v2 =	vmul.f32 s0, v2  }
0x56a: {  	v3 =	vmul.f32 s0, v3  }
0x56b: {  	v4 =	vmul.f32 s0, v62;
	[tilespmem:s11+$0xFFFFFFE0] =	vst v2  }
0x56c: {  	v2 =	vmul.f32 s0, v63;
	[tilespmem:s11+$0xFFFFFFF0] =	vst v3  }
0x56d: {  	[tilespmem:s11+$0x0] =	vst v4  }
0x56e: {  	s12 =	simm.s32 $0x8;
	s15 =	simm.s32 $0x1;
	[tilespmem:s11+$0x10] =	vst v2  }
.LBB2_33:
0x56f: {  	p1 =	sne.s32 s12, $0x13C;
	v2 =	vld [tilespmem:s15+$0x12AC0];
	_ =	sdelay $0x4  }
0x570: {  	(erf) = vrcp.f32 v2;
	_ =	sdelay $0x8  }
0x571: {  	v2 =	vpop (erf)  }
0x572: {  	(v2sf) =	vpush v2, $0x0;
	_ =	sdelay $0x9  }
0x573: {  	s11 =	sadd.s32 $0x40, s11  }
0x574: {  	v2 =	vld [tilespmem:s11+$0xFFFFFFF0]  }
0x575: {  	v3 =	vld [tilespmem:s11+$0x10]  }
0x576: {  	v4 =	vld [tilespmem:s11+$0xFFFFFFE0]  }
0x577: {  	v5 =	vld [tilespmem:s11+$0x0]  }
0x578: {  	s0 =	spop (v2sf)  }
0x579: {  	s0 =	smul.f32 $5.000000000e-01, s0;
	_ =	sdelay $0x1  }
0x57a: {  	v4 =	vmul.f32 s0, v4;
	v2 =	vmul.f32 s0, v2  }
.Ltmp21:
0x57b: {  	v3 =	vmul.f32 s0, v3;
	v5 =	vmul.f32 s0, v5;
	(pc) =	sbr.rel @p1 .LBB2_33-.Ltmp21, $4  }
0x57c: {  	[tilespmem:s11+$0xFFFFFFE0] =	vst v4  }
0x57d: {  	[tilespmem:s11+$0xFFFFFFF0] =	vst v2  }
0x57e: {  	[tilespmem:s11+$0x0] =	vst v5  }
0x57f: {  	s15 =	sshra.s32 s12, $0x2;
	s12 =	sadd.s32 $0x4, s12;
	[tilespmem:s11+$0x10] =	vst v3  }
0x580: {  	v2 =	vld [tilespmem:s15+$0x12AC0];
	_ =	sdelay $0x4  }
0x581: {  	(erf) = vrcp.f32 v2;
	_ =	sdelay $0x8  }
0x582: {  	v2 =	vpop (erf)  }
0x583: {  	(v2sf) =	vpush v2, $0x0;
	_ =	sdelay $0xb  }
0x584: {  	s0 =	sadd.s32 $0x40, s11  }
0x585: {  	v2 =	vld [tilespmem:s0+$0xFFFFFFE0]  }
0x586: {  	v3 =	vld [tilespmem:s0+$0xFFFFFFF0]  }
0x587: {  	v4 =	vld [tilespmem:s0+$0x0];
	s12 =	spop (v2sf)  }
0x588: {  	v5 =	vld [tilespmem:s0+$0x10];
	s11 =	smul.f32 $5.000000000e-01, s12;
	_ =	sdelay $0x1  }
0x589: {  	v2 =	vmul.f32 s11, v2  }
0x58a: {  	v3 =	vmul.f32 s11, v3  }
0x58b: {  	v4 =	vmul.f32 s11, v4;
	[tilespmem:s0+$0xFFFFFFE0] =	vst v2  }
0x58c: {  	v2 =	vmul.f32 s11, v5;
	[tilespmem:s0+$0xFFFFFFF0] =	vst v3  }
0x58d: {  	[tilespmem:s0+$0x0] =	vst v4  }
0x58e: {  	s15 =	rddreg [dreg:$0xf];
	s12 =	simm.s32 $0x116C0;
	[tilespmem:s0+$0x10] =	vst v2;
	s0 =	simm.s32 $0x0  }
0x58f: {  	[hbm4b:s15+s0] =	stream.linear.scatter [tilespmem:s12], [sflag:$0x19], $0x1400, $0x38;
	[tilespmem:$0x1C760] =	vst v63  }
0x590: {  	s15 =	simm.s32 $0x19  }
0x591: {  	_ =	swait.ge [sflag:s15], $0x1400  }
0x592: {  	[sflag:s15] =	ssyncset.done $0x0  }
0x593: {  	s18 =	rddreg [dreg:$0x1a];
	[sflag:s15] =	ssyncadd.s32 $0xFFFFEC00  }
0x594: {  	[tilespmem:s12], [sflag:$0x19] =	stream.linear.gather [spmem:s18], $0x1400, $0x38;
	[tilespmem:$0x1C760] =	vst v63  }
0x595: {  	_ =	swait.ge [sflag:s15], $0x1400  }
0x596: {  	[sflag:s15] =	ssyncset.done $0x0  }
0x597: {  	s12 =	rddreg [dreg:$0x8];
	[sflag:s15] =	ssyncadd.s32 $0xFFFFEC00  }
0x598: {  	[tilespmem:s16], [sflag:$0x19] =	stream.linear.gather [hbm4b:s12+s0], $0x50, $0x38;
	[tilespmem:$0x1C760] =	vst v63  }
0x599: {  	_ =	swait.ge [sflag:s15], $0x50  }
0x59a: {  	[sflag:s15] =	ssyncset.done $0x0  }
0x59b: {  	[sflag:s15] =	ssyncadd.s32 $0xFFFFFFB0;
	s15 =	simm.s32 $0x0  }
0x59c: {  	v2 =	vld [tilespmem:s15+$0x12AC0];
	_ =	sdelay $0x4  }
0x59d: {  	(erf) = vrcp.f32 v2;
	_ =	sdelay $0x8  }
0x59e: {  	v2 =	vpop (erf)  }
0x59f: {  	(v2sf) =	vpush v2, $0x0;
	_ =	sdelay $0xb  }
0x5a0: {  	s11 =	simm.s32 $0x116E0  }
0x5a1: {  	v2 =	vld [tilespmem:s11+$0xFFFFFFE0]  }
0x5a2: {  	v3 =	vld [tilespmem:s11+$0xFFFFFFF0]  }
0x5a3: {  	v62 =	vld [tilespmem:s11+$0x0];
	s18 =	spop (v2sf)  }
0x5a4: {  	v63 =	vld [tilespmem:s11+$0x10];
	s0 =	smul.f32 $5.000000000e-01, s18;
	_ =	sdelay $0x1  }
0x5a5: {  	v2 =	vmul.f32 s0, v2  }
0x5a6: {  	v3 =	vmul.f32 s0, v3  }
0x5a7: {  	v4 =	vmul.f32 s0, v62;
	[tilespmem:s11+$0xFFFFFFE0] =	vst v2  }
0x5a8: {  	v2 =	vmul.f32 s0, v63;
	[tilespmem:s11+$0xFFFFFFF0] =	vst v3  }
0x5a9: {  	[tilespmem:s11+$0x0] =	vst v4  }
0x5aa: {  	s12 =	simm.s32 $0x8;
	s15 =	simm.s32 $0x1;
	[tilespmem:s11+$0x10] =	vst v2  }
.LBB2_35:
0x5ab: {  	p1 =	sne.s32 s12, $0x13C;
	v2 =	vld [tilespmem:s15+$0x12AC0];
	_ =	sdelay $0x4  }
0x5ac: {  	(erf) = vrcp.f32 v2;
	_ =	sdelay $0x8  }
0x5ad: {  	v2 =	vpop (erf)  }
0x5ae: {  	(v2sf) =	vpush v2, $0x0;
	_ =	sdelay $0x9  }
0x5af: {  	s11 =	sadd.s32 $0x40, s11  }
0x5b0: {  	v2 =	vld [tilespmem:s11+$0xFFFFFFF0]  }
0x5b1: {  	v3 =	vld [tilespmem:s11+$0x10]  }
0x5b2: {  	v4 =	vld [tilespmem:s11+$0xFFFFFFE0]  }
0x5b3: {  	v5 =	vld [tilespmem:s11+$0x0]  }
0x5b4: {  	s0 =	spop (v2sf)  }
0x5b5: {  	s0 =	smul.f32 $5.000000000e-01, s0;
	_ =	sdelay $0x1  }
0x5b6: {  	v4 =	vmul.f32 s0, v4;
	v2 =	vmul.f32 s0, v2  }
.Ltmp22:
0x5b7: {  	v3 =	vmul.f32 s0, v3;
	v5 =	vmul.f32 s0, v5;
	(pc) =	sbr.rel @p1 .LBB2_35-.Ltmp22, $4  }
0x5b8: {  	[tilespmem:s11+$0xFFFFFFE0] =	vst v4  }
0x5b9: {  	[tilespmem:s11+$0xFFFFFFF0] =	vst v2  }
0x5ba: {  	[tilespmem:s11+$0x0] =	vst v5  }
0x5bb: {  	s15 =	sshra.s32 s12, $0x2;
	s12 =	sadd.s32 $0x4, s12;
	[tilespmem:s11+$0x10] =	vst v3  }
0x5bc: {  	v2 =	vld [tilespmem:s15+$0x12AC0];
	_ =	sdelay $0x4  }
0x5bd: {  	(erf) = vrcp.f32 v2;
	_ =	sdelay $0x8  }
0x5be: {  	v2 =	vpop (erf)  }
0x5bf: {  	(v2sf) =	vpush v2, $0x0;
	_ =	sdelay $0xb  }
0x5c0: {  	s0 =	sadd.s32 $0x40, s11  }
0x5c1: {  	v2 =	vld [tilespmem:s0+$0xFFFFFFE0]  }
0x5c2: {  	v3 =	vld [tilespmem:s0+$0xFFFFFFF0]  }
0x5c3: {  	v4 =	vld [tilespmem:s0+$0x0];
	s12 =	spop (v2sf)  }
0x5c4: {  	v5 =	vld [tilespmem:s0+$0x10];
	s11 =	smul.f32 $5.000000000e-01, s12;
	_ =	sdelay $0x1  }
0x5c5: {  	v2 =	vmul.f32 s11, v2  }
0x5c6: {  	v3 =	vmul.f32 s11, v3  }
0x5c7: {  	v4 =	vmul.f32 s11, v4;
	[tilespmem:s0+$0xFFFFFFE0] =	vst v2  }
0x5c8: {  	v2 =	vmul.f32 s11, v5;
	[tilespmem:s0+$0xFFFFFFF0] =	vst v3  }
0x5c9: {  	[tilespmem:s0+$0x0] =	vst v4  }
0x5ca: {  	s15 =	rddreg [dreg:$0x10];
	s12 =	simm.s32 $0x116C0;
	[tilespmem:s0+$0x10] =	vst v2;
	s0 =	simm.s32 $0x0  }
0x5cb: {  	[hbm4b:s15+s0] =	stream.linear.scatter [tilespmem:s12], [sflag:$0x19], $0x1400, $0x38;
	[tilespmem:$0x1C760] =	vst v63  }
0x5cc: {  	s15 =	simm.s32 $0x19  }
0x5cd: {  	_ =	swait.ge [sflag:s15], $0x1400  }
0x5ce: {  	[sflag:s15] =	ssyncset.done $0x0  }
0x5cf: {  	s18 =	rddreg [dreg:$0x1b];
	[sflag:s15] =	ssyncadd.s32 $0xFFFFEC00  }
0x5d0: {  	[tilespmem:s12], [sflag:$0x19] =	stream.linear.gather [spmem:s18], $0x1400, $0x38;
	[tilespmem:$0x1C760] =	vst v63  }
0x5d1: {  	_ =	swait.ge [sflag:s15], $0x1400  }
0x5d2: {  	[sflag:s15] =	ssyncset.done $0x0  }
0x5d3: {  	s12 =	rddreg [dreg:$0x9];
	[sflag:s15] =	ssyncadd.s32 $0xFFFFEC00  }
0x5d4: {  	[tilespmem:s16], [sflag:$0x19] =	stream.linear.gather [hbm4b:s12+s0], $0x50, $0x38;
	[tilespmem:$0x1C760] =	vst v63  }
0x5d5: {  	_ =	swait.ge [sflag:s15], $0x50  }
0x5d6: {  	[sflag:s15] =	ssyncset.done $0x0  }
0x5d7: {  	[sflag:s15] =	ssyncadd.s32 $0xFFFFFFB0;
	s15 =	simm.s32 $0x0  }
0x5d8: {  	v2 =	vld [tilespmem:s15+$0x12AC0];
	_ =	sdelay $0x4  }
0x5d9: {  	(erf) = vrcp.f32 v2;
	_ =	sdelay $0x8  }
0x5da: {  	v2 =	vpop (erf)  }
0x5db: {  	(v2sf) =	vpush v2, $0x0;
	_ =	sdelay $0xb  }
0x5dc: {  	s11 =	simm.s32 $0x116E0  }
0x5dd: {  	v2 =	vld [tilespmem:s11+$0xFFFFFFE0]  }
0x5de: {  	v3 =	vld [tilespmem:s11+$0xFFFFFFF0]  }
0x5df: {  	v62 =	vld [tilespmem:s11+$0x0];
	s16 =	spop (v2sf)  }
0x5e0: {  	v63 =	vld [tilespmem:s11+$0x10];
	s0 =	smul.f32 $5.000000000e-01, s16;
	_ =	sdelay $0x1  }
0x5e1: {  	v2 =	vmul.f32 s0, v2  }
0x5e2: {  	v3 =	vmul.f32 s0, v3  }
0x5e3: {  	v4 =	vmul.f32 s0, v62;
	[tilespmem:s11+$0xFFFFFFE0] =	vst v2  }
0x5e4: {  	v2 =	vmul.f32 s0, v63;
	[tilespmem:s11+$0xFFFFFFF0] =	vst v3  }
0x5e5: {  	[tilespmem:s11+$0x0] =	vst v4  }
0x5e6: {  	s18 =	simm.s32 $0x12AC0;
	s12 =	simm.s32 $0x8;
	s15 =	simm.s32 $0x1;
	[tilespmem:s11+$0x10] =	vst v2  }
.LBB2_37:
0x5e7: {  	p1 =	sne.s32 s12, $0x13C;
	v2 =	vld [tilespmem:s15+$0x12AC0];
	_ =	sdelay $0x4  }
0x5e8: {  	(erf) = vrcp.f32 v2;
	_ =	sdelay $0x8  }
0x5e9: {  	v2 =	vpop (erf)  }
0x5ea: {  	(v2sf) =	vpush v2, $0x0;
	_ =	sdelay $0x9  }
0x5eb: {  	s11 =	sadd.s32 $0x40, s11  }
0x5ec: {  	v2 =	vld [tilespmem:s11+$0xFFFFFFF0]  }
0x5ed: {  	v3 =	vld [tilespmem:s11+$0x10]  }
0x5ee: {  	v4 =	vld [tilespmem:s11+$0xFFFFFFE0]  }
0x5ef: {  	v5 =	vld [tilespmem:s11+$0x0]  }
0x5f0: {  	s0 =	spop (v2sf)  }
0x5f1: {  	s0 =	smul.f32 $5.000000000e-01, s0;
	_ =	sdelay $0x1  }
0x5f2: {  	v4 =	vmul.f32 s0, v4;
	v2 =	vmul.f32 s0, v2  }
.Ltmp23:
0x5f3: {  	v3 =	vmul.f32 s0, v3;
	v5 =	vmul.f32 s0, v5;
	(pc) =	sbr.rel @p1 .LBB2_37-.Ltmp23, $4  }
0x5f4: {  	[tilespmem:s11+$0xFFFFFFE0] =	vst v4  }
0x5f5: {  	[tilespmem:s11+$0xFFFFFFF0] =	vst v2  }
0x5f6: {  	[tilespmem:s11+$0x0] =	vst v5  }
0x5f7: {  	s15 =	sshra.s32 s12, $0x2;
	s12 =	sadd.s32 $0x4, s12;
	[tilespmem:s11+$0x10] =	vst v3  }
0x5f8: {  	v2 =	vld [tilespmem:s15+$0x12AC0];
	_ =	sdelay $0x4  }
0x5f9: {  	(erf) = vrcp.f32 v2;
	_ =	sdelay $0x8  }
0x5fa: {  	v2 =	vpop (erf)  }
0x5fb: {  	(v2sf) =	vpush v2, $0x0;
	_ =	sdelay $0xb  }
0x5fc: {  	s0 =	sadd.s32 $0x40, s11  }
0x5fd: {  	v2 =	vld [tilespmem:s0+$0xFFFFFFE0]  }
0x5fe: {  	v3 =	vld [tilespmem:s0+$0xFFFFFFF0]  }
0x5ff: {  	v4 =	vld [tilespmem:s0+$0x0];
	s15 =	spop (v2sf)  }
0x600: {  	v5 =	vld [tilespmem:s0+$0x10];
	s11 =	smul.f32 $5.000000000e-01, s15;
	_ =	sdelay $0x1  }
0x601: {  	v2 =	vmul.f32 s11, v2  }
0x602: {  	v3 =	vmul.f32 s11, v3  }
0x603: {  	v4 =	vmul.f32 s11, v4;
	[tilespmem:s0+$0xFFFFFFE0] =	vst v2  }
0x604: {  	v2 =	vmul.f32 s11, v5;
	[tilespmem:s0+$0xFFFFFFF0] =	vst v3  }
0x605: {  	s16 =	rddreg [dreg:$0x11];
	[tilespmem:s0+$0x0] =	vst v4  }
0x606: {  	s12 =	simm.s32 $0x116C0;
	s15 =	simm.s32 $0x19;
	[tilespmem:s0+$0x10] =	vst v2;
	s0 =	simm.s32 $0x0  }
0x607: {  	[hbm4b:s16+s0] =	stream.linear.scatter [tilespmem:s12], [sflag:$0x19], $0x1400, $0x38;
	[tilespmem:$0x1C760] =	vst v63  }
0x608: {  	_ =	swait.ge [sflag:s15], $0x1400  }
0x609: {  	[sflag:s15] =	ssyncset.done $0x0  }
0x60a: {  	s11 =	rddreg [dreg:$0x1c];
	[sflag:s15] =	ssyncadd.s32 $0xFFFFEC00  }
0x60b: {  	[tilespmem:s12], [sflag:$0x19] =	stream.linear.gather [spmem:s11], $0x1400, $0x38;
	[tilespmem:$0x1C760] =	vst v63  }
0x60c: {  	_ =	swait.ge [sflag:s15], $0x1400  }
0x60d: {  	[sflag:s15] =	ssyncset.done $0x0  }
0x60e: {  	s12 =	rddreg [dreg:$0xa];
	[sflag:s15] =	ssyncadd.s32 $0xFFFFEC00  }
0x60f: {  	[tilespmem:s18], [sflag:$0x19] =	stream.linear.gather [hbm4b:s12+s0], $0x50, $0x38;
	[tilespmem:$0x1C760] =	vst v63  }
0x610: {  	_ =	swait.ge [sflag:s15], $0x50  }
0x611: {  	[sflag:s15] =	ssyncset.done $0x0  }
0x612: {  	s12 =	simm.s32 $0x0;
	[sflag:s15] =	ssyncadd.s32 $0xFFFFFFB0  }
0x613: {  	v2 =	vld [tilespmem:s12+$0x12AC0];
	_ =	sdelay $0x4  }
0x614: {  	(erf) = vrcp.f32 v2;
	_ =	sdelay $0x8  }
0x615: {  	v2 =	vpop (erf)  }
0x616: {  	(v2sf) =	vpush v2, $0x0;
	_ =	sdelay $0xb  }
0x617: {  	s11 =	simm.s32 $0x116E0  }
0x618: {  	v2 =	vld [tilespmem:s11+$0xFFFFFFE0]  }
0x619: {  	v3 =	vld [tilespmem:s11+$0xFFFFFFF0]  }
0x61a: {  	v62 =	vld [tilespmem:s11+$0x0];
	s15 =	spop (v2sf)  }
0x61b: {  	v63 =	vld [tilespmem:s11+$0x10];
	s0 =	smul.f32 $5.000000000e-01, s15;
	_ =	sdelay $0x1  }
0x61c: {  	v2 =	vmul.f32 s0, v2  }
0x61d: {  	v3 =	vmul.f32 s0, v3  }
0x61e: {  	v4 =	vmul.f32 s0, v62;
	[tilespmem:s11+$0xFFFFFFE0] =	vst v2  }
0x61f: {  	v2 =	vmul.f32 s0, v63;
	[tilespmem:s11+$0xFFFFFFF0] =	vst v3  }
0x620: {  	[tilespmem:s11+$0x0] =	vst v4  }
0x621: {  	s16 =	simm.s32 $0x116C0;
	s12 =	simm.s32 $0x8;
	s15 =	simm.s32 $0x1;
	[tilespmem:s11+$0x10] =	vst v2  }
.LBB2_39:
0x622: {  	p1 =	sne.s32 s12, $0x13C;
	v2 =	vld [tilespmem:s15+$0x12AC0];
	_ =	sdelay $0x4  }
0x623: {  	(erf) = vrcp.f32 v2;
	_ =	sdelay $0x8  }
0x624: {  	v2 =	vpop (erf)  }
0x625: {  	(v2sf) =	vpush v2, $0x0;
	_ =	sdelay $0x9  }
0x626: {  	s11 =	sadd.s32 $0x40, s11  }
0x627: {  	v2 =	vld [tilespmem:s11+$0xFFFFFFF0]  }
0x628: {  	v3 =	vld [tilespmem:s11+$0x10]  }
0x629: {  	v4 =	vld [tilespmem:s11+$0xFFFFFFE0]  }
0x62a: {  	v5 =	vld [tilespmem:s11+$0x0]  }
0x62b: {  	s0 =	spop (v2sf)  }
0x62c: {  	s0 =	smul.f32 $5.000000000e-01, s0;
	_ =	sdelay $0x1  }
0x62d: {  	v4 =	vmul.f32 s0, v4;
	v2 =	vmul.f32 s0, v2  }
.Ltmp24:
0x62e: {  	v3 =	vmul.f32 s0, v3;
	v5 =	vmul.f32 s0, v5;
	(pc) =	sbr.rel @p1 .LBB2_39-.Ltmp24, $4  }
0x62f: {  	[tilespmem:s11+$0xFFFFFFE0] =	vst v4  }
0x630: {  	[tilespmem:s11+$0xFFFFFFF0] =	vst v2  }
0x631: {  	[tilespmem:s11+$0x0] =	vst v5  }
0x632: {  	s15 =	sshra.s32 s12, $0x2;
	s12 =	sadd.s32 $0x4, s12;
	[tilespmem:s11+$0x10] =	vst v3  }
0x633: {  	v2 =	vld [tilespmem:s15+$0x12AC0];
	_ =	sdelay $0x4  }
0x634: {  	(erf) = vrcp.f32 v2;
	_ =	sdelay $0x8  }
0x635: {  	v2 =	vpop (erf)  }
0x636: {  	(v2sf) =	vpush v2, $0x0;
	_ =	sdelay $0xb  }
0x637: {  	s0 =	sadd.s32 $0x40, s11  }
0x638: {  	v2 =	vld [tilespmem:s0+$0xFFFFFFE0]  }
0x639: {  	v3 =	vld [tilespmem:s0+$0xFFFFFFF0]  }
0x63a: {  	v4 =	vld [tilespmem:s0+$0x0];
	s15 =	spop (v2sf)  }
0x63b: {  	v5 =	vld [tilespmem:s0+$0x10];
	s11 =	smul.f32 $5.000000000e-01, s15;
	_ =	sdelay $0x1  }
0x63c: {  	v2 =	vmul.f32 s11, v2  }
0x63d: {  	v3 =	vmul.f32 s11, v3  }
0x63e: {  	v4 =	vmul.f32 s11, v4;
	[tilespmem:s0+$0xFFFFFFE0] =	vst v2  }
0x63f: {  	v2 =	vmul.f32 s11, v5;
	[tilespmem:s0+$0xFFFFFFF0] =	vst v3  }
0x640: {  	[tilespmem:s0+$0x0] =	vst v4  }
0x641: {  	s12 =	rddreg [dreg:$0x12];
	s11 =	simm.s32 $0x0;
	[tilespmem:s0+$0x10] =	vst v2  }
0x642: {  	[hbm4b:s12+s11] =	stream.linear.scatter [tilespmem:s16], [sflag:$0x19], $0x1400, $0x38;
	[tilespmem:$0x1C760] =	vst v63  }
.Ltmp25:
0x643: {  	s15 =	simm.s32 $0x19;
	(pc) =	sbr.rel @p0 .LBB2_44-.Ltmp25, $4  }
0x644: {  	_ =	swait.ge [sflag:s15], $0x1400  }
0x645: {  	s11 =	sld [smem:$0x7FD]  }
0x646: {  	[sflag:s15] =	ssyncset.done $0x0  }
0x647: {  	[sflag:s15] =	ssyncadd.s32 $0xFFFFEC00  }
0x648: {  	s0 =	rddreg [dreg:$0x1d];
	s12 =	simm.s32 $0x19  }
0x649: {  	[tilespmem:s16], [sflag:$0x19] =	stream.linear.gather [spmem:s0], $0x1400, $0x38;
	[tilespmem:$0x1C760] =	vst v63  }
0x64a: {  	_ =	swait.ge [sflag:s12], $0x1400  }
0x64b: {  	[sflag:s12] =	ssyncset.done $0x0  }
0x64c: {  	s15 =	simm.s32 $0x0;
	s11 =	rddreg [dreg:$0xb];
	[sflag:s12] =	ssyncadd.s32 $0xFFFFEC00  }
0x64d: {  	[tilespmem:s18], [sflag:$0x19] =	stream.linear.gather [hbm4b:s11+s15], $0x50, $0x38;
	[tilespmem:$0x1C760] =	vst v63  }
0x64e: {  	_ =	swait.ge [sflag:s12], $0x50  }
0x64f: {  	[sflag:s12] =	ssyncset.done $0x0  }
0x650: {  	s15 =	simm.s32 $0x0;
	[sflag:s12] =	ssyncadd.s32 $0xFFFFFFB0  }
0x651: {  	v2 =	vld [tilespmem:s15+$0x12AC0];
	_ =	sdelay $0x4  }
0x652: {  	(erf) = vrcp.f32 v2;
	_ =	sdelay $0x8  }
0x653: {  	v2 =	vpop (erf)  }
0x654: {  	(v2sf) =	vpush v2, $0x0;
	_ =	sdelay $0xb  }
0x655: {  	s11 =	simm.s32 $0x116E0  }
0x656: {  	v2 =	vld [tilespmem:s11+$0xFFFFFFE0]  }
0x657: {  	v3 =	vld [tilespmem:s11+$0xFFFFFFF0]  }
0x658: {  	v4 =	vld [tilespmem:s11+$0x0];
	s18 =	spop (v2sf)  }
0x659: {  	v5 =	vld [tilespmem:s11+$0x10];
	s0 =	smul.f32 $5.000000000e-01, s18;
	_ =	sdelay $0x1  }
0x65a: {  	v2 =	vmul.f32 s0, v2  }
0x65b: {  	v3 =	vmul.f32 s0, v3  }
0x65c: {  	v4 =	vmul.f32 s0, v4;
	[tilespmem:s11+$0xFFFFFFE0] =	vst v2  }
0x65d: {  	v2 =	vmul.f32 s0, v5;
	[tilespmem:s11+$0xFFFFFFF0] =	vst v3  }
0x65e: {  	[tilespmem:s11+$0x0] =	vst v4  }
0x65f: {  	s12 =	simm.s32 $0x8;
	s15 =	simm.s32 $0x1;
	[tilespmem:s11+$0x10] =	vst v2  }
.LBB2_42:
0x660: {  	p1 =	sne.s32 s12, $0x13C;
	v2 =	vld [tilespmem:s15+$0x12AC0];
	_ =	sdelay $0x4  }
0x661: {  	(erf) = vrcp.f32 v2;
	_ =	sdelay $0x8  }
0x662: {  	v2 =	vpop (erf)  }
0x663: {  	(v2sf) =	vpush v2, $0x0;
	_ =	sdelay $0x9  }
0x664: {  	s11 =	sadd.s32 $0x40, s11  }
0x665: {  	v2 =	vld [tilespmem:s11+$0xFFFFFFF0]  }
0x666: {  	v3 =	vld [tilespmem:s11+$0x10]  }
0x667: {  	v4 =	vld [tilespmem:s11+$0xFFFFFFE0]  }
0x668: {  	v5 =	vld [tilespmem:s11+$0x0]  }
0x669: {  	s0 =	spop (v2sf)  }
0x66a: {  	s0 =	smul.f32 $5.000000000e-01, s0;
	_ =	sdelay $0x1  }
0x66b: {  	v4 =	vmul.f32 s0, v4;
	v2 =	vmul.f32 s0, v2  }
.Ltmp26:
0x66c: {  	v3 =	vmul.f32 s0, v3;
	v5 =	vmul.f32 s0, v5;
	(pc) =	sbr.rel @p1 .LBB2_42-.Ltmp26, $4  }
0x66d: {  	[tilespmem:s11+$0xFFFFFFE0] =	vst v4  }
0x66e: {  	[tilespmem:s11+$0xFFFFFFF0] =	vst v2  }
0x66f: {  	[tilespmem:s11+$0x0] =	vst v5  }
0x670: {  	s15 =	sshra.s32 s12, $0x2;
	s12 =	sadd.s32 $0x4, s12;
	[tilespmem:s11+$0x10] =	vst v3  }
0x671: {  	v2 =	vld [tilespmem:s15+$0x12AC0];
	_ =	sdelay $0x4  }
0x672: {  	(erf) = vrcp.f32 v2;
	_ =	sdelay $0x8  }
0x673: {  	v2 =	vpop (erf)  }
0x674: {  	(v2sf) =	vpush v2, $0x0;
	_ =	sdelay $0xb  }
0x675: {  	s0 =	sadd.s32 $0x40, s11  }
0x676: {  	v2 =	vld [tilespmem:s0+$0xFFFFFFE0]  }
0x677: {  	v3 =	vld [tilespmem:s0+$0xFFFFFFF0]  }
0x678: {  	v4 =	vld [tilespmem:s0+$0x0];
	s18 =	spop (v2sf)  }
0x679: {  	v5 =	vld [tilespmem:s0+$0x10];
	s11 =	smul.f32 $5.000000000e-01, s18;
	_ =	sdelay $0x1  }
0x67a: {  	v2 =	vmul.f32 s11, v2  }
0x67b: {  	v3 =	vmul.f32 s11, v3  }
0x67c: {  	v4 =	vmul.f32 s11, v4;
	[tilespmem:s0+$0xFFFFFFE0] =	vst v2  }
0x67d: {  	v2 =	vmul.f32 s11, v5;
	[tilespmem:s0+$0xFFFFFFF0] =	vst v3  }
0x67e: {  	[tilespmem:s0+$0x0] =	vst v4  }
0x67f: {  	s12 =	simm.s32 $0x0;
	s15 =	rddreg [dreg:$0x13];
	[tilespmem:s0+$0x10] =	vst v2  }
0x680: {  	[hbm4b:s15+s12] =	stream.linear.scatter [tilespmem:s16], [sflag:$0x19], $0x1400, $0x38;
	[tilespmem:$0x1C760] =	vst v63  }
.Ltmp27:
0x681: {  	s18 =	simm.s32 $0x19;
	(pc) =	sbr.rel .LBB2_44-.Ltmp27, $4  }
0x682: {  	_ =	swait.ge [sflag:s18], $0x1400  }
0x683: {  	s11 =	sld [smem:$0x7FD]  }
0x684: {  	[sflag:s18] =	ssyncset.done $0x0  }
0x685: {  	[sflag:s18] =	ssyncadd.s32 $0xFFFFEC00  }
.LBB2_45:
0x686: {  	_ =	sfence.sel $0x180000  }
0x687: {  	[bflag:$0x0] =	sbarrier.arrive $0xFFFF  }
0x688: {  	_ =	strace $0x90000047  }
0x689: {  	s0 =	stileid.u32;
	[bflag:$0x2] =	sbarrier.arrive $0xFFFF  }
0x68a: {  	p0 =	sne.s32 s0, $0x0;
	s0 =	rddreg [dreg:$0x3]  }
0x68b: {  	s0 =	sadd.s32 @!p0 $0x100000, s0  }
0x68c: {  	[sflag:s0] =	ssyncadd.tile.s32 @!p0 $0x1;
	_ =	shalt  }
.Lfunc_end2:
_tile_overlayer_lowered:
.L_overlay_start_2:
0x68d: {  	(tag) =	ssettag $0x2  }
0x68e: {  	s0 =	rddreg [dreg:$0x0];
	s2 =	stileid.u32  }
0x68f: {  	s1 =	rddreg [dreg:$0x1];
	p0 =	sne.s32 s2, $0x0  }
0x690: {  	s3 =	rddreg [dreg:$0x2];
	[bflag:$0x3] =	sbarrier.arrive $0xFFFF;
	s2 =	simm.s32 @!p0 $0x1C19  }
0x691: {  	[timem:s3], [sflag:s2] =	dma.local @!p0 [hbm:s0], s1  }
0x692: {  	s0 =	simm.s32 @!p0 $0x19  }
0x693: {  	_ =	swait.ge @!p0 [sflag:s0], s1  }
0x694: {  	s1 =	ssub.s32 @!p0 $0x0, s1;
	[sflag:s0] =	ssyncset.done @!p0 $0x0  }
0x695: {  	[sflag:s0] =	ssyncadd.s32 @!p0 s1  }
0x696: {  	[bflag:$0x3] =	sbarrier.arrive $0xFFFF  }
0x697: {  	_ =	shalt  }

</sc_bundles>
